<compile_context>
chip_gen: v7x
topology: tpu7x:2x2x1
jax: 0.10.2.dev20260603
libtpu: 0.0.44.dev20260713+nightly
codegen_flags: <defaults>
</compile_context>

<pallas_src>
import functools

import jax
import jax.numpy as jnp
from jax import lax
from jax.experimental import pallas as pl
from jax.experimental.pallas import tpu as pltpu
from jax.experimental.pallas import tpu_sc as plsc

N_NODES = 10000
N_EDGES = 320000
D = 128
DQ = 32
MW = 2 * DQ
NW = 32
CHUNK = 128
NCHUNKS = 79
EPT = NCHUNKS * CHUNK
E_PAD = EPT * NW
NACC = 10240
RPT = NACC // 16


def _sc_aggregate(h0, h1, h2, h3, srcb, dstb, wb):
    mesh = plsc.VectorSubcoreMesh(core_axis_name="c", subcore_axis_name="s")

    @functools.partial(
        pl.kernel,
        out_type=[
            jax.ShapeDtypeStruct((2, 4, NACC, MW), jnp.float32),
            jax.ShapeDtypeStruct((NW, NACC), jnp.float32),
        ],
        mesh=mesh,
        compiler_params=pltpu.CompilerParams(
            needs_layout_passes=False, use_tc_tiling_on_sc=False),
        scratch_types=[
            pltpu.VMEM((NCHUNKS, CHUNK), jnp.int32),
            pltpu.VMEM((NCHUNKS, CHUNK), jnp.int32),
            pltpu.VMEM((NCHUNKS, CHUNK), jnp.float32),
            pltpu.VMEM((CHUNK, DQ), jnp.float32),
            pltpu.VMEM((CHUNK, MW), jnp.float32),
            pltpu.VMEM((CHUNK, MW), jnp.float32),
            pltpu.VMEM((NACC,), jnp.float32),
            pltpu.VMEM_SHARED((NACC, MW), jnp.float32),
            pltpu.SemaphoreType.DMA,
        ],
    )
    def agg(h0_hbm, h1_hbm, h2_hbm, h3_hbm, src_hbm, dst_hbm, w_hbm,
            out_feat, out_deg,
            src_v, dst_v, w_v, rows_v, msg_v, zb_v, deg_v, acc, sem):
        hq_hbms = [h0_hbm, h1_hbm, h2_hbm, h3_hbm]
        cid = lax.axis_index("c")
        sid = lax.axis_index("s")
        wid = sid * 2 + cid

        pltpu.sync_copy(src_hbm.at[wid], src_v)
        pltpu.sync_copy(dst_hbm.at[wid], dst_v)
        pltpu.sync_copy(w_hbm.at[wid], w_v)

        zeros16 = jnp.zeros((16,), jnp.float32)
        ones16 = jnp.ones((16,), jnp.float32)
        lanes = lax.iota(jnp.int32, 16)

        def fill_zb(e, _):
            for c in range(MW // 16):
                zb_v[e, pl.ds(c * 16, 16)] = zeros16
            return 0
        lax.fori_loop(0, CHUNK, fill_zb, 0)

        def fill_deg0(r, _):
            deg_v[pl.ds(r * 16, 16)] = zeros16
            return 0
        lax.fori_loop(0, NACC // 16, fill_deg0, 0)

        for p in range(4):
            for k in range(RPT // CHUNK):
                r0 = sid * RPT + k * CHUNK
                pltpu.sync_copy(zb_v, acc.at[pl.ds(r0, CHUNK), :])
            plsc.subcore_barrier()

            def chunk_body(j, _, do_deg, h_hbm):
                pltpu.async_copy(h_hbm.at[src_v.at[j]], rows_v, sem).wait()

                def group_body(g, _):
                    wv = w_v[j, pl.ds(g * 16, 16)]
                    if do_deg:
                        dv = dst_v[j, pl.ds(g * 16, 16)]
                    for l in range(16):
                        e = g * 16 + l
                        ws = wv[l]
                        for c in range(DQ // 16):
                            r = rows_v[e, pl.ds(c * 16, 16)]
                            msg_v[e, pl.ds(c * 16, 16)] = r * ws
                            msg_v[e, pl.ds(DQ + c * 16, 16)] = r
                        if do_deg:
                            plsc.addupdate_scatter(
                                deg_v, [dv], ones16, mask=lanes == l)
                    return 0
                lax.fori_loop(0, CHUNK // 16, group_body, 0)

                pltpu.sync_copy(msg_v, acc.at[dst_v.at[j]], add=True)
                return 0
            lax.fori_loop(0, NCHUNKS,
                          functools.partial(chunk_body, do_deg=(p == 0),
                                            h_hbm=hq_hbms[p]), 0)

            if p == 0:
                pltpu.sync_copy(deg_v, out_deg.at[wid])

            plsc.subcore_barrier()
            for k in range(RPT // CHUNK):
                r0 = sid * RPT + k * CHUNK
                pltpu.sync_copy(acc.at[pl.ds(r0, CHUNK), :], msg_v)
                pltpu.sync_copy(msg_v, out_feat.at[cid, p, pl.ds(r0, CHUNK), :])
            plsc.subcore_barrier()

    return agg(h0, h1, h2, h3, srcb, dstb, wb)


def _tc_body(h_ref, p_ref, deg_ref, ws_ref, wn_ref, wu_ref, ball_ref,
             lin_ref, linb_ref, out_ref):
    f32 = jnp.float32
    h = h_ref[...]
    p = p_ref[...]
    deg = jnp.sum(deg_ref[...], axis=0)
    r = (1.0 / jnp.maximum(deg, 1.0))[:, None]

    def mm_t(x, w):
        return lax.dot_general(x, w, (((1,), (1,)), ((), ())),
                               preferred_element_type=f32)

    wn = wn_ref[...]
    wu = wu_ref[...]
    hp = jnp.zeros_like(h)
    hu = jnp.zeros_like(h)
    for q in range(4):
        s1q = p[0, q, :, 0:DQ] + p[1, q, :, 0:DQ]
        s0q = p[0, q, :, DQ:MW] + p[1, q, :, DQ:MW]
        hp = hp + mm_t(s1q, wn[:, q * DQ:(q + 1) * DQ])
        hu = hu + mm_t(s0q, wu[:, q * DQ:(q + 1) * DQ])
    ht = mm_t(h, ws_ref[...]) + (hp + hu) * r + ball_ref[...]
    out_ref[...] = mm_t(ht, lin_ref[...]) + linb_ref[...]


def kernel(h, edge_index, edge_weight, Ws_w, Ws_b, Wn_w, Wn_b, Wu_w, Wu_b,
           lin_w, lin_b):
    src = edge_index[0].astype(jnp.int32)
    dst = edge_index[1].astype(jnp.int32)
    w = edge_weight.reshape(-1).astype(jnp.float32)

    pad = E_PAD - N_EDGES
    src = jnp.pad(src, (0, pad)).reshape(NW, NCHUNKS, CHUNK)
    dst = jnp.pad(dst, (0, pad), constant_values=N_NODES).reshape(
        NW, NCHUNKS, CHUNK)
    w = jnp.pad(w, (0, pad)).reshape(NW, NCHUNKS, CHUNK)

    hqs = [h[:, q * DQ:(q + 1) * DQ] + 0.0 for q in range(4)]

    p_feat, p_deg = _sc_aggregate(*hqs, src, dst, w)

    b_all = (Ws_b + Wn_b + Wu_b).reshape(1, D)
    linb = lin_b.reshape(1, D)

    BLK = 1024
    grid = NACC // BLK
    out = pl.pallas_call(
        _tc_body,
        grid=(grid,),
        in_specs=[
            pl.BlockSpec((BLK, D), lambda i: (i, 0)),
            pl.BlockSpec((2, 4, BLK, MW), lambda i: (0, 0, i, 0)),
            pl.BlockSpec((NW, BLK), lambda i: (0, i)),
            pl.BlockSpec((D, D), lambda i: (0, 0)),
            pl.BlockSpec((D, D), lambda i: (0, 0)),
            pl.BlockSpec((D, D), lambda i: (0, 0)),
            pl.BlockSpec((1, D), lambda i: (0, 0)),
            pl.BlockSpec((D, D), lambda i: (0, 0)),
            pl.BlockSpec((1, D), lambda i: (0, 0)),
        ],
        out_specs=pl.BlockSpec((BLK, D), lambda i: (i, 0)),
        out_shape=jax.ShapeDtypeStruct((N_NODES, D), jnp.float32),
    )(h, p_feat, p_deg, Ws_w, Wn_w, Wu_w, b_all, lin_w, linb)
    return out

# --- scband reference (transcript-rebuilt; emitter-appended) ---
"""Pipeline reference for scband-layer-49615462203743 (READ-ONLY COPY).

The authoritative reference and input builder live on the scoring server;
editing this copy changes nothing except your own understanding.
"""

import jax, jax.numpy as jnp
import numpy as np

N_NODES = 10000
N_EDGES = 320000
D_IN = 128
D_OUT = 128


def setup_inputs(seed: int = 0) -> dict:
    key = jax.random.key(seed)
    ks = jax.random.split(key, 12)
    h = jax.random.normal(ks[0], (N_NODES, D_IN), dtype=jnp.float32)
    edge_index = jax.random.randint(ks[1], (2, N_EDGES), 0, N_NODES, dtype=jnp.int64)
    edge_weight = jax.random.uniform(ks[2], (N_EDGES, 1), dtype=jnp.float32)
    # Learned parameters (nn.Linear: y = x @ W.T + b), Kaiming-uniform-ish init
    def lin_init(kw, kb, fan_in, fan_out):
        bound = 1.0 / np.sqrt(fan_in)
        W = jax.random.uniform(kw, (fan_out, fan_in), minval=-bound, maxval=bound, dtype=jnp.float32)
        b = jax.random.uniform(kb, (fan_out,), minval=-bound, maxval=bound, dtype=jnp.float32)
        return W, b
    Ws_w, Ws_b = lin_init(ks[3], ks[4], D_IN, D_OUT)
    Wn_w, Wn_b = lin_init(ks[5], ks[6], D_IN, D_OUT)
    Wu_w, Wu_b = lin_init(ks[7], ks[8], D_IN, D_OUT)
    lin_w, lin_b = lin_init(ks[9], ks[10], D_OUT, D_OUT)
    return {
        "h": h,
        "edge_index": edge_index,
        "edge_weight": edge_weight,
        "Ws_w": Ws_w, "Ws_b": Ws_b,
        "Wn_w": Wn_w, "Wn_b": Wn_b,
        "Wu_w": Wu_w, "Wu_b": Wu_b,
        "lin_w": lin_w, "lin_b": lin_b,
    }


def reference(h, edge_index, edge_weight, Ws_w, Ws_b, Wn_w, Wn_b, Wu_w, Wu_b, lin_w, lin_b):
    src = edge_index[0]
    dst = edge_index[1]
    n = h.shape[0]
    # in-degree per destination node (DGL mean reduce divides by in-degree)
    deg = jax.ops.segment_sum(jnp.ones((src.shape[0],), dtype=h.dtype), dst, num_segments=n)
    denom = jnp.maximum(deg, 1.0)[:, None]
    # update_all(u_mul_e('h','e','m'), mean('m','h_p'))
    h_src = jnp.take(h, src, axis=0)              # gather [E, d]
    msg = h_src * edge_weight                     # broadcast edge scalar
    h_p = jax.ops.segment_sum(msg, dst, num_segments=n) / denom
    # update_all(copy_u('h','m'), mean('m','h_u'))
    h_u = jax.ops.segment_sum(h_src, dst, num_segments=n) / denom
    h_total = (h @ Ws_w.T + Ws_b) + (h_p @ Wn_w.T + Wn_b) + (h_u @ Wu_w.T + Wu_b)
    return h_total @ lin_w.T + lin_b

if __name__ == "__main__":
    import jax
    _d = setup_inputs()
    print(jax.jit(kernel)(*tuple(_d.values())))

</pallas_src>

<mosaic_0001>
#map = affine_map<(d0, d1) -> (0, 0)>
#map1 = affine_map<(d0, d1) -> (0, 0, 0)>
#map2 = affine_map<(d0, d1) -> (0, 0, 0, 0)>
module attributes {stable_mosaic.version = 14 : i64} {
  func.func @agg(%arg0: i32, %arg1: i32, %arg2: memref<10000x32xf32, #tpu.memory_space<hbm>>, %arg3: memref<10000x32xf32, #tpu.memory_space<hbm>>, %arg4: memref<10000x32xf32, #tpu.memory_space<hbm>>, %arg5: memref<10000x32xf32, #tpu.memory_space<hbm>>, %arg6: memref<32x79x128xi32, #tpu.memory_space<hbm>>, %arg7: memref<32x79x128xi32, #tpu.memory_space<hbm>>, %arg8: memref<32x79x128xf32, #tpu.memory_space<hbm>>, %arg9: memref<2x4x10240x64xf32, #tpu.memory_space<hbm>>, %arg10: memref<32x10240xf32, #tpu.memory_space<hbm>>, %arg11: memref<79x128xi32, #tpu.memory_space<vmem>>, %arg12: memref<79x128xi32, #tpu.memory_space<vmem>>, %arg13: memref<79x128xf32, #tpu.memory_space<vmem>>, %arg14: memref<128x32xf32, #tpu.memory_space<vmem>>, %arg15: memref<128x64xf32, #tpu.memory_space<vmem>>, %arg16: memref<128x64xf32, #tpu.memory_space<vmem>>, %arg17: memref<10240xf32, #tpu.memory_space<vmem>>, %arg18: memref<10240x64xf32, #tpu.memory_space<vmem_shared>>, %arg19: memref<!tpu.dma_semaphore, #tpu.memory_space<semaphore_mem>>) attributes {dimension_semantics = [#tpu.dimension_semantics<core_parallel>, #tpu.dimension_semantics<subcore_parallel>], iteration_bounds = array<i64: 2, 16>, scalar_prefetch = 0 : i64, scratch_operands = 9 : i64, tpu.core_type = #tpu.core_type<sc_vector_subcore>, window_params = [{transform_indices = #map}, {transform_indices = #map}, {transform_indices = #map}, {transform_indices = #map}, {transform_indices = #map1}, {transform_indices = #map1}, {transform_indices = #map1}, {transform_indices = #map2}, {transform_indices = #map}]} {
    %mul3A = arith.constant 2 : i32
    %mul3A_0 = arith.muli %arg1, %mul3A : i32
    %add3A = arith.addi %mul3A_0, %arg0 : i32
    "tpu.region"() ({
      %run_scoped3A_235 = tpu.sem_alloc : memref<!tpu.dma_semaphore, #tpu.memory_space<semaphore_mem>>
      %dma_start3A = arith.constant 0 : i32
      %dma_start3A_236 = arith.constant 0 : i32
      %dma_start3A_237 = tpu.memref_slice %arg6[%add3A, %dma_start3A, %dma_start3A_236] : memref<32x79x128xi32, #tpu.memory_space<hbm>> -> memref<1x79x128xi32, #tpu.memory_space<hbm>>
      %dma_start3A_238 = tpu.memref_squeeze %dma_start3A_237 : memref<1x79x128xi32, #tpu.memory_space<hbm>> -> memref<79x128xi32, #tpu.memory_space<hbm>>
      %dma_start3A_239 = arith.constant 0 : i32
      %dma_start3A_240 = arith.constant 0 : i32
      %dma_start3A_241 = tpu.memref_slice %arg6[%add3A, %dma_start3A_239, %dma_start3A_240] : memref<32x79x128xi32, #tpu.memory_space<hbm>> -> memref<1x79x128xi32, #tpu.memory_space<hbm>>
      %dma_start3A_242 = tpu.memref_squeeze %dma_start3A_241 : memref<1x79x128xi32, #tpu.memory_space<hbm>> -> memref<79x128xi32, #tpu.memory_space<hbm>>
      tpu.enqueue_dma source(%dma_start3A_242 : memref<79x128xi32, #tpu.memory_space<hbm>>) target(%arg11 : memref<79x128xi32, #tpu.memory_space<vmem>>) target_semaphore(%run_scoped3A_235 : memref<!tpu.dma_semaphore, #tpu.memory_space<semaphore_mem>>)
      %dma_wait3A = arith.constant 0 : i32
      %dma_wait3A_243 = arith.constant 0 : i32
      %dma_wait3A_244 = tpu.memref_slice %arg6[%add3A, %dma_wait3A, %dma_wait3A_243] : memref<32x79x128xi32, #tpu.memory_space<hbm>> -> memref<1x79x128xi32, #tpu.memory_space<hbm>>
      %dma_wait3A_245 = tpu.memref_squeeze %dma_wait3A_244 : memref<1x79x128xi32, #tpu.memory_space<hbm>> -> memref<79x128xi32, #tpu.memory_space<hbm>>
      %dma_wait3A_246 = arith.constant 0 : i32
      %dma_wait3A_247 = arith.constant 0 : i32
      %dma_wait3A_248 = tpu.memref_slice %arg6[%add3A, %dma_wait3A_246, %dma_wait3A_247] : memref<32x79x128xi32, #tpu.memory_space<hbm>> -> memref<1x79x128xi32, #tpu.memory_space<hbm>>
      %dma_wait3A_249 = tpu.memref_squeeze %dma_wait3A_248 : memref<1x79x128xi32, #tpu.memory_space<hbm>> -> memref<79x128xi32, #tpu.memory_space<hbm>>
      tpu.wait_dma2 semaphore(%run_scoped3A_235 : memref<!tpu.dma_semaphore, #tpu.memory_space<semaphore_mem>>) src(%dma_wait3A_249 : memref<79x128xi32, #tpu.memory_space<hbm>>) dst(%arg11 : memref<79x128xi32, #tpu.memory_space<vmem>>)
      tpu.yield
    }) : () -> ()
    "tpu.region"() ({
      %run_scoped3A_235 = tpu.sem_alloc : memref<!tpu.dma_semaphore, #tpu.memory_space<semaphore_mem>>
      %dma_start3A = arith.constant 0 : i32
      %dma_start3A_236 = arith.constant 0 : i32
      %dma_start3A_237 = tpu.memref_slice %arg7[%add3A, %dma_start3A, %dma_start3A_236] : memref<32x79x128xi32, #tpu.memory_space<hbm>> -> memref<1x79x128xi32, #tpu.memory_space<hbm>>
      %dma_start3A_238 = tpu.memref_squeeze %dma_start3A_237 : memref<1x79x128xi32, #tpu.memory_space<hbm>> -> memref<79x128xi32, #tpu.memory_space<hbm>>
      %dma_start3A_239 = arith.constant 0 : i32
      %dma_start3A_240 = arith.constant 0 : i32
      %dma_start3A_241 = tpu.memref_slice %arg7[%add3A, %dma_start3A_239, %dma_start3A_240] : memref<32x79x128xi32, #tpu.memory_space<hbm>> -> memref<1x79x128xi32, #tpu.memory_space<hbm>>
      %dma_start3A_242 = tpu.memref_squeeze %dma_start3A_241 : memref<1x79x128xi32, #tpu.memory_space<hbm>> -> memref<79x128xi32, #tpu.memory_space<hbm>>
      tpu.enqueue_dma source(%dma_start3A_242 : memref<79x128xi32, #tpu.memory_space<hbm>>) target(%arg12 : memref<79x128xi32, #tpu.memory_space<vmem>>) target_semaphore(%run_scoped3A_235 : memref<!tpu.dma_semaphore, #tpu.memory_space<semaphore_mem>>)
      %dma_wait3A = arith.constant 0 : i32
      %dma_wait3A_243 = arith.constant 0 : i32
      %dma_wait3A_244 = tpu.memref_slice %arg7[%add3A, %dma_wait3A, %dma_wait3A_243] : memref<32x79x128xi32, #tpu.memory_space<hbm>> -> memref<1x79x128xi32, #tpu.memory_space<hbm>>
      %dma_wait3A_245 = tpu.memref_squeeze %dma_wait3A_244 : memref<1x79x128xi32, #tpu.memory_space<hbm>> -> memref<79x128xi32, #tpu.memory_space<hbm>>
      %dma_wait3A_246 = arith.constant 0 : i32
      %dma_wait3A_247 = arith.constant 0 : i32
      %dma_wait3A_248 = tpu.memref_slice %arg7[%add3A, %dma_wait3A_246, %dma_wait3A_247] : memref<32x79x128xi32, #tpu.memory_space<hbm>> -> memref<1x79x128xi32, #tpu.memory_space<hbm>>
      %dma_wait3A_249 = tpu.memref_squeeze %dma_wait3A_248 : memref<1x79x128xi32, #tpu.memory_space<hbm>> -> memref<79x128xi32, #tpu.memory_space<hbm>>
      tpu.wait_dma2 semaphore(%run_scoped3A_235 : memref<!tpu.dma_semaphore, #tpu.memory_space<semaphore_mem>>) src(%dma_wait3A_249 : memref<79x128xi32, #tpu.memory_space<hbm>>) dst(%arg12 : memref<79x128xi32, #tpu.memory_space<vmem>>)
      tpu.yield
    }) : () -> ()
    "tpu.region"() ({
      %run_scoped3A_235 = tpu.sem_alloc : memref<!tpu.dma_semaphore, #tpu.memory_space<semaphore_mem>>
      %dma_start3A = arith.constant 0 : i32
      %dma_start3A_236 = arith.constant 0 : i32
      %dma_start3A_237 = tpu.memref_slice %arg8[%add3A, %dma_start3A, %dma_start3A_236] : memref<32x79x128xf32, #tpu.memory_space<hbm>> -> memref<1x79x128xf32, #tpu.memory_space<hbm>>
      %dma_start3A_238 = tpu.memref_squeeze %dma_start3A_237 : memref<1x79x128xf32, #tpu.memory_space<hbm>> -> memref<79x128xf32, #tpu.memory_space<hbm>>
      %dma_start3A_239 = arith.constant 0 : i32
      %dma_start3A_240 = arith.constant 0 : i32
      %dma_start3A_241 = tpu.memref_slice %arg8[%add3A, %dma_start3A_239, %dma_start3A_240] : memref<32x79x128xf32, #tpu.memory_space<hbm>> -> memref<1x79x128xf32, #tpu.memory_space<hbm>>
      %dma_start3A_242 = tpu.memref_squeeze %dma_start3A_241 : memref<1x79x128xf32, #tpu.memory_space<hbm>> -> memref<79x128xf32, #tpu.memory_space<hbm>>
      tpu.enqueue_dma source(%dma_start3A_242 : memref<79x128xf32, #tpu.memory_space<hbm>>) target(%arg13 : memref<79x128xf32, #tpu.memory_space<vmem>>) target_semaphore(%run_scoped3A_235 : memref<!tpu.dma_semaphore, #tpu.memory_space<semaphore_mem>>)
      %dma_wait3A = arith.constant 0 : i32
      %dma_wait3A_243 = arith.constant 0 : i32
      %dma_wait3A_244 = tpu.memref_slice %arg8[%add3A, %dma_wait3A, %dma_wait3A_243] : memref<32x79x128xf32, #tpu.memory_space<hbm>> -> memref<1x79x128xf32, #tpu.memory_space<hbm>>
      %dma_wait3A_245 = tpu.memref_squeeze %dma_wait3A_244 : memref<1x79x128xf32, #tpu.memory_space<hbm>> -> memref<79x128xf32, #tpu.memory_space<hbm>>
      %dma_wait3A_246 = arith.constant 0 : i32
      %dma_wait3A_247 = arith.constant 0 : i32
      %dma_wait3A_248 = tpu.memref_slice %arg8[%add3A, %dma_wait3A_246, %dma_wait3A_247] : memref<32x79x128xf32, #tpu.memory_space<hbm>> -> memref<1x79x128xf32, #tpu.memory_space<hbm>>
      %dma_wait3A_249 = tpu.memref_squeeze %dma_wait3A_248 : memref<1x79x128xf32, #tpu.memory_space<hbm>> -> memref<79x128xf32, #tpu.memory_space<hbm>>
      tpu.wait_dma2 semaphore(%run_scoped3A_235 : memref<!tpu.dma_semaphore, #tpu.memory_space<semaphore_mem>>) src(%dma_wait3A_249 : memref<79x128xf32, #tpu.memory_space<hbm>>) dst(%arg13 : memref<79x128xf32, #tpu.memory_space<vmem>>)
      tpu.yield
    }) : () -> ()
    %broadcast_in_dim3A = arith.constant 0.000000e+00 : f32
    %broadcast_in_dim3A_1 = vector.broadcast %broadcast_in_dim3A : f32 to vector<16xf32>
    %broadcast_in_dim3A_2 = arith.constant 1.000000e+00 : f32
    %broadcast_in_dim3A_3 = vector.broadcast %broadcast_in_dim3A_2 : f32 to vector<16xf32>
    %iota3A = tpu.iota {dimensions = array<i32: 0>} : vector<16xi32>
    %scan3A = arith.constant 0 : i32
    %scan3A_4 = arith.constant 0 : i32
    %scan3A_5 = arith.constant 128 : i32
    %scan3A_6 = arith.addi %scan3A_4, %scan3A_5 : i32
    %scan3A_7 = arith.constant 1 : i32
    %scan3A_8 = scf.for %scan3A_235 = %scan3A_4 to %scan3A_6 step %scan3A_7 iter_args(%scan3A_236 = %scan3A) -> (i32)  : i32 {
      %swap3A = arith.index_cast %scan3A_235 : i32 to index
      %swap3A_237 = arith.constant 0 : index
      %swap3A_238 = tpu.vector_load %arg16[%swap3A, %swap3A_237] {strides = array<i32>} : memref<128x64xf32, #tpu.memory_space<vmem>>, vector<16xf32>,
      tpu.vector_store %arg16[%swap3A, %swap3A_237], %broadcast_in_dim3A_1 {strides = array<i32>} : memref<128x64xf32, #tpu.memory_space<vmem>>, vector<16xf32>,
      %swap3A_239 = arith.index_cast %scan3A_235 : i32 to index
      %swap3A_240 = arith.constant 16 : index
      %swap3A_241 = tpu.vector_load %arg16[%swap3A_239, %swap3A_240] {strides = array<i32>} : memref<128x64xf32, #tpu.memory_space<vmem>>, vector<16xf32>,
      tpu.vector_store %arg16[%swap3A_239, %swap3A_240], %broadcast_in_dim3A_1 {strides = array<i32>} : memref<128x64xf32, #tpu.memory_space<vmem>>, vector<16xf32>,
      %swap3A_242 = arith.index_cast %scan3A_235 : i32 to index
      %swap3A_243 = arith.constant 32 : index
      %swap3A_244 = tpu.vector_load %arg16[%swap3A_242, %swap3A_243] {strides = array<i32>} : memref<128x64xf32, #tpu.memory_space<vmem>>, vector<16xf32>,
      tpu.vector_store %arg16[%swap3A_242, %swap3A_243], %broadcast_in_dim3A_1 {strides = array<i32>} : memref<128x64xf32, #tpu.memory_space<vmem>>, vector<16xf32>,
      %swap3A_245 = arith.index_cast %scan3A_235 : i32 to index
      %swap3A_246 = arith.constant 48 : index
      %swap3A_247 = tpu.vector_load %arg16[%swap3A_245, %swap3A_246] {strides = array<i32>} : memref<128x64xf32, #tpu.memory_space<vmem>>, vector<16xf32>,
      tpu.vector_store %arg16[%swap3A_245, %swap3A_246], %broadcast_in_dim3A_1 {strides = array<i32>} : memref<128x64xf32, #tpu.memory_space<vmem>>, vector<16xf32>,
      %scan3A_248 = arith.constant 0 : i32
      scf.yield %scan3A_248 : i32
    }
    %scan3A_9 = arith.constant 128 : i32
    %scan3A_10 = arith.constant 0 : i32
    %scan3A_11 = arith.constant 0 : i32
    %scan3A_12 = arith.constant 640 : i32
    %scan3A_13 = arith.addi %scan3A_11, %scan3A_12 : i32
    %scan3A_14 = arith.constant 1 : i32
    %scan3A_15 = scf.for %scan3A_235 = %scan3A_11 to %scan3A_13 step %scan3A_14 iter_args(%scan3A_236 = %scan3A_10) -> (i32)  : i32 {
      %mul3A_237 = arith.constant 16 : i32
      %mul3A_238 = arith.muli %scan3A_235, %mul3A_237 : i32
      %swap3A = arith.index_cast %mul3A_238 : i32 to index
      %swap3A_239 = tpu.vector_load %arg17[%swap3A] {strides = array<i32>} : memref<10240xf32, #tpu.memory_space<vmem>>, vector<16xf32>,
      tpu.vector_store %arg17[%swap3A], %broadcast_in_dim3A_1 {strides = array<i32>} : memref<10240xf32, #tpu.memory_space<vmem>>, vector<16xf32>,
      %scan3A_240 = arith.constant 0 : i32
      scf.yield %scan3A_240 : i32
    }
    %scan3A_16 = arith.constant 640 : i32
    %mul3A_17 = arith.constant 640 : i32
    %mul3A_18 = arith.muli %arg1, %mul3A_17 : i32
    %add3A_19 = arith.constant 0 : i32
    %add3A_20 = arith.addi %mul3A_18, %add3A_19 : i32
    "tpu.region"() ({
      %run_scoped3A_235 = tpu.sem_alloc : memref<!tpu.dma_semaphore, #tpu.memory_space<semaphore_mem>>
      %dma_start3A = arith.constant 0 : i32
      %dma_start3A_236 = tpu.memref_slice %arg18[%add3A_20, %dma_start3A] : memref<10240x64xf32, #tpu.memory_space<vmem_shared>> -> memref<128x64xf32, #tpu.memory_space<vmem_shared>>
      %dma_start3A_237 = arith.constant 0 : i32
      %dma_start3A_238 = tpu.memref_slice %arg18[%add3A_20, %dma_start3A_237] : memref<10240x64xf32, #tpu.memory_space<vmem_shared>> -> memref<128x64xf32, #tpu.memory_space<vmem_shared>>
      tpu.enqueue_dma source(%arg16 : memref<128x64xf32, #tpu.memory_space<vmem>>) target(%dma_start3A_238 : memref<128x64xf32, #tpu.memory_space<vmem_shared>>) target_semaphore(%run_scoped3A_235 : memref<!tpu.dma_semaphore, #tpu.memory_space<semaphore_mem>>)
      %dma_wait3A = arith.constant 0 : i32
      %dma_wait3A_239 = tpu.memref_slice %arg18[%add3A_20, %dma_wait3A] : memref<10240x64xf32, #tpu.memory_space<vmem_shared>> -> memref<128x64xf32, #tpu.memory_space<vmem_shared>>
      %dma_wait3A_240 = arith.constant 0 : i32
      %dma_wait3A_241 = tpu.memref_slice %arg18[%add3A_20, %dma_wait3A_240] : memref<10240x64xf32, #tpu.memory_space<vmem_shared>> -> memref<128x64xf32, #tpu.memory_space<vmem_shared>>
      tpu.wait_dma2 semaphore(%run_scoped3A_235 : memref<!tpu.dma_semaphore, #tpu.memory_space<semaphore_mem>>) src(%arg16 : memref<128x64xf32, #tpu.memory_space<vmem>>) dst(%dma_wait3A_241 : memref<128x64xf32, #tpu.memory_space<vmem_shared>>)
      tpu.yield
    }) : () -> ()
    %mul3A_21 = arith.constant 640 : i32
    %mul3A_22 = arith.muli %arg1, %mul3A_21 : i32
    %add3A_23 = arith.constant 128 : i32
    %add3A_24 = arith.addi %mul3A_22, %add3A_23 : i32
    "tpu.region"() ({
      %run_scoped3A_235 = tpu.sem_alloc : memref<!tpu.dma_semaphore, #tpu.memory_space<semaphore_mem>>
      %dma_start3A = arith.constant 0 : i32
      %dma_start3A_236 = tpu.memref_slice %arg18[%add3A_24, %dma_start3A] : memref<10240x64xf32, #tpu.memory_space<vmem_shared>> -> memref<128x64xf32, #tpu.memory_space<vmem_shared>>
      %dma_start3A_237 = arith.constant 0 : i32
      %dma_start3A_238 = tpu.memref_slice %arg18[%add3A_24, %dma_start3A_237] : memref<10240x64xf32, #tpu.memory_space<vmem_shared>> -> memref<128x64xf32, #tpu.memory_space<vmem_shared>>
      tpu.enqueue_dma source(%arg16 : memref<128x64xf32, #tpu.memory_space<vmem>>) target(%dma_start3A_238 : memref<128x64xf32, #tpu.memory_space<vmem_shared>>) target_semaphore(%run_scoped3A_235 : memref<!tpu.dma_semaphore, #tpu.memory_space<semaphore_mem>>)
      %dma_wait3A = arith.constant 0 : i32
      %dma_wait3A_239 = tpu.memref_slice %arg18[%add3A_24, %dma_wait3A] : memref<10240x64xf32, #tpu.memory_space<vmem_shared>> -> memref<128x64xf32, #tpu.memory_space<vmem_shared>>
      %dma_wait3A_240 = arith.constant 0 : i32
      %dma_wait3A_241 = tpu.memref_slice %arg18[%add3A_24, %dma_wait3A_240] : memref<10240x64xf32, #tpu.memory_space<vmem_shared>> -> memref<128x64xf32, #tpu.memory_space<vmem_shared>>
      tpu.wait_dma2 semaphore(%run_scoped3A_235 : memref<!tpu.dma_semaphore, #tpu.memory_space<semaphore_mem>>) src(%arg16 : memref<128x64xf32, #tpu.memory_space<vmem>>) dst(%dma_wait3A_241 : memref<128x64xf32, #tpu.memory_space<vmem_shared>>)
      tpu.yield
    }) : () -> ()
    %mul3A_25 = arith.constant 640 : i32
    %mul3A_26 = arith.muli %arg1, %mul3A_25 : i32
    %add3A_27 = arith.constant 256 : i32
    %add3A_28 = arith.addi %mul3A_26, %add3A_27 : i32
    "tpu.region"() ({
      %run_scoped3A_235 = tpu.sem_alloc : memref<!tpu.dma_semaphore, #tpu.memory_space<semaphore_mem>>
      %dma_start3A = arith.constant 0 : i32
      %dma_start3A_236 = tpu.memref_slice %arg18[%add3A_28, %dma_start3A] : memref<10240x64xf32, #tpu.memory_space<vmem_shared>> -> memref<128x64xf32, #tpu.memory_space<vmem_shared>>
      %dma_start3A_237 = arith.constant 0 : i32
      %dma_start3A_238 = tpu.memref_slice %arg18[%add3A_28, %dma_start3A_237] : memref<10240x64xf32, #tpu.memory_space<vmem_shared>> -> memref<128x64xf32, #tpu.memory_space<vmem_shared>>
      tpu.enqueue_dma source(%arg16 : memref<128x64xf32, #tpu.memory_space<vmem>>) target(%dma_start3A_238 : memref<128x64xf32, #tpu.memory_space<vmem_shared>>) target_semaphore(%run_scoped3A_235 : memref<!tpu.dma_semaphore, #tpu.memory_space<semaphore_mem>>)
      %dma_wait3A = arith.constant 0 : i32
      %dma_wait3A_239 = tpu.memref_slice %arg18[%add3A_28, %dma_wait3A] : memref<10240x64xf32, #tpu.memory_space<vmem_shared>> -> memref<128x64xf32, #tpu.memory_space<vmem_shared>>
      %dma_wait3A_240 = arith.constant 0 : i32
      %dma_wait3A_241 = tpu.memref_slice %arg18[%add3A_28, %dma_wait3A_240] : memref<10240x64xf32, #tpu.memory_space<vmem_shared>> -> memref<128x64xf32, #tpu.memory_space<vmem_shared>>
      tpu.wait_dma2 semaphore(%run_scoped3A_235 : memref<!tpu.dma_semaphore, #tpu.memory_space<semaphore_mem>>) src(%arg16 : memref<128x64xf32, #tpu.memory_space<vmem>>) dst(%dma_wait3A_241 : memref<128x64xf32, #tpu.memory_space<vmem_shared>>)
      tpu.yield
    }) : () -> ()
    %mul3A_29 = arith.constant 640 : i32
    %mul3A_30 = arith.muli %arg1, %mul3A_29 : i32
    %add3A_31 = arith.constant 384 : i32
    %add3A_32 = arith.addi %mul3A_30, %add3A_31 : i32
    "tpu.region"() ({
      %run_scoped3A_235 = tpu.sem_alloc : memref<!tpu.dma_semaphore, #tpu.memory_space<semaphore_mem>>
      %dma_start3A = arith.constant 0 : i32
      %dma_start3A_236 = tpu.memref_slice %arg18[%add3A_32, %dma_start3A] : memref<10240x64xf32, #tpu.memory_space<vmem_shared>> -> memref<128x64xf32, #tpu.memory_space<vmem_shared>>
      %dma_start3A_237 = arith.constant 0 : i32
      %dma_start3A_238 = tpu.memref_slice %arg18[%add3A_32, %dma_start3A_237] : memref<10240x64xf32, #tpu.memory_space<vmem_shared>> -> memref<128x64xf32, #tpu.memory_space<vmem_shared>>
      tpu.enqueue_dma source(%arg16 : memref<128x64xf32, #tpu.memory_space<vmem>>) target(%dma_start3A_238 : memref<128x64xf32, #tpu.memory_space<vmem_shared>>) target_semaphore(%run_scoped3A_235 : memref<!tpu.dma_semaphore, #tpu.memory_space<semaphore_mem>>)
      %dma_wait3A = arith.constant 0 : i32
      %dma_wait3A_239 = tpu.memref_slice %arg18[%add3A_32, %dma_wait3A] : memref<10240x64xf32, #tpu.memory_space<vmem_shared>> -> memref<128x64xf32, #tpu.memory_space<vmem_shared>>
      %dma_wait3A_240 = arith.constant 0 : i32
      %dma_wait3A_241 = tpu.memref_slice %arg18[%add3A_32, %dma_wait3A_240] : memref<10240x64xf32, #tpu.memory_space<vmem_shared>> -> memref<128x64xf32, #tpu.memory_space<vmem_shared>>
      tpu.wait_dma2 semaphore(%run_scoped3A_235 : memref<!tpu.dma_semaphore, #tpu.memory_space<semaphore_mem>>) src(%arg16 : memref<128x64xf32, #tpu.memory_space<vmem>>) dst(%dma_wait3A_241 : memref<128x64xf32, #tpu.memory_space<vmem_shared>>)
      tpu.yield
    }) : () -> ()
    %mul3A_33 = arith.constant 640 : i32
    %mul3A_34 = arith.muli %arg1, %mul3A_33 : i32
    %add3A_35 = arith.constant 512 : i32
    %add3A_36 = arith.addi %mul3A_34, %add3A_35 : i32
    "tpu.region"() ({
      %run_scoped3A_235 = tpu.sem_alloc : memref<!tpu.dma_semaphore, #tpu.memory_space<semaphore_mem>>
      %dma_start3A = arith.constant 0 : i32
      %dma_start3A_236 = tpu.memref_slice %arg18[%add3A_36, %dma_start3A] : memref<10240x64xf32, #tpu.memory_space<vmem_shared>> -> memref<128x64xf32, #tpu.memory_space<vmem_shared>>
      %dma_start3A_237 = arith.constant 0 : i32
      %dma_start3A_238 = tpu.memref_slice %arg18[%add3A_36, %dma_start3A_237] : memref<10240x64xf32, #tpu.memory_space<vmem_shared>> -> memref<128x64xf32, #tpu.memory_space<vmem_shared>>
      tpu.enqueue_dma source(%arg16 : memref<128x64xf32, #tpu.memory_space<vmem>>) target(%dma_start3A_238 : memref<128x64xf32, #tpu.memory_space<vmem_shared>>) target_semaphore(%run_scoped3A_235 : memref<!tpu.dma_semaphore, #tpu.memory_space<semaphore_mem>>)
      %dma_wait3A = arith.constant 0 : i32
      %dma_wait3A_239 = tpu.memref_slice %arg18[%add3A_36, %dma_wait3A] : memref<10240x64xf32, #tpu.memory_space<vmem_shared>> -> memref<128x64xf32, #tpu.memory_space<vmem_shared>>
      %dma_wait3A_240 = arith.constant 0 : i32
      %dma_wait3A_241 = tpu.memref_slice %arg18[%add3A_36, %dma_wait3A_240] : memref<10240x64xf32, #tpu.memory_space<vmem_shared>> -> memref<128x64xf32, #tpu.memory_space<vmem_shared>>
      tpu.wait_dma2 semaphore(%run_scoped3A_235 : memref<!tpu.dma_semaphore, #tpu.memory_space<semaphore_mem>>) src(%arg16 : memref<128x64xf32, #tpu.memory_space<vmem>>) dst(%dma_wait3A_241 : memref<128x64xf32, #tpu.memory_space<vmem_shared>>)
      tpu.yield
    }) : () -> ()
    %barrier3A = arith.constant 0 : index
    tpu.barrier barrier_id(%barrier3A)
    %scan3A_37 = arith.constant 0 : i32
    %scan3A_38 = arith.constant 0 : i32
    %scan3A_39 = arith.constant 79 : i32
    %scan3A_40 = arith.addi %scan3A_38, %scan3A_39 : i32
    %scan3A_41 = arith.constant 1 : i32
    %scan3A_42 = scf.for %scan3A_235 = %scan3A_38 to %scan3A_40 step %scan3A_41 iter_args(%scan3A_236 = %scan3A_37) -> (i32)  : i32 {
      %dma_start3A = arith.constant 0 : i32
      %dma_start3A_237 = tpu.memref_slice %arg11[%scan3A_235, %dma_start3A] : memref<79x128xi32, #tpu.memory_space<vmem>> -> memref<1x128xi32, #tpu.memory_space<vmem>>
      %dma_start3A_238 = tpu.memref_squeeze %dma_start3A_237 : memref<1x128xi32, #tpu.memory_space<vmem>> -> memref<128xi32, #tpu.memory_space<vmem>>
      %dma_start3A_239 = arith.constant 0 : i32
      %dma_start3A_240 = arith.constant 0 : i32
      %dma_start3A_241 = tpu.memref_slice %arg2[%dma_start3A_239, %dma_start3A_240] : memref<10000x32xf32, #tpu.memory_space<hbm>> -> memref<10000x32xf32, #tpu.memory_space<hbm>>
      tpu.enqueue_indirect_dma source(%dma_start3A_241 : memref<10000x32xf32, #tpu.memory_space<hbm>>) target(%arg14 : memref<128x32xf32, #tpu.memory_space<vmem>>) offsets(%dma_start3A_238 : memref<128xi32, #tpu.memory_space<vmem>>) semaphore(%arg19 : memref<!tpu.dma_semaphore, #tpu.memory_space<semaphore_mem>>)
      %dma_wait3A = arith.constant 0 : i32
      %dma_wait3A_242 = tpu.memref_slice %arg11[%scan3A_235, %dma_wait3A] : memref<79x128xi32, #tpu.memory_space<vmem>> -> memref<1x128xi32, #tpu.memory_space<vmem>>
      %dma_wait3A_243 = tpu.memref_squeeze %dma_wait3A_242 : memref<1x128xi32, #tpu.memory_space<vmem>> -> memref<128xi32, #tpu.memory_space<vmem>>
      %dma_wait3A_244 = arith.constant 0 : i32
      %dma_wait3A_245 = arith.constant 0 : i32
      %dma_wait3A_246 = tpu.memref_slice %arg2[%dma_wait3A_244, %dma_wait3A_245] : memref<10000x32xf32, #tpu.memory_space<hbm>> -> memref<10000x32xf32, #tpu.memory_space<hbm>>
      tpu.wait_indirect_dma semaphore(%arg19 : memref<!tpu.dma_semaphore, #tpu.memory_space<semaphore_mem>>) src(%dma_wait3A_246 : memref<10000x32xf32, #tpu.memory_space<hbm>>) dst(%arg14 : memref<128x32xf32, #tpu.memory_space<vmem>>)
      %scan3A_247 = arith.constant 0 : i32
      %scan3A_248 = arith.constant 0 : i32
      %scan3A_249 = arith.constant 8 : i32
      %scan3A_250 = arith.addi %scan3A_248, %scan3A_249 : i32
      %scan3A_251 = arith.constant 1 : i32
      %scan3A_252 = scf.for %scan3A_255 = %scan3A_248 to %scan3A_250 step %scan3A_251 iter_args(%scan3A_256 = %scan3A_247) -> (i32)  : i32 {
        %mul3A_257 = arith.constant 16 : i32
        %mul3A_258 = arith.muli %scan3A_255, %mul3A_257 : i32
        %get3A = arith.index_cast %scan3A_235 : i32 to index
        %get3A_259 = arith.index_cast %mul3A_258 : i32 to index
        %get3A_260 = tpu.vector_load %arg13[%get3A, %get3A_259] {strides = array<i32>} : memref<79x128xf32, #tpu.memory_space<vmem>>, vector<16xf32>,
        %mul3A_261 = arith.constant 16 : i32
        %mul3A_262 = arith.muli %scan3A_255, %mul3A_261 : i32
        %get3A_263 = arith.index_cast %scan3A_235 : i32 to index
        %get3A_264 = arith.index_cast %mul3A_262 : i32 to index
        %get3A_265 = tpu.vector_load %arg12[%get3A_263, %get3A_264] {strides = array<i32>} : memref<79x128xi32, #tpu.memory_space<vmem>>, vector<16xi32>,
        %mul3A_266 = arith.constant 16 : i32
        %mul3A_267 = arith.muli %scan3A_255, %mul3A_266 : i32
        %add3A_268 = arith.constant 0 : i32
        %add3A_269 = arith.addi %mul3A_267, %add3A_268 : i32
        %slice3A = vector.extract_strided_slice %get3A_260 {offsets = [0], sizes = [1], strides = [1]} : vector<16xf32> to vector<1xf32>
        %squeeze3A = vector.extract %slice3A[0] : f32 from vector<1xf32>
        %get3A_270 = arith.index_cast %add3A_269 : i32 to index
        %get3A_271 = arith.constant 0 : index
        %get3A_272 = tpu.vector_load %arg14[%get3A_270, %get3A_271] {strides = array<i32>} : memref<128x32xf32, #tpu.memory_space<vmem>>, vector<16xf32>,
        %mul3A_273 = vector.broadcast %squeeze3A : f32 to vector<16xf32>
        %mul3A_274 = arith.mulf %get3A_272, %mul3A_273 : vector<16xf32>
        %swap3A = arith.index_cast %add3A_269 : i32 to index
        %swap3A_275 = arith.constant 0 : index
        %swap3A_276 = tpu.vector_load %arg15[%swap3A, %swap3A_275] {strides = array<i32>} : memref<128x64xf32, #tpu.memory_space<vmem>>, vector<16xf32>,
        tpu.vector_store %arg15[%swap3A, %swap3A_275], %mul3A_274 {strides = array<i32>} : memref<128x64xf32, #tpu.memory_space<vmem>>, vector<16xf32>,
        %swap3A_277 = arith.index_cast %add3A_269 : i32 to index
        %swap3A_278 = arith.constant 32 : index
        %swap3A_279 = tpu.vector_load %arg15[%swap3A_277, %swap3A_278] {strides = array<i32>} : memref<128x64xf32, #tpu.memory_space<vmem>>, vector<16xf32>,
        tpu.vector_store %arg15[%swap3A_277, %swap3A_278], %get3A_272 {strides = array<i32>} : memref<128x64xf32, #tpu.memory_space<vmem>>, vector<16xf32>,
        %get3A_280 = arith.index_cast %add3A_269 : i32 to index
        %get3A_281 = arith.constant 16 : index
        %get3A_282 = tpu.vector_load %arg14[%get3A_280, %get3A_281] {strides = array<i32>} : memref<128x32xf32, #tpu.memory_space<vmem>>, vector<16xf32>,
        %mul3A_283 = vector.broadcast %squeeze3A : f32 to vector<16xf32>
        %mul3A_284 = arith.mulf %get3A_282, %mul3A_283 : vector<16xf32>
        %swap3A_285 = arith.index_cast %add3A_269 : i32 to index
        %swap3A_286 = arith.constant 16 : index
        %swap3A_287 = tpu.vector_load %arg15[%swap3A_285, %swap3A_286] {strides = array<i32>} : memref<128x64xf32, #tpu.memory_space<vmem>>, vector<16xf32>,
        tpu.vector_store %arg15[%swap3A_285, %swap3A_286], %mul3A_284 {strides = array<i32>} : memref<128x64xf32, #tpu.memory_space<vmem>>, vector<16xf32>,
        %swap3A_288 = arith.index_cast %add3A_269 : i32 to index
        %swap3A_289 = arith.constant 48 : index
        %swap3A_290 = tpu.vector_load %arg15[%swap3A_288, %swap3A_289] {strides = array<i32>} : memref<128x64xf32, #tpu.memory_space<vmem>>, vector<16xf32>,
        tpu.vector_store %arg15[%swap3A_288, %swap3A_289], %get3A_282 {strides = array<i32>} : memref<128x64xf32, #tpu.memory_space<vmem>>, vector<16xf32>,
        %eq3A = arith.constant 0 : i32
        %eq3A_291 = vector.broadcast %eq3A : i32 to vector<16xi32>
        %eq3A_292 = arith.cmpi eq, %iota3A, %eq3A_291 : vector<16xi32>
        tpu.vector_store_idx %arg17[%get3A_265], %broadcast_in_dim3A_3 masked %eq3A_292 {add = true} : memref<10240xf32, #tpu.memory_space<vmem>>[vector<16xi32>], vector<16xf32>, vector<16xi1>
        %mul3A_293 = arith.constant 16 : i32
        %mul3A_294 = arith.muli %scan3A_255, %mul3A_293 : i32
        %add3A_295 = arith.constant 1 : i32
        %add3A_296 = arith.addi %mul3A_294, %add3A_295 : i32
        %slice3A_297 = vector.extract_strided_slice %get3A_260 {offsets = [1], sizes = [1], strides = [1]} : vector<16xf32> to vector<1xf32>
        %squeeze3A_298 = vector.extract %slice3A_297[0] : f32 from vector<1xf32>
        %get3A_299 = arith.index_cast %add3A_296 : i32 to index
        %get3A_300 = arith.constant 0 : index
        %get3A_301 = tpu.vector_load %arg14[%get3A_299, %get3A_300] {strides = array<i32>} : memref<128x32xf32, #tpu.memory_space<vmem>>, vector<16xf32>,
        %mul3A_302 = vector.broadcast %squeeze3A_298 : f32 to vector<16xf32>
        %mul3A_303 = arith.mulf %get3A_301, %mul3A_302 : vector<16xf32>
        %swap3A_304 = arith.index_cast %add3A_296 : i32 to index
        %swap3A_305 = arith.constant 0 : index
        %swap3A_306 = tpu.vector_load %arg15[%swap3A_304, %swap3A_305] {strides = array<i32>} : memref<128x64xf32, #tpu.memory_space<vmem>>, vector<16xf32>,
        tpu.vector_store %arg15[%swap3A_304, %swap3A_305], %mul3A_303 {strides = array<i32>} : memref<128x64xf32, #tpu.memory_space<vmem>>, vector<16xf32>,
        %swap3A_307 = arith.index_cast %add3A_296 : i32 to index
        %swap3A_308 = arith.constant 32 : index
        %swap3A_309 = tpu.vector_load %arg15[%swap3A_307, %swap3A_308] {strides = array<i32>} : memref<128x64xf32, #tpu.memory_space<vmem>>, vector<16xf32>,
        tpu.vector_store %arg15[%swap3A_307, %swap3A_308], %get3A_301 {strides = array<i32>} : memref<128x64xf32, #tpu.memory_space<vmem>>, vector<16xf32>,
        %get3A_310 = arith.index_cast %add3A_296 : i32 to index
        %get3A_311 = arith.constant 16 : index
        %get3A_312 = tpu.vector_load %arg14[%get3A_310, %get3A_311] {strides = array<i32>} : memref<128x32xf32, #tpu.memory_space<vmem>>, vector<16xf32>,
        %mul3A_313 = vector.broadcast %squeeze3A_298 : f32 to vector<16xf32>
        %mul3A_314 = arith.mulf %get3A_312, %mul3A_313 : vector<16xf32>
        %swap3A_315 = arith.index_cast %add3A_296 : i32 to index
        %swap3A_316 = arith.constant 16 : index
        %swap3A_317 = tpu.vector_load %arg15[%swap3A_315, %swap3A_316] {strides = array<i32>} : memref<128x64xf32, #tpu.memory_space<vmem>>, vector<16xf32>,
        tpu.vector_store %arg15[%swap3A_315, %swap3A_316], %mul3A_314 {strides = array<i32>} : memref<128x64xf32, #tpu.memory_space<vmem>>, vector<16xf32>,
        %swap3A_318 = arith.index_cast %add3A_296 : i32 to index
        %swap3A_319 = arith.constant 48 : index
        %swap3A_320 = tpu.vector_load %arg15[%swap3A_318, %swap3A_319] {strides = array<i32>} : memref<128x64xf32, #tpu.memory_space<vmem>>, vector<16xf32>,
        tpu.vector_store %arg15[%swap3A_318, %swap3A_319], %get3A_312 {strides = array<i32>} : memref<128x64xf32, #tpu.memory_space<vmem>>, vector<16xf32>,
        %eq3A_321 = arith.constant 1 : i32
        %eq3A_322 = vector.broadcast %eq3A_321 : i32 to vector<16xi32>
        %eq3A_323 = arith.cmpi eq, %iota3A, %eq3A_322 : vector<16xi32>
        tpu.vector_store_idx %arg17[%get3A_265], %broadcast_in_dim3A_3 masked %eq3A_323 {add = true} : memref<10240xf32, #tpu.memory_space<vmem>>[vector<16xi32>], vector<16xf32>, vector<16xi1>
        %mul3A_324 = arith.constant 16 : i32
        %mul3A_325 = arith.muli %scan3A_255, %mul3A_324 : i32
        %add3A_326 = arith.constant 2 : i32
        %add3A_327 = arith.addi %mul3A_325, %add3A_326 : i32
        %slice3A_328 = vector.extract_strided_slice %get3A_260 {offsets = [2], sizes = [1], strides = [1]} : vector<16xf32> to vector<1xf32>
        %squeeze3A_329 = vector.extract %slice3A_328[0] : f32 from vector<1xf32>
        %get3A_330 = arith.index_cast %add3A_327 : i32 to index
        %get3A_331 = arith.constant 0 : index
        %get3A_332 = tpu.vector_load %arg14[%get3A_330, %get3A_331] {strides = array<i32>} : memref<128x32xf32, #tpu.memory_space<vmem>>, vector<16xf32>,
        %mul3A_333 = vector.broadcast %squeeze3A_329 : f32 to vector<16xf32>
        %mul3A_334 = arith.mulf %get3A_332, %mul3A_333 : vector<16xf32>
        %swap3A_335 = arith.index_cast %add3A_327 : i32 to index
        %swap3A_336 = arith.constant 0 : index
        %swap3A_337 = tpu.vector_load %arg15[%swap3A_335, %swap3A_336] {strides = array<i32>} : memref<128x64xf32, #tpu.memory_space<vmem>>, vector<16xf32>,
        tpu.vector_store %arg15[%swap3A_335, %swap3A_336], %mul3A_334 {strides = array<i32>} : memref<128x64xf32, #tpu.memory_space<vmem>>, vector<16xf32>,
        %swap3A_338 = arith.index_cast %add3A_327 : i32 to index
        %swap3A_339 = arith.constant 32 : index
        %swap3A_340 = tpu.vector_load %arg15[%swap3A_338, %swap3A_339] {strides = array<i32>} : memref<128x64xf32, #tpu.memory_space<vmem>>, vector<16xf32>,
        tpu.vector_store %arg15[%swap3A_338, %swap3A_339], %get3A_332 {strides = array<i32>} : memref<128x64xf32, #tpu.memory_space<vmem>>, vector<16xf32>,
        %get3A_341 = arith.index_cast %add3A_327 : i32 to index
        %get3A_342 = arith.constant 16 : index
        %get3A_343 = tpu.vector_load %arg14[%get3A_341, %get3A_342] {strides = array<i32>} : memref<128x32xf32, #tpu.memory_space<vmem>>, vector<16xf32>,
        %mul3A_344 = vector.broadcast %squeeze3A_329 : f32 to vector<16xf32>
        %mul3A_345 = arith.mulf %get3A_343, %mul3A_344 : vector<16xf32>
        %swap3A_346 = arith.index_cast %add3A_327 : i32 to index
        %swap3A_347 = arith.constant 16 : index
        %swap3A_348 = tpu.vector_load %arg15[%swap3A_346, %swap3A_347] {strides = array<i32>} : memref<128x64xf32, #tpu.memory_space<vmem>>, vector<16xf32>,
        tpu.vector_store %arg15[%swap3A_346, %swap3A_347], %mul3A_345 {strides = array<i32>} : memref<128x64xf32, #tpu.memory_space<vmem>>, vector<16xf32>,
        %swap3A_349 = arith.index_cast %add3A_327 : i32 to index
        %swap3A_350 = arith.constant 48 : index
        %swap3A_351 = tpu.vector_load %arg15[%swap3A_349, %swap3A_350] {strides = array<i32>} : memref<128x64xf32, #tpu.memory_space<vmem>>, vector<16xf32>,
        tpu.vector_store %arg15[%swap3A_349, %swap3A_350], %get3A_343 {strides = array<i32>} : memref<128x64xf32, #tpu.memory_space<vmem>>, vector<16xf32>,
        %eq3A_352 = arith.constant 2 : i32
        %eq3A_353 = vector.broadcast %eq3A_352 : i32 to vector<16xi32>
        %eq3A_354 = arith.cmpi eq, %iota3A, %eq3A_353 : vector<16xi32>
        tpu.vector_store_idx %arg17[%get3A_265], %broadcast_in_dim3A_3 masked %eq3A_354 {add = true} : memref<10240xf32, #tpu.memory_space<vmem>>[vector<16xi32>], vector<16xf32>, vector<16xi1>
        %mul3A_355 = arith.constant 16 : i32
        %mul3A_356 = arith.muli %scan3A_255, %mul3A_355 : i32
        %add3A_357 = arith.constant 3 : i32
        %add3A_358 = arith.addi %mul3A_356, %add3A_357 : i32
        %slice3A_359 = vector.extract_strided_slice %get3A_260 {offsets = [3], sizes = [1], strides = [1]} : vector<16xf32> to vector<1xf32>
        %squeeze3A_360 = vector.extract %slice3A_359[0] : f32 from vector<1xf32>
        %get3A_361 = arith.index_cast %add3A_358 : i32 to index
        %get3A_362 = arith.constant 0 : index
        %get3A_363 = tpu.vector_load %arg14[%get3A_361, %get3A_362] {strides = array<i32>} : memref<128x32xf32, #tpu.memory_space<vmem>>, vector<16xf32>,
        %mul3A_364 = vector.broadcast %squeeze3A_360 : f32 to vector<16xf32>
        %mul3A_365 = arith.mulf %get3A_363, %mul3A_364 : vector<16xf32>
        %swap3A_366 = arith.index_cast %add3A_358 : i32 to index
        %swap3A_367 = arith.constant 0 : index
        %swap3A_368 = tpu.vector_load %arg15[%swap3A_366, %swap3A_367] {strides = array<i32>} : memref<128x64xf32, #tpu.memory_space<vmem>>, vector<16xf32>,
        tpu.vector_store %arg15[%swap3A_366, %swap3A_367], %mul3A_365 {strides = array<i32>} : memref<128x64xf32, #tpu.memory_space<vmem>>, vector<16xf32>,
        %swap3A_369 = arith.index_cast %add3A_358 : i32 to index
        %swap3A_370 = arith.constant 32 : index
        %swap3A_371 = tpu.vector_load %arg15[%swap3A_369, %swap3A_370] {strides = array<i32>} : memref<128x64xf32, #tpu.memory_space<vmem>>, vector<16xf32>,
        tpu.vector_store %arg15[%swap3A_369, %swap3A_370], %get3A_363 {strides = array<i32>} : memref<128x64xf32, #tpu.memory_space<vmem>>, vector<16xf32>,
        %get3A_372 = arith.index_cast %add3A_358 : i32 to index
        %get3A_373 = arith.constant 16 : index
        %get3A_374 = tpu.vector_load %arg14[%get3A_372, %get3A_373] {strides = array<i32>} : memref<128x32xf32, #tpu.memory_space<vmem>>, vector<16xf32>,
        %mul3A_375 = vector.broadcast %squeeze3A_360 : f32 to vector<16xf32>
        %mul3A_376 = arith.mulf %get3A_374, %mul3A_375 : vector<16xf32>
        %swap3A_377 = arith.index_cast %add3A_358 : i32 to index
        %swap3A_378 = arith.constant 16 : index
        %swap3A_379 = tpu.vector_load %arg15[%swap3A_377, %swap3A_378] {strides = array<i32>} : memref<128x64xf32, #tpu.memory_space<vmem>>, vector<16xf32>,
        tpu.vector_store %arg15[%swap3A_377, %swap3A_378], %mul3A_376 {strides = array<i32>} : memref<128x64xf32, #tpu.memory_space<vmem>>, vector<16xf32>,
        %swap3A_380 = arith.index_cast %add3A_358 : i32 to index
        %swap3A_381 = arith.constant 48 : index
        %swap3A_382 = tpu.vector_load %arg15[%swap3A_380, %swap3A_381] {strides = array<i32>} : memref<128x64xf32, #tpu.memory_space<vmem>>, vector<16xf32>,
        tpu.vector_store %arg15[%swap3A_380, %swap3A_381], %get3A_374 {strides = array<i32>} : memref<128x64xf32, #tpu.memory_space<vmem>>, vector<16xf32>,
        %eq3A_383 = arith.constant 3 : i32
        %eq3A_384 = vector.broadcast %eq3A_383 : i32 to vector<16xi32>
        %eq3A_385 = arith.cmpi eq, %iota3A, %eq3A_384 : vector<16xi32>
        tpu.vector_store_idx %arg17[%get3A_265], %broadcast_in_dim3A_3 masked %eq3A_385 {add = true} : memref<10240xf32, #tpu.memory_space<vmem>>[vector<16xi32>], vector<16xf32>, vector<16xi1>
        %mul3A_386 = arith.constant 16 : i32
        %mul3A_387 = arith.muli %scan3A_255, %mul3A_386 : i32
        %add3A_388 = arith.constant 4 : i32
        %add3A_389 = arith.addi %mul3A_387, %add3A_388 : i32
        %slice3A_390 = vector.extract_strided_slice %get3A_260 {offsets = [4], sizes = [1], strides = [1]} : vector<16xf32> to vector<1xf32>
        %squeeze3A_391 = vector.extract %slice3A_390[0] : f32 from vector<1xf32>
        %get3A_392 = arith.index_cast %add3A_389 : i32 to index
        %get3A_393 = arith.constant 0 : index
        %get3A_394 = tpu.vector_load %arg14[%get3A_392, %get3A_393] {strides = array<i32>} : memref<128x32xf32, #tpu.memory_space<vmem>>, vector<16xf32>,
        %mul3A_395 = vector.broadcast %squeeze3A_391 : f32 to vector<16xf32>
        %mul3A_396 = arith.mulf %get3A_394, %mul3A_395 : vector<16xf32>
        %swap3A_397 = arith.index_cast %add3A_389 : i32 to index
        %swap3A_398 = arith.constant 0 : index
        %swap3A_399 = tpu.vector_load %arg15[%swap3A_397, %swap3A_398] {strides = array<i32>} : memref<128x64xf32, #tpu.memory_space<vmem>>, vector<16xf32>,
        tpu.vector_store %arg15[%swap3A_397, %swap3A_398], %mul3A_396 {strides = array<i32>} : memref<128x64xf32, #tpu.memory_space<vmem>>, vector<16xf32>,
        %swap3A_400 = arith.index_cast %add3A_389 : i32 to index
        %swap3A_401 = arith.constant 32 : index
        %swap3A_402 = tpu.vector_load %arg15[%swap3A_400, %swap3A_401] {strides = array<i32>} : memref<128x64xf32, #tpu.memory_space<vmem>>, vector<16xf32>,
        tpu.vector_store %arg15[%swap3A_400, %swap3A_401], %get3A_394 {strides = array<i32>} : memref<128x64xf32, #tpu.memory_space<vmem>>, vector<16xf32>,
        %get3A_403 = arith.index_cast %add3A_389 : i32 to index
        %get3A_404 = arith.constant 16 : index
        %get3A_405 = tpu.vector_load %arg14[%get3A_403, %get3A_404] {strides = array<i32>} : memref<128x32xf32, #tpu.memory_space<vmem>>, vector<16xf32>,
        %mul3A_406 = vector.broadcast %squeeze3A_391 : f32 to vector<16xf32>
        %mul3A_407 = arith.mulf %get3A_405, %mul3A_406 : vector<16xf32>
        %swap3A_408 = arith.index_cast %add3A_389 : i32 to index
        %swap3A_409 = arith.constant 16 : index
        %swap3A_410 = tpu.vector_load %arg15[%swap3A_408, %swap3A_409] {strides = array<i32>} : memref<128x64xf32, #tpu.memory_space<vmem>>, vector<16xf32>,
        tpu.vector_store %arg15[%swap3A_408, %swap3A_409], %mul3A_407 {strides = array<i32>} : memref<128x64xf32, #tpu.memory_space<vmem>>, vector<16xf32>,
        %swap3A_411 = arith.index_cast %add3A_389 : i32 to index
        %swap3A_412 = arith.constant 48 : index
        %swap3A_413 = tpu.vector_load %arg15[%swap3A_411, %swap3A_412] {strides = array<i32>} : memref<128x64xf32, #tpu.memory_space<vmem>>, vector<16xf32>,
        tpu.vector_store %arg15[%swap3A_411, %swap3A_412], %get3A_405 {strides = array<i32>} : memref<128x64xf32, #tpu.memory_space<vmem>>, vector<16xf32>,
        %eq3A_414 = arith.constant 4 : i32
        %eq3A_415 = vector.broadcast %eq3A_414 : i32 to vector<16xi32>
        %eq3A_416 = arith.cmpi eq, %iota3A, %eq3A_415 : vector<16xi32>
        tpu.vector_store_idx %arg17[%get3A_265], %broadcast_in_dim3A_3 masked %eq3A_416 {add = true} : memref<10240xf32, #tpu.memory_space<vmem>>[vector<16xi32>], vector<16xf32>, vector<16xi1>
        %mul3A_417 = arith.constant 16 : i32
        %mul3A_418 = arith.muli %scan3A_255, %mul3A_417 : i32
        %add3A_419 = arith.constant 5 : i32
        %add3A_420 = arith.addi %mul3A_418, %add3A_419 : i32
        %slice3A_421 = vector.extract_strided_slice %get3A_260 {offsets = [5], sizes = [1], strides = [1]} : vector<16xf32> to vector<1xf32>
        %squeeze3A_422 = vector.extract %slice3A_421[0] : f32 from vector<1xf32>
        %get3A_423 = arith.index_cast %add3A_420 : i32 to index
        %get3A_424 = arith.constant 0 : index
        %get3A_425 = tpu.vector_load %arg14[%get3A_423, %get3A_424] {strides = array<i32>} : memref<128x32xf32, #tpu.memory_space<vmem>>, vector<16xf32>,
        %mul3A_426 = vector.broadcast %squeeze3A_422 : f32 to vector<16xf32>
        %mul3A_427 = arith.mulf %get3A_425, %mul3A_426 : vector<16xf32>
        %swap3A_428 = arith.index_cast %add3A_420 : i32 to index
        %swap3A_429 = arith.constant 0 : index
        %swap3A_430 = tpu.vector_load %arg15[%swap3A_428, %swap3A_429] {strides = array<i32>} : memref<128x64xf32, #tpu.memory_space<vmem>>, vector<16xf32>,
        tpu.vector_store %arg15[%swap3A_428, %swap3A_429], %mul3A_427 {strides = array<i32>} : memref<128x64xf32, #tpu.memory_space<vmem>>, vector<16xf32>,
        %swap3A_431 = arith.index_cast %add3A_420 : i32 to index
        %swap3A_432 = arith.constant 32 : index
        %swap3A_433 = tpu.vector_load %arg15[%swap3A_431, %swap3A_432] {strides = array<i32>} : memref<128x64xf32, #tpu.memory_space<vmem>>, vector<16xf32>,
        tpu.vector_store %arg15[%swap3A_431, %swap3A_432], %get3A_425 {strides = array<i32>} : memref<128x64xf32, #tpu.memory_space<vmem>>, vector<16xf32>,
        %get3A_434 = arith.index_cast %add3A_420 : i32 to index
        %get3A_435 = arith.constant 16 : index
        %get3A_436 = tpu.vector_load %arg14[%get3A_434, %get3A_435] {strides = array<i32>} : memref<128x32xf32, #tpu.memory_space<vmem>>, vector<16xf32>,
        %mul3A_437 = vector.broadcast %squeeze3A_422 : f32 to vector<16xf32>
        %mul3A_438 = arith.mulf %get3A_436, %mul3A_437 : vector<16xf32>
        %swap3A_439 = arith.index_cast %add3A_420 : i32 to index
        %swap3A_440 = arith.constant 16 : index
        %swap3A_441 = tpu.vector_load %arg15[%swap3A_439, %swap3A_440] {strides = array<i32>} : memref<128x64xf32, #tpu.memory_space<vmem>>, vector<16xf32>,
        tpu.vector_store %arg15[%swap3A_439, %swap3A_440], %mul3A_438 {strides = array<i32>} : memref<128x64xf32, #tpu.memory_space<vmem>>, vector<16xf32>,
        %swap3A_442 = arith.index_cast %add3A_420 : i32 to index
        %swap3A_443 = arith.constant 48 : index
        %swap3A_444 = tpu.vector_load %arg15[%swap3A_442, %swap3A_443] {strides = array<i32>} : memref<128x64xf32, #tpu.memory_space<vmem>>, vector<16xf32>,
        tpu.vector_store %arg15[%swap3A_442, %swap3A_443], %get3A_436 {strides = array<i32>} : memref<128x64xf32, #tpu.memory_space<vmem>>, vector<16xf32>,
        %eq3A_445 = arith.constant 5 : i32
        %eq3A_446 = vector.broadcast %eq3A_445 : i32 to vector<16xi32>
        %eq3A_447 = arith.cmpi eq, %iota3A, %eq3A_446 : vector<16xi32>
        tpu.vector_store_idx %arg17[%get3A_265], %broadcast_in_dim3A_3 masked %eq3A_447 {add = true} : memref<10240xf32, #tpu.memory_space<vmem>>[vector<16xi32>], vector<16xf32>, vector<16xi1>
        %mul3A_448 = arith.constant 16 : i32
        %mul3A_449 = arith.muli %scan3A_255, %mul3A_448 : i32
        %add3A_450 = arith.constant 6 : i32
        %add3A_451 = arith.addi %mul3A_449, %add3A_450 : i32
        %slice3A_452 = vector.extract_strided_slice %get3A_260 {offsets = [6], sizes = [1], strides = [1]} : vector<16xf32> to vector<1xf32>
        %squeeze3A_453 = vector.extract %slice3A_452[0] : f32 from vector<1xf32>
        %get3A_454 = arith.index_cast %add3A_451 : i32 to index
        %get3A_455 = arith.constant 0 : index
        %get3A_456 = tpu.vector_load %arg14[%get3A_454, %get3A_455] {strides = array<i32>} : memref<128x32xf32, #tpu.memory_space<vmem>>, vector<16xf32>,
        %mul3A_457 = vector.broadcast %squeeze3A_453 : f32 to vector<16xf32>
        %mul3A_458 = arith.mulf %get3A_456, %mul3A_457 : vector<16xf32>
        %swap3A_459 = arith.index_cast %add3A_451 : i32 to index
        %swap3A_460 = arith.constant 0 : index
        %swap3A_461 = tpu.vector_load %arg15[%swap3A_459, %swap3A_460] {strides = array<i32>} : memref<128x64xf32, #tpu.memory_space<vmem>>, vector<16xf32>,
        tpu.vector_store %arg15[%swap3A_459, %swap3A_460], %mul3A_458 {strides = array<i32>} : memref<128x64xf32, #tpu.memory_space<vmem>>, vector<16xf32>,
        %swap3A_462 = arith.index_cast %add3A_451 : i32 to index
        %swap3A_463 = arith.constant 32 : index
        %swap3A_464 = tpu.vector_load %arg15[%swap3A_462, %swap3A_463] {strides = array<i32>} : memref<128x64xf32, #tpu.memory_space<vmem>>, vector<16xf32>,
        tpu.vector_store %arg15[%swap3A_462, %swap3A_463], %get3A_456 {strides = array<i32>} : memref<128x64xf32, #tpu.memory_space<vmem>>, vector<16xf32>,
        %get3A_465 = arith.index_cast %add3A_451 : i32 to index
        %get3A_466 = arith.constant 16 : index
        %get3A_467 = tpu.vector_load %arg14[%get3A_465, %get3A_466] {strides = array<i32>} : memref<128x32xf32, #tpu.memory_space<vmem>>, vector<16xf32>,
        %mul3A_468 = vector.broadcast %squeeze3A_453 : f32 to vector<16xf32>
        %mul3A_469 = arith.mulf %get3A_467, %mul3A_468 : vector<16xf32>
        %swap3A_470 = arith.index_cast %add3A_451 : i32 to index
        %swap3A_471 = arith.constant 16 : index
        %swap3A_472 = tpu.vector_load %arg15[%swap3A_470, %swap3A_471] {strides = array<i32>} : memref<128x64xf32, #tpu.memory_space<vmem>>, vector<16xf32>,
        tpu.vector_store %arg15[%swap3A_470, %swap3A_471], %mul3A_469 {strides = array<i32>} : memref<128x64xf32, #tpu.memory_space<vmem>>, vector<16xf32>,
        %swap3A_473 = arith.index_cast %add3A_451 : i32 to index
        %swap3A_474 = arith.constant 48 : index
        %swap3A_475 = tpu.vector_load %arg15[%swap3A_473, %swap3A_474] {strides = array<i32>} : memref<128x64xf32, #tpu.memory_space<vmem>>, vector<16xf32>,
        tpu.vector_store %arg15[%swap3A_473, %swap3A_474], %get3A_467 {strides = array<i32>} : memref<128x64xf32, #tpu.memory_space<vmem>>, vector<16xf32>,
        %eq3A_476 = arith.constant 6 : i32
        %eq3A_477 = vector.broadcast %eq3A_476 : i32 to vector<16xi32>
        %eq3A_478 = arith.cmpi eq, %iota3A, %eq3A_477 : vector<16xi32>
        tpu.vector_store_idx %arg17[%get3A_265], %broadcast_in_dim3A_3 masked %eq3A_478 {add = true} : memref<10240xf32, #tpu.memory_space<vmem>>[vector<16xi32>], vector<16xf32>, vector<16xi1>
        %mul3A_479 = arith.constant 16 : i32
        %mul3A_480 = arith.muli %scan3A_255, %mul3A_479 : i32
        %add3A_481 = arith.constant 7 : i32
        %add3A_482 = arith.addi %mul3A_480, %add3A_481 : i32
        %slice3A_483 = vector.extract_strided_slice %get3A_260 {offsets = [7], sizes = [1], strides = [1]} : vector<16xf32> to vector<1xf32>
        %squeeze3A_484 = vector.extract %slice3A_483[0] : f32 from vector<1xf32>
        %get3A_485 = arith.index_cast %add3A_482 : i32 to index
        %get3A_486 = arith.constant 0 : index
        %get3A_487 = tpu.vector_load %arg14[%get3A_485, %get3A_486] {strides = array<i32>} : memref<128x32xf32, #tpu.memory_space<vmem>>, vector<16xf32>,
        %mul3A_488 = vector.broadcast %squeeze3A_484 : f32 to vector<16xf32>
        %mul3A_489 = arith.mulf %get3A_487, %mul3A_488 : vector<16xf32>
        %swap3A_490 = arith.index_cast %add3A_482 : i32 to index
        %swap3A_491 = arith.constant 0 : index
        %swap3A_492 = tpu.vector_load %arg15[%swap3A_490, %swap3A_491] {strides = array<i32>} : memref<128x64xf32, #tpu.memory_space<vmem>>, vector<16xf32>,
        tpu.vector_store %arg15[%swap3A_490, %swap3A_491], %mul3A_489 {strides = array<i32>} : memref<128x64xf32, #tpu.memory_space<vmem>>, vector<16xf32>,
        %swap3A_493 = arith.index_cast %add3A_482 : i32 to index
        %swap3A_494 = arith.constant 32 : index
        %swap3A_495 = tpu.vector_load %arg15[%swap3A_493, %swap3A_494] {strides = array<i32>} : memref<128x64xf32, #tpu.memory_space<vmem>>, vector<16xf32>,
        tpu.vector_store %arg15[%swap3A_493, %swap3A_494], %get3A_487 {strides = array<i32>} : memref<128x64xf32, #tpu.memory_space<vmem>>, vector<16xf32>,
        %get3A_496 = arith.index_cast %add3A_482 : i32 to index
        %get3A_497 = arith.constant 16 : index
        %get3A_498 = tpu.vector_load %arg14[%get3A_496, %get3A_497] {strides = array<i32>} : memref<128x32xf32, #tpu.memory_space<vmem>>, vector<16xf32>,
        %mul3A_499 = vector.broadcast %squeeze3A_484 : f32 to vector<16xf32>
        %mul3A_500 = arith.mulf %get3A_498, %mul3A_499 : vector<16xf32>
        %swap3A_501 = arith.index_cast %add3A_482 : i32 to index
        %swap3A_502 = arith.constant 16 : index
        %swap3A_503 = tpu.vector_load %arg15[%swap3A_501, %swap3A_502] {strides = array<i32>} : memref<128x64xf32, #tpu.memory_space<vmem>>, vector<16xf32>,
        tpu.vector_store %arg15[%swap3A_501, %swap3A_502], %mul3A_500 {strides = array<i32>} : memref<128x64xf32, #tpu.memory_space<vmem>>, vector<16xf32>,
        %swap3A_504 = arith.index_cast %add3A_482 : i32 to index
        %swap3A_505 = arith.constant 48 : index
        %swap3A_506 = tpu.vector_load %arg15[%swap3A_504, %swap3A_505] {strides = array<i32>} : memref<128x64xf32, #tpu.memory_space<vmem>>, vector<16xf32>,
        tpu.vector_store %arg15[%swap3A_504, %swap3A_505], %get3A_498 {strides = array<i32>} : memref<128x64xf32, #tpu.memory_space<vmem>>, vector<16xf32>,
        %eq3A_507 = arith.constant 7 : i32
        %eq3A_508 = vector.broadcast %eq3A_507 : i32 to vector<16xi32>
        %eq3A_509 = arith.cmpi eq, %iota3A, %eq3A_508 : vector<16xi32>
        tpu.vector_store_idx %arg17[%get3A_265], %broadcast_in_dim3A_3 masked %eq3A_509 {add = true} : memref<10240xf32, #tpu.memory_space<vmem>>[vector<16xi32>], vector<16xf32>, vector<16xi1>
        %mul3A_510 = arith.constant 16 : i32
        %mul3A_511 = arith.muli %scan3A_255, %mul3A_510 : i32
        %add3A_512 = arith.constant 8 : i32
        %add3A_513 = arith.addi %mul3A_511, %add3A_512 : i32
        %slice3A_514 = vector.extract_strided_slice %get3A_260 {offsets = [8], sizes = [1], strides = [1]} : vector<16xf32> to vector<1xf32>
        %squeeze3A_515 = vector.extract %slice3A_514[0] : f32 from vector<1xf32>
        %get3A_516 = arith.index_cast %add3A_513 : i32 to index
        %get3A_517 = arith.constant 0 : index
        %get3A_518 = tpu.vector_load %arg14[%get3A_516, %get3A_517] {strides = array<i32>} : memref<128x32xf32, #tpu.memory_space<vmem>>, vector<16xf32>,
        %mul3A_519 = vector.broadcast %squeeze3A_515 : f32 to vector<16xf32>
        %mul3A_520 = arith.mulf %get3A_518, %mul3A_519 : vector<16xf32>
        %swap3A_521 = arith.index_cast %add3A_513 : i32 to index
        %swap3A_522 = arith.constant 0 : index
        %swap3A_523 = tpu.vector_load %arg15[%swap3A_521, %swap3A_522] {strides = array<i32>} : memref<128x64xf32, #tpu.memory_space<vmem>>, vector<16xf32>,
        tpu.vector_store %arg15[%swap3A_521, %swap3A_522], %mul3A_520 {strides = array<i32>} : memref<128x64xf32, #tpu.memory_space<vmem>>, vector<16xf32>,
        %swap3A_524 = arith.index_cast %add3A_513 : i32 to index
        %swap3A_525 = arith.constant 32 : index
        %swap3A_526 = tpu.vector_load %arg15[%swap3A_524, %swap3A_525] {strides = array<i32>} : memref<128x64xf32, #tpu.memory_space<vmem>>, vector<16xf32>,
        tpu.vector_store %arg15[%swap3A_524, %swap3A_525], %get3A_518 {strides = array<i32>} : memref<128x64xf32, #tpu.memory_space<vmem>>, vector<16xf32>,
        %get3A_527 = arith.index_cast %add3A_513 : i32 to index
        %get3A_528 = arith.constant 16 : index
        %get3A_529 = tpu.vector_load %arg14[%get3A_527, %get3A_528] {strides = array<i32>} : memref<128x32xf32, #tpu.memory_space<vmem>>, vector<16xf32>,
        %mul3A_530 = vector.broadcast %squeeze3A_515 : f32 to vector<16xf32>
        %mul3A_531 = arith.mulf %get3A_529, %mul3A_530 : vector<16xf32>
        %swap3A_532 = arith.index_cast %add3A_513 : i32 to index
        %swap3A_533 = arith.constant 16 : index
        %swap3A_534 = tpu.vector_load %arg15[%swap3A_532, %swap3A_533] {strides = array<i32>} : memref<128x64xf32, #tpu.memory_space<vmem>>, vector<16xf32>,
        tpu.vector_store %arg15[%swap3A_532, %swap3A_533], %mul3A_531 {strides = array<i32>} : memref<128x64xf32, #tpu.memory_space<vmem>>, vector<16xf32>,
        %swap3A_535 = arith.index_cast %add3A_513 : i32 to index
        %swap3A_536 = arith.constant 48 : index
        %swap3A_537 = tpu.vector_load %arg15[%swap3A_535, %swap3A_536] {strides = array<i32>} : memref<128x64xf32, #tpu.memory_space<vmem>>, vector<16xf32>,
        tpu.vector_store %arg15[%swap3A_535, %swap3A_536], %get3A_529 {strides = array<i32>} : memref<128x64xf32, #tpu.memory_space<vmem>>, vector<16xf32>,
        %eq3A_538 = arith.constant 8 : i32
        %eq3A_539 = vector.broadcast %eq3A_538 : i32 to vector<16xi32>
        %eq3A_540 = arith.cmpi eq, %iota3A, %eq3A_539 : vector<16xi32>
        tpu.vector_store_idx %arg17[%get3A_265], %broadcast_in_dim3A_3 masked %eq3A_540 {add = true} : memref<10240xf32, #tpu.memory_space<vmem>>[vector<16xi32>], vector<16xf32>, vector<16xi1>
        %mul3A_541 = arith.constant 16 : i32
        %mul3A_542 = arith.muli %scan3A_255, %mul3A_541 : i32
        %add3A_543 = arith.constant 9 : i32
        %add3A_544 = arith.addi %mul3A_542, %add3A_543 : i32
        %slice3A_545 = vector.extract_strided_slice %get3A_260 {offsets = [9], sizes = [1], strides = [1]} : vector<16xf32> to vector<1xf32>
        %squeeze3A_546 = vector.extract %slice3A_545[0] : f32 from vector<1xf32>
        %get3A_547 = arith.index_cast %add3A_544 : i32 to index
        %get3A_548 = arith.constant 0 : index
        %get3A_549 = tpu.vector_load %arg14[%get3A_547, %get3A_548] {strides = array<i32>} : memref<128x32xf32, #tpu.memory_space<vmem>>, vector<16xf32>,
        %mul3A_550 = vector.broadcast %squeeze3A_546 : f32 to vector<16xf32>
        %mul3A_551 = arith.mulf %get3A_549, %mul3A_550 : vector<16xf32>
        %swap3A_552 = arith.index_cast %add3A_544 : i32 to index
        %swap3A_553 = arith.constant 0 : index
        %swap3A_554 = tpu.vector_load %arg15[%swap3A_552, %swap3A_553] {strides = array<i32>} : memref<128x64xf32, #tpu.memory_space<vmem>>, vector<16xf32>,
        tpu.vector_store %arg15[%swap3A_552, %swap3A_553], %mul3A_551 {strides = array<i32>} : memref<128x64xf32, #tpu.memory_space<vmem>>, vector<16xf32>,
        %swap3A_555 = arith.index_cast %add3A_544 : i32 to index
        %swap3A_556 = arith.constant 32 : index
        %swap3A_557 = tpu.vector_load %arg15[%swap3A_555, %swap3A_556] {strides = array<i32>} : memref<128x64xf32, #tpu.memory_space<vmem>>, vector<16xf32>,
        tpu.vector_store %arg15[%swap3A_555, %swap3A_556], %get3A_549 {strides = array<i32>} : memref<128x64xf32, #tpu.memory_space<vmem>>, vector<16xf32>,
        %get3A_558 = arith.index_cast %add3A_544 : i32 to index
        %get3A_559 = arith.constant 16 : index
        %get3A_560 = tpu.vector_load %arg14[%get3A_558, %get3A_559] {strides = array<i32>} : memref<128x32xf32, #tpu.memory_space<vmem>>, vector<16xf32>,
        %mul3A_561 = vector.broadcast %squeeze3A_546 : f32 to vector<16xf32>
        %mul3A_562 = arith.mulf %get3A_560, %mul3A_561 : vector<16xf32>
        %swap3A_563 = arith.index_cast %add3A_544 : i32 to index
        %swap3A_564 = arith.constant 16 : index
        %swap3A_565 = tpu.vector_load %arg15[%swap3A_563, %swap3A_564] {strides = array<i32>} : memref<128x64xf32, #tpu.memory_space<vmem>>, vector<16xf32>,
        tpu.vector_store %arg15[%swap3A_563, %swap3A_564], %mul3A_562 {strides = array<i32>} : memref<128x64xf32, #tpu.memory_space<vmem>>, vector<16xf32>,
        %swap3A_566 = arith.index_cast %add3A_544 : i32 to index
        %swap3A_567 = arith.constant 48 : index
        %swap3A_568 = tpu.vector_load %arg15[%swap3A_566, %swap3A_567] {strides = array<i32>} : memref<128x64xf32, #tpu.memory_space<vmem>>, vector<16xf32>,
        tpu.vector_store %arg15[%swap3A_566, %swap3A_567], %get3A_560 {strides = array<i32>} : memref<128x64xf32, #tpu.memory_space<vmem>>, vector<16xf32>,
        %eq3A_569 = arith.constant 9 : i32
        %eq3A_570 = vector.broadcast %eq3A_569 : i32 to vector<16xi32>
        %eq3A_571 = arith.cmpi eq, %iota3A, %eq3A_570 : vector<16xi32>
        tpu.vector_store_idx %arg17[%get3A_265], %broadcast_in_dim3A_3 masked %eq3A_571 {add = true} : memref<10240xf32, #tpu.memory_space<vmem>>[vector<16xi32>], vector<16xf32>, vector<16xi1>
        %mul3A_572 = arith.constant 16 : i32
        %mul3A_573 = arith.muli %scan3A_255, %mul3A_572 : i32
        %add3A_574 = arith.constant 10 : i32
        %add3A_575 = arith.addi %mul3A_573, %add3A_574 : i32
        %slice3A_576 = vector.extract_strided_slice %get3A_260 {offsets = [10], sizes = [1], strides = [1]} : vector<16xf32> to vector<1xf32>
        %squeeze3A_577 = vector.extract %slice3A_576[0] : f32 from vector<1xf32>
        %get3A_578 = arith.index_cast %add3A_575 : i32 to index
        %get3A_579 = arith.constant 0 : index
        %get3A_580 = tpu.vector_load %arg14[%get3A_578, %get3A_579] {strides = array<i32>} : memref<128x32xf32, #tpu.memory_space<vmem>>, vector<16xf32>,
        %mul3A_581 = vector.broadcast %squeeze3A_577 : f32 to vector<16xf32>
        %mul3A_582 = arith.mulf %get3A_580, %mul3A_581 : vector<16xf32>
        %swap3A_583 = arith.index_cast %add3A_575 : i32 to index
        %swap3A_584 = arith.constant 0 : index
        %swap3A_585 = tpu.vector_load %arg15[%swap3A_583, %swap3A_584] {strides = array<i32>} : memref<128x64xf32, #tpu.memory_space<vmem>>, vector<16xf32>,
        tpu.vector_store %arg15[%swap3A_583, %swap3A_584], %mul3A_582 {strides = array<i32>} : memref<128x64xf32, #tpu.memory_space<vmem>>, vector<16xf32>,
        %swap3A_586 = arith.index_cast %add3A_575 : i32 to index
        %swap3A_587 = arith.constant 32 : index
        %swap3A_588 = tpu.vector_load %arg15[%swap3A_586, %swap3A_587] {strides = array<i32>} : memref<128x64xf32, #tpu.memory_space<vmem>>, vector<16xf32>,
        tpu.vector_store %arg15[%swap3A_586, %swap3A_587], %get3A_580 {strides = array<i32>} : memref<128x64xf32, #tpu.memory_space<vmem>>, vector<16xf32>,
        %get3A_589 = arith.index_cast %add3A_575 : i32 to index
        %get3A_590 = arith.constant 16 : index
        %get3A_591 = tpu.vector_load %arg14[%get3A_589, %get3A_590] {strides = array<i32>} : memref<128x32xf32, #tpu.memory_space<vmem>>, vector<16xf32>,
        %mul3A_592 = vector.broadcast %squeeze3A_577 : f32 to vector<16xf32>
        %mul3A_593 = arith.mulf %get3A_591, %mul3A_592 : vector<16xf32>
        %swap3A_594 = arith.index_cast %add3A_575 : i32 to index
        %swap3A_595 = arith.constant 16 : index
        %swap3A_596 = tpu.vector_load %arg15[%swap3A_594, %swap3A_595] {strides = array<i32>} : memref<128x64xf32, #tpu.memory_space<vmem>>, vector<16xf32>,
        tpu.vector_store %arg15[%swap3A_594, %swap3A_595], %mul3A_593 {strides = array<i32>} : memref<128x64xf32, #tpu.memory_space<vmem>>, vector<16xf32>,
        %swap3A_597 = arith.index_cast %add3A_575 : i32 to index
        %swap3A_598 = arith.constant 48 : index
        %swap3A_599 = tpu.vector_load %arg15[%swap3A_597, %swap3A_598] {strides = array<i32>} : memref<128x64xf32, #tpu.memory_space<vmem>>, vector<16xf32>,
        tpu.vector_store %arg15[%swap3A_597, %swap3A_598], %get3A_591 {strides = array<i32>} : memref<128x64xf32, #tpu.memory_space<vmem>>, vector<16xf32>,
        %eq3A_600 = arith.constant 10 : i32
        %eq3A_601 = vector.broadcast %eq3A_600 : i32 to vector<16xi32>
        %eq3A_602 = arith.cmpi eq, %iota3A, %eq3A_601 : vector<16xi32>
        tpu.vector_store_idx %arg17[%get3A_265], %broadcast_in_dim3A_3 masked %eq3A_602 {add = true} : memref<10240xf32, #tpu.memory_space<vmem>>[vector<16xi32>], vector<16xf32>, vector<16xi1>
        %mul3A_603 = arith.constant 16 : i32
        %mul3A_604 = arith.muli %scan3A_255, %mul3A_603 : i32
        %add3A_605 = arith.constant 11 : i32
        %add3A_606 = arith.addi %mul3A_604, %add3A_605 : i32
        %slice3A_607 = vector.extract_strided_slice %get3A_260 {offsets = [11], sizes = [1], strides = [1]} : vector<16xf32> to vector<1xf32>
        %squeeze3A_608 = vector.extract %slice3A_607[0] : f32 from vector<1xf32>
        %get3A_609 = arith.index_cast %add3A_606 : i32 to index
        %get3A_610 = arith.constant 0 : index
        %get3A_611 = tpu.vector_load %arg14[%get3A_609, %get3A_610] {strides = array<i32>} : memref<128x32xf32, #tpu.memory_space<vmem>>, vector<16xf32>,
        %mul3A_612 = vector.broadcast %squeeze3A_608 : f32 to vector<16xf32>
        %mul3A_613 = arith.mulf %get3A_611, %mul3A_612 : vector<16xf32>
        %swap3A_614 = arith.index_cast %add3A_606 : i32 to index
        %swap3A_615 = arith.constant 0 : index
        %swap3A_616 = tpu.vector_load %arg15[%swap3A_614, %swap3A_615] {strides = array<i32>} : memref<128x64xf32, #tpu.memory_space<vmem>>, vector<16xf32>,
        tpu.vector_store %arg15[%swap3A_614, %swap3A_615], %mul3A_613 {strides = array<i32>} : memref<128x64xf32, #tpu.memory_space<vmem>>, vector<16xf32>,
        %swap3A_617 = arith.index_cast %add3A_606 : i32 to index
        %swap3A_618 = arith.constant 32 : index
        %swap3A_619 = tpu.vector_load %arg15[%swap3A_617, %swap3A_618] {strides = array<i32>} : memref<128x64xf32, #tpu.memory_space<vmem>>, vector<16xf32>,
        tpu.vector_store %arg15[%swap3A_617, %swap3A_618], %get3A_611 {strides = array<i32>} : memref<128x64xf32, #tpu.memory_space<vmem>>, vector<16xf32>,
        %get3A_620 = arith.index_cast %add3A_606 : i32 to index
        %get3A_621 = arith.constant 16 : index
        %get3A_622 = tpu.vector_load %arg14[%get3A_620, %get3A_621] {strides = array<i32>} : memref<128x32xf32, #tpu.memory_space<vmem>>, vector<16xf32>,
        %mul3A_623 = vector.broadcast %squeeze3A_608 : f32 to vector<16xf32>
        %mul3A_624 = arith.mulf %get3A_622, %mul3A_623 : vector<16xf32>
        %swap3A_625 = arith.index_cast %add3A_606 : i32 to index
        %swap3A_626 = arith.constant 16 : index
        %swap3A_627 = tpu.vector_load %arg15[%swap3A_625, %swap3A_626] {strides = array<i32>} : memref<128x64xf32, #tpu.memory_space<vmem>>, vector<16xf32>,
        tpu.vector_store %arg15[%swap3A_625, %swap3A_626], %mul3A_624 {strides = array<i32>} : memref<128x64xf32, #tpu.memory_space<vmem>>, vector<16xf32>,
        %swap3A_628 = arith.index_cast %add3A_606 : i32 to index
        %swap3A_629 = arith.constant 48 : index
        %swap3A_630 = tpu.vector_load %arg15[%swap3A_628, %swap3A_629] {strides = array<i32>} : memref<128x64xf32, #tpu.memory_space<vmem>>, vector<16xf32>,
        tpu.vector_store %arg15[%swap3A_628, %swap3A_629], %get3A_622 {strides = array<i32>} : memref<128x64xf32, #tpu.memory_space<vmem>>, vector<16xf32>,
        %eq3A_631 = arith.constant 11 : i32
        %eq3A_632 = vector.broadcast %eq3A_631 : i32 to vector<16xi32>
        %eq3A_633 = arith.cmpi eq, %iota3A, %eq3A_632 : vector<16xi32>
        tpu.vector_store_idx %arg17[%get3A_265], %broadcast_in_dim3A_3 masked %eq3A_633 {add = true} : memref<10240xf32, #tpu.memory_space<vmem>>[vector<16xi32>], vector<16xf32>, vector<16xi1>
        %mul3A_634 = arith.constant 16 : i32
        %mul3A_635 = arith.muli %scan3A_255, %mul3A_634 : i32
        %add3A_636 = arith.constant 12 : i32
        %add3A_637 = arith.addi %mul3A_635, %add3A_636 : i32
        %slice3A_638 = vector.extract_strided_slice %get3A_260 {offsets = [12], sizes = [1], strides = [1]} : vector<16xf32> to vector<1xf32>
        %squeeze3A_639 = vector.extract %slice3A_638[0] : f32 from vector<1xf32>
        %get3A_640 = arith.index_cast %add3A_637 : i32 to index
        %get3A_641 = arith.constant 0 : index
        %get3A_642 = tpu.vector_load %arg14[%get3A_640, %get3A_641] {strides = array<i32>} : memref<128x32xf32, #tpu.memory_space<vmem>>, vector<16xf32>,
        %mul3A_643 = vector.broadcast %squeeze3A_639 : f32 to vector<16xf32>
        %mul3A_644 = arith.mulf %get3A_642, %mul3A_643 : vector<16xf32>
        %swap3A_645 = arith.index_cast %add3A_637 : i32 to index
        %swap3A_646 = arith.constant 0 : index
        %swap3A_647 = tpu.vector_load %arg15[%swap3A_645, %swap3A_646] {strides = array<i32>} : memref<128x64xf32, #tpu.memory_space<vmem>>, vector<16xf32>,
        tpu.vector_store %arg15[%swap3A_645, %swap3A_646], %mul3A_644 {strides = array<i32>} : memref<128x64xf32, #tpu.memory_space<vmem>>, vector<16xf32>,
        %swap3A_648 = arith.index_cast %add3A_637 : i32 to index
        %swap3A_649 = arith.constant 32 : index
        %swap3A_650 = tpu.vector_load %arg15[%swap3A_648, %swap3A_649] {strides = array<i32>} : memref<128x64xf32, #tpu.memory_space<vmem>>, vector<16xf32>,
        tpu.vector_store %arg15[%swap3A_648, %swap3A_649], %get3A_642 {strides = array<i32>} : memref<128x64xf32, #tpu.memory_space<vmem>>, vector<16xf32>,
        %get3A_651 = arith.index_cast %add3A_637 : i32 to index
        %get3A_652 = arith.constant 16 : index
        %get3A_653 = tpu.vector_load %arg14[%get3A_651, %get3A_652] {strides = array<i32>} : memref<128x32xf32, #tpu.memory_space<vmem>>, vector<16xf32>,
        %mul3A_654 = vector.broadcast %squeeze3A_639 : f32 to vector<16xf32>
        %mul3A_655 = arith.mulf %get3A_653, %mul3A_654 : vector<16xf32>
        %swap3A_656 = arith.index_cast %add3A_637 : i32 to index
        %swap3A_657 = arith.constant 16 : index
        %swap3A_658 = tpu.vector_load %arg15[%swap3A_656, %swap3A_657] {strides = array<i32>} : memref<128x64xf32, #tpu.memory_space<vmem>>, vector<16xf32>,
        tpu.vector_store %arg15[%swap3A_656, %swap3A_657], %mul3A_655 {strides = array<i32>} : memref<128x64xf32, #tpu.memory_space<vmem>>, vector<16xf32>,
        %swap3A_659 = arith.index_cast %add3A_637 : i32 to index
        %swap3A_660 = arith.constant 48 : index
        %swap3A_661 = tpu.vector_load %arg15[%swap3A_659, %swap3A_660] {strides = array<i32>} : memref<128x64xf32, #tpu.memory_space<vmem>>, vector<16xf32>,
        tpu.vector_store %arg15[%swap3A_659, %swap3A_660], %get3A_653 {strides = array<i32>} : memref<128x64xf32, #tpu.memory_space<vmem>>, vector<16xf32>,
        %eq3A_662 = arith.constant 12 : i32
        %eq3A_663 = vector.broadcast %eq3A_662 : i32 to vector<16xi32>
        %eq3A_664 = arith.cmpi eq, %iota3A, %eq3A_663 : vector<16xi32>
        tpu.vector_store_idx %arg17[%get3A_265], %broadcast_in_dim3A_3 masked %eq3A_664 {add = true} : memref<10240xf32, #tpu.memory_space<vmem>>[vector<16xi32>], vector<16xf32>, vector<16xi1>
        %mul3A_665 = arith.constant 16 : i32
        %mul3A_666 = arith.muli %scan3A_255, %mul3A_665 : i32
        %add3A_667 = arith.constant 13 : i32
        %add3A_668 = arith.addi %mul3A_666, %add3A_667 : i32
        %slice3A_669 = vector.extract_strided_slice %get3A_260 {offsets = [13], sizes = [1], strides = [1]} : vector<16xf32> to vector<1xf32>
        %squeeze3A_670 = vector.extract %slice3A_669[0] : f32 from vector<1xf32>
        %get3A_671 = arith.index_cast %add3A_668 : i32 to index
        %get3A_672 = arith.constant 0 : index
        %get3A_673 = tpu.vector_load %arg14[%get3A_671, %get3A_672] {strides = array<i32>} : memref<128x32xf32, #tpu.memory_space<vmem>>, vector<16xf32>,
        %mul3A_674 = vector.broadcast %squeeze3A_670 : f32 to vector<16xf32>
        %mul3A_675 = arith.mulf %get3A_673, %mul3A_674 : vector<16xf32>
        %swap3A_676 = arith.index_cast %add3A_668 : i32 to index
        %swap3A_677 = arith.constant 0 : index
        %swap3A_678 = tpu.vector_load %arg15[%swap3A_676, %swap3A_677] {strides = array<i32>} : memref<128x64xf32, #tpu.memory_space<vmem>>, vector<16xf32>,
        tpu.vector_store %arg15[%swap3A_676, %swap3A_677], %mul3A_675 {strides = array<i32>} : memref<128x64xf32, #tpu.memory_space<vmem>>, vector<16xf32>,
        %swap3A_679 = arith.index_cast %add3A_668 : i32 to index
        %swap3A_680 = arith.constant 32 : index
        %swap3A_681 = tpu.vector_load %arg15[%swap3A_679, %swap3A_680] {strides = array<i32>} : memref<128x64xf32, #tpu.memory_space<vmem>>, vector<16xf32>,
        tpu.vector_store %arg15[%swap3A_679, %swap3A_680], %get3A_673 {strides = array<i32>} : memref<128x64xf32, #tpu.memory_space<vmem>>, vector<16xf32>,
        %get3A_682 = arith.index_cast %add3A_668 : i32 to index
        %get3A_683 = arith.constant 16 : index
        %get3A_684 = tpu.vector_load %arg14[%get3A_682, %get3A_683] {strides = array<i32>} : memref<128x32xf32, #tpu.memory_space<vmem>>, vector<16xf32>,
        %mul3A_685 = vector.broadcast %squeeze3A_670 : f32 to vector<16xf32>
        %mul3A_686 = arith.mulf %get3A_684, %mul3A_685 : vector<16xf32>
        %swap3A_687 = arith.index_cast %add3A_668 : i32 to index
        %swap3A_688 = arith.constant 16 : index
        %swap3A_689 = tpu.vector_load %arg15[%swap3A_687, %swap3A_688] {strides = array<i32>} : memref<128x64xf32, #tpu.memory_space<vmem>>, vector<16xf32>,
        tpu.vector_store %arg15[%swap3A_687, %swap3A_688], %mul3A_686 {strides = array<i32>} : memref<128x64xf32, #tpu.memory_space<vmem>>, vector<16xf32>,
        %swap3A_690 = arith.index_cast %add3A_668 : i32 to index
        %swap3A_691 = arith.constant 48 : index
        %swap3A_692 = tpu.vector_load %arg15[%swap3A_690, %swap3A_691] {strides = array<i32>} : memref<128x64xf32, #tpu.memory_space<vmem>>, vector<16xf32>,
        tpu.vector_store %arg15[%swap3A_690, %swap3A_691], %get3A_684 {strides = array<i32>} : memref<128x64xf32, #tpu.memory_space<vmem>>, vector<16xf32>,
        %eq3A_693 = arith.constant 13 : i32
        %eq3A_694 = vector.broadcast %eq3A_693 : i32 to vector<16xi32>
        %eq3A_695 = arith.cmpi eq, %iota3A, %eq3A_694 : vector<16xi32>
        tpu.vector_store_idx %arg17[%get3A_265], %broadcast_in_dim3A_3 masked %eq3A_695 {add = true} : memref<10240xf32, #tpu.memory_space<vmem>>[vector<16xi32>], vector<16xf32>, vector<16xi1>
        %mul3A_696 = arith.constant 16 : i32
        %mul3A_697 = arith.muli %scan3A_255, %mul3A_696 : i32
        %add3A_698 = arith.constant 14 : i32
        %add3A_699 = arith.addi %mul3A_697, %add3A_698 : i32
        %slice3A_700 = vector.extract_strided_slice %get3A_260 {offsets = [14], sizes = [1], strides = [1]} : vector<16xf32> to vector<1xf32>
        %squeeze3A_701 = vector.extract %slice3A_700[0] : f32 from vector<1xf32>
        %get3A_702 = arith.index_cast %add3A_699 : i32 to index
        %get3A_703 = arith.constant 0 : index
        %get3A_704 = tpu.vector_load %arg14[%get3A_702, %get3A_703] {strides = array<i32>} : memref<128x32xf32, #tpu.memory_space<vmem>>, vector<16xf32>,
        %mul3A_705 = vector.broadcast %squeeze3A_701 : f32 to vector<16xf32>
        %mul3A_706 = arith.mulf %get3A_704, %mul3A_705 : vector<16xf32>
        %swap3A_707 = arith.index_cast %add3A_699 : i32 to index
        %swap3A_708 = arith.constant 0 : index
        %swap3A_709 = tpu.vector_load %arg15[%swap3A_707, %swap3A_708] {strides = array<i32>} : memref<128x64xf32, #tpu.memory_space<vmem>>, vector<16xf32>,
        tpu.vector_store %arg15[%swap3A_707, %swap3A_708], %mul3A_706 {strides = array<i32>} : memref<128x64xf32, #tpu.memory_space<vmem>>, vector<16xf32>,
        %swap3A_710 = arith.index_cast %add3A_699 : i32 to index
        %swap3A_711 = arith.constant 32 : index
        %swap3A_712 = tpu.vector_load %arg15[%swap3A_710, %swap3A_711] {strides = array<i32>} : memref<128x64xf32, #tpu.memory_space<vmem>>, vector<16xf32>,
        tpu.vector_store %arg15[%swap3A_710, %swap3A_711], %get3A_704 {strides = array<i32>} : memref<128x64xf32, #tpu.memory_space<vmem>>, vector<16xf32>,
        %get3A_713 = arith.index_cast %add3A_699 : i32 to index
        %get3A_714 = arith.constant 16 : index
        %get3A_715 = tpu.vector_load %arg14[%get3A_713, %get3A_714] {strides = array<i32>} : memref<128x32xf32, #tpu.memory_space<vmem>>, vector<16xf32>,
        %mul3A_716 = vector.broadcast %squeeze3A_701 : f32 to vector<16xf32>
        %mul3A_717 = arith.mulf %get3A_715, %mul3A_716 : vector<16xf32>
        %swap3A_718 = arith.index_cast %add3A_699 : i32 to index
        %swap3A_719 = arith.constant 16 : index
        %swap3A_720 = tpu.vector_load %arg15[%swap3A_718, %swap3A_719] {strides = array<i32>} : memref<128x64xf32, #tpu.memory_space<vmem>>, vector<16xf32>,
        tpu.vector_store %arg15[%swap3A_718, %swap3A_719], %mul3A_717 {strides = array<i32>} : memref<128x64xf32, #tpu.memory_space<vmem>>, vector<16xf32>,
        %swap3A_721 = arith.index_cast %add3A_699 : i32 to index
        %swap3A_722 = arith.constant 48 : index
        %swap3A_723 = tpu.vector_load %arg15[%swap3A_721, %swap3A_722] {strides = array<i32>} : memref<128x64xf32, #tpu.memory_space<vmem>>, vector<16xf32>,
        tpu.vector_store %arg15[%swap3A_721, %swap3A_722], %get3A_715 {strides = array<i32>} : memref<128x64xf32, #tpu.memory_space<vmem>>, vector<16xf32>,
        %eq3A_724 = arith.constant 14 : i32
        %eq3A_725 = vector.broadcast %eq3A_724 : i32 to vector<16xi32>
        %eq3A_726 = arith.cmpi eq, %iota3A, %eq3A_725 : vector<16xi32>
        tpu.vector_store_idx %arg17[%get3A_265], %broadcast_in_dim3A_3 masked %eq3A_726 {add = true} : memref<10240xf32, #tpu.memory_space<vmem>>[vector<16xi32>], vector<16xf32>, vector<16xi1>
        %mul3A_727 = arith.constant 16 : i32
        %mul3A_728 = arith.muli %scan3A_255, %mul3A_727 : i32
        %add3A_729 = arith.constant 15 : i32
        %add3A_730 = arith.addi %mul3A_728, %add3A_729 : i32
        %slice3A_731 = vector.extract_strided_slice %get3A_260 {offsets = [15], sizes = [1], strides = [1]} : vector<16xf32> to vector<1xf32>
        %squeeze3A_732 = vector.extract %slice3A_731[0] : f32 from vector<1xf32>
        %get3A_733 = arith.index_cast %add3A_730 : i32 to index
        %get3A_734 = arith.constant 0 : index
        %get3A_735 = tpu.vector_load %arg14[%get3A_733, %get3A_734] {strides = array<i32>} : memref<128x32xf32, #tpu.memory_space<vmem>>, vector<16xf32>,
        %mul3A_736 = vector.broadcast %squeeze3A_732 : f32 to vector<16xf32>
        %mul3A_737 = arith.mulf %get3A_735, %mul3A_736 : vector<16xf32>
        %swap3A_738 = arith.index_cast %add3A_730 : i32 to index
        %swap3A_739 = arith.constant 0 : index
        %swap3A_740 = tpu.vector_load %arg15[%swap3A_738, %swap3A_739] {strides = array<i32>} : memref<128x64xf32, #tpu.memory_space<vmem>>, vector<16xf32>,
        tpu.vector_store %arg15[%swap3A_738, %swap3A_739], %mul3A_737 {strides = array<i32>} : memref<128x64xf32, #tpu.memory_space<vmem>>, vector<16xf32>,
        %swap3A_741 = arith.index_cast %add3A_730 : i32 to index
        %swap3A_742 = arith.constant 32 : index
        %swap3A_743 = tpu.vector_load %arg15[%swap3A_741, %swap3A_742] {strides = array<i32>} : memref<128x64xf32, #tpu.memory_space<vmem>>, vector<16xf32>,
        tpu.vector_store %arg15[%swap3A_741, %swap3A_742], %get3A_735 {strides = array<i32>} : memref<128x64xf32, #tpu.memory_space<vmem>>, vector<16xf32>,
        %get3A_744 = arith.index_cast %add3A_730 : i32 to index
        %get3A_745 = arith.constant 16 : index
        %get3A_746 = tpu.vector_load %arg14[%get3A_744, %get3A_745] {strides = array<i32>} : memref<128x32xf32, #tpu.memory_space<vmem>>, vector<16xf32>,
        %mul3A_747 = vector.broadcast %squeeze3A_732 : f32 to vector<16xf32>
        %mul3A_748 = arith.mulf %get3A_746, %mul3A_747 : vector<16xf32>
        %swap3A_749 = arith.index_cast %add3A_730 : i32 to index
        %swap3A_750 = arith.constant 16 : index
        %swap3A_751 = tpu.vector_load %arg15[%swap3A_749, %swap3A_750] {strides = array<i32>} : memref<128x64xf32, #tpu.memory_space<vmem>>, vector<16xf32>,
        tpu.vector_store %arg15[%swap3A_749, %swap3A_750], %mul3A_748 {strides = array<i32>} : memref<128x64xf32, #tpu.memory_space<vmem>>, vector<16xf32>,
        %swap3A_752 = arith.index_cast %add3A_730 : i32 to index
        %swap3A_753 = arith.constant 48 : index
        %swap3A_754 = tpu.vector_load %arg15[%swap3A_752, %swap3A_753] {strides = array<i32>} : memref<128x64xf32, #tpu.memory_space<vmem>>, vector<16xf32>,
        tpu.vector_store %arg15[%swap3A_752, %swap3A_753], %get3A_746 {strides = array<i32>} : memref<128x64xf32, #tpu.memory_space<vmem>>, vector<16xf32>,
        %eq3A_755 = arith.constant 15 : i32
        %eq3A_756 = vector.broadcast %eq3A_755 : i32 to vector<16xi32>
        %eq3A_757 = arith.cmpi eq, %iota3A, %eq3A_756 : vector<16xi32>
        tpu.vector_store_idx %arg17[%get3A_265], %broadcast_in_dim3A_3 masked %eq3A_757 {add = true} : memref<10240xf32, #tpu.memory_space<vmem>>[vector<16xi32>], vector<16xf32>, vector<16xi1>
        %scan3A_758 = arith.constant 0 : i32
        scf.yield %scan3A_758 : i32
      }
      %scan3A_253 = arith.constant 8 : i32
      "tpu.region"() ({
        %run_scoped3A_255 = tpu.sem_alloc : memref<!tpu.dma_semaphore, #tpu.memory_space<semaphore_mem>>
        %dma_start3A_256 = arith.constant 0 : i32
        %dma_start3A_257 = tpu.memref_slice %arg12[%scan3A_235, %dma_start3A_256] : memref<79x128xi32, #tpu.memory_space<vmem>> -> memref<1x128xi32, #tpu.memory_space<vmem>>
        %dma_start3A_258 = tpu.memref_squeeze %dma_start3A_257 : memref<1x128xi32, #tpu.memory_space<vmem>> -> memref<128xi32, #tpu.memory_space<vmem>>
        %dma_start3A_259 = arith.constant 0 : i32
        %dma_start3A_260 = arith.constant 0 : i32
        %dma_start3A_261 = tpu.memref_slice %arg18[%dma_start3A_259, %dma_start3A_260] : memref<10240x64xf32, #tpu.memory_space<vmem_shared>> -> memref<10240x64xf32, #tpu.memory_space<vmem_shared>>
        tpu.enqueue_indirect_dma source(%arg15 : memref<128x64xf32, #tpu.memory_space<vmem>>) target(%dma_start3A_261 : memref<10240x64xf32, #tpu.memory_space<vmem_shared>>) offsets(%dma_start3A_258 : memref<128xi32, #tpu.memory_space<vmem>>) semaphore(%run_scoped3A_255 : memref<!tpu.dma_semaphore, #tpu.memory_space<semaphore_mem>>) {add = true}
        %dma_wait3A_262 = arith.constant 0 : i32
        %dma_wait3A_263 = tpu.memref_slice %arg12[%scan3A_235, %dma_wait3A_262] : memref<79x128xi32, #tpu.memory_space<vmem>> -> memref<1x128xi32, #tpu.memory_space<vmem>>
        %dma_wait3A_264 = tpu.memref_squeeze %dma_wait3A_263 : memref<1x128xi32, #tpu.memory_space<vmem>> -> memref<128xi32, #tpu.memory_space<vmem>>
        %dma_wait3A_265 = arith.constant 0 : i32
        %dma_wait3A_266 = arith.constant 0 : i32
        %dma_wait3A_267 = tpu.memref_slice %arg18[%dma_wait3A_265, %dma_wait3A_266] : memref<10240x64xf32, #tpu.memory_space<vmem_shared>> -> memref<10240x64xf32, #tpu.memory_space<vmem_shared>>
        tpu.wait_indirect_dma semaphore(%run_scoped3A_255 : memref<!tpu.dma_semaphore, #tpu.memory_space<semaphore_mem>>) src(%arg15 : memref<128x64xf32, #tpu.memory_space<vmem>>) dst(%dma_wait3A_267 : memref<10240x64xf32, #tpu.memory_space<vmem_shared>>)
        tpu.yield
      }) : () -> ()
      %scan3A_254 = arith.constant 0 : i32
      scf.yield %scan3A_254 : i32
    }
    %scan3A_43 = arith.constant 79 : i32
    "tpu.region"() ({
      %run_scoped3A_235 = tpu.sem_alloc : memref<!tpu.dma_semaphore, #tpu.memory_space<semaphore_mem>>
      %dma_start3A = arith.constant 0 : i32
      %dma_start3A_236 = tpu.memref_slice %arg10[%add3A, %dma_start3A] : memref<32x10240xf32, #tpu.memory_space<hbm>> -> memref<1x10240xf32, #tpu.memory_space<hbm>>
      %dma_start3A_237 = tpu.memref_squeeze %dma_start3A_236 : memref<1x10240xf32, #tpu.memory_space<hbm>> -> memref<10240xf32, #tpu.memory_space<hbm>>
      %dma_start3A_238 = arith.constant 0 : i32
      %dma_start3A_239 = tpu.memref_slice %arg10[%add3A, %dma_start3A_238] : memref<32x10240xf32, #tpu.memory_space<hbm>> -> memref<1x10240xf32, #tpu.memory_space<hbm>>
      %dma_start3A_240 = tpu.memref_squeeze %dma_start3A_239 : memref<1x10240xf32, #tpu.memory_space<hbm>> -> memref<10240xf32, #tpu.memory_space<hbm>>
      tpu.enqueue_dma source(%arg17 : memref<10240xf32, #tpu.memory_space<vmem>>) target(%dma_start3A_240 : memref<10240xf32, #tpu.memory_space<hbm>>) target_semaphore(%run_scoped3A_235 : memref<!tpu.dma_semaphore, #tpu.memory_space<semaphore_mem>>)
      %dma_wait3A = arith.constant 0 : i32
      %dma_wait3A_241 = tpu.memref_slice %arg10[%add3A, %dma_wait3A] : memref<32x10240xf32, #tpu.memory_space<hbm>> -> memref<1x10240xf32, #tpu.memory_space<hbm>>
      %dma_wait3A_242 = tpu.memref_squeeze %dma_wait3A_241 : memref<1x10240xf32, #tpu.memory_space<hbm>> -> memref<10240xf32, #tpu.memory_space<hbm>>
      %dma_wait3A_243 = arith.constant 0 : i32
      %dma_wait3A_244 = tpu.memref_slice %arg10[%add3A, %dma_wait3A_243] : memref<32x10240xf32, #tpu.memory_space<hbm>> -> memref<1x10240xf32, #tpu.memory_space<hbm>>
      %dma_wait3A_245 = tpu.memref_squeeze %dma_wait3A_244 : memref<1x10240xf32, #tpu.memory_space<hbm>> -> memref<10240xf32, #tpu.memory_space<hbm>>
      tpu.wait_dma2 semaphore(%run_scoped3A_235 : memref<!tpu.dma_semaphore, #tpu.memory_space<semaphore_mem>>) src(%arg17 : memref<10240xf32, #tpu.memory_space<vmem>>) dst(%dma_wait3A_245 : memref<10240xf32, #tpu.memory_space<hbm>>)
      tpu.yield
    }) : () -> ()
    %barrier3A_44 = arith.constant 0 : index
    tpu.barrier barrier_id(%barrier3A_44)
    %mul3A_45 = arith.constant 640 : i32
    %mul3A_46 = arith.muli %arg1, %mul3A_45 : i32
    %add3A_47 = arith.constant 0 : i32
    %add3A_48 = arith.addi %mul3A_46, %add3A_47 : i32
    "tpu.region"() ({
      %run_scoped3A_235 = tpu.sem_alloc : memref<!tpu.dma_semaphore, #tpu.memory_space<semaphore_mem>>
      %dma_start3A = arith.constant 0 : i32
      %dma_start3A_236 = tpu.memref_slice %arg18[%add3A_48, %dma_start3A] : memref<10240x64xf32, #tpu.memory_space<vmem_shared>> -> memref<128x64xf32, #tpu.memory_space<vmem_shared>>
      %dma_start3A_237 = arith.constant 0 : i32
      %dma_start3A_238 = tpu.memref_slice %arg18[%add3A_48, %dma_start3A_237] : memref<10240x64xf32, #tpu.memory_space<vmem_shared>> -> memref<128x64xf32, #tpu.memory_space<vmem_shared>>
      tpu.enqueue_dma source(%dma_start3A_238 : memref<128x64xf32, #tpu.memory_space<vmem_shared>>) target(%arg15 : memref<128x64xf32, #tpu.memory_space<vmem>>) target_semaphore(%run_scoped3A_235 : memref<!tpu.dma_semaphore, #tpu.memory_space<semaphore_mem>>)
      %dma_wait3A = arith.constant 0 : i32
      %dma_wait3A_239 = tpu.memref_slice %arg18[%add3A_48, %dma_wait3A] : memref<10240x64xf32, #tpu.memory_space<vmem_shared>> -> memref<128x64xf32, #tpu.memory_space<vmem_shared>>
      %dma_wait3A_240 = arith.constant 0 : i32
      %dma_wait3A_241 = tpu.memref_slice %arg18[%add3A_48, %dma_wait3A_240] : memref<10240x64xf32, #tpu.memory_space<vmem_shared>> -> memref<128x64xf32, #tpu.memory_space<vmem_shared>>
      tpu.wait_dma2 semaphore(%run_scoped3A_235 : memref<!tpu.dma_semaphore, #tpu.memory_space<semaphore_mem>>) src(%dma_wait3A_241 : memref<128x64xf32, #tpu.memory_space<vmem_shared>>) dst(%arg15 : memref<128x64xf32, #tpu.memory_space<vmem>>)
      tpu.yield
    }) : () -> ()
    %run_scoped3A = arith.constant 0 : i32
    "tpu.region"() ({
      %run_scoped3A_235 = tpu.sem_alloc : memref<!tpu.dma_semaphore, #tpu.memory_space<semaphore_mem>>
      %dma_start3A = arith.constant 0 : i32
      %dma_start3A_236 = tpu.memref_slice %arg9[%arg0, %run_scoped3A, %add3A_48, %dma_start3A] : memref<2x4x10240x64xf32, #tpu.memory_space<hbm>> -> memref<1x1x128x64xf32, #tpu.memory_space<hbm>>
      %dma_start3A_237 = tpu.memref_squeeze %dma_start3A_236 : memref<1x1x128x64xf32, #tpu.memory_space<hbm>> -> memref<128x64xf32, #tpu.memory_space<hbm>>
      %dma_start3A_238 = arith.constant 0 : i32
      %dma_start3A_239 = tpu.memref_slice %arg9[%arg0, %run_scoped3A, %add3A_48, %dma_start3A_238] : memref<2x4x10240x64xf32, #tpu.memory_space<hbm>> -> memref<1x1x128x64xf32, #tpu.memory_space<hbm>>
      %dma_start3A_240 = tpu.memref_squeeze %dma_start3A_239 : memref<1x1x128x64xf32, #tpu.memory_space<hbm>> -> memref<128x64xf32, #tpu.memory_space<hbm>>
      tpu.enqueue_dma source(%arg15 : memref<128x64xf32, #tpu.memory_space<vmem>>) target(%dma_start3A_240 : memref<128x64xf32, #tpu.memory_space<hbm>>) target_semaphore(%run_scoped3A_235 : memref<!tpu.dma_semaphore, #tpu.memory_space<semaphore_mem>>)
      %dma_wait3A = arith.constant 0 : i32
      %dma_wait3A_241 = tpu.memref_slice %arg9[%arg0, %run_scoped3A, %add3A_48, %dma_wait3A] : memref<2x4x10240x64xf32, #tpu.memory_space<hbm>> -> memref<1x1x128x64xf32, #tpu.memory_space<hbm>>
      %dma_wait3A_242 = tpu.memref_squeeze %dma_wait3A_241 : memref<1x1x128x64xf32, #tpu.memory_space<hbm>> -> memref<128x64xf32, #tpu.memory_space<hbm>>
      %dma_wait3A_243 = arith.constant 0 : i32
      %dma_wait3A_244 = tpu.memref_slice %arg9[%arg0, %run_scoped3A, %add3A_48, %dma_wait3A_243] : memref<2x4x10240x64xf32, #tpu.memory_space<hbm>> -> memref<1x1x128x64xf32, #tpu.memory_space<hbm>>
      %dma_wait3A_245 = tpu.memref_squeeze %dma_wait3A_244 : memref<1x1x128x64xf32, #tpu.memory_space<hbm>> -> memref<128x64xf32, #tpu.memory_space<hbm>>
      tpu.wait_dma2 semaphore(%run_scoped3A_235 : memref<!tpu.dma_semaphore, #tpu.memory_space<semaphore_mem>>) src(%arg15 : memref<128x64xf32, #tpu.memory_space<vmem>>) dst(%dma_wait3A_245 : memref<128x64xf32, #tpu.memory_space<hbm>>)
      tpu.yield
    }) : () -> ()
    %mul3A_49 = arith.constant 640 : i32
    %mul3A_50 = arith.muli %arg1, %mul3A_49 : i32
    %add3A_51 = arith.constant 128 : i32
    %add3A_52 = arith.addi %mul3A_50, %add3A_51 : i32
    "tpu.region"() ({
      %run_scoped3A_235 = tpu.sem_alloc : memref<!tpu.dma_semaphore, #tpu.memory_space<semaphore_mem>>
      %dma_start3A = arith.constant 0 : i32
      %dma_start3A_236 = tpu.memref_slice %arg18[%add3A_52, %dma_start3A] : memref<10240x64xf32, #tpu.memory_space<vmem_shared>> -> memref<128x64xf32, #tpu.memory_space<vmem_shared>>
      %dma_start3A_237 = arith.constant 0 : i32
      %dma_start3A_238 = tpu.memref_slice %arg18[%add3A_52, %dma_start3A_237] : memref<10240x64xf32, #tpu.memory_space<vmem_shared>> -> memref<128x64xf32, #tpu.memory_space<vmem_shared>>
      tpu.enqueue_dma source(%dma_start3A_238 : memref<128x64xf32, #tpu.memory_space<vmem_shared>>) target(%arg15 : memref<128x64xf32, #tpu.memory_space<vmem>>) target_semaphore(%run_scoped3A_235 : memref<!tpu.dma_semaphore, #tpu.memory_space<semaphore_mem>>)
      %dma_wait3A = arith.constant 0 : i32
      %dma_wait3A_239 = tpu.memref_slice %arg18[%add3A_52, %dma_wait3A] : memref<10240x64xf32, #tpu.memory_space<vmem_shared>> -> memref<128x64xf32, #tpu.memory_space<vmem_shared>>
      %dma_wait3A_240 = arith.constant 0 : i32
      %dma_wait3A_241 = tpu.memref_slice %arg18[%add3A_52, %dma_wait3A_240] : memref<10240x64xf32, #tpu.memory_space<vmem_shared>> -> memref<128x64xf32, #tpu.memory_space<vmem_shared>>
      tpu.wait_dma2 semaphore(%run_scoped3A_235 : memref<!tpu.dma_semaphore, #tpu.memory_space<semaphore_mem>>) src(%dma_wait3A_241 : memref<128x64xf32, #tpu.memory_space<vmem_shared>>) dst(%arg15 : memref<128x64xf32, #tpu.memory_space<vmem>>)
      tpu.yield
    }) : () -> ()
    %run_scoped3A_53 = arith.constant 0 : i32
    "tpu.region"() ({
      %run_scoped3A_235 = tpu.sem_alloc : memref<!tpu.dma_semaphore, #tpu.memory_space<semaphore_mem>>
      %dma_start3A = arith.constant 0 : i32
      %dma_start3A_236 = tpu.memref_slice %arg9[%arg0, %run_scoped3A_53, %add3A_52, %dma_start3A] : memref<2x4x10240x64xf32, #tpu.memory_space<hbm>> -> memref<1x1x128x64xf32, #tpu.memory_space<hbm>>
      %dma_start3A_237 = tpu.memref_squeeze %dma_start3A_236 : memref<1x1x128x64xf32, #tpu.memory_space<hbm>> -> memref<128x64xf32, #tpu.memory_space<hbm>>
      %dma_start3A_238 = arith.constant 0 : i32
      %dma_start3A_239 = tpu.memref_slice %arg9[%arg0, %run_scoped3A_53, %add3A_52, %dma_start3A_238] : memref<2x4x10240x64xf32, #tpu.memory_space<hbm>> -> memref<1x1x128x64xf32, #tpu.memory_space<hbm>>
      %dma_start3A_240 = tpu.memref_squeeze %dma_start3A_239 : memref<1x1x128x64xf32, #tpu.memory_space<hbm>> -> memref<128x64xf32, #tpu.memory_space<hbm>>
      tpu.enqueue_dma source(%arg15 : memref<128x64xf32, #tpu.memory_space<vmem>>) target(%dma_start3A_240 : memref<128x64xf32, #tpu.memory_space<hbm>>) target_semaphore(%run_scoped3A_235 : memref<!tpu.dma_semaphore, #tpu.memory_space<semaphore_mem>>)
      %dma_wait3A = arith.constant 0 : i32
      %dma_wait3A_241 = tpu.memref_slice %arg9[%arg0, %run_scoped3A_53, %add3A_52, %dma_wait3A] : memref<2x4x10240x64xf32, #tpu.memory_space<hbm>> -> memref<1x1x128x64xf32, #tpu.memory_space<hbm>>
      %dma_wait3A_242 = tpu.memref_squeeze %dma_wait3A_241 : memref<1x1x128x64xf32, #tpu.memory_space<hbm>> -> memref<128x64xf32, #tpu.memory_space<hbm>>
      %dma_wait3A_243 = arith.constant 0 : i32
      %dma_wait3A_244 = tpu.memref_slice %arg9[%arg0, %run_scoped3A_53, %add3A_52, %dma_wait3A_243] : memref<2x4x10240x64xf32, #tpu.memory_space<hbm>> -> memref<1x1x128x64xf32, #tpu.memory_space<hbm>>
      %dma_wait3A_245 = tpu.memref_squeeze %dma_wait3A_244 : memref<1x1x128x64xf32, #tpu.memory_space<hbm>> -> memref<128x64xf32, #tpu.memory_space<hbm>>
      tpu.wait_dma2 semaphore(%run_scoped3A_235 : memref<!tpu.dma_semaphore, #tpu.memory_space<semaphore_mem>>) src(%arg15 : memref<128x64xf32, #tpu.memory_space<vmem>>) dst(%dma_wait3A_245 : memref<128x64xf32, #tpu.memory_space<hbm>>)
      tpu.yield
    }) : () -> ()
    %mul3A_54 = arith.constant 640 : i32
    %mul3A_55 = arith.muli %arg1, %mul3A_54 : i32
    %add3A_56 = arith.constant 256 : i32
    %add3A_57 = arith.addi %mul3A_55, %add3A_56 : i32
    "tpu.region"() ({
      %run_scoped3A_235 = tpu.sem_alloc : memref<!tpu.dma_semaphore, #tpu.memory_space<semaphore_mem>>
      %dma_start3A = arith.constant 0 : i32
      %dma_start3A_236 = tpu.memref_slice %arg18[%add3A_57, %dma_start3A] : memref<10240x64xf32, #tpu.memory_space<vmem_shared>> -> memref<128x64xf32, #tpu.memory_space<vmem_shared>>
      %dma_start3A_237 = arith.constant 0 : i32
      %dma_start3A_238 = tpu.memref_slice %arg18[%add3A_57, %dma_start3A_237] : memref<10240x64xf32, #tpu.memory_space<vmem_shared>> -> memref<128x64xf32, #tpu.memory_space<vmem_shared>>
      tpu.enqueue_dma source(%dma_start3A_238 : memref<128x64xf32, #tpu.memory_space<vmem_shared>>) target(%arg15 : memref<128x64xf32, #tpu.memory_space<vmem>>) target_semaphore(%run_scoped3A_235 : memref<!tpu.dma_semaphore, #tpu.memory_space<semaphore_mem>>)
      %dma_wait3A = arith.constant 0 : i32
      %dma_wait3A_239 = tpu.memref_slice %arg18[%add3A_57, %dma_wait3A] : memref<10240x64xf32, #tpu.memory_space<vmem_shared>> -> memref<128x64xf32, #tpu.memory_space<vmem_shared>>
      %dma_wait3A_240 = arith.constant 0 : i32
      %dma_wait3A_241 = tpu.memref_slice %arg18[%add3A_57, %dma_wait3A_240] : memref<10240x64xf32, #tpu.memory_space<vmem_shared>> -> memref<128x64xf32, #tpu.memory_space<vmem_shared>>
      tpu.wait_dma2 semaphore(%run_scoped3A_235 : memref<!tpu.dma_semaphore, #tpu.memory_space<semaphore_mem>>) src(%dma_wait3A_241 : memref<128x64xf32, #tpu.memory_space<vmem_shared>>) dst(%arg15 : memref<128x64xf32, #tpu.memory_space<vmem>>)
      tpu.yield
    }) : () -> ()
    %run_scoped3A_58 = arith.constant 0 : i32
    "tpu.region"() ({
      %run_scoped3A_235 = tpu.sem_alloc : memref<!tpu.dma_semaphore, #tpu.memory_space<semaphore_mem>>
      %dma_start3A = arith.constant 0 : i32
      %dma_start3A_236 = tpu.memref_slice %arg9[%arg0, %run_scoped3A_58, %add3A_57, %dma_start3A] : memref<2x4x10240x64xf32, #tpu.memory_space<hbm>> -> memref<1x1x128x64xf32, #tpu.memory_space<hbm>>
      %dma_start3A_237 = tpu.memref_squeeze %dma_start3A_236 : memref<1x1x128x64xf32, #tpu.memory_space<hbm>> -> memref<128x64xf32, #tpu.memory_space<hbm>>
      %dma_start3A_238 = arith.constant 0 : i32
      %dma_start3A_239 = tpu.memref_slice %arg9[%arg0, %run_scoped3A_58, %add3A_57, %dma_start3A_238] : memref<2x4x10240x64xf32, #tpu.memory_space<hbm>> -> memref<1x1x128x64xf32, #tpu.memory_space<hbm>>
      %dma_start3A_240 = tpu.memref_squeeze %dma_start3A_239 : memref<1x1x128x64xf32, #tpu.memory_space<hbm>> -> memref<128x64xf32, #tpu.memory_space<hbm>>
      tpu.enqueue_dma source(%arg15 : memref<128x64xf32, #tpu.memory_space<vmem>>) target(%dma_start3A_240 : memref<128x64xf32, #tpu.memory_space<hbm>>) target_semaphore(%run_scoped3A_235 : memref<!tpu.dma_semaphore, #tpu.memory_space<semaphore_mem>>)
      %dma_wait3A = arith.constant 0 : i32
      %dma_wait3A_241 = tpu.memref_slice %arg9[%arg0, %run_scoped3A_58, %add3A_57, %dma_wait3A] : memref<2x4x10240x64xf32, #tpu.memory_space<hbm>> -> memref<1x1x128x64xf32, #tpu.memory_space<hbm>>
      %dma_wait3A_242 = tpu.memref_squeeze %dma_wait3A_241 : memref<1x1x128x64xf32, #tpu.memory_space<hbm>> -> memref<128x64xf32, #tpu.memory_space<hbm>>
      %dma_wait3A_243 = arith.constant 0 : i32
      %dma_wait3A_244 = tpu.memref_slice %arg9[%arg0, %run_scoped3A_58, %add3A_57, %dma_wait3A_243] : memref<2x4x10240x64xf32, #tpu.memory_space<hbm>> -> memref<1x1x128x64xf32, #tpu.memory_space<hbm>>
      %dma_wait3A_245 = tpu.memref_squeeze %dma_wait3A_244 : memref<1x1x128x64xf32, #tpu.memory_space<hbm>> -> memref<128x64xf32, #tpu.memory_space<hbm>>
      tpu.wait_dma2 semaphore(%run_scoped3A_235 : memref<!tpu.dma_semaphore, #tpu.memory_space<semaphore_mem>>) src(%arg15 : memref<128x64xf32, #tpu.memory_space<vmem>>) dst(%dma_wait3A_245 : memref<128x64xf32, #tpu.memory_space<hbm>>)
      tpu.yield
    }) : () -> ()
    %mul3A_59 = arith.constant 640 : i32
    %mul3A_60 = arith.muli %arg1, %mul3A_59 : i32
    %add3A_61 = arith.constant 384 : i32
    %add3A_62 = arith.addi %mul3A_60, %add3A_61 : i32
    "tpu.region"() ({
      %run_scoped3A_235 = tpu.sem_alloc : memref<!tpu.dma_semaphore, #tpu.memory_space<semaphore_mem>>
      %dma_start3A = arith.constant 0 : i32
      %dma_start3A_236 = tpu.memref_slice %arg18[%add3A_62, %dma_start3A] : memref<10240x64xf32, #tpu.memory_space<vmem_shared>> -> memref<128x64xf32, #tpu.memory_space<vmem_shared>>
      %dma_start3A_237 = arith.constant 0 : i32
      %dma_start3A_238 = tpu.memref_slice %arg18[%add3A_62, %dma_start3A_237] : memref<10240x64xf32, #tpu.memory_space<vmem_shared>> -> memref<128x64xf32, #tpu.memory_space<vmem_shared>>
      tpu.enqueue_dma source(%dma_start3A_238 : memref<128x64xf32, #tpu.memory_space<vmem_shared>>) target(%arg15 : memref<128x64xf32, #tpu.memory_space<vmem>>) target_semaphore(%run_scoped3A_235 : memref<!tpu.dma_semaphore, #tpu.memory_space<semaphore_mem>>)
      %dma_wait3A = arith.constant 0 : i32
      %dma_wait3A_239 = tpu.memref_slice %arg18[%add3A_62, %dma_wait3A] : memref<10240x64xf32, #tpu.memory_space<vmem_shared>> -> memref<128x64xf32, #tpu.memory_space<vmem_shared>>
      %dma_wait3A_240 = arith.constant 0 : i32
      %dma_wait3A_241 = tpu.memref_slice %arg18[%add3A_62, %dma_wait3A_240] : memref<10240x64xf32, #tpu.memory_space<vmem_shared>> -> memref<128x64xf32, #tpu.memory_space<vmem_shared>>
      tpu.wait_dma2 semaphore(%run_scoped3A_235 : memref<!tpu.dma_semaphore, #tpu.memory_space<semaphore_mem>>) src(%dma_wait3A_241 : memref<128x64xf32, #tpu.memory_space<vmem_shared>>) dst(%arg15 : memref<128x64xf32, #tpu.memory_space<vmem>>)
      tpu.yield
    }) : () -> ()
    %run_scoped3A_63 = arith.constant 0 : i32
    "tpu.region"() ({
      %run_scoped3A_235 = tpu.sem_alloc : memref<!tpu.dma_semaphore, #tpu.memory_space<semaphore_mem>>
      %dma_start3A = arith.constant 0 : i32
      %dma_start3A_236 = tpu.memref_slice %arg9[%arg0, %run_scoped3A_63, %add3A_62, %dma_start3A] : memref<2x4x10240x64xf32, #tpu.memory_space<hbm>> -> memref<1x1x128x64xf32, #tpu.memory_space<hbm>>
      %dma_start3A_237 = tpu.memref_squeeze %dma_start3A_236 : memref<1x1x128x64xf32, #tpu.memory_space<hbm>> -> memref<128x64xf32, #tpu.memory_space<hbm>>
      %dma_start3A_238 = arith.constant 0 : i32
      %dma_start3A_239 = tpu.memref_slice %arg9[%arg0, %run_scoped3A_63, %add3A_62, %dma_start3A_238] : memref<2x4x10240x64xf32, #tpu.memory_space<hbm>> -> memref<1x1x128x64xf32, #tpu.memory_space<hbm>>
      %dma_start3A_240 = tpu.memref_squeeze %dma_start3A_239 : memref<1x1x128x64xf32, #tpu.memory_space<hbm>> -> memref<128x64xf32, #tpu.memory_space<hbm>>
      tpu.enqueue_dma source(%arg15 : memref<128x64xf32, #tpu.memory_space<vmem>>) target(%dma_start3A_240 : memref<128x64xf32, #tpu.memory_space<hbm>>) target_semaphore(%run_scoped3A_235 : memref<!tpu.dma_semaphore, #tpu.memory_space<semaphore_mem>>)
      %dma_wait3A = arith.constant 0 : i32
      %dma_wait3A_241 = tpu.memref_slice %arg9[%arg0, %run_scoped3A_63, %add3A_62, %dma_wait3A] : memref<2x4x10240x64xf32, #tpu.memory_space<hbm>> -> memref<1x1x128x64xf32, #tpu.memory_space<hbm>>
      %dma_wait3A_242 = tpu.memref_squeeze %dma_wait3A_241 : memref<1x1x128x64xf32, #tpu.memory_space<hbm>> -> memref<128x64xf32, #tpu.memory_space<hbm>>
      %dma_wait3A_243 = arith.constant 0 : i32
      %dma_wait3A_244 = tpu.memref_slice %arg9[%arg0, %run_scoped3A_63, %add3A_62, %dma_wait3A_243] : memref<2x4x10240x64xf32, #tpu.memory_space<hbm>> -> memref<1x1x128x64xf32, #tpu.memory_space<hbm>>
      %dma_wait3A_245 = tpu.memref_squeeze %dma_wait3A_244 : memref<1x1x128x64xf32, #tpu.memory_space<hbm>> -> memref<128x64xf32, #tpu.memory_space<hbm>>
      tpu.wait_dma2 semaphore(%run_scoped3A_235 : memref<!tpu.dma_semaphore, #tpu.memory_space<semaphore_mem>>) src(%arg15 : memref<128x64xf32, #tpu.memory_space<vmem>>) dst(%dma_wait3A_245 : memref<128x64xf32, #tpu.memory_space<hbm>>)
      tpu.yield
    }) : () -> ()
    %mul3A_64 = arith.constant 640 : i32
    %mul3A_65 = arith.muli %arg1, %mul3A_64 : i32
    %add3A_66 = arith.constant 512 : i32
    %add3A_67 = arith.addi %mul3A_65, %add3A_66 : i32
    "tpu.region"() ({
      %run_scoped3A_235 = tpu.sem_alloc : memref<!tpu.dma_semaphore, #tpu.memory_space<semaphore_mem>>
      %dma_start3A = arith.constant 0 : i32
      %dma_start3A_236 = tpu.memref_slice %arg18[%add3A_67, %dma_start3A] : memref<10240x64xf32, #tpu.memory_space<vmem_shared>> -> memref<128x64xf32, #tpu.memory_space<vmem_shared>>
      %dma_start3A_237 = arith.constant 0 : i32
      %dma_start3A_238 = tpu.memref_slice %arg18[%add3A_67, %dma_start3A_237] : memref<10240x64xf32, #tpu.memory_space<vmem_shared>> -> memref<128x64xf32, #tpu.memory_space<vmem_shared>>
      tpu.enqueue_dma source(%dma_start3A_238 : memref<128x64xf32, #tpu.memory_space<vmem_shared>>) target(%arg15 : memref<128x64xf32, #tpu.memory_space<vmem>>) target_semaphore(%run_scoped3A_235 : memref<!tpu.dma_semaphore, #tpu.memory_space<semaphore_mem>>)
      %dma_wait3A = arith.constant 0 : i32
      %dma_wait3A_239 = tpu.memref_slice %arg18[%add3A_67, %dma_wait3A] : memref<10240x64xf32, #tpu.memory_space<vmem_shared>> -> memref<128x64xf32, #tpu.memory_space<vmem_shared>>
      %dma_wait3A_240 = arith.constant 0 : i32
      %dma_wait3A_241 = tpu.memref_slice %arg18[%add3A_67, %dma_wait3A_240] : memref<10240x64xf32, #tpu.memory_space<vmem_shared>> -> memref<128x64xf32, #tpu.memory_space<vmem_shared>>
      tpu.wait_dma2 semaphore(%run_scoped3A_235 : memref<!tpu.dma_semaphore, #tpu.memory_space<semaphore_mem>>) src(%dma_wait3A_241 : memref<128x64xf32, #tpu.memory_space<vmem_shared>>) dst(%arg15 : memref<128x64xf32, #tpu.memory_space<vmem>>)
      tpu.yield
    }) : () -> ()
    %run_scoped3A_68 = arith.constant 0 : i32
    "tpu.region"() ({
      %run_scoped3A_235 = tpu.sem_alloc : memref<!tpu.dma_semaphore, #tpu.memory_space<semaphore_mem>>
      %dma_start3A = arith.constant 0 : i32
      %dma_start3A_236 = tpu.memref_slice %arg9[%arg0, %run_scoped3A_68, %add3A_67, %dma_start3A] : memref<2x4x10240x64xf32, #tpu.memory_space<hbm>> -> memref<1x1x128x64xf32, #tpu.memory_space<hbm>>
      %dma_start3A_237 = tpu.memref_squeeze %dma_start3A_236 : memref<1x1x128x64xf32, #tpu.memory_space<hbm>> -> memref<128x64xf32, #tpu.memory_space<hbm>>
      %dma_start3A_238 = arith.constant 0 : i32
      %dma_start3A_239 = tpu.memref_slice %arg9[%arg0, %run_scoped3A_68, %add3A_67, %dma_start3A_238] : memref<2x4x10240x64xf32, #tpu.memory_space<hbm>> -> memref<1x1x128x64xf32, #tpu.memory_space<hbm>>
      %dma_start3A_240 = tpu.memref_squeeze %dma_start3A_239 : memref<1x1x128x64xf32, #tpu.memory_space<hbm>> -> memref<128x64xf32, #tpu.memory_space<hbm>>
      tpu.enqueue_dma source(%arg15 : memref<128x64xf32, #tpu.memory_space<vmem>>) target(%dma_start3A_240 : memref<128x64xf32, #tpu.memory_space<hbm>>) target_semaphore(%run_scoped3A_235 : memref<!tpu.dma_semaphore, #tpu.memory_space<semaphore_mem>>)
      %dma_wait3A = arith.constant 0 : i32
      %dma_wait3A_241 = tpu.memref_slice %arg9[%arg0, %run_scoped3A_68, %add3A_67, %dma_wait3A] : memref<2x4x10240x64xf32, #tpu.memory_space<hbm>> -> memref<1x1x128x64xf32, #tpu.memory_space<hbm>>
      %dma_wait3A_242 = tpu.memref_squeeze %dma_wait3A_241 : memref<1x1x128x64xf32, #tpu.memory_space<hbm>> -> memref<128x64xf32, #tpu.memory_space<hbm>>
      %dma_wait3A_243 = arith.constant 0 : i32
      %dma_wait3A_244 = tpu.memref_slice %arg9[%arg0, %run_scoped3A_68, %add3A_67, %dma_wait3A_243] : memref<2x4x10240x64xf32, #tpu.memory_space<hbm>> -> memref<1x1x128x64xf32, #tpu.memory_space<hbm>>
      %dma_wait3A_245 = tpu.memref_squeeze %dma_wait3A_244 : memref<1x1x128x64xf32, #tpu.memory_space<hbm>> -> memref<128x64xf32, #tpu.memory_space<hbm>>
      tpu.wait_dma2 semaphore(%run_scoped3A_235 : memref<!tpu.dma_semaphore, #tpu.memory_space<semaphore_mem>>) src(%arg15 : memref<128x64xf32, #tpu.memory_space<vmem>>) dst(%dma_wait3A_245 : memref<128x64xf32, #tpu.memory_space<hbm>>)
      tpu.yield
    }) : () -> ()
    %barrier3A_69 = arith.constant 0 : index
    tpu.barrier barrier_id(%barrier3A_69)
    %mul3A_70 = arith.constant 640 : i32
    %mul3A_71 = arith.muli %arg1, %mul3A_70 : i32
    %add3A_72 = arith.constant 0 : i32
    %add3A_73 = arith.addi %mul3A_71, %add3A_72 : i32
    "tpu.region"() ({
      %run_scoped3A_235 = tpu.sem_alloc : memref<!tpu.dma_semaphore, #tpu.memory_space<semaphore_mem>>
      %dma_start3A = arith.constant 0 : i32
      %dma_start3A_236 = tpu.memref_slice %arg18[%add3A_73, %dma_start3A] : memref<10240x64xf32, #tpu.memory_space<vmem_shared>> -> memref<128x64xf32, #tpu.memory_space<vmem_shared>>
      %dma_start3A_237 = arith.constant 0 : i32
      %dma_start3A_238 = tpu.memref_slice %arg18[%add3A_73, %dma_start3A_237] : memref<10240x64xf32, #tpu.memory_space<vmem_shared>> -> memref<128x64xf32, #tpu.memory_space<vmem_shared>>
      tpu.enqueue_dma source(%arg16 : memref<128x64xf32, #tpu.memory_space<vmem>>) target(%dma_start3A_238 : memref<128x64xf32, #tpu.memory_space<vmem_shared>>) target_semaphore(%run_scoped3A_235 : memref<!tpu.dma_semaphore, #tpu.memory_space<semaphore_mem>>)
      %dma_wait3A = arith.constant 0 : i32
      %dma_wait3A_239 = tpu.memref_slice %arg18[%add3A_73, %dma_wait3A] : memref<10240x64xf32, #tpu.memory_space<vmem_shared>> -> memref<128x64xf32, #tpu.memory_space<vmem_shared>>
      %dma_wait3A_240 = arith.constant 0 : i32
      %dma_wait3A_241 = tpu.memref_slice %arg18[%add3A_73, %dma_wait3A_240] : memref<10240x64xf32, #tpu.memory_space<vmem_shared>> -> memref<128x64xf32, #tpu.memory_space<vmem_shared>>
      tpu.wait_dma2 semaphore(%run_scoped3A_235 : memref<!tpu.dma_semaphore, #tpu.memory_space<semaphore_mem>>) src(%arg16 : memref<128x64xf32, #tpu.memory_space<vmem>>) dst(%dma_wait3A_241 : memref<128x64xf32, #tpu.memory_space<vmem_shared>>)
      tpu.yield
    }) : () -> ()
    %mul3A_74 = arith.constant 640 : i32
    %mul3A_75 = arith.muli %arg1, %mul3A_74 : i32
    %add3A_76 = arith.constant 128 : i32
    %add3A_77 = arith.addi %mul3A_75, %add3A_76 : i32
    "tpu.region"() ({
      %run_scoped3A_235 = tpu.sem_alloc : memref<!tpu.dma_semaphore, #tpu.memory_space<semaphore_mem>>
      %dma_start3A = arith.constant 0 : i32
      %dma_start3A_236 = tpu.memref_slice %arg18[%add3A_77, %dma_start3A] : memref<10240x64xf32, #tpu.memory_space<vmem_shared>> -> memref<128x64xf32, #tpu.memory_space<vmem_shared>>
      %dma_start3A_237 = arith.constant 0 : i32
      %dma_start3A_238 = tpu.memref_slice %arg18[%add3A_77, %dma_start3A_237] : memref<10240x64xf32, #tpu.memory_space<vmem_shared>> -> memref<128x64xf32, #tpu.memory_space<vmem_shared>>
      tpu.enqueue_dma source(%arg16 : memref<128x64xf32, #tpu.memory_space<vmem>>) target(%dma_start3A_238 : memref<128x64xf32, #tpu.memory_space<vmem_shared>>) target_semaphore(%run_scoped3A_235 : memref<!tpu.dma_semaphore, #tpu.memory_space<semaphore_mem>>)
      %dma_wait3A = arith.constant 0 : i32
      %dma_wait3A_239 = tpu.memref_slice %arg18[%add3A_77, %dma_wait3A] : memref<10240x64xf32, #tpu.memory_space<vmem_shared>> -> memref<128x64xf32, #tpu.memory_space<vmem_shared>>
      %dma_wait3A_240 = arith.constant 0 : i32
      %dma_wait3A_241 = tpu.memref_slice %arg18[%add3A_77, %dma_wait3A_240] : memref<10240x64xf32, #tpu.memory_space<vmem_shared>> -> memref<128x64xf32, #tpu.memory_space<vmem_shared>>
      tpu.wait_dma2 semaphore(%run_scoped3A_235 : memref<!tpu.dma_semaphore, #tpu.memory_space<semaphore_mem>>) src(%arg16 : memref<128x64xf32, #tpu.memory_space<vmem>>) dst(%dma_wait3A_241 : memref<128x64xf32, #tpu.memory_space<vmem_shared>>)
      tpu.yield
    }) : () -> ()
    %mul3A_78 = arith.constant 640 : i32
    %mul3A_79 = arith.muli %arg1, %mul3A_78 : i32
    %add3A_80 = arith.constant 256 : i32
    %add3A_81 = arith.addi %mul3A_79, %add3A_80 : i32
    "tpu.region"() ({
      %run_scoped3A_235 = tpu.sem_alloc : memref<!tpu.dma_semaphore, #tpu.memory_space<semaphore_mem>>
      %dma_start3A = arith.constant 0 : i32
      %dma_start3A_236 = tpu.memref_slice %arg18[%add3A_81, %dma_start3A] : memref<10240x64xf32, #tpu.memory_space<vmem_shared>> -> memref<128x64xf32, #tpu.memory_space<vmem_shared>>
      %dma_start3A_237 = arith.constant 0 : i32
      %dma_start3A_238 = tpu.memref_slice %arg18[%add3A_81, %dma_start3A_237] : memref<10240x64xf32, #tpu.memory_space<vmem_shared>> -> memref<128x64xf32, #tpu.memory_space<vmem_shared>>
      tpu.enqueue_dma source(%arg16 : memref<128x64xf32, #tpu.memory_space<vmem>>) target(%dma_start3A_238 : memref<128x64xf32, #tpu.memory_space<vmem_shared>>) target_semaphore(%run_scoped3A_235 : memref<!tpu.dma_semaphore, #tpu.memory_space<semaphore_mem>>)
      %dma_wait3A = arith.constant 0 : i32
      %dma_wait3A_239 = tpu.memref_slice %arg18[%add3A_81, %dma_wait3A] : memref<10240x64xf32, #tpu.memory_space<vmem_shared>> -> memref<128x64xf32, #tpu.memory_space<vmem_shared>>
      %dma_wait3A_240 = arith.constant 0 : i32
      %dma_wait3A_241 = tpu.memref_slice %arg18[%add3A_81, %dma_wait3A_240] : memref<10240x64xf32, #tpu.memory_space<vmem_shared>> -> memref<128x64xf32, #tpu.memory_space<vmem_shared>>
      tpu.wait_dma2 semaphore(%run_scoped3A_235 : memref<!tpu.dma_semaphore, #tpu.memory_space<semaphore_mem>>) src(%arg16 : memref<128x64xf32, #tpu.memory_space<vmem>>) dst(%dma_wait3A_241 : memref<128x64xf32, #tpu.memory_space<vmem_shared>>)
      tpu.yield
    }) : () -> ()
    %mul3A_82 = arith.constant 640 : i32
    %mul3A_83 = arith.muli %arg1, %mul3A_82 : i32
    %add3A_84 = arith.constant 384 : i32
    %add3A_85 = arith.addi %mul3A_83, %add3A_84 : i32
    "tpu.region"() ({
      %run_scoped3A_235 = tpu.sem_alloc : memref<!tpu.dma_semaphore, #tpu.memory_space<semaphore_mem>>
      %dma_start3A = arith.constant 0 : i32
      %dma_start3A_236 = tpu.memref_slice %arg18[%add3A_85, %dma_start3A] : memref<10240x64xf32, #tpu.memory_space<vmem_shared>> -> memref<128x64xf32, #tpu.memory_space<vmem_shared>>
      %dma_start3A_237 = arith.constant 0 : i32
      %dma_start3A_238 = tpu.memref_slice %arg18[%add3A_85, %dma_start3A_237] : memref<10240x64xf32, #tpu.memory_space<vmem_shared>> -> memref<128x64xf32, #tpu.memory_space<vmem_shared>>
      tpu.enqueue_dma source(%arg16 : memref<128x64xf32, #tpu.memory_space<vmem>>) target(%dma_start3A_238 : memref<128x64xf32, #tpu.memory_space<vmem_shared>>) target_semaphore(%run_scoped3A_235 : memref<!tpu.dma_semaphore, #tpu.memory_space<semaphore_mem>>)
      %dma_wait3A = arith.constant 0 : i32
      %dma_wait3A_239 = tpu.memref_slice %arg18[%add3A_85, %dma_wait3A] : memref<10240x64xf32, #tpu.memory_space<vmem_shared>> -> memref<128x64xf32, #tpu.memory_space<vmem_shared>>
      %dma_wait3A_240 = arith.constant 0 : i32
      %dma_wait3A_241 = tpu.memref_slice %arg18[%add3A_85, %dma_wait3A_240] : memref<10240x64xf32, #tpu.memory_space<vmem_shared>> -> memref<128x64xf32, #tpu.memory_space<vmem_shared>>
      tpu.wait_dma2 semaphore(%run_scoped3A_235 : memref<!tpu.dma_semaphore, #tpu.memory_space<semaphore_mem>>) src(%arg16 : memref<128x64xf32, #tpu.memory_space<vmem>>) dst(%dma_wait3A_241 : memref<128x64xf32, #tpu.memory_space<vmem_shared>>)
      tpu.yield
    }) : () -> ()
    %mul3A_86 = arith.constant 640 : i32
    %mul3A_87 = arith.muli %arg1, %mul3A_86 : i32
    %add3A_88 = arith.constant 512 : i32
    %add3A_89 = arith.addi %mul3A_87, %add3A_88 : i32
    "tpu.region"() ({
      %run_scoped3A_235 = tpu.sem_alloc : memref<!tpu.dma_semaphore, #tpu.memory_space<semaphore_mem>>
      %dma_start3A = arith.constant 0 : i32
      %dma_start3A_236 = tpu.memref_slice %arg18[%add3A_89, %dma_start3A] : memref<10240x64xf32, #tpu.memory_space<vmem_shared>> -> memref<128x64xf32, #tpu.memory_space<vmem_shared>>
      %dma_start3A_237 = arith.constant 0 : i32
      %dma_start3A_238 = tpu.memref_slice %arg18[%add3A_89, %dma_start3A_237] : memref<10240x64xf32, #tpu.memory_space<vmem_shared>> -> memref<128x64xf32, #tpu.memory_space<vmem_shared>>
      tpu.enqueue_dma source(%arg16 : memref<128x64xf32, #tpu.memory_space<vmem>>) target(%dma_start3A_238 : memref<128x64xf32, #tpu.memory_space<vmem_shared>>) target_semaphore(%run_scoped3A_235 : memref<!tpu.dma_semaphore, #tpu.memory_space<semaphore_mem>>)
      %dma_wait3A = arith.constant 0 : i32
      %dma_wait3A_239 = tpu.memref_slice %arg18[%add3A_89, %dma_wait3A] : memref<10240x64xf32, #tpu.memory_space<vmem_shared>> -> memref<128x64xf32, #tpu.memory_space<vmem_shared>>
      %dma_wait3A_240 = arith.constant 0 : i32
      %dma_wait3A_241 = tpu.memref_slice %arg18[%add3A_89, %dma_wait3A_240] : memref<10240x64xf32, #tpu.memory_space<vmem_shared>> -> memref<128x64xf32, #tpu.memory_space<vmem_shared>>
      tpu.wait_dma2 semaphore(%run_scoped3A_235 : memref<!tpu.dma_semaphore, #tpu.memory_space<semaphore_mem>>) src(%arg16 : memref<128x64xf32, #tpu.memory_space<vmem>>) dst(%dma_wait3A_241 : memref<128x64xf32, #tpu.memory_space<vmem_shared>>)
      tpu.yield
    }) : () -> ()
    %barrier3A_90 = arith.constant 0 : index
    tpu.barrier barrier_id(%barrier3A_90)
    %scan3A_91 = arith.constant 0 : i32
    %scan3A_92 = arith.constant 0 : i32
    %scan3A_93 = arith.constant 79 : i32
    %scan3A_94 = arith.addi %scan3A_92, %scan3A_93 : i32
    %scan3A_95 = arith.constant 1 : i32
    %scan3A_96 = scf.for %scan3A_235 = %scan3A_92 to %scan3A_94 step %scan3A_95 iter_args(%scan3A_236 = %scan3A_91) -> (i32)  : i32 {
      %dma_start3A = arith.constant 0 : i32
      %dma_start3A_237 = tpu.memref_slice %arg11[%scan3A_235, %dma_start3A] : memref<79x128xi32, #tpu.memory_space<vmem>> -> memref<1x128xi32, #tpu.memory_space<vmem>>
      %dma_start3A_238 = tpu.memref_squeeze %dma_start3A_237 : memref<1x128xi32, #tpu.memory_space<vmem>> -> memref<128xi32, #tpu.memory_space<vmem>>
      %dma_start3A_239 = arith.constant 0 : i32
      %dma_start3A_240 = arith.constant 0 : i32
      %dma_start3A_241 = tpu.memref_slice %arg3[%dma_start3A_239, %dma_start3A_240] : memref<10000x32xf32, #tpu.memory_space<hbm>> -> memref<10000x32xf32, #tpu.memory_space<hbm>>
      tpu.enqueue_indirect_dma source(%dma_start3A_241 : memref<10000x32xf32, #tpu.memory_space<hbm>>) target(%arg14 : memref<128x32xf32, #tpu.memory_space<vmem>>) offsets(%dma_start3A_238 : memref<128xi32, #tpu.memory_space<vmem>>) semaphore(%arg19 : memref<!tpu.dma_semaphore, #tpu.memory_space<semaphore_mem>>)
      %dma_wait3A = arith.constant 0 : i32
      %dma_wait3A_242 = tpu.memref_slice %arg11[%scan3A_235, %dma_wait3A] : memref<79x128xi32, #tpu.memory_space<vmem>> -> memref<1x128xi32, #tpu.memory_space<vmem>>
      %dma_wait3A_243 = tpu.memref_squeeze %dma_wait3A_242 : memref<1x128xi32, #tpu.memory_space<vmem>> -> memref<128xi32, #tpu.memory_space<vmem>>
      %dma_wait3A_244 = arith.constant 0 : i32
      %dma_wait3A_245 = arith.constant 0 : i32
      %dma_wait3A_246 = tpu.memref_slice %arg3[%dma_wait3A_244, %dma_wait3A_245] : memref<10000x32xf32, #tpu.memory_space<hbm>> -> memref<10000x32xf32, #tpu.memory_space<hbm>>
      tpu.wait_indirect_dma semaphore(%arg19 : memref<!tpu.dma_semaphore, #tpu.memory_space<semaphore_mem>>) src(%dma_wait3A_246 : memref<10000x32xf32, #tpu.memory_space<hbm>>) dst(%arg14 : memref<128x32xf32, #tpu.memory_space<vmem>>)
      %scan3A_247 = arith.constant 0 : i32
      %scan3A_248 = arith.constant 0 : i32
      %scan3A_249 = arith.constant 8 : i32
      %scan3A_250 = arith.addi %scan3A_248, %scan3A_249 : i32
      %scan3A_251 = arith.constant 1 : i32
      %scan3A_252 = scf.for %scan3A_255 = %scan3A_248 to %scan3A_250 step %scan3A_251 iter_args(%scan3A_256 = %scan3A_247) -> (i32)  : i32 {
        %mul3A_257 = arith.constant 16 : i32
        %mul3A_258 = arith.muli %scan3A_255, %mul3A_257 : i32
        %get3A = arith.index_cast %scan3A_235 : i32 to index
        %get3A_259 = arith.index_cast %mul3A_258 : i32 to index
        %get3A_260 = tpu.vector_load %arg13[%get3A, %get3A_259] {strides = array<i32>} : memref<79x128xf32, #tpu.memory_space<vmem>>, vector<16xf32>,
        %mul3A_261 = arith.constant 16 : i32
        %mul3A_262 = arith.muli %scan3A_255, %mul3A_261 : i32
        %add3A_263 = arith.constant 0 : i32
        %add3A_264 = arith.addi %mul3A_262, %add3A_263 : i32
        %slice3A = vector.extract_strided_slice %get3A_260 {offsets = [0], sizes = [1], strides = [1]} : vector<16xf32> to vector<1xf32>
        %squeeze3A = vector.extract %slice3A[0] : f32 from vector<1xf32>
        %get3A_265 = arith.index_cast %add3A_264 : i32 to index
        %get3A_266 = arith.constant 0 : index
        %get3A_267 = tpu.vector_load %arg14[%get3A_265, %get3A_266] {strides = array<i32>} : memref<128x32xf32, #tpu.memory_space<vmem>>, vector<16xf32>,
        %mul3A_268 = vector.broadcast %squeeze3A : f32 to vector<16xf32>
        %mul3A_269 = arith.mulf %get3A_267, %mul3A_268 : vector<16xf32>
        %swap3A = arith.index_cast %add3A_264 : i32 to index
        %swap3A_270 = arith.constant 0 : index
        %swap3A_271 = tpu.vector_load %arg15[%swap3A, %swap3A_270] {strides = array<i32>} : memref<128x64xf32, #tpu.memory_space<vmem>>, vector<16xf32>,
        tpu.vector_store %arg15[%swap3A, %swap3A_270], %mul3A_269 {strides = array<i32>} : memref<128x64xf32, #tpu.memory_space<vmem>>, vector<16xf32>,
        %swap3A_272 = arith.index_cast %add3A_264 : i32 to index
        %swap3A_273 = arith.constant 32 : index
        %swap3A_274 = tpu.vector_load %arg15[%swap3A_272, %swap3A_273] {strides = array<i32>} : memref<128x64xf32, #tpu.memory_space<vmem>>, vector<16xf32>,
        tpu.vector_store %arg15[%swap3A_272, %swap3A_273], %get3A_267 {strides = array<i32>} : memref<128x64xf32, #tpu.memory_space<vmem>>, vector<16xf32>,
        %get3A_275 = arith.index_cast %add3A_264 : i32 to index
        %get3A_276 = arith.constant 16 : index
        %get3A_277 = tpu.vector_load %arg14[%get3A_275, %get3A_276] {strides = array<i32>} : memref<128x32xf32, #tpu.memory_space<vmem>>, vector<16xf32>,
        %mul3A_278 = vector.broadcast %squeeze3A : f32 to vector<16xf32>
        %mul3A_279 = arith.mulf %get3A_277, %mul3A_278 : vector<16xf32>
        %swap3A_280 = arith.index_cast %add3A_264 : i32 to index
        %swap3A_281 = arith.constant 16 : index
        %swap3A_282 = tpu.vector_load %arg15[%swap3A_280, %swap3A_281] {strides = array<i32>} : memref<128x64xf32, #tpu.memory_space<vmem>>, vector<16xf32>,
        tpu.vector_store %arg15[%swap3A_280, %swap3A_281], %mul3A_279 {strides = array<i32>} : memref<128x64xf32, #tpu.memory_space<vmem>>, vector<16xf32>,
        %swap3A_283 = arith.index_cast %add3A_264 : i32 to index
        %swap3A_284 = arith.constant 48 : index
        %swap3A_285 = tpu.vector_load %arg15[%swap3A_283, %swap3A_284] {strides = array<i32>} : memref<128x64xf32, #tpu.memory_space<vmem>>, vector<16xf32>,
        tpu.vector_store %arg15[%swap3A_283, %swap3A_284], %get3A_277 {strides = array<i32>} : memref<128x64xf32, #tpu.memory_space<vmem>>, vector<16xf32>,
        %mul3A_286 = arith.constant 16 : i32
        %mul3A_287 = arith.muli %scan3A_255, %mul3A_286 : i32
        %add3A_288 = arith.constant 1 : i32
        %add3A_289 = arith.addi %mul3A_287, %add3A_288 : i32
        %slice3A_290 = vector.extract_strided_slice %get3A_260 {offsets = [1], sizes = [1], strides = [1]} : vector<16xf32> to vector<1xf32>
        %squeeze3A_291 = vector.extract %slice3A_290[0] : f32 from vector<1xf32>
        %get3A_292 = arith.index_cast %add3A_289 : i32 to index
        %get3A_293 = arith.constant 0 : index
        %get3A_294 = tpu.vector_load %arg14[%get3A_292, %get3A_293] {strides = array<i32>} : memref<128x32xf32, #tpu.memory_space<vmem>>, vector<16xf32>,
        %mul3A_295 = vector.broadcast %squeeze3A_291 : f32 to vector<16xf32>
        %mul3A_296 = arith.mulf %get3A_294, %mul3A_295 : vector<16xf32>
        %swap3A_297 = arith.index_cast %add3A_289 : i32 to index
        %swap3A_298 = arith.constant 0 : index
        %swap3A_299 = tpu.vector_load %arg15[%swap3A_297, %swap3A_298] {strides = array<i32>} : memref<128x64xf32, #tpu.memory_space<vmem>>, vector<16xf32>,
        tpu.vector_store %arg15[%swap3A_297, %swap3A_298], %mul3A_296 {strides = array<i32>} : memref<128x64xf32, #tpu.memory_space<vmem>>, vector<16xf32>,
        %swap3A_300 = arith.index_cast %add3A_289 : i32 to index
        %swap3A_301 = arith.constant 32 : index
        %swap3A_302 = tpu.vector_load %arg15[%swap3A_300, %swap3A_301] {strides = array<i32>} : memref<128x64xf32, #tpu.memory_space<vmem>>, vector<16xf32>,
        tpu.vector_store %arg15[%swap3A_300, %swap3A_301], %get3A_294 {strides = array<i32>} : memref<128x64xf32, #tpu.memory_space<vmem>>, vector<16xf32>,
        %get3A_303 = arith.index_cast %add3A_289 : i32 to index
        %get3A_304 = arith.constant 16 : index
        %get3A_305 = tpu.vector_load %arg14[%get3A_303, %get3A_304] {strides = array<i32>} : memref<128x32xf32, #tpu.memory_space<vmem>>, vector<16xf32>,
        %mul3A_306 = vector.broadcast %squeeze3A_291 : f32 to vector<16xf32>
        %mul3A_307 = arith.mulf %get3A_305, %mul3A_306 : vector<16xf32>
        %swap3A_308 = arith.index_cast %add3A_289 : i32 to index
        %swap3A_309 = arith.constant 16 : index
        %swap3A_310 = tpu.vector_load %arg15[%swap3A_308, %swap3A_309] {strides = array<i32>} : memref<128x64xf32, #tpu.memory_space<vmem>>, vector<16xf32>,
        tpu.vector_store %arg15[%swap3A_308, %swap3A_309], %mul3A_307 {strides = array<i32>} : memref<128x64xf32, #tpu.memory_space<vmem>>, vector<16xf32>,
        %swap3A_311 = arith.index_cast %add3A_289 : i32 to index
        %swap3A_312 = arith.constant 48 : index
        %swap3A_313 = tpu.vector_load %arg15[%swap3A_311, %swap3A_312] {strides = array<i32>} : memref<128x64xf32, #tpu.memory_space<vmem>>, vector<16xf32>,
        tpu.vector_store %arg15[%swap3A_311, %swap3A_312], %get3A_305 {strides = array<i32>} : memref<128x64xf32, #tpu.memory_space<vmem>>, vector<16xf32>,
        %mul3A_314 = arith.constant 16 : i32
        %mul3A_315 = arith.muli %scan3A_255, %mul3A_314 : i32
        %add3A_316 = arith.constant 2 : i32
        %add3A_317 = arith.addi %mul3A_315, %add3A_316 : i32
        %slice3A_318 = vector.extract_strided_slice %get3A_260 {offsets = [2], sizes = [1], strides = [1]} : vector<16xf32> to vector<1xf32>
        %squeeze3A_319 = vector.extract %slice3A_318[0] : f32 from vector<1xf32>
        %get3A_320 = arith.index_cast %add3A_317 : i32 to index
        %get3A_321 = arith.constant 0 : index
        %get3A_322 = tpu.vector_load %arg14[%get3A_320, %get3A_321] {strides = array<i32>} : memref<128x32xf32, #tpu.memory_space<vmem>>, vector<16xf32>,
        %mul3A_323 = vector.broadcast %squeeze3A_319 : f32 to vector<16xf32>
        %mul3A_324 = arith.mulf %get3A_322, %mul3A_323 : vector<16xf32>
        %swap3A_325 = arith.index_cast %add3A_317 : i32 to index
        %swap3A_326 = arith.constant 0 : index
        %swap3A_327 = tpu.vector_load %arg15[%swap3A_325, %swap3A_326] {strides = array<i32>} : memref<128x64xf32, #tpu.memory_space<vmem>>, vector<16xf32>,
        tpu.vector_store %arg15[%swap3A_325, %swap3A_326], %mul3A_324 {strides = array<i32>} : memref<128x64xf32, #tpu.memory_space<vmem>>, vector<16xf32>,
        %swap3A_328 = arith.index_cast %add3A_317 : i32 to index
        %swap3A_329 = arith.constant 32 : index
        %swap3A_330 = tpu.vector_load %arg15[%swap3A_328, %swap3A_329] {strides = array<i32>} : memref<128x64xf32, #tpu.memory_space<vmem>>, vector<16xf32>,
        tpu.vector_store %arg15[%swap3A_328, %swap3A_329], %get3A_322 {strides = array<i32>} : memref<128x64xf32, #tpu.memory_space<vmem>>, vector<16xf32>,
        %get3A_331 = arith.index_cast %add3A_317 : i32 to index
        %get3A_332 = arith.constant 16 : index
        %get3A_333 = tpu.vector_load %arg14[%get3A_331, %get3A_332] {strides = array<i32>} : memref<128x32xf32, #tpu.memory_space<vmem>>, vector<16xf32>,
        %mul3A_334 = vector.broadcast %squeeze3A_319 : f32 to vector<16xf32>
        %mul3A_335 = arith.mulf %get3A_333, %mul3A_334 : vector<16xf32>
        %swap3A_336 = arith.index_cast %add3A_317 : i32 to index
        %swap3A_337 = arith.constant 16 : index
        %swap3A_338 = tpu.vector_load %arg15[%swap3A_336, %swap3A_337] {strides = array<i32>} : memref<128x64xf32, #tpu.memory_space<vmem>>, vector<16xf32>,
        tpu.vector_store %arg15[%swap3A_336, %swap3A_337], %mul3A_335 {strides = array<i32>} : memref<128x64xf32, #tpu.memory_space<vmem>>, vector<16xf32>,
        %swap3A_339 = arith.index_cast %add3A_317 : i32 to index
        %swap3A_340 = arith.constant 48 : index
        %swap3A_341 = tpu.vector_load %arg15[%swap3A_339, %swap3A_340] {strides = array<i32>} : memref<128x64xf32, #tpu.memory_space<vmem>>, vector<16xf32>,
        tpu.vector_store %arg15[%swap3A_339, %swap3A_340], %get3A_333 {strides = array<i32>} : memref<128x64xf32, #tpu.memory_space<vmem>>, vector<16xf32>,
        %mul3A_342 = arith.constant 16 : i32
        %mul3A_343 = arith.muli %scan3A_255, %mul3A_342 : i32
        %add3A_344 = arith.constant 3 : i32
        %add3A_345 = arith.addi %mul3A_343, %add3A_344 : i32
        %slice3A_346 = vector.extract_strided_slice %get3A_260 {offsets = [3], sizes = [1], strides = [1]} : vector<16xf32> to vector<1xf32>
        %squeeze3A_347 = vector.extract %slice3A_346[0] : f32 from vector<1xf32>
        %get3A_348 = arith.index_cast %add3A_345 : i32 to index
        %get3A_349 = arith.constant 0 : index
        %get3A_350 = tpu.vector_load %arg14[%get3A_348, %get3A_349] {strides = array<i32>} : memref<128x32xf32, #tpu.memory_space<vmem>>, vector<16xf32>,
        %mul3A_351 = vector.broadcast %squeeze3A_347 : f32 to vector<16xf32>
        %mul3A_352 = arith.mulf %get3A_350, %mul3A_351 : vector<16xf32>
        %swap3A_353 = arith.index_cast %add3A_345 : i32 to index
        %swap3A_354 = arith.constant 0 : index
        %swap3A_355 = tpu.vector_load %arg15[%swap3A_353, %swap3A_354] {strides = array<i32>} : memref<128x64xf32, #tpu.memory_space<vmem>>, vector<16xf32>,
        tpu.vector_store %arg15[%swap3A_353, %swap3A_354], %mul3A_352 {strides = array<i32>} : memref<128x64xf32, #tpu.memory_space<vmem>>, vector<16xf32>,
        %swap3A_356 = arith.index_cast %add3A_345 : i32 to index
        %swap3A_357 = arith.constant 32 : index
        %swap3A_358 = tpu.vector_load %arg15[%swap3A_356, %swap3A_357] {strides = array<i32>} : memref<128x64xf32, #tpu.memory_space<vmem>>, vector<16xf32>,
        tpu.vector_store %arg15[%swap3A_356, %swap3A_357], %get3A_350 {strides = array<i32>} : memref<128x64xf32, #tpu.memory_space<vmem>>, vector<16xf32>,
        %get3A_359 = arith.index_cast %add3A_345 : i32 to index
        %get3A_360 = arith.constant 16 : index
        %get3A_361 = tpu.vector_load %arg14[%get3A_359, %get3A_360] {strides = array<i32>} : memref<128x32xf32, #tpu.memory_space<vmem>>, vector<16xf32>,
        %mul3A_362 = vector.broadcast %squeeze3A_347 : f32 to vector<16xf32>
        %mul3A_363 = arith.mulf %get3A_361, %mul3A_362 : vector<16xf32>
        %swap3A_364 = arith.index_cast %add3A_345 : i32 to index
        %swap3A_365 = arith.constant 16 : index
        %swap3A_366 = tpu.vector_load %arg15[%swap3A_364, %swap3A_365] {strides = array<i32>} : memref<128x64xf32, #tpu.memory_space<vmem>>, vector<16xf32>,
        tpu.vector_store %arg15[%swap3A_364, %swap3A_365], %mul3A_363 {strides = array<i32>} : memref<128x64xf32, #tpu.memory_space<vmem>>, vector<16xf32>,
        %swap3A_367 = arith.index_cast %add3A_345 : i32 to index
        %swap3A_368 = arith.constant 48 : index
        %swap3A_369 = tpu.vector_load %arg15[%swap3A_367, %swap3A_368] {strides = array<i32>} : memref<128x64xf32, #tpu.memory_space<vmem>>, vector<16xf32>,
        tpu.vector_store %arg15[%swap3A_367, %swap3A_368], %get3A_361 {strides = array<i32>} : memref<128x64xf32, #tpu.memory_space<vmem>>, vector<16xf32>,
        %mul3A_370 = arith.constant 16 : i32
        %mul3A_371 = arith.muli %scan3A_255, %mul3A_370 : i32
        %add3A_372 = arith.constant 4 : i32
        %add3A_373 = arith.addi %mul3A_371, %add3A_372 : i32
        %slice3A_374 = vector.extract_strided_slice %get3A_260 {offsets = [4], sizes = [1], strides = [1]} : vector<16xf32> to vector<1xf32>
        %squeeze3A_375 = vector.extract %slice3A_374[0] : f32 from vector<1xf32>
        %get3A_376 = arith.index_cast %add3A_373 : i32 to index
        %get3A_377 = arith.constant 0 : index
        %get3A_378 = tpu.vector_load %arg14[%get3A_376, %get3A_377] {strides = array<i32>} : memref<128x32xf32, #tpu.memory_space<vmem>>, vector<16xf32>,
        %mul3A_379 = vector.broadcast %squeeze3A_375 : f32 to vector<16xf32>
        %mul3A_380 = arith.mulf %get3A_378, %mul3A_379 : vector<16xf32>
        %swap3A_381 = arith.index_cast %add3A_373 : i32 to index
        %swap3A_382 = arith.constant 0 : index
        %swap3A_383 = tpu.vector_load %arg15[%swap3A_381, %swap3A_382] {strides = array<i32>} : memref<128x64xf32, #tpu.memory_space<vmem>>, vector<16xf32>,
        tpu.vector_store %arg15[%swap3A_381, %swap3A_382], %mul3A_380 {strides = array<i32>} : memref<128x64xf32, #tpu.memory_space<vmem>>, vector<16xf32>,
        %swap3A_384 = arith.index_cast %add3A_373 : i32 to index
        %swap3A_385 = arith.constant 32 : index
        %swap3A_386 = tpu.vector_load %arg15[%swap3A_384, %swap3A_385] {strides = array<i32>} : memref<128x64xf32, #tpu.memory_space<vmem>>, vector<16xf32>,
        tpu.vector_store %arg15[%swap3A_384, %swap3A_385], %get3A_378 {strides = array<i32>} : memref<128x64xf32, #tpu.memory_space<vmem>>, vector<16xf32>,
        %get3A_387 = arith.index_cast %add3A_373 : i32 to index
        %get3A_388 = arith.constant 16 : index
        %get3A_389 = tpu.vector_load %arg14[%get3A_387, %get3A_388] {strides = array<i32>} : memref<128x32xf32, #tpu.memory_space<vmem>>, vector<16xf32>,
        %mul3A_390 = vector.broadcast %squeeze3A_375 : f32 to vector<16xf32>
        %mul3A_391 = arith.mulf %get3A_389, %mul3A_390 : vector<16xf32>
        %swap3A_392 = arith.index_cast %add3A_373 : i32 to index
        %swap3A_393 = arith.constant 16 : index
        %swap3A_394 = tpu.vector_load %arg15[%swap3A_392, %swap3A_393] {strides = array<i32>} : memref<128x64xf32, #tpu.memory_space<vmem>>, vector<16xf32>,
        tpu.vector_store %arg15[%swap3A_392, %swap3A_393], %mul3A_391 {strides = array<i32>} : memref<128x64xf32, #tpu.memory_space<vmem>>, vector<16xf32>,
        %swap3A_395 = arith.index_cast %add3A_373 : i32 to index
        %swap3A_396 = arith.constant 48 : index
        %swap3A_397 = tpu.vector_load %arg15[%swap3A_395, %swap3A_396] {strides = array<i32>} : memref<128x64xf32, #tpu.memory_space<vmem>>, vector<16xf32>,
        tpu.vector_store %arg15[%swap3A_395, %swap3A_396], %get3A_389 {strides = array<i32>} : memref<128x64xf32, #tpu.memory_space<vmem>>, vector<16xf32>,
        %mul3A_398 = arith.constant 16 : i32
        %mul3A_399 = arith.muli %scan3A_255, %mul3A_398 : i32
        %add3A_400 = arith.constant 5 : i32
        %add3A_401 = arith.addi %mul3A_399, %add3A_400 : i32
        %slice3A_402 = vector.extract_strided_slice %get3A_260 {offsets = [5], sizes = [1], strides = [1]} : vector<16xf32> to vector<1xf32>
        %squeeze3A_403 = vector.extract %slice3A_402[0] : f32 from vector<1xf32>
        %get3A_404 = arith.index_cast %add3A_401 : i32 to index
        %get3A_405 = arith.constant 0 : index
        %get3A_406 = tpu.vector_load %arg14[%get3A_404, %get3A_405] {strides = array<i32>} : memref<128x32xf32, #tpu.memory_space<vmem>>, vector<16xf32>,
        %mul3A_407 = vector.broadcast %squeeze3A_403 : f32 to vector<16xf32>
        %mul3A_408 = arith.mulf %get3A_406, %mul3A_407 : vector<16xf32>
        %swap3A_409 = arith.index_cast %add3A_401 : i32 to index
        %swap3A_410 = arith.constant 0 : index
        %swap3A_411 = tpu.vector_load %arg15[%swap3A_409, %swap3A_410] {strides = array<i32>} : memref<128x64xf32, #tpu.memory_space<vmem>>, vector<16xf32>,
        tpu.vector_store %arg15[%swap3A_409, %swap3A_410], %mul3A_408 {strides = array<i32>} : memref<128x64xf32, #tpu.memory_space<vmem>>, vector<16xf32>,
        %swap3A_412 = arith.index_cast %add3A_401 : i32 to index
        %swap3A_413 = arith.constant 32 : index
        %swap3A_414 = tpu.vector_load %arg15[%swap3A_412, %swap3A_413] {strides = array<i32>} : memref<128x64xf32, #tpu.memory_space<vmem>>, vector<16xf32>,
        tpu.vector_store %arg15[%swap3A_412, %swap3A_413], %get3A_406 {strides = array<i32>} : memref<128x64xf32, #tpu.memory_space<vmem>>, vector<16xf32>,
        %get3A_415 = arith.index_cast %add3A_401 : i32 to index
        %get3A_416 = arith.constant 16 : index
        %get3A_417 = tpu.vector_load %arg14[%get3A_415, %get3A_416] {strides = array<i32>} : memref<128x32xf32, #tpu.memory_space<vmem>>, vector<16xf32>,
        %mul3A_418 = vector.broadcast %squeeze3A_403 : f32 to vector<16xf32>
        %mul3A_419 = arith.mulf %get3A_417, %mul3A_418 : vector<16xf32>
        %swap3A_420 = arith.index_cast %add3A_401 : i32 to index
        %swap3A_421 = arith.constant 16 : index
        %swap3A_422 = tpu.vector_load %arg15[%swap3A_420, %swap3A_421] {strides = array<i32>} : memref<128x64xf32, #tpu.memory_space<vmem>>, vector<16xf32>,
        tpu.vector_store %arg15[%swap3A_420, %swap3A_421], %mul3A_419 {strides = array<i32>} : memref<128x64xf32, #tpu.memory_space<vmem>>, vector<16xf32>,
        %swap3A_423 = arith.index_cast %add3A_401 : i32 to index
        %swap3A_424 = arith.constant 48 : index
        %swap3A_425 = tpu.vector_load %arg15[%swap3A_423, %swap3A_424] {strides = array<i32>} : memref<128x64xf32, #tpu.memory_space<vmem>>, vector<16xf32>,
        tpu.vector_store %arg15[%swap3A_423, %swap3A_424], %get3A_417 {strides = array<i32>} : memref<128x64xf32, #tpu.memory_space<vmem>>, vector<16xf32>,
        %mul3A_426 = arith.constant 16 : i32
        %mul3A_427 = arith.muli %scan3A_255, %mul3A_426 : i32
        %add3A_428 = arith.constant 6 : i32
        %add3A_429 = arith.addi %mul3A_427, %add3A_428 : i32
        %slice3A_430 = vector.extract_strided_slice %get3A_260 {offsets = [6], sizes = [1], strides = [1]} : vector<16xf32> to vector<1xf32>
        %squeeze3A_431 = vector.extract %slice3A_430[0] : f32 from vector<1xf32>
        %get3A_432 = arith.index_cast %add3A_429 : i32 to index
        %get3A_433 = arith.constant 0 : index
        %get3A_434 = tpu.vector_load %arg14[%get3A_432, %get3A_433] {strides = array<i32>} : memref<128x32xf32, #tpu.memory_space<vmem>>, vector<16xf32>,
        %mul3A_435 = vector.broadcast %squeeze3A_431 : f32 to vector<16xf32>
        %mul3A_436 = arith.mulf %get3A_434, %mul3A_435 : vector<16xf32>
        %swap3A_437 = arith.index_cast %add3A_429 : i32 to index
        %swap3A_438 = arith.constant 0 : index
        %swap3A_439 = tpu.vector_load %arg15[%swap3A_437, %swap3A_438] {strides = array<i32>} : memref<128x64xf32, #tpu.memory_space<vmem>>, vector<16xf32>,
        tpu.vector_store %arg15[%swap3A_437, %swap3A_438], %mul3A_436 {strides = array<i32>} : memref<128x64xf32, #tpu.memory_space<vmem>>, vector<16xf32>,
        %swap3A_440 = arith.index_cast %add3A_429 : i32 to index
        %swap3A_441 = arith.constant 32 : index
        %swap3A_442 = tpu.vector_load %arg15[%swap3A_440, %swap3A_441] {strides = array<i32>} : memref<128x64xf32, #tpu.memory_space<vmem>>, vector<16xf32>,
        tpu.vector_store %arg15[%swap3A_440, %swap3A_441], %get3A_434 {strides = array<i32>} : memref<128x64xf32, #tpu.memory_space<vmem>>, vector<16xf32>,
        %get3A_443 = arith.index_cast %add3A_429 : i32 to index
        %get3A_444 = arith.constant 16 : index
        %get3A_445 = tpu.vector_load %arg14[%get3A_443, %get3A_444] {strides = array<i32>} : memref<128x32xf32, #tpu.memory_space<vmem>>, vector<16xf32>,
        %mul3A_446 = vector.broadcast %squeeze3A_431 : f32 to vector<16xf32>
        %mul3A_447 = arith.mulf %get3A_445, %mul3A_446 : vector<16xf32>
        %swap3A_448 = arith.index_cast %add3A_429 : i32 to index
        %swap3A_449 = arith.constant 16 : index
        %swap3A_450 = tpu.vector_load %arg15[%swap3A_448, %swap3A_449] {strides = array<i32>} : memref<128x64xf32, #tpu.memory_space<vmem>>, vector<16xf32>,
        tpu.vector_store %arg15[%swap3A_448, %swap3A_449], %mul3A_447 {strides = array<i32>} : memref<128x64xf32, #tpu.memory_space<vmem>>, vector<16xf32>,
        %swap3A_451 = arith.index_cast %add3A_429 : i32 to index
        %swap3A_452 = arith.constant 48 : index
        %swap3A_453 = tpu.vector_load %arg15[%swap3A_451, %swap3A_452] {strides = array<i32>} : memref<128x64xf32, #tpu.memory_space<vmem>>, vector<16xf32>,
        tpu.vector_store %arg15[%swap3A_451, %swap3A_452], %get3A_445 {strides = array<i32>} : memref<128x64xf32, #tpu.memory_space<vmem>>, vector<16xf32>,
        %mul3A_454 = arith.constant 16 : i32
        %mul3A_455 = arith.muli %scan3A_255, %mul3A_454 : i32
        %add3A_456 = arith.constant 7 : i32
        %add3A_457 = arith.addi %mul3A_455, %add3A_456 : i32
        %slice3A_458 = vector.extract_strided_slice %get3A_260 {offsets = [7], sizes = [1], strides = [1]} : vector<16xf32> to vector<1xf32>
        %squeeze3A_459 = vector.extract %slice3A_458[0] : f32 from vector<1xf32>
        %get3A_460 = arith.index_cast %add3A_457 : i32 to index
        %get3A_461 = arith.constant 0 : index
        %get3A_462 = tpu.vector_load %arg14[%get3A_460, %get3A_461] {strides = array<i32>} : memref<128x32xf32, #tpu.memory_space<vmem>>, vector<16xf32>,
        %mul3A_463 = vector.broadcast %squeeze3A_459 : f32 to vector<16xf32>
        %mul3A_464 = arith.mulf %get3A_462, %mul3A_463 : vector<16xf32>
        %swap3A_465 = arith.index_cast %add3A_457 : i32 to index
        %swap3A_466 = arith.constant 0 : index
        %swap3A_467 = tpu.vector_load %arg15[%swap3A_465, %swap3A_466] {strides = array<i32>} : memref<128x64xf32, #tpu.memory_space<vmem>>, vector<16xf32>,
        tpu.vector_store %arg15[%swap3A_465, %swap3A_466], %mul3A_464 {strides = array<i32>} : memref<128x64xf32, #tpu.memory_space<vmem>>, vector<16xf32>,
        %swap3A_468 = arith.index_cast %add3A_457 : i32 to index
        %swap3A_469 = arith.constant 32 : index
        %swap3A_470 = tpu.vector_load %arg15[%swap3A_468, %swap3A_469] {strides = array<i32>} : memref<128x64xf32, #tpu.memory_space<vmem>>, vector<16xf32>,
        tpu.vector_store %arg15[%swap3A_468, %swap3A_469], %get3A_462 {strides = array<i32>} : memref<128x64xf32, #tpu.memory_space<vmem>>, vector<16xf32>,
        %get3A_471 = arith.index_cast %add3A_457 : i32 to index
        %get3A_472 = arith.constant 16 : index
        %get3A_473 = tpu.vector_load %arg14[%get3A_471, %get3A_472] {strides = array<i32>} : memref<128x32xf32, #tpu.memory_space<vmem>>, vector<16xf32>,
        %mul3A_474 = vector.broadcast %squeeze3A_459 : f32 to vector<16xf32>
        %mul3A_475 = arith.mulf %get3A_473, %mul3A_474 : vector<16xf32>
        %swap3A_476 = arith.index_cast %add3A_457 : i32 to index
        %swap3A_477 = arith.constant 16 : index
        %swap3A_478 = tpu.vector_load %arg15[%swap3A_476, %swap3A_477] {strides = array<i32>} : memref<128x64xf32, #tpu.memory_space<vmem>>, vector<16xf32>,
        tpu.vector_store %arg15[%swap3A_476, %swap3A_477], %mul3A_475 {strides = array<i32>} : memref<128x64xf32, #tpu.memory_space<vmem>>, vector<16xf32>,
        %swap3A_479 = arith.index_cast %add3A_457 : i32 to index
        %swap3A_480 = arith.constant 48 : index
        %swap3A_481 = tpu.vector_load %arg15[%swap3A_479, %swap3A_480] {strides = array<i32>} : memref<128x64xf32, #tpu.memory_space<vmem>>, vector<16xf32>,
        tpu.vector_store %arg15[%swap3A_479, %swap3A_480], %get3A_473 {strides = array<i32>} : memref<128x64xf32, #tpu.memory_space<vmem>>, vector<16xf32>,
        %mul3A_482 = arith.constant 16 : i32
        %mul3A_483 = arith.muli %scan3A_255, %mul3A_482 : i32
        %add3A_484 = arith.constant 8 : i32
        %add3A_485 = arith.addi %mul3A_483, %add3A_484 : i32
        %slice3A_486 = vector.extract_strided_slice %get3A_260 {offsets = [8], sizes = [1], strides = [1]} : vector<16xf32> to vector<1xf32>
        %squeeze3A_487 = vector.extract %slice3A_486[0] : f32 from vector<1xf32>
        %get3A_488 = arith.index_cast %add3A_485 : i32 to index
        %get3A_489 = arith.constant 0 : index
        %get3A_490 = tpu.vector_load %arg14[%get3A_488, %get3A_489] {strides = array<i32>} : memref<128x32xf32, #tpu.memory_space<vmem>>, vector<16xf32>,
        %mul3A_491 = vector.broadcast %squeeze3A_487 : f32 to vector<16xf32>
        %mul3A_492 = arith.mulf %get3A_490, %mul3A_491 : vector<16xf32>
        %swap3A_493 = arith.index_cast %add3A_485 : i32 to index
        %swap3A_494 = arith.constant 0 : index
        %swap3A_495 = tpu.vector_load %arg15[%swap3A_493, %swap3A_494] {strides = array<i32>} : memref<128x64xf32, #tpu.memory_space<vmem>>, vector<16xf32>,
        tpu.vector_store %arg15[%swap3A_493, %swap3A_494], %mul3A_492 {strides = array<i32>} : memref<128x64xf32, #tpu.memory_space<vmem>>, vector<16xf32>,
        %swap3A_496 = arith.index_cast %add3A_485 : i32 to index
        %swap3A_497 = arith.constant 32 : index
        %swap3A_498 = tpu.vector_load %arg15[%swap3A_496, %swap3A_497] {strides = array<i32>} : memref<128x64xf32, #tpu.memory_space<vmem>>, vector<16xf32>,
        tpu.vector_store %arg15[%swap3A_496, %swap3A_497], %get3A_490 {strides = array<i32>} : memref<128x64xf32, #tpu.memory_space<vmem>>, vector<16xf32>,
        %get3A_499 = arith.index_cast %add3A_485 : i32 to index
        %get3A_500 = arith.constant 16 : index
        %get3A_501 = tpu.vector_load %arg14[%get3A_499, %get3A_500] {strides = array<i32>} : memref<128x32xf32, #tpu.memory_space<vmem>>, vector<16xf32>,
        %mul3A_502 = vector.broadcast %squeeze3A_487 : f32 to vector<16xf32>
        %mul3A_503 = arith.mulf %get3A_501, %mul3A_502 : vector<16xf32>
        %swap3A_504 = arith.index_cast %add3A_485 : i32 to index
        %swap3A_505 = arith.constant 16 : index
        %swap3A_506 = tpu.vector_load %arg15[%swap3A_504, %swap3A_505] {strides = array<i32>} : memref<128x64xf32, #tpu.memory_space<vmem>>, vector<16xf32>,
        tpu.vector_store %arg15[%swap3A_504, %swap3A_505], %mul3A_503 {strides = array<i32>} : memref<128x64xf32, #tpu.memory_space<vmem>>, vector<16xf32>,
        %swap3A_507 = arith.index_cast %add3A_485 : i32 to index
        %swap3A_508 = arith.constant 48 : index
        %swap3A_509 = tpu.vector_load %arg15[%swap3A_507, %swap3A_508] {strides = array<i32>} : memref<128x64xf32, #tpu.memory_space<vmem>>, vector<16xf32>,
        tpu.vector_store %arg15[%swap3A_507, %swap3A_508], %get3A_501 {strides = array<i32>} : memref<128x64xf32, #tpu.memory_space<vmem>>, vector<16xf32>,
        %mul3A_510 = arith.constant 16 : i32
        %mul3A_511 = arith.muli %scan3A_255, %mul3A_510 : i32
        %add3A_512 = arith.constant 9 : i32
        %add3A_513 = arith.addi %mul3A_511, %add3A_512 : i32
        %slice3A_514 = vector.extract_strided_slice %get3A_260 {offsets = [9], sizes = [1], strides = [1]} : vector<16xf32> to vector<1xf32>
        %squeeze3A_515 = vector.extract %slice3A_514[0] : f32 from vector<1xf32>
        %get3A_516 = arith.index_cast %add3A_513 : i32 to index
        %get3A_517 = arith.constant 0 : index
        %get3A_518 = tpu.vector_load %arg14[%get3A_516, %get3A_517] {strides = array<i32>} : memref<128x32xf32, #tpu.memory_space<vmem>>, vector<16xf32>,
        %mul3A_519 = vector.broadcast %squeeze3A_515 : f32 to vector<16xf32>
        %mul3A_520 = arith.mulf %get3A_518, %mul3A_519 : vector<16xf32>
        %swap3A_521 = arith.index_cast %add3A_513 : i32 to index
        %swap3A_522 = arith.constant 0 : index
        %swap3A_523 = tpu.vector_load %arg15[%swap3A_521, %swap3A_522] {strides = array<i32>} : memref<128x64xf32, #tpu.memory_space<vmem>>, vector<16xf32>,
        tpu.vector_store %arg15[%swap3A_521, %swap3A_522], %mul3A_520 {strides = array<i32>} : memref<128x64xf32, #tpu.memory_space<vmem>>, vector<16xf32>,
        %swap3A_524 = arith.index_cast %add3A_513 : i32 to index
        %swap3A_525 = arith.constant 32 : index
        %swap3A_526 = tpu.vector_load %arg15[%swap3A_524, %swap3A_525] {strides = array<i32>} : memref<128x64xf32, #tpu.memory_space<vmem>>, vector<16xf32>,
        tpu.vector_store %arg15[%swap3A_524, %swap3A_525], %get3A_518 {strides = array<i32>} : memref<128x64xf32, #tpu.memory_space<vmem>>, vector<16xf32>,
        %get3A_527 = arith.index_cast %add3A_513 : i32 to index
        %get3A_528 = arith.constant 16 : index
        %get3A_529 = tpu.vector_load %arg14[%get3A_527, %get3A_528] {strides = array<i32>} : memref<128x32xf32, #tpu.memory_space<vmem>>, vector<16xf32>,
        %mul3A_530 = vector.broadcast %squeeze3A_515 : f32 to vector<16xf32>
        %mul3A_531 = arith.mulf %get3A_529, %mul3A_530 : vector<16xf32>
        %swap3A_532 = arith.index_cast %add3A_513 : i32 to index
        %swap3A_533 = arith.constant 16 : index
        %swap3A_534 = tpu.vector_load %arg15[%swap3A_532, %swap3A_533] {strides = array<i32>} : memref<128x64xf32, #tpu.memory_space<vmem>>, vector<16xf32>,
        tpu.vector_store %arg15[%swap3A_532, %swap3A_533], %mul3A_531 {strides = array<i32>} : memref<128x64xf32, #tpu.memory_space<vmem>>, vector<16xf32>,
        %swap3A_535 = arith.index_cast %add3A_513 : i32 to index
        %swap3A_536 = arith.constant 48 : index
        %swap3A_537 = tpu.vector_load %arg15[%swap3A_535, %swap3A_536] {strides = array<i32>} : memref<128x64xf32, #tpu.memory_space<vmem>>, vector<16xf32>,
        tpu.vector_store %arg15[%swap3A_535, %swap3A_536], %get3A_529 {strides = array<i32>} : memref<128x64xf32, #tpu.memory_space<vmem>>, vector<16xf32>,
        %mul3A_538 = arith.constant 16 : i32
        %mul3A_539 = arith.muli %scan3A_255, %mul3A_538 : i32
        %add3A_540 = arith.constant 10 : i32
        %add3A_541 = arith.addi %mul3A_539, %add3A_540 : i32
        %slice3A_542 = vector.extract_strided_slice %get3A_260 {offsets = [10], sizes = [1], strides = [1]} : vector<16xf32> to vector<1xf32>
        %squeeze3A_543 = vector.extract %slice3A_542[0] : f32 from vector<1xf32>
        %get3A_544 = arith.index_cast %add3A_541 : i32 to index
        %get3A_545 = arith.constant 0 : index
        %get3A_546 = tpu.vector_load %arg14[%get3A_544, %get3A_545] {strides = array<i32>} : memref<128x32xf32, #tpu.memory_space<vmem>>, vector<16xf32>,
        %mul3A_547 = vector.broadcast %squeeze3A_543 : f32 to vector<16xf32>
        %mul3A_548 = arith.mulf %get3A_546, %mul3A_547 : vector<16xf32>
        %swap3A_549 = arith.index_cast %add3A_541 : i32 to index
        %swap3A_550 = arith.constant 0 : index
        %swap3A_551 = tpu.vector_load %arg15[%swap3A_549, %swap3A_550] {strides = array<i32>} : memref<128x64xf32, #tpu.memory_space<vmem>>, vector<16xf32>,
        tpu.vector_store %arg15[%swap3A_549, %swap3A_550], %mul3A_548 {strides = array<i32>} : memref<128x64xf32, #tpu.memory_space<vmem>>, vector<16xf32>,
        %swap3A_552 = arith.index_cast %add3A_541 : i32 to index
        %swap3A_553 = arith.constant 32 : index
        %swap3A_554 = tpu.vector_load %arg15[%swap3A_552, %swap3A_553] {strides = array<i32>} : memref<128x64xf32, #tpu.memory_space<vmem>>, vector<16xf32>,
        tpu.vector_store %arg15[%swap3A_552, %swap3A_553], %get3A_546 {strides = array<i32>} : memref<128x64xf32, #tpu.memory_space<vmem>>, vector<16xf32>,
        %get3A_555 = arith.index_cast %add3A_541 : i32 to index
        %get3A_556 = arith.constant 16 : index
        %get3A_557 = tpu.vector_load %arg14[%get3A_555, %get3A_556] {strides = array<i32>} : memref<128x32xf32, #tpu.memory_space<vmem>>, vector<16xf32>,
        %mul3A_558 = vector.broadcast %squeeze3A_543 : f32 to vector<16xf32>
        %mul3A_559 = arith.mulf %get3A_557, %mul3A_558 : vector<16xf32>
        %swap3A_560 = arith.index_cast %add3A_541 : i32 to index
        %swap3A_561 = arith.constant 16 : index
        %swap3A_562 = tpu.vector_load %arg15[%swap3A_560, %swap3A_561] {strides = array<i32>} : memref<128x64xf32, #tpu.memory_space<vmem>>, vector<16xf32>,
        tpu.vector_store %arg15[%swap3A_560, %swap3A_561], %mul3A_559 {strides = array<i32>} : memref<128x64xf32, #tpu.memory_space<vmem>>, vector<16xf32>,
        %swap3A_563 = arith.index_cast %add3A_541 : i32 to index
        %swap3A_564 = arith.constant 48 : index
        %swap3A_565 = tpu.vector_load %arg15[%swap3A_563, %swap3A_564] {strides = array<i32>} : memref<128x64xf32, #tpu.memory_space<vmem>>, vector<16xf32>,
        tpu.vector_store %arg15[%swap3A_563, %swap3A_564], %get3A_557 {strides = array<i32>} : memref<128x64xf32, #tpu.memory_space<vmem>>, vector<16xf32>,
        %mul3A_566 = arith.constant 16 : i32
        %mul3A_567 = arith.muli %scan3A_255, %mul3A_566 : i32
        %add3A_568 = arith.constant 11 : i32
        %add3A_569 = arith.addi %mul3A_567, %add3A_568 : i32
        %slice3A_570 = vector.extract_strided_slice %get3A_260 {offsets = [11], sizes = [1], strides = [1]} : vector<16xf32> to vector<1xf32>
        %squeeze3A_571 = vector.extract %slice3A_570[0] : f32 from vector<1xf32>
        %get3A_572 = arith.index_cast %add3A_569 : i32 to index
        %get3A_573 = arith.constant 0 : index
        %get3A_574 = tpu.vector_load %arg14[%get3A_572, %get3A_573] {strides = array<i32>} : memref<128x32xf32, #tpu.memory_space<vmem>>, vector<16xf32>,
        %mul3A_575 = vector.broadcast %squeeze3A_571 : f32 to vector<16xf32>
        %mul3A_576 = arith.mulf %get3A_574, %mul3A_575 : vector<16xf32>
        %swap3A_577 = arith.index_cast %add3A_569 : i32 to index
        %swap3A_578 = arith.constant 0 : index
        %swap3A_579 = tpu.vector_load %arg15[%swap3A_577, %swap3A_578] {strides = array<i32>} : memref<128x64xf32, #tpu.memory_space<vmem>>, vector<16xf32>,
        tpu.vector_store %arg15[%swap3A_577, %swap3A_578], %mul3A_576 {strides = array<i32>} : memref<128x64xf32, #tpu.memory_space<vmem>>, vector<16xf32>,
        %swap3A_580 = arith.index_cast %add3A_569 : i32 to index
        %swap3A_581 = arith.constant 32 : index
        %swap3A_582 = tpu.vector_load %arg15[%swap3A_580, %swap3A_581] {strides = array<i32>} : memref<128x64xf32, #tpu.memory_space<vmem>>, vector<16xf32>,
        tpu.vector_store %arg15[%swap3A_580, %swap3A_581], %get3A_574 {strides = array<i32>} : memref<128x64xf32, #tpu.memory_space<vmem>>, vector<16xf32>,
        %get3A_583 = arith.index_cast %add3A_569 : i32 to index
        %get3A_584 = arith.constant 16 : index
        %get3A_585 = tpu.vector_load %arg14[%get3A_583, %get3A_584] {strides = array<i32>} : memref<128x32xf32, #tpu.memory_space<vmem>>, vector<16xf32>,
        %mul3A_586 = vector.broadcast %squeeze3A_571 : f32 to vector<16xf32>
        %mul3A_587 = arith.mulf %get3A_585, %mul3A_586 : vector<16xf32>
        %swap3A_588 = arith.index_cast %add3A_569 : i32 to index
        %swap3A_589 = arith.constant 16 : index
        %swap3A_590 = tpu.vector_load %arg15[%swap3A_588, %swap3A_589] {strides = array<i32>} : memref<128x64xf32, #tpu.memory_space<vmem>>, vector<16xf32>,
        tpu.vector_store %arg15[%swap3A_588, %swap3A_589], %mul3A_587 {strides = array<i32>} : memref<128x64xf32, #tpu.memory_space<vmem>>, vector<16xf32>,
        %swap3A_591 = arith.index_cast %add3A_569 : i32 to index
        %swap3A_592 = arith.constant 48 : index
        %swap3A_593 = tpu.vector_load %arg15[%swap3A_591, %swap3A_592] {strides = array<i32>} : memref<128x64xf32, #tpu.memory_space<vmem>>, vector<16xf32>,
        tpu.vector_store %arg15[%swap3A_591, %swap3A_592], %get3A_585 {strides = array<i32>} : memref<128x64xf32, #tpu.memory_space<vmem>>, vector<16xf32>,
        %mul3A_594 = arith.constant 16 : i32
        %mul3A_595 = arith.muli %scan3A_255, %mul3A_594 : i32
        %add3A_596 = arith.constant 12 : i32
        %add3A_597 = arith.addi %mul3A_595, %add3A_596 : i32
        %slice3A_598 = vector.extract_strided_slice %get3A_260 {offsets = [12], sizes = [1], strides = [1]} : vector<16xf32> to vector<1xf32>
        %squeeze3A_599 = vector.extract %slice3A_598[0] : f32 from vector<1xf32>
        %get3A_600 = arith.index_cast %add3A_597 : i32 to index
        %get3A_601 = arith.constant 0 : index
        %get3A_602 = tpu.vector_load %arg14[%get3A_600, %get3A_601] {strides = array<i32>} : memref<128x32xf32, #tpu.memory_space<vmem>>, vector<16xf32>,
        %mul3A_603 = vector.broadcast %squeeze3A_599 : f32 to vector<16xf32>
        %mul3A_604 = arith.mulf %get3A_602, %mul3A_603 : vector<16xf32>
        %swap3A_605 = arith.index_cast %add3A_597 : i32 to index
        %swap3A_606 = arith.constant 0 : index
        %swap3A_607 = tpu.vector_load %arg15[%swap3A_605, %swap3A_606] {strides = array<i32>} : memref<128x64xf32, #tpu.memory_space<vmem>>, vector<16xf32>,
        tpu.vector_store %arg15[%swap3A_605, %swap3A_606], %mul3A_604 {strides = array<i32>} : memref<128x64xf32, #tpu.memory_space<vmem>>, vector<16xf32>,
        %swap3A_608 = arith.index_cast %add3A_597 : i32 to index
        %swap3A_609 = arith.constant 32 : index
        %swap3A_610 = tpu.vector_load %arg15[%swap3A_608, %swap3A_609] {strides = array<i32>} : memref<128x64xf32, #tpu.memory_space<vmem>>, vector<16xf32>,
        tpu.vector_store %arg15[%swap3A_608, %swap3A_609], %get3A_602 {strides = array<i32>} : memref<128x64xf32, #tpu.memory_space<vmem>>, vector<16xf32>,
        %get3A_611 = arith.index_cast %add3A_597 : i32 to index
        %get3A_612 = arith.constant 16 : index
        %get3A_613 = tpu.vector_load %arg14[%get3A_611, %get3A_612] {strides = array<i32>} : memref<128x32xf32, #tpu.memory_space<vmem>>, vector<16xf32>,
        %mul3A_614 = vector.broadcast %squeeze3A_599 : f32 to vector<16xf32>
        %mul3A_615 = arith.mulf %get3A_613, %mul3A_614 : vector<16xf32>
        %swap3A_616 = arith.index_cast %add3A_597 : i32 to index
        %swap3A_617 = arith.constant 16 : index
        %swap3A_618 = tpu.vector_load %arg15[%swap3A_616, %swap3A_617] {strides = array<i32>} : memref<128x64xf32, #tpu.memory_space<vmem>>, vector<16xf32>,
        tpu.vector_store %arg15[%swap3A_616, %swap3A_617], %mul3A_615 {strides = array<i32>} : memref<128x64xf32, #tpu.memory_space<vmem>>, vector<16xf32>,
        %swap3A_619 = arith.index_cast %add3A_597 : i32 to index
        %swap3A_620 = arith.constant 48 : index
        %swap3A_621 = tpu.vector_load %arg15[%swap3A_619, %swap3A_620] {strides = array<i32>} : memref<128x64xf32, #tpu.memory_space<vmem>>, vector<16xf32>,
        tpu.vector_store %arg15[%swap3A_619, %swap3A_620], %get3A_613 {strides = array<i32>} : memref<128x64xf32, #tpu.memory_space<vmem>>, vector<16xf32>,
        %mul3A_622 = arith.constant 16 : i32
        %mul3A_623 = arith.muli %scan3A_255, %mul3A_622 : i32
        %add3A_624 = arith.constant 13 : i32
        %add3A_625 = arith.addi %mul3A_623, %add3A_624 : i32
        %slice3A_626 = vector.extract_strided_slice %get3A_260 {offsets = [13], sizes = [1], strides = [1]} : vector<16xf32> to vector<1xf32>
        %squeeze3A_627 = vector.extract %slice3A_626[0] : f32 from vector<1xf32>
        %get3A_628 = arith.index_cast %add3A_625 : i32 to index
        %get3A_629 = arith.constant 0 : index
        %get3A_630 = tpu.vector_load %arg14[%get3A_628, %get3A_629] {strides = array<i32>} : memref<128x32xf32, #tpu.memory_space<vmem>>, vector<16xf32>,
        %mul3A_631 = vector.broadcast %squeeze3A_627 : f32 to vector<16xf32>
        %mul3A_632 = arith.mulf %get3A_630, %mul3A_631 : vector<16xf32>
        %swap3A_633 = arith.index_cast %add3A_625 : i32 to index
        %swap3A_634 = arith.constant 0 : index
        %swap3A_635 = tpu.vector_load %arg15[%swap3A_633, %swap3A_634] {strides = array<i32>} : memref<128x64xf32, #tpu.memory_space<vmem>>, vector<16xf32>,
        tpu.vector_store %arg15[%swap3A_633, %swap3A_634], %mul3A_632 {strides = array<i32>} : memref<128x64xf32, #tpu.memory_space<vmem>>, vector<16xf32>,
        %swap3A_636 = arith.index_cast %add3A_625 : i32 to index
        %swap3A_637 = arith.constant 32 : index
        %swap3A_638 = tpu.vector_load %arg15[%swap3A_636, %swap3A_637] {strides = array<i32>} : memref<128x64xf32, #tpu.memory_space<vmem>>, vector<16xf32>,
        tpu.vector_store %arg15[%swap3A_636, %swap3A_637], %get3A_630 {strides = array<i32>} : memref<128x64xf32, #tpu.memory_space<vmem>>, vector<16xf32>,
        %get3A_639 = arith.index_cast %add3A_625 : i32 to index
        %get3A_640 = arith.constant 16 : index
        %get3A_641 = tpu.vector_load %arg14[%get3A_639, %get3A_640] {strides = array<i32>} : memref<128x32xf32, #tpu.memory_space<vmem>>, vector<16xf32>,
        %mul3A_642 = vector.broadcast %squeeze3A_627 : f32 to vector<16xf32>
        %mul3A_643 = arith.mulf %get3A_641, %mul3A_642 : vector<16xf32>
        %swap3A_644 = arith.index_cast %add3A_625 : i32 to index
        %swap3A_645 = arith.constant 16 : index
        %swap3A_646 = tpu.vector_load %arg15[%swap3A_644, %swap3A_645] {strides = array<i32>} : memref<128x64xf32, #tpu.memory_space<vmem>>, vector<16xf32>,
        tpu.vector_store %arg15[%swap3A_644, %swap3A_645], %mul3A_643 {strides = array<i32>} : memref<128x64xf32, #tpu.memory_space<vmem>>, vector<16xf32>,
        %swap3A_647 = arith.index_cast %add3A_625 : i32 to index
        %swap3A_648 = arith.constant 48 : index
        %swap3A_649 = tpu.vector_load %arg15[%swap3A_647, %swap3A_648] {strides = array<i32>} : memref<128x64xf32, #tpu.memory_space<vmem>>, vector<16xf32>,
        tpu.vector_store %arg15[%swap3A_647, %swap3A_648], %get3A_641 {strides = array<i32>} : memref<128x64xf32, #tpu.memory_space<vmem>>, vector<16xf32>,
        %mul3A_650 = arith.constant 16 : i32
        %mul3A_651 = arith.muli %scan3A_255, %mul3A_650 : i32
        %add3A_652 = arith.constant 14 : i32
        %add3A_653 = arith.addi %mul3A_651, %add3A_652 : i32
        %slice3A_654 = vector.extract_strided_slice %get3A_260 {offsets = [14], sizes = [1], strides = [1]} : vector<16xf32> to vector<1xf32>
        %squeeze3A_655 = vector.extract %slice3A_654[0] : f32 from vector<1xf32>
        %get3A_656 = arith.index_cast %add3A_653 : i32 to index
        %get3A_657 = arith.constant 0 : index
        %get3A_658 = tpu.vector_load %arg14[%get3A_656, %get3A_657] {strides = array<i32>} : memref<128x32xf32, #tpu.memory_space<vmem>>, vector<16xf32>,
        %mul3A_659 = vector.broadcast %squeeze3A_655 : f32 to vector<16xf32>
        %mul3A_660 = arith.mulf %get3A_658, %mul3A_659 : vector<16xf32>
        %swap3A_661 = arith.index_cast %add3A_653 : i32 to index
        %swap3A_662 = arith.constant 0 : index
        %swap3A_663 = tpu.vector_load %arg15[%swap3A_661, %swap3A_662] {strides = array<i32>} : memref<128x64xf32, #tpu.memory_space<vmem>>, vector<16xf32>,
        tpu.vector_store %arg15[%swap3A_661, %swap3A_662], %mul3A_660 {strides = array<i32>} : memref<128x64xf32, #tpu.memory_space<vmem>>, vector<16xf32>,
        %swap3A_664 = arith.index_cast %add3A_653 : i32 to index
        %swap3A_665 = arith.constant 32 : index
        %swap3A_666 = tpu.vector_load %arg15[%swap3A_664, %swap3A_665] {strides = array<i32>} : memref<128x64xf32, #tpu.memory_space<vmem>>, vector<16xf32>,
        tpu.vector_store %arg15[%swap3A_664, %swap3A_665], %get3A_658 {strides = array<i32>} : memref<128x64xf32, #tpu.memory_space<vmem>>, vector<16xf32>,
        %get3A_667 = arith.index_cast %add3A_653 : i32 to index
        %get3A_668 = arith.constant 16 : index
        %get3A_669 = tpu.vector_load %arg14[%get3A_667, %get3A_668] {strides = array<i32>} : memref<128x32xf32, #tpu.memory_space<vmem>>, vector<16xf32>,
        %mul3A_670 = vector.broadcast %squeeze3A_655 : f32 to vector<16xf32>
        %mul3A_671 = arith.mulf %get3A_669, %mul3A_670 : vector<16xf32>
        %swap3A_672 = arith.index_cast %add3A_653 : i32 to index
        %swap3A_673 = arith.constant 16 : index
        %swap3A_674 = tpu.vector_load %arg15[%swap3A_672, %swap3A_673] {strides = array<i32>} : memref<128x64xf32, #tpu.memory_space<vmem>>, vector<16xf32>,
        tpu.vector_store %arg15[%swap3A_672, %swap3A_673], %mul3A_671 {strides = array<i32>} : memref<128x64xf32, #tpu.memory_space<vmem>>, vector<16xf32>,
        %swap3A_675 = arith.index_cast %add3A_653 : i32 to index
        %swap3A_676 = arith.constant 48 : index
        %swap3A_677 = tpu.vector_load %arg15[%swap3A_675, %swap3A_676] {strides = array<i32>} : memref<128x64xf32, #tpu.memory_space<vmem>>, vector<16xf32>,
        tpu.vector_store %arg15[%swap3A_675, %swap3A_676], %get3A_669 {strides = array<i32>} : memref<128x64xf32, #tpu.memory_space<vmem>>, vector<16xf32>,
        %mul3A_678 = arith.constant 16 : i32
        %mul3A_679 = arith.muli %scan3A_255, %mul3A_678 : i32
        %add3A_680 = arith.constant 15 : i32
        %add3A_681 = arith.addi %mul3A_679, %add3A_680 : i32
        %slice3A_682 = vector.extract_strided_slice %get3A_260 {offsets = [15], sizes = [1], strides = [1]} : vector<16xf32> to vector<1xf32>
        %squeeze3A_683 = vector.extract %slice3A_682[0] : f32 from vector<1xf32>
        %get3A_684 = arith.index_cast %add3A_681 : i32 to index
        %get3A_685 = arith.constant 0 : index
        %get3A_686 = tpu.vector_load %arg14[%get3A_684, %get3A_685] {strides = array<i32>} : memref<128x32xf32, #tpu.memory_space<vmem>>, vector<16xf32>,
        %mul3A_687 = vector.broadcast %squeeze3A_683 : f32 to vector<16xf32>
        %mul3A_688 = arith.mulf %get3A_686, %mul3A_687 : vector<16xf32>
        %swap3A_689 = arith.index_cast %add3A_681 : i32 to index
        %swap3A_690 = arith.constant 0 : index
        %swap3A_691 = tpu.vector_load %arg15[%swap3A_689, %swap3A_690] {strides = array<i32>} : memref<128x64xf32, #tpu.memory_space<vmem>>, vector<16xf32>,
        tpu.vector_store %arg15[%swap3A_689, %swap3A_690], %mul3A_688 {strides = array<i32>} : memref<128x64xf32, #tpu.memory_space<vmem>>, vector<16xf32>,
        %swap3A_692 = arith.index_cast %add3A_681 : i32 to index
        %swap3A_693 = arith.constant 32 : index
        %swap3A_694 = tpu.vector_load %arg15[%swap3A_692, %swap3A_693] {strides = array<i32>} : memref<128x64xf32, #tpu.memory_space<vmem>>, vector<16xf32>,
        tpu.vector_store %arg15[%swap3A_692, %swap3A_693], %get3A_686 {strides = array<i32>} : memref<128x64xf32, #tpu.memory_space<vmem>>, vector<16xf32>,
        %get3A_695 = arith.index_cast %add3A_681 : i32 to index
        %get3A_696 = arith.constant 16 : index
        %get3A_697 = tpu.vector_load %arg14[%get3A_695, %get3A_696] {strides = array<i32>} : memref<128x32xf32, #tpu.memory_space<vmem>>, vector<16xf32>,
        %mul3A_698 = vector.broadcast %squeeze3A_683 : f32 to vector<16xf32>
        %mul3A_699 = arith.mulf %get3A_697, %mul3A_698 : vector<16xf32>
        %swap3A_700 = arith.index_cast %add3A_681 : i32 to index
        %swap3A_701 = arith.constant 16 : index
        %swap3A_702 = tpu.vector_load %arg15[%swap3A_700, %swap3A_701] {strides = array<i32>} : memref<128x64xf32, #tpu.memory_space<vmem>>, vector<16xf32>,
        tpu.vector_store %arg15[%swap3A_700, %swap3A_701], %mul3A_699 {strides = array<i32>} : memref<128x64xf32, #tpu.memory_space<vmem>>, vector<16xf32>,
        %swap3A_703 = arith.index_cast %add3A_681 : i32 to index
        %swap3A_704 = arith.constant 48 : index
        %swap3A_705 = tpu.vector_load %arg15[%swap3A_703, %swap3A_704] {strides = array<i32>} : memref<128x64xf32, #tpu.memory_space<vmem>>, vector<16xf32>,
        tpu.vector_store %arg15[%swap3A_703, %swap3A_704], %get3A_697 {strides = array<i32>} : memref<128x64xf32, #tpu.memory_space<vmem>>, vector<16xf32>,
        %scan3A_706 = arith.constant 0 : i32
        scf.yield %scan3A_706 : i32
      }
      %scan3A_253 = arith.constant 8 : i32
      "tpu.region"() ({
        %run_scoped3A_255 = tpu.sem_alloc : memref<!tpu.dma_semaphore, #tpu.memory_space<semaphore_mem>>
        %dma_start3A_256 = arith.constant 0 : i32
        %dma_start3A_257 = tpu.memref_slice %arg12[%scan3A_235, %dma_start3A_256] : memref<79x128xi32, #tpu.memory_space<vmem>> -> memref<1x128xi32, #tpu.memory_space<vmem>>
        %dma_start3A_258 = tpu.memref_squeeze %dma_start3A_257 : memref<1x128xi32, #tpu.memory_space<vmem>> -> memref<128xi32, #tpu.memory_space<vmem>>
        %dma_start3A_259 = arith.constant 0 : i32
        %dma_start3A_260 = arith.constant 0 : i32
        %dma_start3A_261 = tpu.memref_slice %arg18[%dma_start3A_259, %dma_start3A_260] : memref<10240x64xf32, #tpu.memory_space<vmem_shared>> -> memref<10240x64xf32, #tpu.memory_space<vmem_shared>>
        tpu.enqueue_indirect_dma source(%arg15 : memref<128x64xf32, #tpu.memory_space<vmem>>) target(%dma_start3A_261 : memref<10240x64xf32, #tpu.memory_space<vmem_shared>>) offsets(%dma_start3A_258 : memref<128xi32, #tpu.memory_space<vmem>>) semaphore(%run_scoped3A_255 : memref<!tpu.dma_semaphore, #tpu.memory_space<semaphore_mem>>) {add = true}
        %dma_wait3A_262 = arith.constant 0 : i32
        %dma_wait3A_263 = tpu.memref_slice %arg12[%scan3A_235, %dma_wait3A_262] : memref<79x128xi32, #tpu.memory_space<vmem>> -> memref<1x128xi32, #tpu.memory_space<vmem>>
        %dma_wait3A_264 = tpu.memref_squeeze %dma_wait3A_263 : memref<1x128xi32, #tpu.memory_space<vmem>> -> memref<128xi32, #tpu.memory_space<vmem>>
        %dma_wait3A_265 = arith.constant 0 : i32
        %dma_wait3A_266 = arith.constant 0 : i32
        %dma_wait3A_267 = tpu.memref_slice %arg18[%dma_wait3A_265, %dma_wait3A_266] : memref<10240x64xf32, #tpu.memory_space<vmem_shared>> -> memref<10240x64xf32, #tpu.memory_space<vmem_shared>>
        tpu.wait_indirect_dma semaphore(%run_scoped3A_255 : memref<!tpu.dma_semaphore, #tpu.memory_space<semaphore_mem>>) src(%arg15 : memref<128x64xf32, #tpu.memory_space<vmem>>) dst(%dma_wait3A_267 : memref<10240x64xf32, #tpu.memory_space<vmem_shared>>)
        tpu.yield
      }) : () -> ()
      %scan3A_254 = arith.constant 0 : i32
      scf.yield %scan3A_254 : i32
    }
    %scan3A_97 = arith.constant 79 : i32
    %barrier3A_98 = arith.constant 0 : index
    tpu.barrier barrier_id(%barrier3A_98)
    %mul3A_99 = arith.constant 640 : i32
    %mul3A_100 = arith.muli %arg1, %mul3A_99 : i32
    %add3A_101 = arith.constant 0 : i32
    %add3A_102 = arith.addi %mul3A_100, %add3A_101 : i32
    "tpu.region"() ({
      %run_scoped3A_235 = tpu.sem_alloc : memref<!tpu.dma_semaphore, #tpu.memory_space<semaphore_mem>>
      %dma_start3A = arith.constant 0 : i32
      %dma_start3A_236 = tpu.memref_slice %arg18[%add3A_102, %dma_start3A] : memref<10240x64xf32, #tpu.memory_space<vmem_shared>> -> memref<128x64xf32, #tpu.memory_space<vmem_shared>>
      %dma_start3A_237 = arith.constant 0 : i32
      %dma_start3A_238 = tpu.memref_slice %arg18[%add3A_102, %dma_start3A_237] : memref<10240x64xf32, #tpu.memory_space<vmem_shared>> -> memref<128x64xf32, #tpu.memory_space<vmem_shared>>
      tpu.enqueue_dma source(%dma_start3A_238 : memref<128x64xf32, #tpu.memory_space<vmem_shared>>) target(%arg15 : memref<128x64xf32, #tpu.memory_space<vmem>>) target_semaphore(%run_scoped3A_235 : memref<!tpu.dma_semaphore, #tpu.memory_space<semaphore_mem>>)
      %dma_wait3A = arith.constant 0 : i32
      %dma_wait3A_239 = tpu.memref_slice %arg18[%add3A_102, %dma_wait3A] : memref<10240x64xf32, #tpu.memory_space<vmem_shared>> -> memref<128x64xf32, #tpu.memory_space<vmem_shared>>
      %dma_wait3A_240 = arith.constant 0 : i32
      %dma_wait3A_241 = tpu.memref_slice %arg18[%add3A_102, %dma_wait3A_240] : memref<10240x64xf32, #tpu.memory_space<vmem_shared>> -> memref<128x64xf32, #tpu.memory_space<vmem_shared>>
      tpu.wait_dma2 semaphore(%run_scoped3A_235 : memref<!tpu.dma_semaphore, #tpu.memory_space<semaphore_mem>>) src(%dma_wait3A_241 : memref<128x64xf32, #tpu.memory_space<vmem_shared>>) dst(%arg15 : memref<128x64xf32, #tpu.memory_space<vmem>>)
      tpu.yield
    }) : () -> ()
    %run_scoped3A_103 = arith.constant 1 : i32
    "tpu.region"() ({
      %run_scoped3A_235 = tpu.sem_alloc : memref<!tpu.dma_semaphore, #tpu.memory_space<semaphore_mem>>
      %dma_start3A = arith.constant 0 : i32
      %dma_start3A_236 = tpu.memref_slice %arg9[%arg0, %run_scoped3A_103, %add3A_102, %dma_start3A] : memref<2x4x10240x64xf32, #tpu.memory_space<hbm>> -> memref<1x1x128x64xf32, #tpu.memory_space<hbm>>
      %dma_start3A_237 = tpu.memref_squeeze %dma_start3A_236 : memref<1x1x128x64xf32, #tpu.memory_space<hbm>> -> memref<128x64xf32, #tpu.memory_space<hbm>>
      %dma_start3A_238 = arith.constant 0 : i32
      %dma_start3A_239 = tpu.memref_slice %arg9[%arg0, %run_scoped3A_103, %add3A_102, %dma_start3A_238] : memref<2x4x10240x64xf32, #tpu.memory_space<hbm>> -> memref<1x1x128x64xf32, #tpu.memory_space<hbm>>
      %dma_start3A_240 = tpu.memref_squeeze %dma_start3A_239 : memref<1x1x128x64xf32, #tpu.memory_space<hbm>> -> memref<128x64xf32, #tpu.memory_space<hbm>>
      tpu.enqueue_dma source(%arg15 : memref<128x64xf32, #tpu.memory_space<vmem>>) target(%dma_start3A_240 : memref<128x64xf32, #tpu.memory_space<hbm>>) target_semaphore(%run_scoped3A_235 : memref<!tpu.dma_semaphore, #tpu.memory_space<semaphore_mem>>)
      %dma_wait3A = arith.constant 0 : i32
      %dma_wait3A_241 = tpu.memref_slice %arg9[%arg0, %run_scoped3A_103, %add3A_102, %dma_wait3A] : memref<2x4x10240x64xf32, #tpu.memory_space<hbm>> -> memref<1x1x128x64xf32, #tpu.memory_space<hbm>>
      %dma_wait3A_242 = tpu.memref_squeeze %dma_wait3A_241 : memref<1x1x128x64xf32, #tpu.memory_space<hbm>> -> memref<128x64xf32, #tpu.memory_space<hbm>>
      %dma_wait3A_243 = arith.constant 0 : i32
      %dma_wait3A_244 = tpu.memref_slice %arg9[%arg0, %run_scoped3A_103, %add3A_102, %dma_wait3A_243] : memref<2x4x10240x64xf32, #tpu.memory_space<hbm>> -> memref<1x1x128x64xf32, #tpu.memory_space<hbm>>
      %dma_wait3A_245 = tpu.memref_squeeze %dma_wait3A_244 : memref<1x1x128x64xf32, #tpu.memory_space<hbm>> -> memref<128x64xf32, #tpu.memory_space<hbm>>
      tpu.wait_dma2 semaphore(%run_scoped3A_235 : memref<!tpu.dma_semaphore, #tpu.memory_space<semaphore_mem>>) src(%arg15 : memref<128x64xf32, #tpu.memory_space<vmem>>) dst(%dma_wait3A_245 : memref<128x64xf32, #tpu.memory_space<hbm>>)
      tpu.yield
    }) : () -> ()
    %mul3A_104 = arith.constant 640 : i32
    %mul3A_105 = arith.muli %arg1, %mul3A_104 : i32
    %add3A_106 = arith.constant 128 : i32
    %add3A_107 = arith.addi %mul3A_105, %add3A_106 : i32
    "tpu.region"() ({
      %run_scoped3A_235 = tpu.sem_alloc : memref<!tpu.dma_semaphore, #tpu.memory_space<semaphore_mem>>
      %dma_start3A = arith.constant 0 : i32
      %dma_start3A_236 = tpu.memref_slice %arg18[%add3A_107, %dma_start3A] : memref<10240x64xf32, #tpu.memory_space<vmem_shared>> -> memref<128x64xf32, #tpu.memory_space<vmem_shared>>
      %dma_start3A_237 = arith.constant 0 : i32
      %dma_start3A_238 = tpu.memref_slice %arg18[%add3A_107, %dma_start3A_237] : memref<10240x64xf32, #tpu.memory_space<vmem_shared>> -> memref<128x64xf32, #tpu.memory_space<vmem_shared>>
      tpu.enqueue_dma source(%dma_start3A_238 : memref<128x64xf32, #tpu.memory_space<vmem_shared>>) target(%arg15 : memref<128x64xf32, #tpu.memory_space<vmem>>) target_semaphore(%run_scoped3A_235 : memref<!tpu.dma_semaphore, #tpu.memory_space<semaphore_mem>>)
      %dma_wait3A = arith.constant 0 : i32
      %dma_wait3A_239 = tpu.memref_slice %arg18[%add3A_107, %dma_wait3A] : memref<10240x64xf32, #tpu.memory_space<vmem_shared>> -> memref<128x64xf32, #tpu.memory_space<vmem_shared>>
      %dma_wait3A_240 = arith.constant 0 : i32
      %dma_wait3A_241 = tpu.memref_slice %arg18[%add3A_107, %dma_wait3A_240] : memref<10240x64xf32, #tpu.memory_space<vmem_shared>> -> memref<128x64xf32, #tpu.memory_space<vmem_shared>>
      tpu.wait_dma2 semaphore(%run_scoped3A_235 : memref<!tpu.dma_semaphore, #tpu.memory_space<semaphore_mem>>) src(%dma_wait3A_241 : memref<128x64xf32, #tpu.memory_space<vmem_shared>>) dst(%arg15 : memref<128x64xf32, #tpu.memory_space<vmem>>)
      tpu.yield
    }) : () -> ()
    %run_scoped3A_108 = arith.constant 1 : i32
    "tpu.region"() ({
      %run_scoped3A_235 = tpu.sem_alloc : memref<!tpu.dma_semaphore, #tpu.memory_space<semaphore_mem>>
      %dma_start3A = arith.constant 0 : i32
      %dma_start3A_236 = tpu.memref_slice %arg9[%arg0, %run_scoped3A_108, %add3A_107, %dma_start3A] : memref<2x4x10240x64xf32, #tpu.memory_space<hbm>> -> memref<1x1x128x64xf32, #tpu.memory_space<hbm>>
      %dma_start3A_237 = tpu.memref_squeeze %dma_start3A_236 : memref<1x1x128x64xf32, #tpu.memory_space<hbm>> -> memref<128x64xf32, #tpu.memory_space<hbm>>
      %dma_start3A_238 = arith.constant 0 : i32
      %dma_start3A_239 = tpu.memref_slice %arg9[%arg0, %run_scoped3A_108, %add3A_107, %dma_start3A_238] : memref<2x4x10240x64xf32, #tpu.memory_space<hbm>> -> memref<1x1x128x64xf32, #tpu.memory_space<hbm>>
      %dma_start3A_240 = tpu.memref_squeeze %dma_start3A_239 : memref<1x1x128x64xf32, #tpu.memory_space<hbm>> -> memref<128x64xf32, #tpu.memory_space<hbm>>
      tpu.enqueue_dma source(%arg15 : memref<128x64xf32, #tpu.memory_space<vmem>>) target(%dma_start3A_240 : memref<128x64xf32, #tpu.memory_space<hbm>>) target_semaphore(%run_scoped3A_235 : memref<!tpu.dma_semaphore, #tpu.memory_space<semaphore_mem>>)
      %dma_wait3A = arith.constant 0 : i32
      %dma_wait3A_241 = tpu.memref_slice %arg9[%arg0, %run_scoped3A_108, %add3A_107, %dma_wait3A] : memref<2x4x10240x64xf32, #tpu.memory_space<hbm>> -> memref<1x1x128x64xf32, #tpu.memory_space<hbm>>
      %dma_wait3A_242 = tpu.memref_squeeze %dma_wait3A_241 : memref<1x1x128x64xf32, #tpu.memory_space<hbm>> -> memref<128x64xf32, #tpu.memory_space<hbm>>
      %dma_wait3A_243 = arith.constant 0 : i32
      %dma_wait3A_244 = tpu.memref_slice %arg9[%arg0, %run_scoped3A_108, %add3A_107, %dma_wait3A_243] : memref<2x4x10240x64xf32, #tpu.memory_space<hbm>> -> memref<1x1x128x64xf32, #tpu.memory_space<hbm>>
      %dma_wait3A_245 = tpu.memref_squeeze %dma_wait3A_244 : memref<1x1x128x64xf32, #tpu.memory_space<hbm>> -> memref<128x64xf32, #tpu.memory_space<hbm>>
      tpu.wait_dma2 semaphore(%run_scoped3A_235 : memref<!tpu.dma_semaphore, #tpu.memory_space<semaphore_mem>>) src(%arg15 : memref<128x64xf32, #tpu.memory_space<vmem>>) dst(%dma_wait3A_245 : memref<128x64xf32, #tpu.memory_space<hbm>>)
      tpu.yield
    }) : () -> ()
    %mul3A_109 = arith.constant 640 : i32
    %mul3A_110 = arith.muli %arg1, %mul3A_109 : i32
    %add3A_111 = arith.constant 256 : i32
    %add3A_112 = arith.addi %mul3A_110, %add3A_111 : i32
    "tpu.region"() ({
      %run_scoped3A_235 = tpu.sem_alloc : memref<!tpu.dma_semaphore, #tpu.memory_space<semaphore_mem>>
      %dma_start3A = arith.constant 0 : i32
      %dma_start3A_236 = tpu.memref_slice %arg18[%add3A_112, %dma_start3A] : memref<10240x64xf32, #tpu.memory_space<vmem_shared>> -> memref<128x64xf32, #tpu.memory_space<vmem_shared>>
      %dma_start3A_237 = arith.constant 0 : i32
      %dma_start3A_238 = tpu.memref_slice %arg18[%add3A_112, %dma_start3A_237] : memref<10240x64xf32, #tpu.memory_space<vmem_shared>> -> memref<128x64xf32, #tpu.memory_space<vmem_shared>>
      tpu.enqueue_dma source(%dma_start3A_238 : memref<128x64xf32, #tpu.memory_space<vmem_shared>>) target(%arg15 : memref<128x64xf32, #tpu.memory_space<vmem>>) target_semaphore(%run_scoped3A_235 : memref<!tpu.dma_semaphore, #tpu.memory_space<semaphore_mem>>)
      %dma_wait3A = arith.constant 0 : i32
      %dma_wait3A_239 = tpu.memref_slice %arg18[%add3A_112, %dma_wait3A] : memref<10240x64xf32, #tpu.memory_space<vmem_shared>> -> memref<128x64xf32, #tpu.memory_space<vmem_shared>>
      %dma_wait3A_240 = arith.constant 0 : i32
      %dma_wait3A_241 = tpu.memref_slice %arg18[%add3A_112, %dma_wait3A_240] : memref<10240x64xf32, #tpu.memory_space<vmem_shared>> -> memref<128x64xf32, #tpu.memory_space<vmem_shared>>
      tpu.wait_dma2 semaphore(%run_scoped3A_235 : memref<!tpu.dma_semaphore, #tpu.memory_space<semaphore_mem>>) src(%dma_wait3A_241 : memref<128x64xf32, #tpu.memory_space<vmem_shared>>) dst(%arg15 : memref<128x64xf32, #tpu.memory_space<vmem>>)
      tpu.yield
    }) : () -> ()
    %run_scoped3A_113 = arith.constant 1 : i32
    "tpu.region"() ({
      %run_scoped3A_235 = tpu.sem_alloc : memref<!tpu.dma_semaphore, #tpu.memory_space<semaphore_mem>>
      %dma_start3A = arith.constant 0 : i32
      %dma_start3A_236 = tpu.memref_slice %arg9[%arg0, %run_scoped3A_113, %add3A_112, %dma_start3A] : memref<2x4x10240x64xf32, #tpu.memory_space<hbm>> -> memref<1x1x128x64xf32, #tpu.memory_space<hbm>>
      %dma_start3A_237 = tpu.memref_squeeze %dma_start3A_236 : memref<1x1x128x64xf32, #tpu.memory_space<hbm>> -> memref<128x64xf32, #tpu.memory_space<hbm>>
      %dma_start3A_238 = arith.constant 0 : i32
      %dma_start3A_239 = tpu.memref_slice %arg9[%arg0, %run_scoped3A_113, %add3A_112, %dma_start3A_238] : memref<2x4x10240x64xf32, #tpu.memory_space<hbm>> -> memref<1x1x128x64xf32, #tpu.memory_space<hbm>>
      %dma_start3A_240 = tpu.memref_squeeze %dma_start3A_239 : memref<1x1x128x64xf32, #tpu.memory_space<hbm>> -> memref<128x64xf32, #tpu.memory_space<hbm>>
      tpu.enqueue_dma source(%arg15 : memref<128x64xf32, #tpu.memory_space<vmem>>) target(%dma_start3A_240 : memref<128x64xf32, #tpu.memory_space<hbm>>) target_semaphore(%run_scoped3A_235 : memref<!tpu.dma_semaphore, #tpu.memory_space<semaphore_mem>>)
      %dma_wait3A = arith.constant 0 : i32
      %dma_wait3A_241 = tpu.memref_slice %arg9[%arg0, %run_scoped3A_113, %add3A_112, %dma_wait3A] : memref<2x4x10240x64xf32, #tpu.memory_space<hbm>> -> memref<1x1x128x64xf32, #tpu.memory_space<hbm>>
      %dma_wait3A_242 = tpu.memref_squeeze %dma_wait3A_241 : memref<1x1x128x64xf32, #tpu.memory_space<hbm>> -> memref<128x64xf32, #tpu.memory_space<hbm>>
      %dma_wait3A_243 = arith.constant 0 : i32
      %dma_wait3A_244 = tpu.memref_slice %arg9[%arg0, %run_scoped3A_113, %add3A_112, %dma_wait3A_243] : memref<2x4x10240x64xf32, #tpu.memory_space<hbm>> -> memref<1x1x128x64xf32, #tpu.memory_space<hbm>>
      %dma_wait3A_245 = tpu.memref_squeeze %dma_wait3A_244 : memref<1x1x128x64xf32, #tpu.memory_space<hbm>> -> memref<128x64xf32, #tpu.memory_space<hbm>>
      tpu.wait_dma2 semaphore(%run_scoped3A_235 : memref<!tpu.dma_semaphore, #tpu.memory_space<semaphore_mem>>) src(%arg15 : memref<128x64xf32, #tpu.memory_space<vmem>>) dst(%dma_wait3A_245 : memref<128x64xf32, #tpu.memory_space<hbm>>)
      tpu.yield
    }) : () -> ()
    %mul3A_114 = arith.constant 640 : i32
    %mul3A_115 = arith.muli %arg1, %mul3A_114 : i32
    %add3A_116 = arith.constant 384 : i32
    %add3A_117 = arith.addi %mul3A_115, %add3A_116 : i32
    "tpu.region"() ({
      %run_scoped3A_235 = tpu.sem_alloc : memref<!tpu.dma_semaphore, #tpu.memory_space<semaphore_mem>>
      %dma_start3A = arith.constant 0 : i32
      %dma_start3A_236 = tpu.memref_slice %arg18[%add3A_117, %dma_start3A] : memref<10240x64xf32, #tpu.memory_space<vmem_shared>> -> memref<128x64xf32, #tpu.memory_space<vmem_shared>>
      %dma_start3A_237 = arith.constant 0 : i32
      %dma_start3A_238 = tpu.memref_slice %arg18[%add3A_117, %dma_start3A_237] : memref<10240x64xf32, #tpu.memory_space<vmem_shared>> -> memref<128x64xf32, #tpu.memory_space<vmem_shared>>
      tpu.enqueue_dma source(%dma_start3A_238 : memref<128x64xf32, #tpu.memory_space<vmem_shared>>) target(%arg15 : memref<128x64xf32, #tpu.memory_space<vmem>>) target_semaphore(%run_scoped3A_235 : memref<!tpu.dma_semaphore, #tpu.memory_space<semaphore_mem>>)
      %dma_wait3A = arith.constant 0 : i32
      %dma_wait3A_239 = tpu.memref_slice %arg18[%add3A_117, %dma_wait3A] : memref<10240x64xf32, #tpu.memory_space<vmem_shared>> -> memref<128x64xf32, #tpu.memory_space<vmem_shared>>
      %dma_wait3A_240 = arith.constant 0 : i32
      %dma_wait3A_241 = tpu.memref_slice %arg18[%add3A_117, %dma_wait3A_240] : memref<10240x64xf32, #tpu.memory_space<vmem_shared>> -> memref<128x64xf32, #tpu.memory_space<vmem_shared>>
      tpu.wait_dma2 semaphore(%run_scoped3A_235 : memref<!tpu.dma_semaphore, #tpu.memory_space<semaphore_mem>>) src(%dma_wait3A_241 : memref<128x64xf32, #tpu.memory_space<vmem_shared>>) dst(%arg15 : memref<128x64xf32, #tpu.memory_space<vmem>>)
      tpu.yield
    }) : () -> ()
    %run_scoped3A_118 = arith.constant 1 : i32
    "tpu.region"() ({
      %run_scoped3A_235 = tpu.sem_alloc : memref<!tpu.dma_semaphore, #tpu.memory_space<semaphore_mem>>
      %dma_start3A = arith.constant 0 : i32
      %dma_start3A_236 = tpu.memref_slice %arg9[%arg0, %run_scoped3A_118, %add3A_117, %dma_start3A] : memref<2x4x10240x64xf32, #tpu.memory_space<hbm>> -> memref<1x1x128x64xf32, #tpu.memory_space<hbm>>
      %dma_start3A_237 = tpu.memref_squeeze %dma_start3A_236 : memref<1x1x128x64xf32, #tpu.memory_space<hbm>> -> memref<128x64xf32, #tpu.memory_space<hbm>>
      %dma_start3A_238 = arith.constant 0 : i32
      %dma_start3A_239 = tpu.memref_slice %arg9[%arg0, %run_scoped3A_118, %add3A_117, %dma_start3A_238] : memref<2x4x10240x64xf32, #tpu.memory_space<hbm>> -> memref<1x1x128x64xf32, #tpu.memory_space<hbm>>
      %dma_start3A_240 = tpu.memref_squeeze %dma_start3A_239 : memref<1x1x128x64xf32, #tpu.memory_space<hbm>> -> memref<128x64xf32, #tpu.memory_space<hbm>>
      tpu.enqueue_dma source(%arg15 : memref<128x64xf32, #tpu.memory_space<vmem>>) target(%dma_start3A_240 : memref<128x64xf32, #tpu.memory_space<hbm>>) target_semaphore(%run_scoped3A_235 : memref<!tpu.dma_semaphore, #tpu.memory_space<semaphore_mem>>)
      %dma_wait3A = arith.constant 0 : i32
      %dma_wait3A_241 = tpu.memref_slice %arg9[%arg0, %run_scoped3A_118, %add3A_117, %dma_wait3A] : memref<2x4x10240x64xf32, #tpu.memory_space<hbm>> -> memref<1x1x128x64xf32, #tpu.memory_space<hbm>>
      %dma_wait3A_242 = tpu.memref_squeeze %dma_wait3A_241 : memref<1x1x128x64xf32, #tpu.memory_space<hbm>> -> memref<128x64xf32, #tpu.memory_space<hbm>>
      %dma_wait3A_243 = arith.constant 0 : i32
      %dma_wait3A_244 = tpu.memref_slice %arg9[%arg0, %run_scoped3A_118, %add3A_117, %dma_wait3A_243] : memref<2x4x10240x64xf32, #tpu.memory_space<hbm>> -> memref<1x1x128x64xf32, #tpu.memory_space<hbm>>
      %dma_wait3A_245 = tpu.memref_squeeze %dma_wait3A_244 : memref<1x1x128x64xf32, #tpu.memory_space<hbm>> -> memref<128x64xf32, #tpu.memory_space<hbm>>
      tpu.wait_dma2 semaphore(%run_scoped3A_235 : memref<!tpu.dma_semaphore, #tpu.memory_space<semaphore_mem>>) src(%arg15 : memref<128x64xf32, #tpu.memory_space<vmem>>) dst(%dma_wait3A_245 : memref<128x64xf32, #tpu.memory_space<hbm>>)
      tpu.yield
    }) : () -> ()
    %mul3A_119 = arith.constant 640 : i32
    %mul3A_120 = arith.muli %arg1, %mul3A_119 : i32
    %add3A_121 = arith.constant 512 : i32
    %add3A_122 = arith.addi %mul3A_120, %add3A_121 : i32
    "tpu.region"() ({
      %run_scoped3A_235 = tpu.sem_alloc : memref<!tpu.dma_semaphore, #tpu.memory_space<semaphore_mem>>
      %dma_start3A = arith.constant 0 : i32
      %dma_start3A_236 = tpu.memref_slice %arg18[%add3A_122, %dma_start3A] : memref<10240x64xf32, #tpu.memory_space<vmem_shared>> -> memref<128x64xf32, #tpu.memory_space<vmem_shared>>
      %dma_start3A_237 = arith.constant 0 : i32
      %dma_start3A_238 = tpu.memref_slice %arg18[%add3A_122, %dma_start3A_237] : memref<10240x64xf32, #tpu.memory_space<vmem_shared>> -> memref<128x64xf32, #tpu.memory_space<vmem_shared>>
      tpu.enqueue_dma source(%dma_start3A_238 : memref<128x64xf32, #tpu.memory_space<vmem_shared>>) target(%arg15 : memref<128x64xf32, #tpu.memory_space<vmem>>) target_semaphore(%run_scoped3A_235 : memref<!tpu.dma_semaphore, #tpu.memory_space<semaphore_mem>>)
      %dma_wait3A = arith.constant 0 : i32
      %dma_wait3A_239 = tpu.memref_slice %arg18[%add3A_122, %dma_wait3A] : memref<10240x64xf32, #tpu.memory_space<vmem_shared>> -> memref<128x64xf32, #tpu.memory_space<vmem_shared>>
      %dma_wait3A_240 = arith.constant 0 : i32
      %dma_wait3A_241 = tpu.memref_slice %arg18[%add3A_122, %dma_wait3A_240] : memref<10240x64xf32, #tpu.memory_space<vmem_shared>> -> memref<128x64xf32, #tpu.memory_space<vmem_shared>>
      tpu.wait_dma2 semaphore(%run_scoped3A_235 : memref<!tpu.dma_semaphore, #tpu.memory_space<semaphore_mem>>) src(%dma_wait3A_241 : memref<128x64xf32, #tpu.memory_space<vmem_shared>>) dst(%arg15 : memref<128x64xf32, #tpu.memory_space<vmem>>)
      tpu.yield
    }) : () -> ()
    %run_scoped3A_123 = arith.constant 1 : i32
    "tpu.region"() ({
      %run_scoped3A_235 = tpu.sem_alloc : memref<!tpu.dma_semaphore, #tpu.memory_space<semaphore_mem>>
      %dma_start3A = arith.constant 0 : i32
      %dma_start3A_236 = tpu.memref_slice %arg9[%arg0, %run_scoped3A_123, %add3A_122, %dma_start3A] : memref<2x4x10240x64xf32, #tpu.memory_space<hbm>> -> memref<1x1x128x64xf32, #tpu.memory_space<hbm>>
      %dma_start3A_237 = tpu.memref_squeeze %dma_start3A_236 : memref<1x1x128x64xf32, #tpu.memory_space<hbm>> -> memref<128x64xf32, #tpu.memory_space<hbm>>
      %dma_start3A_238 = arith.constant 0 : i32
      %dma_start3A_239 = tpu.memref_slice %arg9[%arg0, %run_scoped3A_123, %add3A_122, %dma_start3A_238] : memref<2x4x10240x64xf32, #tpu.memory_space<hbm>> -> memref<1x1x128x64xf32, #tpu.memory_space<hbm>>
      %dma_start3A_240 = tpu.memref_squeeze %dma_start3A_239 : memref<1x1x128x64xf32, #tpu.memory_space<hbm>> -> memref<128x64xf32, #tpu.memory_space<hbm>>
      tpu.enqueue_dma source(%arg15 : memref<128x64xf32, #tpu.memory_space<vmem>>) target(%dma_start3A_240 : memref<128x64xf32, #tpu.memory_space<hbm>>) target_semaphore(%run_scoped3A_235 : memref<!tpu.dma_semaphore, #tpu.memory_space<semaphore_mem>>)
      %dma_wait3A = arith.constant 0 : i32
      %dma_wait3A_241 = tpu.memref_slice %arg9[%arg0, %run_scoped3A_123, %add3A_122, %dma_wait3A] : memref<2x4x10240x64xf32, #tpu.memory_space<hbm>> -> memref<1x1x128x64xf32, #tpu.memory_space<hbm>>
      %dma_wait3A_242 = tpu.memref_squeeze %dma_wait3A_241 : memref<1x1x128x64xf32, #tpu.memory_space<hbm>> -> memref<128x64xf32, #tpu.memory_space<hbm>>
      %dma_wait3A_243 = arith.constant 0 : i32
      %dma_wait3A_244 = tpu.memref_slice %arg9[%arg0, %run_scoped3A_123, %add3A_122, %dma_wait3A_243] : memref<2x4x10240x64xf32, #tpu.memory_space<hbm>> -> memref<1x1x128x64xf32, #tpu.memory_space<hbm>>
      %dma_wait3A_245 = tpu.memref_squeeze %dma_wait3A_244 : memref<1x1x128x64xf32, #tpu.memory_space<hbm>> -> memref<128x64xf32, #tpu.memory_space<hbm>>
      tpu.wait_dma2 semaphore(%run_scoped3A_235 : memref<!tpu.dma_semaphore, #tpu.memory_space<semaphore_mem>>) src(%arg15 : memref<128x64xf32, #tpu.memory_space<vmem>>) dst(%dma_wait3A_245 : memref<128x64xf32, #tpu.memory_space<hbm>>)
      tpu.yield
    }) : () -> ()
    %barrier3A_124 = arith.constant 0 : index
    tpu.barrier barrier_id(%barrier3A_124)
    %mul3A_125 = arith.constant 640 : i32
    %mul3A_126 = arith.muli %arg1, %mul3A_125 : i32
    %add3A_127 = arith.constant 0 : i32
    %add3A_128 = arith.addi %mul3A_126, %add3A_127 : i32
    "tpu.region"() ({
      %run_scoped3A_235 = tpu.sem_alloc : memref<!tpu.dma_semaphore, #tpu.memory_space<semaphore_mem>>
      %dma_start3A = arith.constant 0 : i32
      %dma_start3A_236 = tpu.memref_slice %arg18[%add3A_128, %dma_start3A] : memref<10240x64xf32, #tpu.memory_space<vmem_shared>> -> memref<128x64xf32, #tpu.memory_space<vmem_shared>>
      %dma_start3A_237 = arith.constant 0 : i32
      %dma_start3A_238 = tpu.memref_slice %arg18[%add3A_128, %dma_start3A_237] : memref<10240x64xf32, #tpu.memory_space<vmem_shared>> -> memref<128x64xf32, #tpu.memory_space<vmem_shared>>
      tpu.enqueue_dma source(%arg16 : memref<128x64xf32, #tpu.memory_space<vmem>>) target(%dma_start3A_238 : memref<128x64xf32, #tpu.memory_space<vmem_shared>>) target_semaphore(%run_scoped3A_235 : memref<!tpu.dma_semaphore, #tpu.memory_space<semaphore_mem>>)
      %dma_wait3A = arith.constant 0 : i32
      %dma_wait3A_239 = tpu.memref_slice %arg18[%add3A_128, %dma_wait3A] : memref<10240x64xf32, #tpu.memory_space<vmem_shared>> -> memref<128x64xf32, #tpu.memory_space<vmem_shared>>
      %dma_wait3A_240 = arith.constant 0 : i32
      %dma_wait3A_241 = tpu.memref_slice %arg18[%add3A_128, %dma_wait3A_240] : memref<10240x64xf32, #tpu.memory_space<vmem_shared>> -> memref<128x64xf32, #tpu.memory_space<vmem_shared>>
      tpu.wait_dma2 semaphore(%run_scoped3A_235 : memref<!tpu.dma_semaphore, #tpu.memory_space<semaphore_mem>>) src(%arg16 : memref<128x64xf32, #tpu.memory_space<vmem>>) dst(%dma_wait3A_241 : memref<128x64xf32, #tpu.memory_space<vmem_shared>>)
      tpu.yield
    }) : () -> ()
    %mul3A_129 = arith.constant 640 : i32
    %mul3A_130 = arith.muli %arg1, %mul3A_129 : i32
    %add3A_131 = arith.constant 128 : i32
    %add3A_132 = arith.addi %mul3A_130, %add3A_131 : i32
    "tpu.region"() ({
      %run_scoped3A_235 = tpu.sem_alloc : memref<!tpu.dma_semaphore, #tpu.memory_space<semaphore_mem>>
      %dma_start3A = arith.constant 0 : i32
      %dma_start3A_236 = tpu.memref_slice %arg18[%add3A_132, %dma_start3A] : memref<10240x64xf32, #tpu.memory_space<vmem_shared>> -> memref<128x64xf32, #tpu.memory_space<vmem_shared>>
      %dma_start3A_237 = arith.constant 0 : i32
      %dma_start3A_238 = tpu.memref_slice %arg18[%add3A_132, %dma_start3A_237] : memref<10240x64xf32, #tpu.memory_space<vmem_shared>> -> memref<128x64xf32, #tpu.memory_space<vmem_shared>>
      tpu.enqueue_dma source(%arg16 : memref<128x64xf32, #tpu.memory_space<vmem>>) target(%dma_start3A_238 : memref<128x64xf32, #tpu.memory_space<vmem_shared>>) target_semaphore(%run_scoped3A_235 : memref<!tpu.dma_semaphore, #tpu.memory_space<semaphore_mem>>)
      %dma_wait3A = arith.constant 0 : i32
      %dma_wait3A_239 = tpu.memref_slice %arg18[%add3A_132, %dma_wait3A] : memref<10240x64xf32, #tpu.memory_space<vmem_shared>> -> memref<128x64xf32, #tpu.memory_space<vmem_shared>>
      %dma_wait3A_240 = arith.constant 0 : i32
      %dma_wait3A_241 = tpu.memref_slice %arg18[%add3A_132, %dma_wait3A_240] : memref<10240x64xf32, #tpu.memory_space<vmem_shared>> -> memref<128x64xf32, #tpu.memory_space<vmem_shared>>
      tpu.wait_dma2 semaphore(%run_scoped3A_235 : memref<!tpu.dma_semaphore, #tpu.memory_space<semaphore_mem>>) src(%arg16 : memref<128x64xf32, #tpu.memory_space<vmem>>) dst(%dma_wait3A_241 : memref<128x64xf32, #tpu.memory_space<vmem_shared>>)
      tpu.yield
    }) : () -> ()
    %mul3A_133 = arith.constant 640 : i32
    %mul3A_134 = arith.muli %arg1, %mul3A_133 : i32
    %add3A_135 = arith.constant 256 : i32
    %add3A_136 = arith.addi %mul3A_134, %add3A_135 : i32
    "tpu.region"() ({
      %run_scoped3A_235 = tpu.sem_alloc : memref<!tpu.dma_semaphore, #tpu.memory_space<semaphore_mem>>
      %dma_start3A = arith.constant 0 : i32
      %dma_start3A_236 = tpu.memref_slice %arg18[%add3A_136, %dma_start3A] : memref<10240x64xf32, #tpu.memory_space<vmem_shared>> -> memref<128x64xf32, #tpu.memory_space<vmem_shared>>
      %dma_start3A_237 = arith.constant 0 : i32
      %dma_start3A_238 = tpu.memref_slice %arg18[%add3A_136, %dma_start3A_237] : memref<10240x64xf32, #tpu.memory_space<vmem_shared>> -> memref<128x64xf32, #tpu.memory_space<vmem_shared>>
      tpu.enqueue_dma source(%arg16 : memref<128x64xf32, #tpu.memory_space<vmem>>) target(%dma_start3A_238 : memref<128x64xf32, #tpu.memory_space<vmem_shared>>) target_semaphore(%run_scoped3A_235 : memref<!tpu.dma_semaphore, #tpu.memory_space<semaphore_mem>>)
      %dma_wait3A = arith.constant 0 : i32
      %dma_wait3A_239 = tpu.memref_slice %arg18[%add3A_136, %dma_wait3A] : memref<10240x64xf32, #tpu.memory_space<vmem_shared>> -> memref<128x64xf32, #tpu.memory_space<vmem_shared>>
      %dma_wait3A_240 = arith.constant 0 : i32
      %dma_wait3A_241 = tpu.memref_slice %arg18[%add3A_136, %dma_wait3A_240] : memref<10240x64xf32, #tpu.memory_space<vmem_shared>> -> memref<128x64xf32, #tpu.memory_space<vmem_shared>>
      tpu.wait_dma2 semaphore(%run_scoped3A_235 : memref<!tpu.dma_semaphore, #tpu.memory_space<semaphore_mem>>) src(%arg16 : memref<128x64xf32, #tpu.memory_space<vmem>>) dst(%dma_wait3A_241 : memref<128x64xf32, #tpu.memory_space<vmem_shared>>)
      tpu.yield
    }) : () -> ()
    %mul3A_137 = arith.constant 640 : i32
    %mul3A_138 = arith.muli %arg1, %mul3A_137 : i32
    %add3A_139 = arith.constant 384 : i32
    %add3A_140 = arith.addi %mul3A_138, %add3A_139 : i32
    "tpu.region"() ({
      %run_scoped3A_235 = tpu.sem_alloc : memref<!tpu.dma_semaphore, #tpu.memory_space<semaphore_mem>>
      %dma_start3A = arith.constant 0 : i32
      %dma_start3A_236 = tpu.memref_slice %arg18[%add3A_140, %dma_start3A] : memref<10240x64xf32, #tpu.memory_space<vmem_shared>> -> memref<128x64xf32, #tpu.memory_space<vmem_shared>>
      %dma_start3A_237 = arith.constant 0 : i32
      %dma_start3A_238 = tpu.memref_slice %arg18[%add3A_140, %dma_start3A_237] : memref<10240x64xf32, #tpu.memory_space<vmem_shared>> -> memref<128x64xf32, #tpu.memory_space<vmem_shared>>
      tpu.enqueue_dma source(%arg16 : memref<128x64xf32, #tpu.memory_space<vmem>>) target(%dma_start3A_238 : memref<128x64xf32, #tpu.memory_space<vmem_shared>>) target_semaphore(%run_scoped3A_235 : memref<!tpu.dma_semaphore, #tpu.memory_space<semaphore_mem>>)
      %dma_wait3A = arith.constant 0 : i32
      %dma_wait3A_239 = tpu.memref_slice %arg18[%add3A_140, %dma_wait3A] : memref<10240x64xf32, #tpu.memory_space<vmem_shared>> -> memref<128x64xf32, #tpu.memory_space<vmem_shared>>
      %dma_wait3A_240 = arith.constant 0 : i32
      %dma_wait3A_241 = tpu.memref_slice %arg18[%add3A_140, %dma_wait3A_240] : memref<10240x64xf32, #tpu.memory_space<vmem_shared>> -> memref<128x64xf32, #tpu.memory_space<vmem_shared>>
      tpu.wait_dma2 semaphore(%run_scoped3A_235 : memref<!tpu.dma_semaphore, #tpu.memory_space<semaphore_mem>>) src(%arg16 : memref<128x64xf32, #tpu.memory_space<vmem>>) dst(%dma_wait3A_241 : memref<128x64xf32, #tpu.memory_space<vmem_shared>>)
      tpu.yield
    }) : () -> ()
    %mul3A_141 = arith.constant 640 : i32
    %mul3A_142 = arith.muli %arg1, %mul3A_141 : i32
    %add3A_143 = arith.constant 512 : i32
    %add3A_144 = arith.addi %mul3A_142, %add3A_143 : i32
    "tpu.region"() ({
      %run_scoped3A_235 = tpu.sem_alloc : memref<!tpu.dma_semaphore, #tpu.memory_space<semaphore_mem>>
      %dma_start3A = arith.constant 0 : i32
      %dma_start3A_236 = tpu.memref_slice %arg18[%add3A_144, %dma_start3A] : memref<10240x64xf32, #tpu.memory_space<vmem_shared>> -> memref<128x64xf32, #tpu.memory_space<vmem_shared>>
      %dma_start3A_237 = arith.constant 0 : i32
      %dma_start3A_238 = tpu.memref_slice %arg18[%add3A_144, %dma_start3A_237] : memref<10240x64xf32, #tpu.memory_space<vmem_shared>> -> memref<128x64xf32, #tpu.memory_space<vmem_shared>>
      tpu.enqueue_dma source(%arg16 : memref<128x64xf32, #tpu.memory_space<vmem>>) target(%dma_start3A_238 : memref<128x64xf32, #tpu.memory_space<vmem_shared>>) target_semaphore(%run_scoped3A_235 : memref<!tpu.dma_semaphore, #tpu.memory_space<semaphore_mem>>)
      %dma_wait3A = arith.constant 0 : i32
      %dma_wait3A_239 = tpu.memref_slice %arg18[%add3A_144, %dma_wait3A] : memref<10240x64xf32, #tpu.memory_space<vmem_shared>> -> memref<128x64xf32, #tpu.memory_space<vmem_shared>>
      %dma_wait3A_240 = arith.constant 0 : i32
      %dma_wait3A_241 = tpu.memref_slice %arg18[%add3A_144, %dma_wait3A_240] : memref<10240x64xf32, #tpu.memory_space<vmem_shared>> -> memref<128x64xf32, #tpu.memory_space<vmem_shared>>
      tpu.wait_dma2 semaphore(%run_scoped3A_235 : memref<!tpu.dma_semaphore, #tpu.memory_space<semaphore_mem>>) src(%arg16 : memref<128x64xf32, #tpu.memory_space<vmem>>) dst(%dma_wait3A_241 : memref<128x64xf32, #tpu.memory_space<vmem_shared>>)
      tpu.yield
    }) : () -> ()
    %barrier3A_145 = arith.constant 0 : index
    tpu.barrier barrier_id(%barrier3A_145)
    %scan3A_146 = arith.constant 0 : i32
    %scan3A_147 = arith.constant 0 : i32
    %scan3A_148 = arith.constant 79 : i32
    %scan3A_149 = arith.addi %scan3A_147, %scan3A_148 : i32
    %scan3A_150 = arith.constant 1 : i32
    %scan3A_151 = scf.for %scan3A_235 = %scan3A_147 to %scan3A_149 step %scan3A_150 iter_args(%scan3A_236 = %scan3A_146) -> (i32)  : i32 {
      %dma_start3A = arith.constant 0 : i32
      %dma_start3A_237 = tpu.memref_slice %arg11[%scan3A_235, %dma_start3A] : memref<79x128xi32, #tpu.memory_space<vmem>> -> memref<1x128xi32, #tpu.memory_space<vmem>>
      %dma_start3A_238 = tpu.memref_squeeze %dma_start3A_237 : memref<1x128xi32, #tpu.memory_space<vmem>> -> memref<128xi32, #tpu.memory_space<vmem>>
      %dma_start3A_239 = arith.constant 0 : i32
      %dma_start3A_240 = arith.constant 0 : i32
      %dma_start3A_241 = tpu.memref_slice %arg4[%dma_start3A_239, %dma_start3A_240] : memref<10000x32xf32, #tpu.memory_space<hbm>> -> memref<10000x32xf32, #tpu.memory_space<hbm>>
      tpu.enqueue_indirect_dma source(%dma_start3A_241 : memref<10000x32xf32, #tpu.memory_space<hbm>>) target(%arg14 : memref<128x32xf32, #tpu.memory_space<vmem>>) offsets(%dma_start3A_238 : memref<128xi32, #tpu.memory_space<vmem>>) semaphore(%arg19 : memref<!tpu.dma_semaphore, #tpu.memory_space<semaphore_mem>>)
      %dma_wait3A = arith.constant 0 : i32
      %dma_wait3A_242 = tpu.memref_slice %arg11[%scan3A_235, %dma_wait3A] : memref<79x128xi32, #tpu.memory_space<vmem>> -> memref<1x128xi32, #tpu.memory_space<vmem>>
      %dma_wait3A_243 = tpu.memref_squeeze %dma_wait3A_242 : memref<1x128xi32, #tpu.memory_space<vmem>> -> memref<128xi32, #tpu.memory_space<vmem>>
      %dma_wait3A_244 = arith.constant 0 : i32
      %dma_wait3A_245 = arith.constant 0 : i32
      %dma_wait3A_246 = tpu.memref_slice %arg4[%dma_wait3A_244, %dma_wait3A_245] : memref<10000x32xf32, #tpu.memory_space<hbm>> -> memref<10000x32xf32, #tpu.memory_space<hbm>>
      tpu.wait_indirect_dma semaphore(%arg19 : memref<!tpu.dma_semaphore, #tpu.memory_space<semaphore_mem>>) src(%dma_wait3A_246 : memref<10000x32xf32, #tpu.memory_space<hbm>>) dst(%arg14 : memref<128x32xf32, #tpu.memory_space<vmem>>)
      %scan3A_247 = arith.constant 0 : i32
      %scan3A_248 = arith.constant 0 : i32
      %scan3A_249 = arith.constant 8 : i32
      %scan3A_250 = arith.addi %scan3A_248, %scan3A_249 : i32
      %scan3A_251 = arith.constant 1 : i32
      %scan3A_252 = scf.for %scan3A_255 = %scan3A_248 to %scan3A_250 step %scan3A_251 iter_args(%scan3A_256 = %scan3A_247) -> (i32)  : i32 {
        %mul3A_257 = arith.constant 16 : i32
        %mul3A_258 = arith.muli %scan3A_255, %mul3A_257 : i32
        %get3A = arith.index_cast %scan3A_235 : i32 to index
        %get3A_259 = arith.index_cast %mul3A_258 : i32 to index
        %get3A_260 = tpu.vector_load %arg13[%get3A, %get3A_259] {strides = array<i32>} : memref<79x128xf32, #tpu.memory_space<vmem>>, vector<16xf32>,
        %mul3A_261 = arith.constant 16 : i32
        %mul3A_262 = arith.muli %scan3A_255, %mul3A_261 : i32
        %add3A_263 = arith.constant 0 : i32
        %add3A_264 = arith.addi %mul3A_262, %add3A_263 : i32
        %slice3A = vector.extract_strided_slice %get3A_260 {offsets = [0], sizes = [1], strides = [1]} : vector<16xf32> to vector<1xf32>
        %squeeze3A = vector.extract %slice3A[0] : f32 from vector<1xf32>
        %get3A_265 = arith.index_cast %add3A_264 : i32 to index
        %get3A_266 = arith.constant 0 : index
        %get3A_267 = tpu.vector_load %arg14[%get3A_265, %get3A_266] {strides = array<i32>} : memref<128x32xf32, #tpu.memory_space<vmem>>, vector<16xf32>,
        %mul3A_268 = vector.broadcast %squeeze3A : f32 to vector<16xf32>
        %mul3A_269 = arith.mulf %get3A_267, %mul3A_268 : vector<16xf32>
        %swap3A = arith.index_cast %add3A_264 : i32 to index
        %swap3A_270 = arith.constant 0 : index
        %swap3A_271 = tpu.vector_load %arg15[%swap3A, %swap3A_270] {strides = array<i32>} : memref<128x64xf32, #tpu.memory_space<vmem>>, vector<16xf32>,
        tpu.vector_store %arg15[%swap3A, %swap3A_270], %mul3A_269 {strides = array<i32>} : memref<128x64xf32, #tpu.memory_space<vmem>>, vector<16xf32>,
        %swap3A_272 = arith.index_cast %add3A_264 : i32 to index
        %swap3A_273 = arith.constant 32 : index
        %swap3A_274 = tpu.vector_load %arg15[%swap3A_272, %swap3A_273] {strides = array<i32>} : memref<128x64xf32, #tpu.memory_space<vmem>>, vector<16xf32>,
        tpu.vector_store %arg15[%swap3A_272, %swap3A_273], %get3A_267 {strides = array<i32>} : memref<128x64xf32, #tpu.memory_space<vmem>>, vector<16xf32>,
        %get3A_275 = arith.index_cast %add3A_264 : i32 to index
        %get3A_276 = arith.constant 16 : index
        %get3A_277 = tpu.vector_load %arg14[%get3A_275, %get3A_276] {strides = array<i32>} : memref<128x32xf32, #tpu.memory_space<vmem>>, vector<16xf32>,
        %mul3A_278 = vector.broadcast %squeeze3A : f32 to vector<16xf32>
        %mul3A_279 = arith.mulf %get3A_277, %mul3A_278 : vector<16xf32>
        %swap3A_280 = arith.index_cast %add3A_264 : i32 to index
        %swap3A_281 = arith.constant 16 : index
        %swap3A_282 = tpu.vector_load %arg15[%swap3A_280, %swap3A_281] {strides = array<i32>} : memref<128x64xf32, #tpu.memory_space<vmem>>, vector<16xf32>,
        tpu.vector_store %arg15[%swap3A_280, %swap3A_281], %mul3A_279 {strides = array<i32>} : memref<128x64xf32, #tpu.memory_space<vmem>>, vector<16xf32>,
        %swap3A_283 = arith.index_cast %add3A_264 : i32 to index
        %swap3A_284 = arith.constant 48 : index
        %swap3A_285 = tpu.vector_load %arg15[%swap3A_283, %swap3A_284] {strides = array<i32>} : memref<128x64xf32, #tpu.memory_space<vmem>>, vector<16xf32>,
        tpu.vector_store %arg15[%swap3A_283, %swap3A_284], %get3A_277 {strides = array<i32>} : memref<128x64xf32, #tpu.memory_space<vmem>>, vector<16xf32>,
        %mul3A_286 = arith.constant 16 : i32
        %mul3A_287 = arith.muli %scan3A_255, %mul3A_286 : i32
        %add3A_288 = arith.constant 1 : i32
        %add3A_289 = arith.addi %mul3A_287, %add3A_288 : i32
        %slice3A_290 = vector.extract_strided_slice %get3A_260 {offsets = [1], sizes = [1], strides = [1]} : vector<16xf32> to vector<1xf32>
        %squeeze3A_291 = vector.extract %slice3A_290[0] : f32 from vector<1xf32>
        %get3A_292 = arith.index_cast %add3A_289 : i32 to index
        %get3A_293 = arith.constant 0 : index
        %get3A_294 = tpu.vector_load %arg14[%get3A_292, %get3A_293] {strides = array<i32>} : memref<128x32xf32, #tpu.memory_space<vmem>>, vector<16xf32>,
        %mul3A_295 = vector.broadcast %squeeze3A_291 : f32 to vector<16xf32>
        %mul3A_296 = arith.mulf %get3A_294, %mul3A_295 : vector<16xf32>
        %swap3A_297 = arith.index_cast %add3A_289 : i32 to index
        %swap3A_298 = arith.constant 0 : index
        %swap3A_299 = tpu.vector_load %arg15[%swap3A_297, %swap3A_298] {strides = array<i32>} : memref<128x64xf32, #tpu.memory_space<vmem>>, vector<16xf32>,
        tpu.vector_store %arg15[%swap3A_297, %swap3A_298], %mul3A_296 {strides = array<i32>} : memref<128x64xf32, #tpu.memory_space<vmem>>, vector<16xf32>,
        %swap3A_300 = arith.index_cast %add3A_289 : i32 to index
        %swap3A_301 = arith.constant 32 : index
        %swap3A_302 = tpu.vector_load %arg15[%swap3A_300, %swap3A_301] {strides = array<i32>} : memref<128x64xf32, #tpu.memory_space<vmem>>, vector<16xf32>,
        tpu.vector_store %arg15[%swap3A_300, %swap3A_301], %get3A_294 {strides = array<i32>} : memref<128x64xf32, #tpu.memory_space<vmem>>, vector<16xf32>,
        %get3A_303 = arith.index_cast %add3A_289 : i32 to index
        %get3A_304 = arith.constant 16 : index
        %get3A_305 = tpu.vector_load %arg14[%get3A_303, %get3A_304] {strides = array<i32>} : memref<128x32xf32, #tpu.memory_space<vmem>>, vector<16xf32>,
        %mul3A_306 = vector.broadcast %squeeze3A_291 : f32 to vector<16xf32>
        %mul3A_307 = arith.mulf %get3A_305, %mul3A_306 : vector<16xf32>
        %swap3A_308 = arith.index_cast %add3A_289 : i32 to index
        %swap3A_309 = arith.constant 16 : index
        %swap3A_310 = tpu.vector_load %arg15[%swap3A_308, %swap3A_309] {strides = array<i32>} : memref<128x64xf32, #tpu.memory_space<vmem>>, vector<16xf32>,
        tpu.vector_store %arg15[%swap3A_308, %swap3A_309], %mul3A_307 {strides = array<i32>} : memref<128x64xf32, #tpu.memory_space<vmem>>, vector<16xf32>,
        %swap3A_311 = arith.index_cast %add3A_289 : i32 to index
        %swap3A_312 = arith.constant 48 : index
        %swap3A_313 = tpu.vector_load %arg15[%swap3A_311, %swap3A_312] {strides = array<i32>} : memref<128x64xf32, #tpu.memory_space<vmem>>, vector<16xf32>,
        tpu.vector_store %arg15[%swap3A_311, %swap3A_312], %get3A_305 {strides = array<i32>} : memref<128x64xf32, #tpu.memory_space<vmem>>, vector<16xf32>,
        %mul3A_314 = arith.constant 16 : i32
        %mul3A_315 = arith.muli %scan3A_255, %mul3A_314 : i32
        %add3A_316 = arith.constant 2 : i32
        %add3A_317 = arith.addi %mul3A_315, %add3A_316 : i32
        %slice3A_318 = vector.extract_strided_slice %get3A_260 {offsets = [2], sizes = [1], strides = [1]} : vector<16xf32> to vector<1xf32>
        %squeeze3A_319 = vector.extract %slice3A_318[0] : f32 from vector<1xf32>
        %get3A_320 = arith.index_cast %add3A_317 : i32 to index
        %get3A_321 = arith.constant 0 : index
        %get3A_322 = tpu.vector_load %arg14[%get3A_320, %get3A_321] {strides = array<i32>} : memref<128x32xf32, #tpu.memory_space<vmem>>, vector<16xf32>,
        %mul3A_323 = vector.broadcast %squeeze3A_319 : f32 to vector<16xf32>
        %mul3A_324 = arith.mulf %get3A_322, %mul3A_323 : vector<16xf32>
        %swap3A_325 = arith.index_cast %add3A_317 : i32 to index
        %swap3A_326 = arith.constant 0 : index
        %swap3A_327 = tpu.vector_load %arg15[%swap3A_325, %swap3A_326] {strides = array<i32>} : memref<128x64xf32, #tpu.memory_space<vmem>>, vector<16xf32>,
        tpu.vector_store %arg15[%swap3A_325, %swap3A_326], %mul3A_324 {strides = array<i32>} : memref<128x64xf32, #tpu.memory_space<vmem>>, vector<16xf32>,
        %swap3A_328 = arith.index_cast %add3A_317 : i32 to index
        %swap3A_329 = arith.constant 32 : index
        %swap3A_330 = tpu.vector_load %arg15[%swap3A_328, %swap3A_329] {strides = array<i32>} : memref<128x64xf32, #tpu.memory_space<vmem>>, vector<16xf32>,
        tpu.vector_store %arg15[%swap3A_328, %swap3A_329], %get3A_322 {strides = array<i32>} : memref<128x64xf32, #tpu.memory_space<vmem>>, vector<16xf32>,
        %get3A_331 = arith.index_cast %add3A_317 : i32 to index
        %get3A_332 = arith.constant 16 : index
        %get3A_333 = tpu.vector_load %arg14[%get3A_331, %get3A_332] {strides = array<i32>} : memref<128x32xf32, #tpu.memory_space<vmem>>, vector<16xf32>,
        %mul3A_334 = vector.broadcast %squeeze3A_319 : f32 to vector<16xf32>
        %mul3A_335 = arith.mulf %get3A_333, %mul3A_334 : vector<16xf32>
        %swap3A_336 = arith.index_cast %add3A_317 : i32 to index
        %swap3A_337 = arith.constant 16 : index
        %swap3A_338 = tpu.vector_load %arg15[%swap3A_336, %swap3A_337] {strides = array<i32>} : memref<128x64xf32, #tpu.memory_space<vmem>>, vector<16xf32>,
        tpu.vector_store %arg15[%swap3A_336, %swap3A_337], %mul3A_335 {strides = array<i32>} : memref<128x64xf32, #tpu.memory_space<vmem>>, vector<16xf32>,
        %swap3A_339 = arith.index_cast %add3A_317 : i32 to index
        %swap3A_340 = arith.constant 48 : index
        %swap3A_341 = tpu.vector_load %arg15[%swap3A_339, %swap3A_340] {strides = array<i32>} : memref<128x64xf32, #tpu.memory_space<vmem>>, vector<16xf32>,
        tpu.vector_store %arg15[%swap3A_339, %swap3A_340], %get3A_333 {strides = array<i32>} : memref<128x64xf32, #tpu.memory_space<vmem>>, vector<16xf32>,
        %mul3A_342 = arith.constant 16 : i32
        %mul3A_343 = arith.muli %scan3A_255, %mul3A_342 : i32
        %add3A_344 = arith.constant 3 : i32
        %add3A_345 = arith.addi %mul3A_343, %add3A_344 : i32
        %slice3A_346 = vector.extract_strided_slice %get3A_260 {offsets = [3], sizes = [1], strides = [1]} : vector<16xf32> to vector<1xf32>
        %squeeze3A_347 = vector.extract %slice3A_346[0] : f32 from vector<1xf32>
        %get3A_348 = arith.index_cast %add3A_345 : i32 to index
        %get3A_349 = arith.constant 0 : index
        %get3A_350 = tpu.vector_load %arg14[%get3A_348, %get3A_349] {strides = array<i32>} : memref<128x32xf32, #tpu.memory_space<vmem>>, vector<16xf32>,
        %mul3A_351 = vector.broadcast %squeeze3A_347 : f32 to vector<16xf32>
        %mul3A_352 = arith.mulf %get3A_350, %mul3A_351 : vector<16xf32>
        %swap3A_353 = arith.index_cast %add3A_345 : i32 to index
        %swap3A_354 = arith.constant 0 : index
        %swap3A_355 = tpu.vector_load %arg15[%swap3A_353, %swap3A_354] {strides = array<i32>} : memref<128x64xf32, #tpu.memory_space<vmem>>, vector<16xf32>,
        tpu.vector_store %arg15[%swap3A_353, %swap3A_354], %mul3A_352 {strides = array<i32>} : memref<128x64xf32, #tpu.memory_space<vmem>>, vector<16xf32>,
        %swap3A_356 = arith.index_cast %add3A_345 : i32 to index
        %swap3A_357 = arith.constant 32 : index
        %swap3A_358 = tpu.vector_load %arg15[%swap3A_356, %swap3A_357] {strides = array<i32>} : memref<128x64xf32, #tpu.memory_space<vmem>>, vector<16xf32>,
        tpu.vector_store %arg15[%swap3A_356, %swap3A_357], %get3A_350 {strides = array<i32>} : memref<128x64xf32, #tpu.memory_space<vmem>>, vector<16xf32>,
        %get3A_359 = arith.index_cast %add3A_345 : i32 to index
        %get3A_360 = arith.constant 16 : index
        %get3A_361 = tpu.vector_load %arg14[%get3A_359, %get3A_360] {strides = array<i32>} : memref<128x32xf32, #tpu.memory_space<vmem>>, vector<16xf32>,
        %mul3A_362 = vector.broadcast %squeeze3A_347 : f32 to vector<16xf32>
        %mul3A_363 = arith.mulf %get3A_361, %mul3A_362 : vector<16xf32>
        %swap3A_364 = arith.index_cast %add3A_345 : i32 to index
        %swap3A_365 = arith.constant 16 : index
        %swap3A_366 = tpu.vector_load %arg15[%swap3A_364, %swap3A_365] {strides = array<i32>} : memref<128x64xf32, #tpu.memory_space<vmem>>, vector<16xf32>,
        tpu.vector_store %arg15[%swap3A_364, %swap3A_365], %mul3A_363 {strides = array<i32>} : memref<128x64xf32, #tpu.memory_space<vmem>>, vector<16xf32>,
        %swap3A_367 = arith.index_cast %add3A_345 : i32 to index
        %swap3A_368 = arith.constant 48 : index
        %swap3A_369 = tpu.vector_load %arg15[%swap3A_367, %swap3A_368] {strides = array<i32>} : memref<128x64xf32, #tpu.memory_space<vmem>>, vector<16xf32>,
        tpu.vector_store %arg15[%swap3A_367, %swap3A_368], %get3A_361 {strides = array<i32>} : memref<128x64xf32, #tpu.memory_space<vmem>>, vector<16xf32>,
        %mul3A_370 = arith.constant 16 : i32
        %mul3A_371 = arith.muli %scan3A_255, %mul3A_370 : i32
        %add3A_372 = arith.constant 4 : i32
        %add3A_373 = arith.addi %mul3A_371, %add3A_372 : i32
        %slice3A_374 = vector.extract_strided_slice %get3A_260 {offsets = [4], sizes = [1], strides = [1]} : vector<16xf32> to vector<1xf32>
        %squeeze3A_375 = vector.extract %slice3A_374[0] : f32 from vector<1xf32>
        %get3A_376 = arith.index_cast %add3A_373 : i32 to index
        %get3A_377 = arith.constant 0 : index
        %get3A_378 = tpu.vector_load %arg14[%get3A_376, %get3A_377] {strides = array<i32>} : memref<128x32xf32, #tpu.memory_space<vmem>>, vector<16xf32>,
        %mul3A_379 = vector.broadcast %squeeze3A_375 : f32 to vector<16xf32>
        %mul3A_380 = arith.mulf %get3A_378, %mul3A_379 : vector<16xf32>
        %swap3A_381 = arith.index_cast %add3A_373 : i32 to index
        %swap3A_382 = arith.constant 0 : index
        %swap3A_383 = tpu.vector_load %arg15[%swap3A_381, %swap3A_382] {strides = array<i32>} : memref<128x64xf32, #tpu.memory_space<vmem>>, vector<16xf32>,
        tpu.vector_store %arg15[%swap3A_381, %swap3A_382], %mul3A_380 {strides = array<i32>} : memref<128x64xf32, #tpu.memory_space<vmem>>, vector<16xf32>,
        %swap3A_384 = arith.index_cast %add3A_373 : i32 to index
        %swap3A_385 = arith.constant 32 : index
        %swap3A_386 = tpu.vector_load %arg15[%swap3A_384, %swap3A_385] {strides = array<i32>} : memref<128x64xf32, #tpu.memory_space<vmem>>, vector<16xf32>,
        tpu.vector_store %arg15[%swap3A_384, %swap3A_385], %get3A_378 {strides = array<i32>} : memref<128x64xf32, #tpu.memory_space<vmem>>, vector<16xf32>,
        %get3A_387 = arith.index_cast %add3A_373 : i32 to index
        %get3A_388 = arith.constant 16 : index
        %get3A_389 = tpu.vector_load %arg14[%get3A_387, %get3A_388] {strides = array<i32>} : memref<128x32xf32, #tpu.memory_space<vmem>>, vector<16xf32>,
        %mul3A_390 = vector.broadcast %squeeze3A_375 : f32 to vector<16xf32>
        %mul3A_391 = arith.mulf %get3A_389, %mul3A_390 : vector<16xf32>
        %swap3A_392 = arith.index_cast %add3A_373 : i32 to index
        %swap3A_393 = arith.constant 16 : index
        %swap3A_394 = tpu.vector_load %arg15[%swap3A_392, %swap3A_393] {strides = array<i32>} : memref<128x64xf32, #tpu.memory_space<vmem>>, vector<16xf32>,
        tpu.vector_store %arg15[%swap3A_392, %swap3A_393], %mul3A_391 {strides = array<i32>} : memref<128x64xf32, #tpu.memory_space<vmem>>, vector<16xf32>,
        %swap3A_395 = arith.index_cast %add3A_373 : i32 to index
        %swap3A_396 = arith.constant 48 : index
        %swap3A_397 = tpu.vector_load %arg15[%swap3A_395, %swap3A_396] {strides = array<i32>} : memref<128x64xf32, #tpu.memory_space<vmem>>, vector<16xf32>,
        tpu.vector_store %arg15[%swap3A_395, %swap3A_396], %get3A_389 {strides = array<i32>} : memref<128x64xf32, #tpu.memory_space<vmem>>, vector<16xf32>,
        %mul3A_398 = arith.constant 16 : i32
        %mul3A_399 = arith.muli %scan3A_255, %mul3A_398 : i32
        %add3A_400 = arith.constant 5 : i32
        %add3A_401 = arith.addi %mul3A_399, %add3A_400 : i32
        %slice3A_402 = vector.extract_strided_slice %get3A_260 {offsets = [5], sizes = [1], strides = [1]} : vector<16xf32> to vector<1xf32>
        %squeeze3A_403 = vector.extract %slice3A_402[0] : f32 from vector<1xf32>
        %get3A_404 = arith.index_cast %add3A_401 : i32 to index
        %get3A_405 = arith.constant 0 : index
        %get3A_406 = tpu.vector_load %arg14[%get3A_404, %get3A_405] {strides = array<i32>} : memref<128x32xf32, #tpu.memory_space<vmem>>, vector<16xf32>,
        %mul3A_407 = vector.broadcast %squeeze3A_403 : f32 to vector<16xf32>
        %mul3A_408 = arith.mulf %get3A_406, %mul3A_407 : vector<16xf32>
        %swap3A_409 = arith.index_cast %add3A_401 : i32 to index
        %swap3A_410 = arith.constant 0 : index
        %swap3A_411 = tpu.vector_load %arg15[%swap3A_409, %swap3A_410] {strides = array<i32>} : memref<128x64xf32, #tpu.memory_space<vmem>>, vector<16xf32>,
        tpu.vector_store %arg15[%swap3A_409, %swap3A_410], %mul3A_408 {strides = array<i32>} : memref<128x64xf32, #tpu.memory_space<vmem>>, vector<16xf32>,
        %swap3A_412 = arith.index_cast %add3A_401 : i32 to index
        %swap3A_413 = arith.constant 32 : index
        %swap3A_414 = tpu.vector_load %arg15[%swap3A_412, %swap3A_413] {strides = array<i32>} : memref<128x64xf32, #tpu.memory_space<vmem>>, vector<16xf32>,
        tpu.vector_store %arg15[%swap3A_412, %swap3A_413], %get3A_406 {strides = array<i32>} : memref<128x64xf32, #tpu.memory_space<vmem>>, vector<16xf32>,
        %get3A_415 = arith.index_cast %add3A_401 : i32 to index
        %get3A_416 = arith.constant 16 : index
        %get3A_417 = tpu.vector_load %arg14[%get3A_415, %get3A_416] {strides = array<i32>} : memref<128x32xf32, #tpu.memory_space<vmem>>, vector<16xf32>,
        %mul3A_418 = vector.broadcast %squeeze3A_403 : f32 to vector<16xf32>
        %mul3A_419 = arith.mulf %get3A_417, %mul3A_418 : vector<16xf32>
        %swap3A_420 = arith.index_cast %add3A_401 : i32 to index
        %swap3A_421 = arith.constant 16 : index
        %swap3A_422 = tpu.vector_load %arg15[%swap3A_420, %swap3A_421] {strides = array<i32>} : memref<128x64xf32, #tpu.memory_space<vmem>>, vector<16xf32>,
        tpu.vector_store %arg15[%swap3A_420, %swap3A_421], %mul3A_419 {strides = array<i32>} : memref<128x64xf32, #tpu.memory_space<vmem>>, vector<16xf32>,
        %swap3A_423 = arith.index_cast %add3A_401 : i32 to index
        %swap3A_424 = arith.constant 48 : index
        %swap3A_425 = tpu.vector_load %arg15[%swap3A_423, %swap3A_424] {strides = array<i32>} : memref<128x64xf32, #tpu.memory_space<vmem>>, vector<16xf32>,
        tpu.vector_store %arg15[%swap3A_423, %swap3A_424], %get3A_417 {strides = array<i32>} : memref<128x64xf32, #tpu.memory_space<vmem>>, vector<16xf32>,
        %mul3A_426 = arith.constant 16 : i32
        %mul3A_427 = arith.muli %scan3A_255, %mul3A_426 : i32
        %add3A_428 = arith.constant 6 : i32
        %add3A_429 = arith.addi %mul3A_427, %add3A_428 : i32
        %slice3A_430 = vector.extract_strided_slice %get3A_260 {offsets = [6], sizes = [1], strides = [1]} : vector<16xf32> to vector<1xf32>
        %squeeze3A_431 = vector.extract %slice3A_430[0] : f32 from vector<1xf32>
        %get3A_432 = arith.index_cast %add3A_429 : i32 to index
        %get3A_433 = arith.constant 0 : index
        %get3A_434 = tpu.vector_load %arg14[%get3A_432, %get3A_433] {strides = array<i32>} : memref<128x32xf32, #tpu.memory_space<vmem>>, vector<16xf32>,
        %mul3A_435 = vector.broadcast %squeeze3A_431 : f32 to vector<16xf32>
        %mul3A_436 = arith.mulf %get3A_434, %mul3A_435 : vector<16xf32>
        %swap3A_437 = arith.index_cast %add3A_429 : i32 to index
        %swap3A_438 = arith.constant 0 : index
        %swap3A_439 = tpu.vector_load %arg15[%swap3A_437, %swap3A_438] {strides = array<i32>} : memref<128x64xf32, #tpu.memory_space<vmem>>, vector<16xf32>,
        tpu.vector_store %arg15[%swap3A_437, %swap3A_438], %mul3A_436 {strides = array<i32>} : memref<128x64xf32, #tpu.memory_space<vmem>>, vector<16xf32>,
        %swap3A_440 = arith.index_cast %add3A_429 : i32 to index
        %swap3A_441 = arith.constant 32 : index
        %swap3A_442 = tpu.vector_load %arg15[%swap3A_440, %swap3A_441] {strides = array<i32>} : memref<128x64xf32, #tpu.memory_space<vmem>>, vector<16xf32>,
        tpu.vector_store %arg15[%swap3A_440, %swap3A_441], %get3A_434 {strides = array<i32>} : memref<128x64xf32, #tpu.memory_space<vmem>>, vector<16xf32>,
        %get3A_443 = arith.index_cast %add3A_429 : i32 to index
        %get3A_444 = arith.constant 16 : index
        %get3A_445 = tpu.vector_load %arg14[%get3A_443, %get3A_444] {strides = array<i32>} : memref<128x32xf32, #tpu.memory_space<vmem>>, vector<16xf32>,
        %mul3A_446 = vector.broadcast %squeeze3A_431 : f32 to vector<16xf32>
        %mul3A_447 = arith.mulf %get3A_445, %mul3A_446 : vector<16xf32>
        %swap3A_448 = arith.index_cast %add3A_429 : i32 to index
        %swap3A_449 = arith.constant 16 : index
        %swap3A_450 = tpu.vector_load %arg15[%swap3A_448, %swap3A_449] {strides = array<i32>} : memref<128x64xf32, #tpu.memory_space<vmem>>, vector<16xf32>,
        tpu.vector_store %arg15[%swap3A_448, %swap3A_449], %mul3A_447 {strides = array<i32>} : memref<128x64xf32, #tpu.memory_space<vmem>>, vector<16xf32>,
        %swap3A_451 = arith.index_cast %add3A_429 : i32 to index
        %swap3A_452 = arith.constant 48 : index
        %swap3A_453 = tpu.vector_load %arg15[%swap3A_451, %swap3A_452] {strides = array<i32>} : memref<128x64xf32, #tpu.memory_space<vmem>>, vector<16xf32>,
        tpu.vector_store %arg15[%swap3A_451, %swap3A_452], %get3A_445 {strides = array<i32>} : memref<128x64xf32, #tpu.memory_space<vmem>>, vector<16xf32>,
        %mul3A_454 = arith.constant 16 : i32
        %mul3A_455 = arith.muli %scan3A_255, %mul3A_454 : i32
        %add3A_456 = arith.constant 7 : i32
        %add3A_457 = arith.addi %mul3A_455, %add3A_456 : i32
        %slice3A_458 = vector.extract_strided_slice %get3A_260 {offsets = [7], sizes = [1], strides = [1]} : vector<16xf32> to vector<1xf32>
        %squeeze3A_459 = vector.extract %slice3A_458[0] : f32 from vector<1xf32>
        %get3A_460 = arith.index_cast %add3A_457 : i32 to index
        %get3A_461 = arith.constant 0 : index
        %get3A_462 = tpu.vector_load %arg14[%get3A_460, %get3A_461] {strides = array<i32>} : memref<128x32xf32, #tpu.memory_space<vmem>>, vector<16xf32>,
        %mul3A_463 = vector.broadcast %squeeze3A_459 : f32 to vector<16xf32>
        %mul3A_464 = arith.mulf %get3A_462, %mul3A_463 : vector<16xf32>
        %swap3A_465 = arith.index_cast %add3A_457 : i32 to index
        %swap3A_466 = arith.constant 0 : index
        %swap3A_467 = tpu.vector_load %arg15[%swap3A_465, %swap3A_466] {strides = array<i32>} : memref<128x64xf32, #tpu.memory_space<vmem>>, vector<16xf32>,
        tpu.vector_store %arg15[%swap3A_465, %swap3A_466], %mul3A_464 {strides = array<i32>} : memref<128x64xf32, #tpu.memory_space<vmem>>, vector<16xf32>,
        %swap3A_468 = arith.index_cast %add3A_457 : i32 to index
        %swap3A_469 = arith.constant 32 : index
        %swap3A_470 = tpu.vector_load %arg15[%swap3A_468, %swap3A_469] {strides = array<i32>} : memref<128x64xf32, #tpu.memory_space<vmem>>, vector<16xf32>,
        tpu.vector_store %arg15[%swap3A_468, %swap3A_469], %get3A_462 {strides = array<i32>} : memref<128x64xf32, #tpu.memory_space<vmem>>, vector<16xf32>,
        %get3A_471 = arith.index_cast %add3A_457 : i32 to index
        %get3A_472 = arith.constant 16 : index
        %get3A_473 = tpu.vector_load %arg14[%get3A_471, %get3A_472] {strides = array<i32>} : memref<128x32xf32, #tpu.memory_space<vmem>>, vector<16xf32>,
        %mul3A_474 = vector.broadcast %squeeze3A_459 : f32 to vector<16xf32>
        %mul3A_475 = arith.mulf %get3A_473, %mul3A_474 : vector<16xf32>
        %swap3A_476 = arith.index_cast %add3A_457 : i32 to index
        %swap3A_477 = arith.constant 16 : index
        %swap3A_478 = tpu.vector_load %arg15[%swap3A_476, %swap3A_477] {strides = array<i32>} : memref<128x64xf32, #tpu.memory_space<vmem>>, vector<16xf32>,
        tpu.vector_store %arg15[%swap3A_476, %swap3A_477], %mul3A_475 {strides = array<i32>} : memref<128x64xf32, #tpu.memory_space<vmem>>, vector<16xf32>,
        %swap3A_479 = arith.index_cast %add3A_457 : i32 to index
        %swap3A_480 = arith.constant 48 : index
        %swap3A_481 = tpu.vector_load %arg15[%swap3A_479, %swap3A_480] {strides = array<i32>} : memref<128x64xf32, #tpu.memory_space<vmem>>, vector<16xf32>,
        tpu.vector_store %arg15[%swap3A_479, %swap3A_480], %get3A_473 {strides = array<i32>} : memref<128x64xf32, #tpu.memory_space<vmem>>, vector<16xf32>,
        %mul3A_482 = arith.constant 16 : i32
        %mul3A_483 = arith.muli %scan3A_255, %mul3A_482 : i32
        %add3A_484 = arith.constant 8 : i32
        %add3A_485 = arith.addi %mul3A_483, %add3A_484 : i32
        %slice3A_486 = vector.extract_strided_slice %get3A_260 {offsets = [8], sizes = [1], strides = [1]} : vector<16xf32> to vector<1xf32>
        %squeeze3A_487 = vector.extract %slice3A_486[0] : f32 from vector<1xf32>
        %get3A_488 = arith.index_cast %add3A_485 : i32 to index
        %get3A_489 = arith.constant 0 : index
        %get3A_490 = tpu.vector_load %arg14[%get3A_488, %get3A_489] {strides = array<i32>} : memref<128x32xf32, #tpu.memory_space<vmem>>, vector<16xf32>,
        %mul3A_491 = vector.broadcast %squeeze3A_487 : f32 to vector<16xf32>
        %mul3A_492 = arith.mulf %get3A_490, %mul3A_491 : vector<16xf32>
        %swap3A_493 = arith.index_cast %add3A_485 : i32 to index
        %swap3A_494 = arith.constant 0 : index
        %swap3A_495 = tpu.vector_load %arg15[%swap3A_493, %swap3A_494] {strides = array<i32>} : memref<128x64xf32, #tpu.memory_space<vmem>>, vector<16xf32>,
        tpu.vector_store %arg15[%swap3A_493, %swap3A_494], %mul3A_492 {strides = array<i32>} : memref<128x64xf32, #tpu.memory_space<vmem>>, vector<16xf32>,
        %swap3A_496 = arith.index_cast %add3A_485 : i32 to index
        %swap3A_497 = arith.constant 32 : index
        %swap3A_498 = tpu.vector_load %arg15[%swap3A_496, %swap3A_497] {strides = array<i32>} : memref<128x64xf32, #tpu.memory_space<vmem>>, vector<16xf32>,
        tpu.vector_store %arg15[%swap3A_496, %swap3A_497], %get3A_490 {strides = array<i32>} : memref<128x64xf32, #tpu.memory_space<vmem>>, vector<16xf32>,
        %get3A_499 = arith.index_cast %add3A_485 : i32 to index
        %get3A_500 = arith.constant 16 : index
        %get3A_501 = tpu.vector_load %arg14[%get3A_499, %get3A_500] {strides = array<i32>} : memref<128x32xf32, #tpu.memory_space<vmem>>, vector<16xf32>,
        %mul3A_502 = vector.broadcast %squeeze3A_487 : f32 to vector<16xf32>
        %mul3A_503 = arith.mulf %get3A_501, %mul3A_502 : vector<16xf32>
        %swap3A_504 = arith.index_cast %add3A_485 : i32 to index
        %swap3A_505 = arith.constant 16 : index
        %swap3A_506 = tpu.vector_load %arg15[%swap3A_504, %swap3A_505] {strides = array<i32>} : memref<128x64xf32, #tpu.memory_space<vmem>>, vector<16xf32>,
        tpu.vector_store %arg15[%swap3A_504, %swap3A_505], %mul3A_503 {strides = array<i32>} : memref<128x64xf32, #tpu.memory_space<vmem>>, vector<16xf32>,
        %swap3A_507 = arith.index_cast %add3A_485 : i32 to index
        %swap3A_508 = arith.constant 48 : index
        %swap3A_509 = tpu.vector_load %arg15[%swap3A_507, %swap3A_508] {strides = array<i32>} : memref<128x64xf32, #tpu.memory_space<vmem>>, vector<16xf32>,
        tpu.vector_store %arg15[%swap3A_507, %swap3A_508], %get3A_501 {strides = array<i32>} : memref<128x64xf32, #tpu.memory_space<vmem>>, vector<16xf32>,
        %mul3A_510 = arith.constant 16 : i32
        %mul3A_511 = arith.muli %scan3A_255, %mul3A_510 : i32
        %add3A_512 = arith.constant 9 : i32
        %add3A_513 = arith.addi %mul3A_511, %add3A_512 : i32
        %slice3A_514 = vector.extract_strided_slice %get3A_260 {offsets = [9], sizes = [1], strides = [1]} : vector<16xf32> to vector<1xf32>
        %squeeze3A_515 = vector.extract %slice3A_514[0] : f32 from vector<1xf32>
        %get3A_516 = arith.index_cast %add3A_513 : i32 to index
        %get3A_517 = arith.constant 0 : index
        %get3A_518 = tpu.vector_load %arg14[%get3A_516, %get3A_517] {strides = array<i32>} : memref<128x32xf32, #tpu.memory_space<vmem>>, vector<16xf32>,
        %mul3A_519 = vector.broadcast %squeeze3A_515 : f32 to vector<16xf32>
        %mul3A_520 = arith.mulf %get3A_518, %mul3A_519 : vector<16xf32>
        %swap3A_521 = arith.index_cast %add3A_513 : i32 to index
        %swap3A_522 = arith.constant 0 : index
        %swap3A_523 = tpu.vector_load %arg15[%swap3A_521, %swap3A_522] {strides = array<i32>} : memref<128x64xf32, #tpu.memory_space<vmem>>, vector<16xf32>,
        tpu.vector_store %arg15[%swap3A_521, %swap3A_522], %mul3A_520 {strides = array<i32>} : memref<128x64xf32, #tpu.memory_space<vmem>>, vector<16xf32>,
        %swap3A_524 = arith.index_cast %add3A_513 : i32 to index
        %swap3A_525 = arith.constant 32 : index
        %swap3A_526 = tpu.vector_load %arg15[%swap3A_524, %swap3A_525] {strides = array<i32>} : memref<128x64xf32, #tpu.memory_space<vmem>>, vector<16xf32>,
        tpu.vector_store %arg15[%swap3A_524, %swap3A_525], %get3A_518 {strides = array<i32>} : memref<128x64xf32, #tpu.memory_space<vmem>>, vector<16xf32>,
        %get3A_527 = arith.index_cast %add3A_513 : i32 to index
        %get3A_528 = arith.constant 16 : index
        %get3A_529 = tpu.vector_load %arg14[%get3A_527, %get3A_528] {strides = array<i32>} : memref<128x32xf32, #tpu.memory_space<vmem>>, vector<16xf32>,
        %mul3A_530 = vector.broadcast %squeeze3A_515 : f32 to vector<16xf32>
        %mul3A_531 = arith.mulf %get3A_529, %mul3A_530 : vector<16xf32>
        %swap3A_532 = arith.index_cast %add3A_513 : i32 to index
        %swap3A_533 = arith.constant 16 : index
        %swap3A_534 = tpu.vector_load %arg15[%swap3A_532, %swap3A_533] {strides = array<i32>} : memref<128x64xf32, #tpu.memory_space<vmem>>, vector<16xf32>,
        tpu.vector_store %arg15[%swap3A_532, %swap3A_533], %mul3A_531 {strides = array<i32>} : memref<128x64xf32, #tpu.memory_space<vmem>>, vector<16xf32>,
        %swap3A_535 = arith.index_cast %add3A_513 : i32 to index
        %swap3A_536 = arith.constant 48 : index
        %swap3A_537 = tpu.vector_load %arg15[%swap3A_535, %swap3A_536] {strides = array<i32>} : memref<128x64xf32, #tpu.memory_space<vmem>>, vector<16xf32>,
        tpu.vector_store %arg15[%swap3A_535, %swap3A_536], %get3A_529 {strides = array<i32>} : memref<128x64xf32, #tpu.memory_space<vmem>>, vector<16xf32>,
        %mul3A_538 = arith.constant 16 : i32
        %mul3A_539 = arith.muli %scan3A_255, %mul3A_538 : i32
        %add3A_540 = arith.constant 10 : i32
        %add3A_541 = arith.addi %mul3A_539, %add3A_540 : i32
        %slice3A_542 = vector.extract_strided_slice %get3A_260 {offsets = [10], sizes = [1], strides = [1]} : vector<16xf32> to vector<1xf32>
        %squeeze3A_543 = vector.extract %slice3A_542[0] : f32 from vector<1xf32>
        %get3A_544 = arith.index_cast %add3A_541 : i32 to index
        %get3A_545 = arith.constant 0 : index
        %get3A_546 = tpu.vector_load %arg14[%get3A_544, %get3A_545] {strides = array<i32>} : memref<128x32xf32, #tpu.memory_space<vmem>>, vector<16xf32>,
        %mul3A_547 = vector.broadcast %squeeze3A_543 : f32 to vector<16xf32>
        %mul3A_548 = arith.mulf %get3A_546, %mul3A_547 : vector<16xf32>
        %swap3A_549 = arith.index_cast %add3A_541 : i32 to index
        %swap3A_550 = arith.constant 0 : index
        %swap3A_551 = tpu.vector_load %arg15[%swap3A_549, %swap3A_550] {strides = array<i32>} : memref<128x64xf32, #tpu.memory_space<vmem>>, vector<16xf32>,
        tpu.vector_store %arg15[%swap3A_549, %swap3A_550], %mul3A_548 {strides = array<i32>} : memref<128x64xf32, #tpu.memory_space<vmem>>, vector<16xf32>,
        %swap3A_552 = arith.index_cast %add3A_541 : i32 to index
        %swap3A_553 = arith.constant 32 : index
        %swap3A_554 = tpu.vector_load %arg15[%swap3A_552, %swap3A_553] {strides = array<i32>} : memref<128x64xf32, #tpu.memory_space<vmem>>, vector<16xf32>,
        tpu.vector_store %arg15[%swap3A_552, %swap3A_553], %get3A_546 {strides = array<i32>} : memref<128x64xf32, #tpu.memory_space<vmem>>, vector<16xf32>,
        %get3A_555 = arith.index_cast %add3A_541 : i32 to index
        %get3A_556 = arith.constant 16 : index
        %get3A_557 = tpu.vector_load %arg14[%get3A_555, %get3A_556] {strides = array<i32>} : memref<128x32xf32, #tpu.memory_space<vmem>>, vector<16xf32>,
        %mul3A_558 = vector.broadcast %squeeze3A_543 : f32 to vector<16xf32>
        %mul3A_559 = arith.mulf %get3A_557, %mul3A_558 : vector<16xf32>
        %swap3A_560 = arith.index_cast %add3A_541 : i32 to index
        %swap3A_561 = arith.constant 16 : index
        %swap3A_562 = tpu.vector_load %arg15[%swap3A_560, %swap3A_561] {strides = array<i32>} : memref<128x64xf32, #tpu.memory_space<vmem>>, vector<16xf32>,
        tpu.vector_store %arg15[%swap3A_560, %swap3A_561], %mul3A_559 {strides = array<i32>} : memref<128x64xf32, #tpu.memory_space<vmem>>, vector<16xf32>,
        %swap3A_563 = arith.index_cast %add3A_541 : i32 to index
        %swap3A_564 = arith.constant 48 : index
        %swap3A_565 = tpu.vector_load %arg15[%swap3A_563, %swap3A_564] {strides = array<i32>} : memref<128x64xf32, #tpu.memory_space<vmem>>, vector<16xf32>,
        tpu.vector_store %arg15[%swap3A_563, %swap3A_564], %get3A_557 {strides = array<i32>} : memref<128x64xf32, #tpu.memory_space<vmem>>, vector<16xf32>,
        %mul3A_566 = arith.constant 16 : i32
        %mul3A_567 = arith.muli %scan3A_255, %mul3A_566 : i32
        %add3A_568 = arith.constant 11 : i32
        %add3A_569 = arith.addi %mul3A_567, %add3A_568 : i32
        %slice3A_570 = vector.extract_strided_slice %get3A_260 {offsets = [11], sizes = [1], strides = [1]} : vector<16xf32> to vector<1xf32>
        %squeeze3A_571 = vector.extract %slice3A_570[0] : f32 from vector<1xf32>
        %get3A_572 = arith.index_cast %add3A_569 : i32 to index
        %get3A_573 = arith.constant 0 : index
        %get3A_574 = tpu.vector_load %arg14[%get3A_572, %get3A_573] {strides = array<i32>} : memref<128x32xf32, #tpu.memory_space<vmem>>, vector<16xf32>,
        %mul3A_575 = vector.broadcast %squeeze3A_571 : f32 to vector<16xf32>
        %mul3A_576 = arith.mulf %get3A_574, %mul3A_575 : vector<16xf32>
        %swap3A_577 = arith.index_cast %add3A_569 : i32 to index
        %swap3A_578 = arith.constant 0 : index
        %swap3A_579 = tpu.vector_load %arg15[%swap3A_577, %swap3A_578] {strides = array<i32>} : memref<128x64xf32, #tpu.memory_space<vmem>>, vector<16xf32>,
        tpu.vector_store %arg15[%swap3A_577, %swap3A_578], %mul3A_576 {strides = array<i32>} : memref<128x64xf32, #tpu.memory_space<vmem>>, vector<16xf32>,
        %swap3A_580 = arith.index_cast %add3A_569 : i32 to index
        %swap3A_581 = arith.constant 32 : index
        %swap3A_582 = tpu.vector_load %arg15[%swap3A_580, %swap3A_581] {strides = array<i32>} : memref<128x64xf32, #tpu.memory_space<vmem>>, vector<16xf32>,
        tpu.vector_store %arg15[%swap3A_580, %swap3A_581], %get3A_574 {strides = array<i32>} : memref<128x64xf32, #tpu.memory_space<vmem>>, vector<16xf32>,
        %get3A_583 = arith.index_cast %add3A_569 : i32 to index
        %get3A_584 = arith.constant 16 : index
        %get3A_585 = tpu.vector_load %arg14[%get3A_583, %get3A_584] {strides = array<i32>} : memref<128x32xf32, #tpu.memory_space<vmem>>, vector<16xf32>,
        %mul3A_586 = vector.broadcast %squeeze3A_571 : f32 to vector<16xf32>
        %mul3A_587 = arith.mulf %get3A_585, %mul3A_586 : vector<16xf32>
        %swap3A_588 = arith.index_cast %add3A_569 : i32 to index
        %swap3A_589 = arith.constant 16 : index
        %swap3A_590 = tpu.vector_load %arg15[%swap3A_588, %swap3A_589] {strides = array<i32>} : memref<128x64xf32, #tpu.memory_space<vmem>>, vector<16xf32>,
        tpu.vector_store %arg15[%swap3A_588, %swap3A_589], %mul3A_587 {strides = array<i32>} : memref<128x64xf32, #tpu.memory_space<vmem>>, vector<16xf32>,
        %swap3A_591 = arith.index_cast %add3A_569 : i32 to index
        %swap3A_592 = arith.constant 48 : index
        %swap3A_593 = tpu.vector_load %arg15[%swap3A_591, %swap3A_592] {strides = array<i32>} : memref<128x64xf32, #tpu.memory_space<vmem>>, vector<16xf32>,
        tpu.vector_store %arg15[%swap3A_591, %swap3A_592], %get3A_585 {strides = array<i32>} : memref<128x64xf32, #tpu.memory_space<vmem>>, vector<16xf32>,
        %mul3A_594 = arith.constant 16 : i32
        %mul3A_595 = arith.muli %scan3A_255, %mul3A_594 : i32
        %add3A_596 = arith.constant 12 : i32
        %add3A_597 = arith.addi %mul3A_595, %add3A_596 : i32
        %slice3A_598 = vector.extract_strided_slice %get3A_260 {offsets = [12], sizes = [1], strides = [1]} : vector<16xf32> to vector<1xf32>
        %squeeze3A_599 = vector.extract %slice3A_598[0] : f32 from vector<1xf32>
        %get3A_600 = arith.index_cast %add3A_597 : i32 to index
        %get3A_601 = arith.constant 0 : index
        %get3A_602 = tpu.vector_load %arg14[%get3A_600, %get3A_601] {strides = array<i32>} : memref<128x32xf32, #tpu.memory_space<vmem>>, vector<16xf32>,
        %mul3A_603 = vector.broadcast %squeeze3A_599 : f32 to vector<16xf32>
        %mul3A_604 = arith.mulf %get3A_602, %mul3A_603 : vector<16xf32>
        %swap3A_605 = arith.index_cast %add3A_597 : i32 to index
        %swap3A_606 = arith.constant 0 : index
        %swap3A_607 = tpu.vector_load %arg15[%swap3A_605, %swap3A_606] {strides = array<i32>} : memref<128x64xf32, #tpu.memory_space<vmem>>, vector<16xf32>,
        tpu.vector_store %arg15[%swap3A_605, %swap3A_606], %mul3A_604 {strides = array<i32>} : memref<128x64xf32, #tpu.memory_space<vmem>>, vector<16xf32>,
        %swap3A_608 = arith.index_cast %add3A_597 : i32 to index
        %swap3A_609 = arith.constant 32 : index
        %swap3A_610 = tpu.vector_load %arg15[%swap3A_608, %swap3A_609] {strides = array<i32>} : memref<128x64xf32, #tpu.memory_space<vmem>>, vector<16xf32>,
        tpu.vector_store %arg15[%swap3A_608, %swap3A_609], %get3A_602 {strides = array<i32>} : memref<128x64xf32, #tpu.memory_space<vmem>>, vector<16xf32>,
        %get3A_611 = arith.index_cast %add3A_597 : i32 to index
        %get3A_612 = arith.constant 16 : index
        %get3A_613 = tpu.vector_load %arg14[%get3A_611, %get3A_612] {strides = array<i32>} : memref<128x32xf32, #tpu.memory_space<vmem>>, vector<16xf32>,
        %mul3A_614 = vector.broadcast %squeeze3A_599 : f32 to vector<16xf32>
        %mul3A_615 = arith.mulf %get3A_613, %mul3A_614 : vector<16xf32>
        %swap3A_616 = arith.index_cast %add3A_597 : i32 to index
        %swap3A_617 = arith.constant 16 : index
        %swap3A_618 = tpu.vector_load %arg15[%swap3A_616, %swap3A_617] {strides = array<i32>} : memref<128x64xf32, #tpu.memory_space<vmem>>, vector<16xf32>,
        tpu.vector_store %arg15[%swap3A_616, %swap3A_617], %mul3A_615 {strides = array<i32>} : memref<128x64xf32, #tpu.memory_space<vmem>>, vector<16xf32>,
        %swap3A_619 = arith.index_cast %add3A_597 : i32 to index
        %swap3A_620 = arith.constant 48 : index
        %swap3A_621 = tpu.vector_load %arg15[%swap3A_619, %swap3A_620] {strides = array<i32>} : memref<128x64xf32, #tpu.memory_space<vmem>>, vector<16xf32>,
        tpu.vector_store %arg15[%swap3A_619, %swap3A_620], %get3A_613 {strides = array<i32>} : memref<128x64xf32, #tpu.memory_space<vmem>>, vector<16xf32>,
        %mul3A_622 = arith.constant 16 : i32
        %mul3A_623 = arith.muli %scan3A_255, %mul3A_622 : i32
        %add3A_624 = arith.constant 13 : i32
        %add3A_625 = arith.addi %mul3A_623, %add3A_624 : i32
        %slice3A_626 = vector.extract_strided_slice %get3A_260 {offsets = [13], sizes = [1], strides = [1]} : vector<16xf32> to vector<1xf32>
        %squeeze3A_627 = vector.extract %slice3A_626[0] : f32 from vector<1xf32>
        %get3A_628 = arith.index_cast %add3A_625 : i32 to index
        %get3A_629 = arith.constant 0 : index
        %get3A_630 = tpu.vector_load %arg14[%get3A_628, %get3A_629] {strides = array<i32>} : memref<128x32xf32, #tpu.memory_space<vmem>>, vector<16xf32>,
        %mul3A_631 = vector.broadcast %squeeze3A_627 : f32 to vector<16xf32>
        %mul3A_632 = arith.mulf %get3A_630, %mul3A_631 : vector<16xf32>
        %swap3A_633 = arith.index_cast %add3A_625 : i32 to index
        %swap3A_634 = arith.constant 0 : index
        %swap3A_635 = tpu.vector_load %arg15[%swap3A_633, %swap3A_634] {strides = array<i32>} : memref<128x64xf32, #tpu.memory_space<vmem>>, vector<16xf32>,
        tpu.vector_store %arg15[%swap3A_633, %swap3A_634], %mul3A_632 {strides = array<i32>} : memref<128x64xf32, #tpu.memory_space<vmem>>, vector<16xf32>,
        %swap3A_636 = arith.index_cast %add3A_625 : i32 to index
        %swap3A_637 = arith.constant 32 : index
        %swap3A_638 = tpu.vector_load %arg15[%swap3A_636, %swap3A_637] {strides = array<i32>} : memref<128x64xf32, #tpu.memory_space<vmem>>, vector<16xf32>,
        tpu.vector_store %arg15[%swap3A_636, %swap3A_637], %get3A_630 {strides = array<i32>} : memref<128x64xf32, #tpu.memory_space<vmem>>, vector<16xf32>,
        %get3A_639 = arith.index_cast %add3A_625 : i32 to index
        %get3A_640 = arith.constant 16 : index
        %get3A_641 = tpu.vector_load %arg14[%get3A_639, %get3A_640] {strides = array<i32>} : memref<128x32xf32, #tpu.memory_space<vmem>>, vector<16xf32>,
        %mul3A_642 = vector.broadcast %squeeze3A_627 : f32 to vector<16xf32>
        %mul3A_643 = arith.mulf %get3A_641, %mul3A_642 : vector<16xf32>
        %swap3A_644 = arith.index_cast %add3A_625 : i32 to index
        %swap3A_645 = arith.constant 16 : index
        %swap3A_646 = tpu.vector_load %arg15[%swap3A_644, %swap3A_645] {strides = array<i32>} : memref<128x64xf32, #tpu.memory_space<vmem>>, vector<16xf32>,
        tpu.vector_store %arg15[%swap3A_644, %swap3A_645], %mul3A_643 {strides = array<i32>} : memref<128x64xf32, #tpu.memory_space<vmem>>, vector<16xf32>,
        %swap3A_647 = arith.index_cast %add3A_625 : i32 to index
        %swap3A_648 = arith.constant 48 : index
        %swap3A_649 = tpu.vector_load %arg15[%swap3A_647, %swap3A_648] {strides = array<i32>} : memref<128x64xf32, #tpu.memory_space<vmem>>, vector<16xf32>,
        tpu.vector_store %arg15[%swap3A_647, %swap3A_648], %get3A_641 {strides = array<i32>} : memref<128x64xf32, #tpu.memory_space<vmem>>, vector<16xf32>,
        %mul3A_650 = arith.constant 16 : i32
        %mul3A_651 = arith.muli %scan3A_255, %mul3A_650 : i32
        %add3A_652 = arith.constant 14 : i32
        %add3A_653 = arith.addi %mul3A_651, %add3A_652 : i32
        %slice3A_654 = vector.extract_strided_slice %get3A_260 {offsets = [14], sizes = [1], strides = [1]} : vector<16xf32> to vector<1xf32>
        %squeeze3A_655 = vector.extract %slice3A_654[0] : f32 from vector<1xf32>
        %get3A_656 = arith.index_cast %add3A_653 : i32 to index
        %get3A_657 = arith.constant 0 : index
        %get3A_658 = tpu.vector_load %arg14[%get3A_656, %get3A_657] {strides = array<i32>} : memref<128x32xf32, #tpu.memory_space<vmem>>, vector<16xf32>,
        %mul3A_659 = vector.broadcast %squeeze3A_655 : f32 to vector<16xf32>
        %mul3A_660 = arith.mulf %get3A_658, %mul3A_659 : vector<16xf32>
        %swap3A_661 = arith.index_cast %add3A_653 : i32 to index
        %swap3A_662 = arith.constant 0 : index
        %swap3A_663 = tpu.vector_load %arg15[%swap3A_661, %swap3A_662] {strides = array<i32>} : memref<128x64xf32, #tpu.memory_space<vmem>>, vector<16xf32>,
        tpu.vector_store %arg15[%swap3A_661, %swap3A_662], %mul3A_660 {strides = array<i32>} : memref<128x64xf32, #tpu.memory_space<vmem>>, vector<16xf32>,
        %swap3A_664 = arith.index_cast %add3A_653 : i32 to index
        %swap3A_665 = arith.constant 32 : index
        %swap3A_666 = tpu.vector_load %arg15[%swap3A_664, %swap3A_665] {strides = array<i32>} : memref<128x64xf32, #tpu.memory_space<vmem>>, vector<16xf32>,
        tpu.vector_store %arg15[%swap3A_664, %swap3A_665], %get3A_658 {strides = array<i32>} : memref<128x64xf32, #tpu.memory_space<vmem>>, vector<16xf32>,
        %get3A_667 = arith.index_cast %add3A_653 : i32 to index
        %get3A_668 = arith.constant 16 : index
        %get3A_669 = tpu.vector_load %arg14[%get3A_667, %get3A_668] {strides = array<i32>} : memref<128x32xf32, #tpu.memory_space<vmem>>, vector<16xf32>,
        %mul3A_670 = vector.broadcast %squeeze3A_655 : f32 to vector<16xf32>
        %mul3A_671 = arith.mulf %get3A_669, %mul3A_670 : vector<16xf32>
        %swap3A_672 = arith.index_cast %add3A_653 : i32 to index
        %swap3A_673 = arith.constant 16 : index
        %swap3A_674 = tpu.vector_load %arg15[%swap3A_672, %swap3A_673] {strides = array<i32>} : memref<128x64xf32, #tpu.memory_space<vmem>>, vector<16xf32>,
        tpu.vector_store %arg15[%swap3A_672, %swap3A_673], %mul3A_671 {strides = array<i32>} : memref<128x64xf32, #tpu.memory_space<vmem>>, vector<16xf32>,
        %swap3A_675 = arith.index_cast %add3A_653 : i32 to index
        %swap3A_676 = arith.constant 48 : index
        %swap3A_677 = tpu.vector_load %arg15[%swap3A_675, %swap3A_676] {strides = array<i32>} : memref<128x64xf32, #tpu.memory_space<vmem>>, vector<16xf32>,
        tpu.vector_store %arg15[%swap3A_675, %swap3A_676], %get3A_669 {strides = array<i32>} : memref<128x64xf32, #tpu.memory_space<vmem>>, vector<16xf32>,
        %mul3A_678 = arith.constant 16 : i32
        %mul3A_679 = arith.muli %scan3A_255, %mul3A_678 : i32
        %add3A_680 = arith.constant 15 : i32
        %add3A_681 = arith.addi %mul3A_679, %add3A_680 : i32
        %slice3A_682 = vector.extract_strided_slice %get3A_260 {offsets = [15], sizes = [1], strides = [1]} : vector<16xf32> to vector<1xf32>
        %squeeze3A_683 = vector.extract %slice3A_682[0] : f32 from vector<1xf32>
        %get3A_684 = arith.index_cast %add3A_681 : i32 to index
        %get3A_685 = arith.constant 0 : index
        %get3A_686 = tpu.vector_load %arg14[%get3A_684, %get3A_685] {strides = array<i32>} : memref<128x32xf32, #tpu.memory_space<vmem>>, vector<16xf32>,
        %mul3A_687 = vector.broadcast %squeeze3A_683 : f32 to vector<16xf32>
        %mul3A_688 = arith.mulf %get3A_686, %mul3A_687 : vector<16xf32>
        %swap3A_689 = arith.index_cast %add3A_681 : i32 to index
        %swap3A_690 = arith.constant 0 : index
        %swap3A_691 = tpu.vector_load %arg15[%swap3A_689, %swap3A_690] {strides = array<i32>} : memref<128x64xf32, #tpu.memory_space<vmem>>, vector<16xf32>,
        tpu.vector_store %arg15[%swap3A_689, %swap3A_690], %mul3A_688 {strides = array<i32>} : memref<128x64xf32, #tpu.memory_space<vmem>>, vector<16xf32>,
        %swap3A_692 = arith.index_cast %add3A_681 : i32 to index
        %swap3A_693 = arith.constant 32 : index
        %swap3A_694 = tpu.vector_load %arg15[%swap3A_692, %swap3A_693] {strides = array<i32>} : memref<128x64xf32, #tpu.memory_space<vmem>>, vector<16xf32>,
        tpu.vector_store %arg15[%swap3A_692, %swap3A_693], %get3A_686 {strides = array<i32>} : memref<128x64xf32, #tpu.memory_space<vmem>>, vector<16xf32>,
        %get3A_695 = arith.index_cast %add3A_681 : i32 to index
        %get3A_696 = arith.constant 16 : index
        %get3A_697 = tpu.vector_load %arg14[%get3A_695, %get3A_696] {strides = array<i32>} : memref<128x32xf32, #tpu.memory_space<vmem>>, vector<16xf32>,
        %mul3A_698 = vector.broadcast %squeeze3A_683 : f32 to vector<16xf32>
        %mul3A_699 = arith.mulf %get3A_697, %mul3A_698 : vector<16xf32>
        %swap3A_700 = arith.index_cast %add3A_681 : i32 to index
        %swap3A_701 = arith.constant 16 : index
        %swap3A_702 = tpu.vector_load %arg15[%swap3A_700, %swap3A_701] {strides = array<i32>} : memref<128x64xf32, #tpu.memory_space<vmem>>, vector<16xf32>,
        tpu.vector_store %arg15[%swap3A_700, %swap3A_701], %mul3A_699 {strides = array<i32>} : memref<128x64xf32, #tpu.memory_space<vmem>>, vector<16xf32>,
        %swap3A_703 = arith.index_cast %add3A_681 : i32 to index
        %swap3A_704 = arith.constant 48 : index
        %swap3A_705 = tpu.vector_load %arg15[%swap3A_703, %swap3A_704] {strides = array<i32>} : memref<128x64xf32, #tpu.memory_space<vmem>>, vector<16xf32>,
        tpu.vector_store %arg15[%swap3A_703, %swap3A_704], %get3A_697 {strides = array<i32>} : memref<128x64xf32, #tpu.memory_space<vmem>>, vector<16xf32>,
        %scan3A_706 = arith.constant 0 : i32
        scf.yield %scan3A_706 : i32
      }
      %scan3A_253 = arith.constant 8 : i32
      "tpu.region"() ({
        %run_scoped3A_255 = tpu.sem_alloc : memref<!tpu.dma_semaphore, #tpu.memory_space<semaphore_mem>>
        %dma_start3A_256 = arith.constant 0 : i32
        %dma_start3A_257 = tpu.memref_slice %arg12[%scan3A_235, %dma_start3A_256] : memref<79x128xi32, #tpu.memory_space<vmem>> -> memref<1x128xi32, #tpu.memory_space<vmem>>
        %dma_start3A_258 = tpu.memref_squeeze %dma_start3A_257 : memref<1x128xi32, #tpu.memory_space<vmem>> -> memref<128xi32, #tpu.memory_space<vmem>>
        %dma_start3A_259 = arith.constant 0 : i32
        %dma_start3A_260 = arith.constant 0 : i32
        %dma_start3A_261 = tpu.memref_slice %arg18[%dma_start3A_259, %dma_start3A_260] : memref<10240x64xf32, #tpu.memory_space<vmem_shared>> -> memref<10240x64xf32, #tpu.memory_space<vmem_shared>>
        tpu.enqueue_indirect_dma source(%arg15 : memref<128x64xf32, #tpu.memory_space<vmem>>) target(%dma_start3A_261 : memref<10240x64xf32, #tpu.memory_space<vmem_shared>>) offsets(%dma_start3A_258 : memref<128xi32, #tpu.memory_space<vmem>>) semaphore(%run_scoped3A_255 : memref<!tpu.dma_semaphore, #tpu.memory_space<semaphore_mem>>) {add = true}
        %dma_wait3A_262 = arith.constant 0 : i32
        %dma_wait3A_263 = tpu.memref_slice %arg12[%scan3A_235, %dma_wait3A_262] : memref<79x128xi32, #tpu.memory_space<vmem>> -> memref<1x128xi32, #tpu.memory_space<vmem>>
        %dma_wait3A_264 = tpu.memref_squeeze %dma_wait3A_263 : memref<1x128xi32, #tpu.memory_space<vmem>> -> memref<128xi32, #tpu.memory_space<vmem>>
        %dma_wait3A_265 = arith.constant 0 : i32
        %dma_wait3A_266 = arith.constant 0 : i32
        %dma_wait3A_267 = tpu.memref_slice %arg18[%dma_wait3A_265, %dma_wait3A_266] : memref<10240x64xf32, #tpu.memory_space<vmem_shared>> -> memref<10240x64xf32, #tpu.memory_space<vmem_shared>>
        tpu.wait_indirect_dma semaphore(%run_scoped3A_255 : memref<!tpu.dma_semaphore, #tpu.memory_space<semaphore_mem>>) src(%arg15 : memref<128x64xf32, #tpu.memory_space<vmem>>) dst(%dma_wait3A_267 : memref<10240x64xf32, #tpu.memory_space<vmem_shared>>)
        tpu.yield
      }) : () -> ()
      %scan3A_254 = arith.constant 0 : i32
      scf.yield %scan3A_254 : i32
    }
    %scan3A_152 = arith.constant 79 : i32
    %barrier3A_153 = arith.constant 0 : index
    tpu.barrier barrier_id(%barrier3A_153)
    %mul3A_154 = arith.constant 640 : i32
    %mul3A_155 = arith.muli %arg1, %mul3A_154 : i32
    %add3A_156 = arith.constant 0 : i32
    %add3A_157 = arith.addi %mul3A_155, %add3A_156 : i32
    "tpu.region"() ({
      %run_scoped3A_235 = tpu.sem_alloc : memref<!tpu.dma_semaphore, #tpu.memory_space<semaphore_mem>>
      %dma_start3A = arith.constant 0 : i32
      %dma_start3A_236 = tpu.memref_slice %arg18[%add3A_157, %dma_start3A] : memref<10240x64xf32, #tpu.memory_space<vmem_shared>> -> memref<128x64xf32, #tpu.memory_space<vmem_shared>>
      %dma_start3A_237 = arith.constant 0 : i32
      %dma_start3A_238 = tpu.memref_slice %arg18[%add3A_157, %dma_start3A_237] : memref<10240x64xf32, #tpu.memory_space<vmem_shared>> -> memref<128x64xf32, #tpu.memory_space<vmem_shared>>
      tpu.enqueue_dma source(%dma_start3A_238 : memref<128x64xf32, #tpu.memory_space<vmem_shared>>) target(%arg15 : memref<128x64xf32, #tpu.memory_space<vmem>>) target_semaphore(%run_scoped3A_235 : memref<!tpu.dma_semaphore, #tpu.memory_space<semaphore_mem>>)
      %dma_wait3A = arith.constant 0 : i32
      %dma_wait3A_239 = tpu.memref_slice %arg18[%add3A_157, %dma_wait3A] : memref<10240x64xf32, #tpu.memory_space<vmem_shared>> -> memref<128x64xf32, #tpu.memory_space<vmem_shared>>
      %dma_wait3A_240 = arith.constant 0 : i32
      %dma_wait3A_241 = tpu.memref_slice %arg18[%add3A_157, %dma_wait3A_240] : memref<10240x64xf32, #tpu.memory_space<vmem_shared>> -> memref<128x64xf32, #tpu.memory_space<vmem_shared>>
      tpu.wait_dma2 semaphore(%run_scoped3A_235 : memref<!tpu.dma_semaphore, #tpu.memory_space<semaphore_mem>>) src(%dma_wait3A_241 : memref<128x64xf32, #tpu.memory_space<vmem_shared>>) dst(%arg15 : memref<128x64xf32, #tpu.memory_space<vmem>>)
      tpu.yield
    }) : () -> ()
    %run_scoped3A_158 = arith.constant 2 : i32
    "tpu.region"() ({
      %run_scoped3A_235 = tpu.sem_alloc : memref<!tpu.dma_semaphore, #tpu.memory_space<semaphore_mem>>
      %dma_start3A = arith.constant 0 : i32
      %dma_start3A_236 = tpu.memref_slice %arg9[%arg0, %run_scoped3A_158, %add3A_157, %dma_start3A] : memref<2x4x10240x64xf32, #tpu.memory_space<hbm>> -> memref<1x1x128x64xf32, #tpu.memory_space<hbm>>
      %dma_start3A_237 = tpu.memref_squeeze %dma_start3A_236 : memref<1x1x128x64xf32, #tpu.memory_space<hbm>> -> memref<128x64xf32, #tpu.memory_space<hbm>>
      %dma_start3A_238 = arith.constant 0 : i32
      %dma_start3A_239 = tpu.memref_slice %arg9[%arg0, %run_scoped3A_158, %add3A_157, %dma_start3A_238] : memref<2x4x10240x64xf32, #tpu.memory_space<hbm>> -> memref<1x1x128x64xf32, #tpu.memory_space<hbm>>
      %dma_start3A_240 = tpu.memref_squeeze %dma_start3A_239 : memref<1x1x128x64xf32, #tpu.memory_space<hbm>> -> memref<128x64xf32, #tpu.memory_space<hbm>>
      tpu.enqueue_dma source(%arg15 : memref<128x64xf32, #tpu.memory_space<vmem>>) target(%dma_start3A_240 : memref<128x64xf32, #tpu.memory_space<hbm>>) target_semaphore(%run_scoped3A_235 : memref<!tpu.dma_semaphore, #tpu.memory_space<semaphore_mem>>)
      %dma_wait3A = arith.constant 0 : i32
      %dma_wait3A_241 = tpu.memref_slice %arg9[%arg0, %run_scoped3A_158, %add3A_157, %dma_wait3A] : memref<2x4x10240x64xf32, #tpu.memory_space<hbm>> -> memref<1x1x128x64xf32, #tpu.memory_space<hbm>>
      %dma_wait3A_242 = tpu.memref_squeeze %dma_wait3A_241 : memref<1x1x128x64xf32, #tpu.memory_space<hbm>> -> memref<128x64xf32, #tpu.memory_space<hbm>>
      %dma_wait3A_243 = arith.constant 0 : i32
      %dma_wait3A_244 = tpu.memref_slice %arg9[%arg0, %run_scoped3A_158, %add3A_157, %dma_wait3A_243] : memref<2x4x10240x64xf32, #tpu.memory_space<hbm>> -> memref<1x1x128x64xf32, #tpu.memory_space<hbm>>
      %dma_wait3A_245 = tpu.memref_squeeze %dma_wait3A_244 : memref<1x1x128x64xf32, #tpu.memory_space<hbm>> -> memref<128x64xf32, #tpu.memory_space<hbm>>
      tpu.wait_dma2 semaphore(%run_scoped3A_235 : memref<!tpu.dma_semaphore, #tpu.memory_space<semaphore_mem>>) src(%arg15 : memref<128x64xf32, #tpu.memory_space<vmem>>) dst(%dma_wait3A_245 : memref<128x64xf32, #tpu.memory_space<hbm>>)
      tpu.yield
    }) : () -> ()
    %mul3A_159 = arith.constant 640 : i32
    %mul3A_160 = arith.muli %arg1, %mul3A_159 : i32
    %add3A_161 = arith.constant 128 : i32
    %add3A_162 = arith.addi %mul3A_160, %add3A_161 : i32
    "tpu.region"() ({
      %run_scoped3A_235 = tpu.sem_alloc : memref<!tpu.dma_semaphore, #tpu.memory_space<semaphore_mem>>
      %dma_start3A = arith.constant 0 : i32
      %dma_start3A_236 = tpu.memref_slice %arg18[%add3A_162, %dma_start3A] : memref<10240x64xf32, #tpu.memory_space<vmem_shared>> -> memref<128x64xf32, #tpu.memory_space<vmem_shared>>
      %dma_start3A_237 = arith.constant 0 : i32
      %dma_start3A_238 = tpu.memref_slice %arg18[%add3A_162, %dma_start3A_237] : memref<10240x64xf32, #tpu.memory_space<vmem_shared>> -> memref<128x64xf32, #tpu.memory_space<vmem_shared>>
      tpu.enqueue_dma source(%dma_start3A_238 : memref<128x64xf32, #tpu.memory_space<vmem_shared>>) target(%arg15 : memref<128x64xf32, #tpu.memory_space<vmem>>) target_semaphore(%run_scoped3A_235 : memref<!tpu.dma_semaphore, #tpu.memory_space<semaphore_mem>>)
      %dma_wait3A = arith.constant 0 : i32
      %dma_wait3A_239 = tpu.memref_slice %arg18[%add3A_162, %dma_wait3A] : memref<10240x64xf32, #tpu.memory_space<vmem_shared>> -> memref<128x64xf32, #tpu.memory_space<vmem_shared>>
      %dma_wait3A_240 = arith.constant 0 : i32
      %dma_wait3A_241 = tpu.memref_slice %arg18[%add3A_162, %dma_wait3A_240] : memref<10240x64xf32, #tpu.memory_space<vmem_shared>> -> memref<128x64xf32, #tpu.memory_space<vmem_shared>>
      tpu.wait_dma2 semaphore(%run_scoped3A_235 : memref<!tpu.dma_semaphore, #tpu.memory_space<semaphore_mem>>) src(%dma_wait3A_241 : memref<128x64xf32, #tpu.memory_space<vmem_shared>>) dst(%arg15 : memref<128x64xf32, #tpu.memory_space<vmem>>)
      tpu.yield
    }) : () -> ()
    %run_scoped3A_163 = arith.constant 2 : i32
    "tpu.region"() ({
      %run_scoped3A_235 = tpu.sem_alloc : memref<!tpu.dma_semaphore, #tpu.memory_space<semaphore_mem>>
      %dma_start3A = arith.constant 0 : i32
      %dma_start3A_236 = tpu.memref_slice %arg9[%arg0, %run_scoped3A_163, %add3A_162, %dma_start3A] : memref<2x4x10240x64xf32, #tpu.memory_space<hbm>> -> memref<1x1x128x64xf32, #tpu.memory_space<hbm>>
      %dma_start3A_237 = tpu.memref_squeeze %dma_start3A_236 : memref<1x1x128x64xf32, #tpu.memory_space<hbm>> -> memref<128x64xf32, #tpu.memory_space<hbm>>
      %dma_start3A_238 = arith.constant 0 : i32
      %dma_start3A_239 = tpu.memref_slice %arg9[%arg0, %run_scoped3A_163, %add3A_162, %dma_start3A_238] : memref<2x4x10240x64xf32, #tpu.memory_space<hbm>> -> memref<1x1x128x64xf32, #tpu.memory_space<hbm>>
      %dma_start3A_240 = tpu.memref_squeeze %dma_start3A_239 : memref<1x1x128x64xf32, #tpu.memory_space<hbm>> -> memref<128x64xf32, #tpu.memory_space<hbm>>
      tpu.enqueue_dma source(%arg15 : memref<128x64xf32, #tpu.memory_space<vmem>>) target(%dma_start3A_240 : memref<128x64xf32, #tpu.memory_space<hbm>>) target_semaphore(%run_scoped3A_235 : memref<!tpu.dma_semaphore, #tpu.memory_space<semaphore_mem>>)
      %dma_wait3A = arith.constant 0 : i32
      %dma_wait3A_241 = tpu.memref_slice %arg9[%arg0, %run_scoped3A_163, %add3A_162, %dma_wait3A] : memref<2x4x10240x64xf32, #tpu.memory_space<hbm>> -> memref<1x1x128x64xf32, #tpu.memory_space<hbm>>
      %dma_wait3A_242 = tpu.memref_squeeze %dma_wait3A_241 : memref<1x1x128x64xf32, #tpu.memory_space<hbm>> -> memref<128x64xf32, #tpu.memory_space<hbm>>
      %dma_wait3A_243 = arith.constant 0 : i32
      %dma_wait3A_244 = tpu.memref_slice %arg9[%arg0, %run_scoped3A_163, %add3A_162, %dma_wait3A_243] : memref<2x4x10240x64xf32, #tpu.memory_space<hbm>> -> memref<1x1x128x64xf32, #tpu.memory_space<hbm>>
      %dma_wait3A_245 = tpu.memref_squeeze %dma_wait3A_244 : memref<1x1x128x64xf32, #tpu.memory_space<hbm>> -> memref<128x64xf32, #tpu.memory_space<hbm>>
      tpu.wait_dma2 semaphore(%run_scoped3A_235 : memref<!tpu.dma_semaphore, #tpu.memory_space<semaphore_mem>>) src(%arg15 : memref<128x64xf32, #tpu.memory_space<vmem>>) dst(%dma_wait3A_245 : memref<128x64xf32, #tpu.memory_space<hbm>>)
      tpu.yield
    }) : () -> ()
    %mul3A_164 = arith.constant 640 : i32
    %mul3A_165 = arith.muli %arg1, %mul3A_164 : i32
    %add3A_166 = arith.constant 256 : i32
    %add3A_167 = arith.addi %mul3A_165, %add3A_166 : i32
    "tpu.region"() ({
      %run_scoped3A_235 = tpu.sem_alloc : memref<!tpu.dma_semaphore, #tpu.memory_space<semaphore_mem>>
      %dma_start3A = arith.constant 0 : i32
      %dma_start3A_236 = tpu.memref_slice %arg18[%add3A_167, %dma_start3A] : memref<10240x64xf32, #tpu.memory_space<vmem_shared>> -> memref<128x64xf32, #tpu.memory_space<vmem_shared>>
      %dma_start3A_237 = arith.constant 0 : i32
      %dma_start3A_238 = tpu.memref_slice %arg18[%add3A_167, %dma_start3A_237] : memref<10240x64xf32, #tpu.memory_space<vmem_shared>> -> memref<128x64xf32, #tpu.memory_space<vmem_shared>>
      tpu.enqueue_dma source(%dma_start3A_238 : memref<128x64xf32, #tpu.memory_space<vmem_shared>>) target(%arg15 : memref<128x64xf32, #tpu.memory_space<vmem>>) target_semaphore(%run_scoped3A_235 : memref<!tpu.dma_semaphore, #tpu.memory_space<semaphore_mem>>)
      %dma_wait3A = arith.constant 0 : i32
      %dma_wait3A_239 = tpu.memref_slice %arg18[%add3A_167, %dma_wait3A] : memref<10240x64xf32, #tpu.memory_space<vmem_shared>> -> memref<128x64xf32, #tpu.memory_space<vmem_shared>>
      %dma_wait3A_240 = arith.constant 0 : i32
      %dma_wait3A_241 = tpu.memref_slice %arg18[%add3A_167, %dma_wait3A_240] : memref<10240x64xf32, #tpu.memory_space<vmem_shared>> -> memref<128x64xf32, #tpu.memory_space<vmem_shared>>
      tpu.wait_dma2 semaphore(%run_scoped3A_235 : memref<!tpu.dma_semaphore, #tpu.memory_space<semaphore_mem>>) src(%dma_wait3A_241 : memref<128x64xf32, #tpu.memory_space<vmem_shared>>) dst(%arg15 : memref<128x64xf32, #tpu.memory_space<vmem>>)
      tpu.yield
    }) : () -> ()
    %run_scoped3A_168 = arith.constant 2 : i32
    "tpu.region"() ({
      %run_scoped3A_235 = tpu.sem_alloc : memref<!tpu.dma_semaphore, #tpu.memory_space<semaphore_mem>>
      %dma_start3A = arith.constant 0 : i32
      %dma_start3A_236 = tpu.memref_slice %arg9[%arg0, %run_scoped3A_168, %add3A_167, %dma_start3A] : memref<2x4x10240x64xf32, #tpu.memory_space<hbm>> -> memref<1x1x128x64xf32, #tpu.memory_space<hbm>>
      %dma_start3A_237 = tpu.memref_squeeze %dma_start3A_236 : memref<1x1x128x64xf32, #tpu.memory_space<hbm>> -> memref<128x64xf32, #tpu.memory_space<hbm>>
      %dma_start3A_238 = arith.constant 0 : i32
      %dma_start3A_239 = tpu.memref_slice %arg9[%arg0, %run_scoped3A_168, %add3A_167, %dma_start3A_238] : memref<2x4x10240x64xf32, #tpu.memory_space<hbm>> -> memref<1x1x128x64xf32, #tpu.memory_space<hbm>>
      %dma_start3A_240 = tpu.memref_squeeze %dma_start3A_239 : memref<1x1x128x64xf32, #tpu.memory_space<hbm>> -> memref<128x64xf32, #tpu.memory_space<hbm>>
      tpu.enqueue_dma source(%arg15 : memref<128x64xf32, #tpu.memory_space<vmem>>) target(%dma_start3A_240 : memref<128x64xf32, #tpu.memory_space<hbm>>) target_semaphore(%run_scoped3A_235 : memref<!tpu.dma_semaphore, #tpu.memory_space<semaphore_mem>>)
      %dma_wait3A = arith.constant 0 : i32
      %dma_wait3A_241 = tpu.memref_slice %arg9[%arg0, %run_scoped3A_168, %add3A_167, %dma_wait3A] : memref<2x4x10240x64xf32, #tpu.memory_space<hbm>> -> memref<1x1x128x64xf32, #tpu.memory_space<hbm>>
      %dma_wait3A_242 = tpu.memref_squeeze %dma_wait3A_241 : memref<1x1x128x64xf32, #tpu.memory_space<hbm>> -> memref<128x64xf32, #tpu.memory_space<hbm>>
      %dma_wait3A_243 = arith.constant 0 : i32
      %dma_wait3A_244 = tpu.memref_slice %arg9[%arg0, %run_scoped3A_168, %add3A_167, %dma_wait3A_243] : memref<2x4x10240x64xf32, #tpu.memory_space<hbm>> -> memref<1x1x128x64xf32, #tpu.memory_space<hbm>>
      %dma_wait3A_245 = tpu.memref_squeeze %dma_wait3A_244 : memref<1x1x128x64xf32, #tpu.memory_space<hbm>> -> memref<128x64xf32, #tpu.memory_space<hbm>>
      tpu.wait_dma2 semaphore(%run_scoped3A_235 : memref<!tpu.dma_semaphore, #tpu.memory_space<semaphore_mem>>) src(%arg15 : memref<128x64xf32, #tpu.memory_space<vmem>>) dst(%dma_wait3A_245 : memref<128x64xf32, #tpu.memory_space<hbm>>)
      tpu.yield
    }) : () -> ()
    %mul3A_169 = arith.constant 640 : i32
    %mul3A_170 = arith.muli %arg1, %mul3A_169 : i32
    %add3A_171 = arith.constant 384 : i32
    %add3A_172 = arith.addi %mul3A_170, %add3A_171 : i32
    "tpu.region"() ({
      %run_scoped3A_235 = tpu.sem_alloc : memref<!tpu.dma_semaphore, #tpu.memory_space<semaphore_mem>>
      %dma_start3A = arith.constant 0 : i32
      %dma_start3A_236 = tpu.memref_slice %arg18[%add3A_172, %dma_start3A] : memref<10240x64xf32, #tpu.memory_space<vmem_shared>> -> memref<128x64xf32, #tpu.memory_space<vmem_shared>>
      %dma_start3A_237 = arith.constant 0 : i32
      %dma_start3A_238 = tpu.memref_slice %arg18[%add3A_172, %dma_start3A_237] : memref<10240x64xf32, #tpu.memory_space<vmem_shared>> -> memref<128x64xf32, #tpu.memory_space<vmem_shared>>
      tpu.enqueue_dma source(%dma_start3A_238 : memref<128x64xf32, #tpu.memory_space<vmem_shared>>) target(%arg15 : memref<128x64xf32, #tpu.memory_space<vmem>>) target_semaphore(%run_scoped3A_235 : memref<!tpu.dma_semaphore, #tpu.memory_space<semaphore_mem>>)
      %dma_wait3A = arith.constant 0 : i32
      %dma_wait3A_239 = tpu.memref_slice %arg18[%add3A_172, %dma_wait3A] : memref<10240x64xf32, #tpu.memory_space<vmem_shared>> -> memref<128x64xf32, #tpu.memory_space<vmem_shared>>
      %dma_wait3A_240 = arith.constant 0 : i32
      %dma_wait3A_241 = tpu.memref_slice %arg18[%add3A_172, %dma_wait3A_240] : memref<10240x64xf32, #tpu.memory_space<vmem_shared>> -> memref<128x64xf32, #tpu.memory_space<vmem_shared>>
      tpu.wait_dma2 semaphore(%run_scoped3A_235 : memref<!tpu.dma_semaphore, #tpu.memory_space<semaphore_mem>>) src(%dma_wait3A_241 : memref<128x64xf32, #tpu.memory_space<vmem_shared>>) dst(%arg15 : memref<128x64xf32, #tpu.memory_space<vmem>>)
      tpu.yield
    }) : () -> ()
    %run_scoped3A_173 = arith.constant 2 : i32
    "tpu.region"() ({
      %run_scoped3A_235 = tpu.sem_alloc : memref<!tpu.dma_semaphore, #tpu.memory_space<semaphore_mem>>
      %dma_start3A = arith.constant 0 : i32
      %dma_start3A_236 = tpu.memref_slice %arg9[%arg0, %run_scoped3A_173, %add3A_172, %dma_start3A] : memref<2x4x10240x64xf32, #tpu.memory_space<hbm>> -> memref<1x1x128x64xf32, #tpu.memory_space<hbm>>
      %dma_start3A_237 = tpu.memref_squeeze %dma_start3A_236 : memref<1x1x128x64xf32, #tpu.memory_space<hbm>> -> memref<128x64xf32, #tpu.memory_space<hbm>>
      %dma_start3A_238 = arith.constant 0 : i32
      %dma_start3A_239 = tpu.memref_slice %arg9[%arg0, %run_scoped3A_173, %add3A_172, %dma_start3A_238] : memref<2x4x10240x64xf32, #tpu.memory_space<hbm>> -> memref<1x1x128x64xf32, #tpu.memory_space<hbm>>
      %dma_start3A_240 = tpu.memref_squeeze %dma_start3A_239 : memref<1x1x128x64xf32, #tpu.memory_space<hbm>> -> memref<128x64xf32, #tpu.memory_space<hbm>>
      tpu.enqueue_dma source(%arg15 : memref<128x64xf32, #tpu.memory_space<vmem>>) target(%dma_start3A_240 : memref<128x64xf32, #tpu.memory_space<hbm>>) target_semaphore(%run_scoped3A_235 : memref<!tpu.dma_semaphore, #tpu.memory_space<semaphore_mem>>)
      %dma_wait3A = arith.constant 0 : i32
      %dma_wait3A_241 = tpu.memref_slice %arg9[%arg0, %run_scoped3A_173, %add3A_172, %dma_wait3A] : memref<2x4x10240x64xf32, #tpu.memory_space<hbm>> -> memref<1x1x128x64xf32, #tpu.memory_space<hbm>>
      %dma_wait3A_242 = tpu.memref_squeeze %dma_wait3A_241 : memref<1x1x128x64xf32, #tpu.memory_space<hbm>> -> memref<128x64xf32, #tpu.memory_space<hbm>>
      %dma_wait3A_243 = arith.constant 0 : i32
      %dma_wait3A_244 = tpu.memref_slice %arg9[%arg0, %run_scoped3A_173, %add3A_172, %dma_wait3A_243] : memref<2x4x10240x64xf32, #tpu.memory_space<hbm>> -> memref<1x1x128x64xf32, #tpu.memory_space<hbm>>
      %dma_wait3A_245 = tpu.memref_squeeze %dma_wait3A_244 : memref<1x1x128x64xf32, #tpu.memory_space<hbm>> -> memref<128x64xf32, #tpu.memory_space<hbm>>
      tpu.wait_dma2 semaphore(%run_scoped3A_235 : memref<!tpu.dma_semaphore, #tpu.memory_space<semaphore_mem>>) src(%arg15 : memref<128x64xf32, #tpu.memory_space<vmem>>) dst(%dma_wait3A_245 : memref<128x64xf32, #tpu.memory_space<hbm>>)
      tpu.yield
    }) : () -> ()
    %mul3A_174 = arith.constant 640 : i32
    %mul3A_175 = arith.muli %arg1, %mul3A_174 : i32
    %add3A_176 = arith.constant 512 : i32
    %add3A_177 = arith.addi %mul3A_175, %add3A_176 : i32
    "tpu.region"() ({
      %run_scoped3A_235 = tpu.sem_alloc : memref<!tpu.dma_semaphore, #tpu.memory_space<semaphore_mem>>
      %dma_start3A = arith.constant 0 : i32
      %dma_start3A_236 = tpu.memref_slice %arg18[%add3A_177, %dma_start3A] : memref<10240x64xf32, #tpu.memory_space<vmem_shared>> -> memref<128x64xf32, #tpu.memory_space<vmem_shared>>
      %dma_start3A_237 = arith.constant 0 : i32
      %dma_start3A_238 = tpu.memref_slice %arg18[%add3A_177, %dma_start3A_237] : memref<10240x64xf32, #tpu.memory_space<vmem_shared>> -> memref<128x64xf32, #tpu.memory_space<vmem_shared>>
      tpu.enqueue_dma source(%dma_start3A_238 : memref<128x64xf32, #tpu.memory_space<vmem_shared>>) target(%arg15 : memref<128x64xf32, #tpu.memory_space<vmem>>) target_semaphore(%run_scoped3A_235 : memref<!tpu.dma_semaphore, #tpu.memory_space<semaphore_mem>>)
      %dma_wait3A = arith.constant 0 : i32
      %dma_wait3A_239 = tpu.memref_slice %arg18[%add3A_177, %dma_wait3A] : memref<10240x64xf32, #tpu.memory_space<vmem_shared>> -> memref<128x64xf32, #tpu.memory_space<vmem_shared>>
      %dma_wait3A_240 = arith.constant 0 : i32
      %dma_wait3A_241 = tpu.memref_slice %arg18[%add3A_177, %dma_wait3A_240] : memref<10240x64xf32, #tpu.memory_space<vmem_shared>> -> memref<128x64xf32, #tpu.memory_space<vmem_shared>>
      tpu.wait_dma2 semaphore(%run_scoped3A_235 : memref<!tpu.dma_semaphore, #tpu.memory_space<semaphore_mem>>) src(%dma_wait3A_241 : memref<128x64xf32, #tpu.memory_space<vmem_shared>>) dst(%arg15 : memref<128x64xf32, #tpu.memory_space<vmem>>)
      tpu.yield
    }) : () -> ()
    %run_scoped3A_178 = arith.constant 2 : i32
    "tpu.region"() ({
      %run_scoped3A_235 = tpu.sem_alloc : memref<!tpu.dma_semaphore, #tpu.memory_space<semaphore_mem>>
      %dma_start3A = arith.constant 0 : i32
      %dma_start3A_236 = tpu.memref_slice %arg9[%arg0, %run_scoped3A_178, %add3A_177, %dma_start3A] : memref<2x4x10240x64xf32, #tpu.memory_space<hbm>> -> memref<1x1x128x64xf32, #tpu.memory_space<hbm>>
      %dma_start3A_237 = tpu.memref_squeeze %dma_start3A_236 : memref<1x1x128x64xf32, #tpu.memory_space<hbm>> -> memref<128x64xf32, #tpu.memory_space<hbm>>
      %dma_start3A_238 = arith.constant 0 : i32
      %dma_start3A_239 = tpu.memref_slice %arg9[%arg0, %run_scoped3A_178, %add3A_177, %dma_start3A_238] : memref<2x4x10240x64xf32, #tpu.memory_space<hbm>> -> memref<1x1x128x64xf32, #tpu.memory_space<hbm>>
      %dma_start3A_240 = tpu.memref_squeeze %dma_start3A_239 : memref<1x1x128x64xf32, #tpu.memory_space<hbm>> -> memref<128x64xf32, #tpu.memory_space<hbm>>
      tpu.enqueue_dma source(%arg15 : memref<128x64xf32, #tpu.memory_space<vmem>>) target(%dma_start3A_240 : memref<128x64xf32, #tpu.memory_space<hbm>>) target_semaphore(%run_scoped3A_235 : memref<!tpu.dma_semaphore, #tpu.memory_space<semaphore_mem>>)
      %dma_wait3A = arith.constant 0 : i32
      %dma_wait3A_241 = tpu.memref_slice %arg9[%arg0, %run_scoped3A_178, %add3A_177, %dma_wait3A] : memref<2x4x10240x64xf32, #tpu.memory_space<hbm>> -> memref<1x1x128x64xf32, #tpu.memory_space<hbm>>
      %dma_wait3A_242 = tpu.memref_squeeze %dma_wait3A_241 : memref<1x1x128x64xf32, #tpu.memory_space<hbm>> -> memref<128x64xf32, #tpu.memory_space<hbm>>
      %dma_wait3A_243 = arith.constant 0 : i32
      %dma_wait3A_244 = tpu.memref_slice %arg9[%arg0, %run_scoped3A_178, %add3A_177, %dma_wait3A_243] : memref<2x4x10240x64xf32, #tpu.memory_space<hbm>> -> memref<1x1x128x64xf32, #tpu.memory_space<hbm>>
      %dma_wait3A_245 = tpu.memref_squeeze %dma_wait3A_244 : memref<1x1x128x64xf32, #tpu.memory_space<hbm>> -> memref<128x64xf32, #tpu.memory_space<hbm>>
      tpu.wait_dma2 semaphore(%run_scoped3A_235 : memref<!tpu.dma_semaphore, #tpu.memory_space<semaphore_mem>>) src(%arg15 : memref<128x64xf32, #tpu.memory_space<vmem>>) dst(%dma_wait3A_245 : memref<128x64xf32, #tpu.memory_space<hbm>>)
      tpu.yield
    }) : () -> ()
    %barrier3A_179 = arith.constant 0 : index
    tpu.barrier barrier_id(%barrier3A_179)
    %mul3A_180 = arith.constant 640 : i32
    %mul3A_181 = arith.muli %arg1, %mul3A_180 : i32
    %add3A_182 = arith.constant 0 : i32
    %add3A_183 = arith.addi %mul3A_181, %add3A_182 : i32
    "tpu.region"() ({
      %run_scoped3A_235 = tpu.sem_alloc : memref<!tpu.dma_semaphore, #tpu.memory_space<semaphore_mem>>
      %dma_start3A = arith.constant 0 : i32
      %dma_start3A_236 = tpu.memref_slice %arg18[%add3A_183, %dma_start3A] : memref<10240x64xf32, #tpu.memory_space<vmem_shared>> -> memref<128x64xf32, #tpu.memory_space<vmem_shared>>
      %dma_start3A_237 = arith.constant 0 : i32
      %dma_start3A_238 = tpu.memref_slice %arg18[%add3A_183, %dma_start3A_237] : memref<10240x64xf32, #tpu.memory_space<vmem_shared>> -> memref<128x64xf32, #tpu.memory_space<vmem_shared>>
      tpu.enqueue_dma source(%arg16 : memref<128x64xf32, #tpu.memory_space<vmem>>) target(%dma_start3A_238 : memref<128x64xf32, #tpu.memory_space<vmem_shared>>) target_semaphore(%run_scoped3A_235 : memref<!tpu.dma_semaphore, #tpu.memory_space<semaphore_mem>>)
      %dma_wait3A = arith.constant 0 : i32
      %dma_wait3A_239 = tpu.memref_slice %arg18[%add3A_183, %dma_wait3A] : memref<10240x64xf32, #tpu.memory_space<vmem_shared>> -> memref<128x64xf32, #tpu.memory_space<vmem_shared>>
      %dma_wait3A_240 = arith.constant 0 : i32
      %dma_wait3A_241 = tpu.memref_slice %arg18[%add3A_183, %dma_wait3A_240] : memref<10240x64xf32, #tpu.memory_space<vmem_shared>> -> memref<128x64xf32, #tpu.memory_space<vmem_shared>>
      tpu.wait_dma2 semaphore(%run_scoped3A_235 : memref<!tpu.dma_semaphore, #tpu.memory_space<semaphore_mem>>) src(%arg16 : memref<128x64xf32, #tpu.memory_space<vmem>>) dst(%dma_wait3A_241 : memref<128x64xf32, #tpu.memory_space<vmem_shared>>)
      tpu.yield
    }) : () -> ()
    %mul3A_184 = arith.constant 640 : i32
    %mul3A_185 = arith.muli %arg1, %mul3A_184 : i32
    %add3A_186 = arith.constant 128 : i32
    %add3A_187 = arith.addi %mul3A_185, %add3A_186 : i32
    "tpu.region"() ({
      %run_scoped3A_235 = tpu.sem_alloc : memref<!tpu.dma_semaphore, #tpu.memory_space<semaphore_mem>>
      %dma_start3A = arith.constant 0 : i32
      %dma_start3A_236 = tpu.memref_slice %arg18[%add3A_187, %dma_start3A] : memref<10240x64xf32, #tpu.memory_space<vmem_shared>> -> memref<128x64xf32, #tpu.memory_space<vmem_shared>>
      %dma_start3A_237 = arith.constant 0 : i32
      %dma_start3A_238 = tpu.memref_slice %arg18[%add3A_187, %dma_start3A_237] : memref<10240x64xf32, #tpu.memory_space<vmem_shared>> -> memref<128x64xf32, #tpu.memory_space<vmem_shared>>
      tpu.enqueue_dma source(%arg16 : memref<128x64xf32, #tpu.memory_space<vmem>>) target(%dma_start3A_238 : memref<128x64xf32, #tpu.memory_space<vmem_shared>>) target_semaphore(%run_scoped3A_235 : memref<!tpu.dma_semaphore, #tpu.memory_space<semaphore_mem>>)
      %dma_wait3A = arith.constant 0 : i32
      %dma_wait3A_239 = tpu.memref_slice %arg18[%add3A_187, %dma_wait3A] : memref<10240x64xf32, #tpu.memory_space<vmem_shared>> -> memref<128x64xf32, #tpu.memory_space<vmem_shared>>
      %dma_wait3A_240 = arith.constant 0 : i32
      %dma_wait3A_241 = tpu.memref_slice %arg18[%add3A_187, %dma_wait3A_240] : memref<10240x64xf32, #tpu.memory_space<vmem_shared>> -> memref<128x64xf32, #tpu.memory_space<vmem_shared>>
      tpu.wait_dma2 semaphore(%run_scoped3A_235 : memref<!tpu.dma_semaphore, #tpu.memory_space<semaphore_mem>>) src(%arg16 : memref<128x64xf32, #tpu.memory_space<vmem>>) dst(%dma_wait3A_241 : memref<128x64xf32, #tpu.memory_space<vmem_shared>>)
      tpu.yield
    }) : () -> ()
    %mul3A_188 = arith.constant 640 : i32
    %mul3A_189 = arith.muli %arg1, %mul3A_188 : i32
    %add3A_190 = arith.constant 256 : i32
    %add3A_191 = arith.addi %mul3A_189, %add3A_190 : i32
    "tpu.region"() ({
      %run_scoped3A_235 = tpu.sem_alloc : memref<!tpu.dma_semaphore, #tpu.memory_space<semaphore_mem>>
      %dma_start3A = arith.constant 0 : i32
      %dma_start3A_236 = tpu.memref_slice %arg18[%add3A_191, %dma_start3A] : memref<10240x64xf32, #tpu.memory_space<vmem_shared>> -> memref<128x64xf32, #tpu.memory_space<vmem_shared>>
      %dma_start3A_237 = arith.constant 0 : i32
      %dma_start3A_238 = tpu.memref_slice %arg18[%add3A_191, %dma_start3A_237] : memref<10240x64xf32, #tpu.memory_space<vmem_shared>> -> memref<128x64xf32, #tpu.memory_space<vmem_shared>>
      tpu.enqueue_dma source(%arg16 : memref<128x64xf32, #tpu.memory_space<vmem>>) target(%dma_start3A_238 : memref<128x64xf32, #tpu.memory_space<vmem_shared>>) target_semaphore(%run_scoped3A_235 : memref<!tpu.dma_semaphore, #tpu.memory_space<semaphore_mem>>)
      %dma_wait3A = arith.constant 0 : i32
      %dma_wait3A_239 = tpu.memref_slice %arg18[%add3A_191, %dma_wait3A] : memref<10240x64xf32, #tpu.memory_space<vmem_shared>> -> memref<128x64xf32, #tpu.memory_space<vmem_shared>>
      %dma_wait3A_240 = arith.constant 0 : i32
      %dma_wait3A_241 = tpu.memref_slice %arg18[%add3A_191, %dma_wait3A_240] : memref<10240x64xf32, #tpu.memory_space<vmem_shared>> -> memref<128x64xf32, #tpu.memory_space<vmem_shared>>
      tpu.wait_dma2 semaphore(%run_scoped3A_235 : memref<!tpu.dma_semaphore, #tpu.memory_space<semaphore_mem>>) src(%arg16 : memref<128x64xf32, #tpu.memory_space<vmem>>) dst(%dma_wait3A_241 : memref<128x64xf32, #tpu.memory_space<vmem_shared>>)
      tpu.yield
    }) : () -> ()
    %mul3A_192 = arith.constant 640 : i32
    %mul3A_193 = arith.muli %arg1, %mul3A_192 : i32
    %add3A_194 = arith.constant 384 : i32
    %add3A_195 = arith.addi %mul3A_193, %add3A_194 : i32
    "tpu.region"() ({
      %run_scoped3A_235 = tpu.sem_alloc : memref<!tpu.dma_semaphore, #tpu.memory_space<semaphore_mem>>
      %dma_start3A = arith.constant 0 : i32
      %dma_start3A_236 = tpu.memref_slice %arg18[%add3A_195, %dma_start3A] : memref<10240x64xf32, #tpu.memory_space<vmem_shared>> -> memref<128x64xf32, #tpu.memory_space<vmem_shared>>
      %dma_start3A_237 = arith.constant 0 : i32
      %dma_start3A_238 = tpu.memref_slice %arg18[%add3A_195, %dma_start3A_237] : memref<10240x64xf32, #tpu.memory_space<vmem_shared>> -> memref<128x64xf32, #tpu.memory_space<vmem_shared>>
      tpu.enqueue_dma source(%arg16 : memref<128x64xf32, #tpu.memory_space<vmem>>) target(%dma_start3A_238 : memref<128x64xf32, #tpu.memory_space<vmem_shared>>) target_semaphore(%run_scoped3A_235 : memref<!tpu.dma_semaphore, #tpu.memory_space<semaphore_mem>>)
      %dma_wait3A = arith.constant 0 : i32
      %dma_wait3A_239 = tpu.memref_slice %arg18[%add3A_195, %dma_wait3A] : memref<10240x64xf32, #tpu.memory_space<vmem_shared>> -> memref<128x64xf32, #tpu.memory_space<vmem_shared>>
      %dma_wait3A_240 = arith.constant 0 : i32
      %dma_wait3A_241 = tpu.memref_slice %arg18[%add3A_195, %dma_wait3A_240] : memref<10240x64xf32, #tpu.memory_space<vmem_shared>> -> memref<128x64xf32, #tpu.memory_space<vmem_shared>>
      tpu.wait_dma2 semaphore(%run_scoped3A_235 : memref<!tpu.dma_semaphore, #tpu.memory_space<semaphore_mem>>) src(%arg16 : memref<128x64xf32, #tpu.memory_space<vmem>>) dst(%dma_wait3A_241 : memref<128x64xf32, #tpu.memory_space<vmem_shared>>)
      tpu.yield
    }) : () -> ()
    %mul3A_196 = arith.constant 640 : i32
    %mul3A_197 = arith.muli %arg1, %mul3A_196 : i32
    %add3A_198 = arith.constant 512 : i32
    %add3A_199 = arith.addi %mul3A_197, %add3A_198 : i32
    "tpu.region"() ({
      %run_scoped3A_235 = tpu.sem_alloc : memref<!tpu.dma_semaphore, #tpu.memory_space<semaphore_mem>>
      %dma_start3A = arith.constant 0 : i32
      %dma_start3A_236 = tpu.memref_slice %arg18[%add3A_199, %dma_start3A] : memref<10240x64xf32, #tpu.memory_space<vmem_shared>> -> memref<128x64xf32, #tpu.memory_space<vmem_shared>>
      %dma_start3A_237 = arith.constant 0 : i32
      %dma_start3A_238 = tpu.memref_slice %arg18[%add3A_199, %dma_start3A_237] : memref<10240x64xf32, #tpu.memory_space<vmem_shared>> -> memref<128x64xf32, #tpu.memory_space<vmem_shared>>
      tpu.enqueue_dma source(%arg16 : memref<128x64xf32, #tpu.memory_space<vmem>>) target(%dma_start3A_238 : memref<128x64xf32, #tpu.memory_space<vmem_shared>>) target_semaphore(%run_scoped3A_235 : memref<!tpu.dma_semaphore, #tpu.memory_space<semaphore_mem>>)
      %dma_wait3A = arith.constant 0 : i32
      %dma_wait3A_239 = tpu.memref_slice %arg18[%add3A_199, %dma_wait3A] : memref<10240x64xf32, #tpu.memory_space<vmem_shared>> -> memref<128x64xf32, #tpu.memory_space<vmem_shared>>
      %dma_wait3A_240 = arith.constant 0 : i32
      %dma_wait3A_241 = tpu.memref_slice %arg18[%add3A_199, %dma_wait3A_240] : memref<10240x64xf32, #tpu.memory_space<vmem_shared>> -> memref<128x64xf32, #tpu.memory_space<vmem_shared>>
      tpu.wait_dma2 semaphore(%run_scoped3A_235 : memref<!tpu.dma_semaphore, #tpu.memory_space<semaphore_mem>>) src(%arg16 : memref<128x64xf32, #tpu.memory_space<vmem>>) dst(%dma_wait3A_241 : memref<128x64xf32, #tpu.memory_space<vmem_shared>>)
      tpu.yield
    }) : () -> ()
    %barrier3A_200 = arith.constant 0 : index
    tpu.barrier barrier_id(%barrier3A_200)
    %scan3A_201 = arith.constant 0 : i32
    %scan3A_202 = arith.constant 0 : i32
    %scan3A_203 = arith.constant 79 : i32
    %scan3A_204 = arith.addi %scan3A_202, %scan3A_203 : i32
    %scan3A_205 = arith.constant 1 : i32
    %scan3A_206 = scf.for %scan3A_235 = %scan3A_202 to %scan3A_204 step %scan3A_205 iter_args(%scan3A_236 = %scan3A_201) -> (i32)  : i32 {
      %dma_start3A = arith.constant 0 : i32
      %dma_start3A_237 = tpu.memref_slice %arg11[%scan3A_235, %dma_start3A] : memref<79x128xi32, #tpu.memory_space<vmem>> -> memref<1x128xi32, #tpu.memory_space<vmem>>
      %dma_start3A_238 = tpu.memref_squeeze %dma_start3A_237 : memref<1x128xi32, #tpu.memory_space<vmem>> -> memref<128xi32, #tpu.memory_space<vmem>>
      %dma_start3A_239 = arith.constant 0 : i32
      %dma_start3A_240 = arith.constant 0 : i32
      %dma_start3A_241 = tpu.memref_slice %arg5[%dma_start3A_239, %dma_start3A_240] : memref<10000x32xf32, #tpu.memory_space<hbm>> -> memref<10000x32xf32, #tpu.memory_space<hbm>>
      tpu.enqueue_indirect_dma source(%dma_start3A_241 : memref<10000x32xf32, #tpu.memory_space<hbm>>) target(%arg14 : memref<128x32xf32, #tpu.memory_space<vmem>>) offsets(%dma_start3A_238 : memref<128xi32, #tpu.memory_space<vmem>>) semaphore(%arg19 : memref<!tpu.dma_semaphore, #tpu.memory_space<semaphore_mem>>)
      %dma_wait3A = arith.constant 0 : i32
      %dma_wait3A_242 = tpu.memref_slice %arg11[%scan3A_235, %dma_wait3A] : memref<79x128xi32, #tpu.memory_space<vmem>> -> memref<1x128xi32, #tpu.memory_space<vmem>>
      %dma_wait3A_243 = tpu.memref_squeeze %dma_wait3A_242 : memref<1x128xi32, #tpu.memory_space<vmem>> -> memref<128xi32, #tpu.memory_space<vmem>>
      %dma_wait3A_244 = arith.constant 0 : i32
      %dma_wait3A_245 = arith.constant 0 : i32
      %dma_wait3A_246 = tpu.memref_slice %arg5[%dma_wait3A_244, %dma_wait3A_245] : memref<10000x32xf32, #tpu.memory_space<hbm>> -> memref<10000x32xf32, #tpu.memory_space<hbm>>
      tpu.wait_indirect_dma semaphore(%arg19 : memref<!tpu.dma_semaphore, #tpu.memory_space<semaphore_mem>>) src(%dma_wait3A_246 : memref<10000x32xf32, #tpu.memory_space<hbm>>) dst(%arg14 : memref<128x32xf32, #tpu.memory_space<vmem>>)
      %scan3A_247 = arith.constant 0 : i32
      %scan3A_248 = arith.constant 0 : i32
      %scan3A_249 = arith.constant 8 : i32
      %scan3A_250 = arith.addi %scan3A_248, %scan3A_249 : i32
      %scan3A_251 = arith.constant 1 : i32
      %scan3A_252 = scf.for %scan3A_255 = %scan3A_248 to %scan3A_250 step %scan3A_251 iter_args(%scan3A_256 = %scan3A_247) -> (i32)  : i32 {
        %mul3A_257 = arith.constant 16 : i32
        %mul3A_258 = arith.muli %scan3A_255, %mul3A_257 : i32
        %get3A = arith.index_cast %scan3A_235 : i32 to index
        %get3A_259 = arith.index_cast %mul3A_258 : i32 to index
        %get3A_260 = tpu.vector_load %arg13[%get3A, %get3A_259] {strides = array<i32>} : memref<79x128xf32, #tpu.memory_space<vmem>>, vector<16xf32>,
        %mul3A_261 = arith.constant 16 : i32
        %mul3A_262 = arith.muli %scan3A_255, %mul3A_261 : i32
        %add3A_263 = arith.constant 0 : i32
        %add3A_264 = arith.addi %mul3A_262, %add3A_263 : i32
        %slice3A = vector.extract_strided_slice %get3A_260 {offsets = [0], sizes = [1], strides = [1]} : vector<16xf32> to vector<1xf32>
        %squeeze3A = vector.extract %slice3A[0] : f32 from vector<1xf32>
        %get3A_265 = arith.index_cast %add3A_264 : i32 to index
        %get3A_266 = arith.constant 0 : index
        %get3A_267 = tpu.vector_load %arg14[%get3A_265, %get3A_266] {strides = array<i32>} : memref<128x32xf32, #tpu.memory_space<vmem>>, vector<16xf32>,
        %mul3A_268 = vector.broadcast %squeeze3A : f32 to vector<16xf32>
        %mul3A_269 = arith.mulf %get3A_267, %mul3A_268 : vector<16xf32>
        %swap3A = arith.index_cast %add3A_264 : i32 to index
        %swap3A_270 = arith.constant 0 : index
        %swap3A_271 = tpu.vector_load %arg15[%swap3A, %swap3A_270] {strides = array<i32>} : memref<128x64xf32, #tpu.memory_space<vmem>>, vector<16xf32>,
        tpu.vector_store %arg15[%swap3A, %swap3A_270], %mul3A_269 {strides = array<i32>} : memref<128x64xf32, #tpu.memory_space<vmem>>, vector<16xf32>,
        %swap3A_272 = arith.index_cast %add3A_264 : i32 to index
        %swap3A_273 = arith.constant 32 : index
        %swap3A_274 = tpu.vector_load %arg15[%swap3A_272, %swap3A_273] {strides = array<i32>} : memref<128x64xf32, #tpu.memory_space<vmem>>, vector<16xf32>,
        tpu.vector_store %arg15[%swap3A_272, %swap3A_273], %get3A_267 {strides = array<i32>} : memref<128x64xf32, #tpu.memory_space<vmem>>, vector<16xf32>,
        %get3A_275 = arith.index_cast %add3A_264 : i32 to index
        %get3A_276 = arith.constant 16 : index
        %get3A_277 = tpu.vector_load %arg14[%get3A_275, %get3A_276] {strides = array<i32>} : memref<128x32xf32, #tpu.memory_space<vmem>>, vector<16xf32>,
        %mul3A_278 = vector.broadcast %squeeze3A : f32 to vector<16xf32>
        %mul3A_279 = arith.mulf %get3A_277, %mul3A_278 : vector<16xf32>
        %swap3A_280 = arith.index_cast %add3A_264 : i32 to index
        %swap3A_281 = arith.constant 16 : index
        %swap3A_282 = tpu.vector_load %arg15[%swap3A_280, %swap3A_281] {strides = array<i32>} : memref<128x64xf32, #tpu.memory_space<vmem>>, vector<16xf32>,
        tpu.vector_store %arg15[%swap3A_280, %swap3A_281], %mul3A_279 {strides = array<i32>} : memref<128x64xf32, #tpu.memory_space<vmem>>, vector<16xf32>,
        %swap3A_283 = arith.index_cast %add3A_264 : i32 to index
        %swap3A_284 = arith.constant 48 : index
        %swap3A_285 = tpu.vector_load %arg15[%swap3A_283, %swap3A_284] {strides = array<i32>} : memref<128x64xf32, #tpu.memory_space<vmem>>, vector<16xf32>,
        tpu.vector_store %arg15[%swap3A_283, %swap3A_284], %get3A_277 {strides = array<i32>} : memref<128x64xf32, #tpu.memory_space<vmem>>, vector<16xf32>,
        %mul3A_286 = arith.constant 16 : i32
        %mul3A_287 = arith.muli %scan3A_255, %mul3A_286 : i32
        %add3A_288 = arith.constant 1 : i32
        %add3A_289 = arith.addi %mul3A_287, %add3A_288 : i32
        %slice3A_290 = vector.extract_strided_slice %get3A_260 {offsets = [1], sizes = [1], strides = [1]} : vector<16xf32> to vector<1xf32>
        %squeeze3A_291 = vector.extract %slice3A_290[0] : f32 from vector<1xf32>
        %get3A_292 = arith.index_cast %add3A_289 : i32 to index
        %get3A_293 = arith.constant 0 : index
        %get3A_294 = tpu.vector_load %arg14[%get3A_292, %get3A_293] {strides = array<i32>} : memref<128x32xf32, #tpu.memory_space<vmem>>, vector<16xf32>,
        %mul3A_295 = vector.broadcast %squeeze3A_291 : f32 to vector<16xf32>
        %mul3A_296 = arith.mulf %get3A_294, %mul3A_295 : vector<16xf32>
        %swap3A_297 = arith.index_cast %add3A_289 : i32 to index
        %swap3A_298 = arith.constant 0 : index
        %swap3A_299 = tpu.vector_load %arg15[%swap3A_297, %swap3A_298] {strides = array<i32>} : memref<128x64xf32, #tpu.memory_space<vmem>>, vector<16xf32>,
        tpu.vector_store %arg15[%swap3A_297, %swap3A_298], %mul3A_296 {strides = array<i32>} : memref<128x64xf32, #tpu.memory_space<vmem>>, vector<16xf32>,
        %swap3A_300 = arith.index_cast %add3A_289 : i32 to index
        %swap3A_301 = arith.constant 32 : index
        %swap3A_302 = tpu.vector_load %arg15[%swap3A_300, %swap3A_301] {strides = array<i32>} : memref<128x64xf32, #tpu.memory_space<vmem>>, vector<16xf32>,
        tpu.vector_store %arg15[%swap3A_300, %swap3A_301], %get3A_294 {strides = array<i32>} : memref<128x64xf32, #tpu.memory_space<vmem>>, vector<16xf32>,
        %get3A_303 = arith.index_cast %add3A_289 : i32 to index
        %get3A_304 = arith.constant 16 : index
        %get3A_305 = tpu.vector_load %arg14[%get3A_303, %get3A_304] {strides = array<i32>} : memref<128x32xf32, #tpu.memory_space<vmem>>, vector<16xf32>,
        %mul3A_306 = vector.broadcast %squeeze3A_291 : f32 to vector<16xf32>
        %mul3A_307 = arith.mulf %get3A_305, %mul3A_306 : vector<16xf32>
        %swap3A_308 = arith.index_cast %add3A_289 : i32 to index
        %swap3A_309 = arith.constant 16 : index
        %swap3A_310 = tpu.vector_load %arg15[%swap3A_308, %swap3A_309] {strides = array<i32>} : memref<128x64xf32, #tpu.memory_space<vmem>>, vector<16xf32>,
        tpu.vector_store %arg15[%swap3A_308, %swap3A_309], %mul3A_307 {strides = array<i32>} : memref<128x64xf32, #tpu.memory_space<vmem>>, vector<16xf32>,
        %swap3A_311 = arith.index_cast %add3A_289 : i32 to index
        %swap3A_312 = arith.constant 48 : index
        %swap3A_313 = tpu.vector_load %arg15[%swap3A_311, %swap3A_312] {strides = array<i32>} : memref<128x64xf32, #tpu.memory_space<vmem>>, vector<16xf32>,
        tpu.vector_store %arg15[%swap3A_311, %swap3A_312], %get3A_305 {strides = array<i32>} : memref<128x64xf32, #tpu.memory_space<vmem>>, vector<16xf32>,
        %mul3A_314 = arith.constant 16 : i32
        %mul3A_315 = arith.muli %scan3A_255, %mul3A_314 : i32
        %add3A_316 = arith.constant 2 : i32
        %add3A_317 = arith.addi %mul3A_315, %add3A_316 : i32
        %slice3A_318 = vector.extract_strided_slice %get3A_260 {offsets = [2], sizes = [1], strides = [1]} : vector<16xf32> to vector<1xf32>
        %squeeze3A_319 = vector.extract %slice3A_318[0] : f32 from vector<1xf32>
        %get3A_320 = arith.index_cast %add3A_317 : i32 to index
        %get3A_321 = arith.constant 0 : index
        %get3A_322 = tpu.vector_load %arg14[%get3A_320, %get3A_321] {strides = array<i32>} : memref<128x32xf32, #tpu.memory_space<vmem>>, vector<16xf32>,
        %mul3A_323 = vector.broadcast %squeeze3A_319 : f32 to vector<16xf32>
        %mul3A_324 = arith.mulf %get3A_322, %mul3A_323 : vector<16xf32>
        %swap3A_325 = arith.index_cast %add3A_317 : i32 to index
        %swap3A_326 = arith.constant 0 : index
        %swap3A_327 = tpu.vector_load %arg15[%swap3A_325, %swap3A_326] {strides = array<i32>} : memref<128x64xf32, #tpu.memory_space<vmem>>, vector<16xf32>,
        tpu.vector_store %arg15[%swap3A_325, %swap3A_326], %mul3A_324 {strides = array<i32>} : memref<128x64xf32, #tpu.memory_space<vmem>>, vector<16xf32>,
        %swap3A_328 = arith.index_cast %add3A_317 : i32 to index
        %swap3A_329 = arith.constant 32 : index
        %swap3A_330 = tpu.vector_load %arg15[%swap3A_328, %swap3A_329] {strides = array<i32>} : memref<128x64xf32, #tpu.memory_space<vmem>>, vector<16xf32>,
        tpu.vector_store %arg15[%swap3A_328, %swap3A_329], %get3A_322 {strides = array<i32>} : memref<128x64xf32, #tpu.memory_space<vmem>>, vector<16xf32>,
        %get3A_331 = arith.index_cast %add3A_317 : i32 to index
        %get3A_332 = arith.constant 16 : index
        %get3A_333 = tpu.vector_load %arg14[%get3A_331, %get3A_332] {strides = array<i32>} : memref<128x32xf32, #tpu.memory_space<vmem>>, vector<16xf32>,
        %mul3A_334 = vector.broadcast %squeeze3A_319 : f32 to vector<16xf32>
        %mul3A_335 = arith.mulf %get3A_333, %mul3A_334 : vector<16xf32>
        %swap3A_336 = arith.index_cast %add3A_317 : i32 to index
        %swap3A_337 = arith.constant 16 : index
        %swap3A_338 = tpu.vector_load %arg15[%swap3A_336, %swap3A_337] {strides = array<i32>} : memref<128x64xf32, #tpu.memory_space<vmem>>, vector<16xf32>,
        tpu.vector_store %arg15[%swap3A_336, %swap3A_337], %mul3A_335 {strides = array<i32>} : memref<128x64xf32, #tpu.memory_space<vmem>>, vector<16xf32>,
        %swap3A_339 = arith.index_cast %add3A_317 : i32 to index
        %swap3A_340 = arith.constant 48 : index
        %swap3A_341 = tpu.vector_load %arg15[%swap3A_339, %swap3A_340] {strides = array<i32>} : memref<128x64xf32, #tpu.memory_space<vmem>>, vector<16xf32>,
        tpu.vector_store %arg15[%swap3A_339, %swap3A_340], %get3A_333 {strides = array<i32>} : memref<128x64xf32, #tpu.memory_space<vmem>>, vector<16xf32>,
        %mul3A_342 = arith.constant 16 : i32
        %mul3A_343 = arith.muli %scan3A_255, %mul3A_342 : i32
        %add3A_344 = arith.constant 3 : i32
        %add3A_345 = arith.addi %mul3A_343, %add3A_344 : i32
        %slice3A_346 = vector.extract_strided_slice %get3A_260 {offsets = [3], sizes = [1], strides = [1]} : vector<16xf32> to vector<1xf32>
        %squeeze3A_347 = vector.extract %slice3A_346[0] : f32 from vector<1xf32>
        %get3A_348 = arith.index_cast %add3A_345 : i32 to index
        %get3A_349 = arith.constant 0 : index
        %get3A_350 = tpu.vector_load %arg14[%get3A_348, %get3A_349] {strides = array<i32>} : memref<128x32xf32, #tpu.memory_space<vmem>>, vector<16xf32>,
        %mul3A_351 = vector.broadcast %squeeze3A_347 : f32 to vector<16xf32>
        %mul3A_352 = arith.mulf %get3A_350, %mul3A_351 : vector<16xf32>
        %swap3A_353 = arith.index_cast %add3A_345 : i32 to index
        %swap3A_354 = arith.constant 0 : index
        %swap3A_355 = tpu.vector_load %arg15[%swap3A_353, %swap3A_354] {strides = array<i32>} : memref<128x64xf32, #tpu.memory_space<vmem>>, vector<16xf32>,
        tpu.vector_store %arg15[%swap3A_353, %swap3A_354], %mul3A_352 {strides = array<i32>} : memref<128x64xf32, #tpu.memory_space<vmem>>, vector<16xf32>,
        %swap3A_356 = arith.index_cast %add3A_345 : i32 to index
        %swap3A_357 = arith.constant 32 : index
        %swap3A_358 = tpu.vector_load %arg15[%swap3A_356, %swap3A_357] {strides = array<i32>} : memref<128x64xf32, #tpu.memory_space<vmem>>, vector<16xf32>,
        tpu.vector_store %arg15[%swap3A_356, %swap3A_357], %get3A_350 {strides = array<i32>} : memref<128x64xf32, #tpu.memory_space<vmem>>, vector<16xf32>,
        %get3A_359 = arith.index_cast %add3A_345 : i32 to index
        %get3A_360 = arith.constant 16 : index
        %get3A_361 = tpu.vector_load %arg14[%get3A_359, %get3A_360] {strides = array<i32>} : memref<128x32xf32, #tpu.memory_space<vmem>>, vector<16xf32>,
        %mul3A_362 = vector.broadcast %squeeze3A_347 : f32 to vector<16xf32>
        %mul3A_363 = arith.mulf %get3A_361, %mul3A_362 : vector<16xf32>
        %swap3A_364 = arith.index_cast %add3A_345 : i32 to index
        %swap3A_365 = arith.constant 16 : index
        %swap3A_366 = tpu.vector_load %arg15[%swap3A_364, %swap3A_365] {strides = array<i32>} : memref<128x64xf32, #tpu.memory_space<vmem>>, vector<16xf32>,
        tpu.vector_store %arg15[%swap3A_364, %swap3A_365], %mul3A_363 {strides = array<i32>} : memref<128x64xf32, #tpu.memory_space<vmem>>, vector<16xf32>,
        %swap3A_367 = arith.index_cast %add3A_345 : i32 to index
        %swap3A_368 = arith.constant 48 : index
        %swap3A_369 = tpu.vector_load %arg15[%swap3A_367, %swap3A_368] {strides = array<i32>} : memref<128x64xf32, #tpu.memory_space<vmem>>, vector<16xf32>,
        tpu.vector_store %arg15[%swap3A_367, %swap3A_368], %get3A_361 {strides = array<i32>} : memref<128x64xf32, #tpu.memory_space<vmem>>, vector<16xf32>,
        %mul3A_370 = arith.constant 16 : i32
        %mul3A_371 = arith.muli %scan3A_255, %mul3A_370 : i32
        %add3A_372 = arith.constant 4 : i32
        %add3A_373 = arith.addi %mul3A_371, %add3A_372 : i32
        %slice3A_374 = vector.extract_strided_slice %get3A_260 {offsets = [4], sizes = [1], strides = [1]} : vector<16xf32> to vector<1xf32>
        %squeeze3A_375 = vector.extract %slice3A_374[0] : f32 from vector<1xf32>
        %get3A_376 = arith.index_cast %add3A_373 : i32 to index
        %get3A_377 = arith.constant 0 : index
        %get3A_378 = tpu.vector_load %arg14[%get3A_376, %get3A_377] {strides = array<i32>} : memref<128x32xf32, #tpu.memory_space<vmem>>, vector<16xf32>,
        %mul3A_379 = vector.broadcast %squeeze3A_375 : f32 to vector<16xf32>
        %mul3A_380 = arith.mulf %get3A_378, %mul3A_379 : vector<16xf32>
        %swap3A_381 = arith.index_cast %add3A_373 : i32 to index
        %swap3A_382 = arith.constant 0 : index
        %swap3A_383 = tpu.vector_load %arg15[%swap3A_381, %swap3A_382] {strides = array<i32>} : memref<128x64xf32, #tpu.memory_space<vmem>>, vector<16xf32>,
        tpu.vector_store %arg15[%swap3A_381, %swap3A_382], %mul3A_380 {strides = array<i32>} : memref<128x64xf32, #tpu.memory_space<vmem>>, vector<16xf32>,
        %swap3A_384 = arith.index_cast %add3A_373 : i32 to index
        %swap3A_385 = arith.constant 32 : index
        %swap3A_386 = tpu.vector_load %arg15[%swap3A_384, %swap3A_385] {strides = array<i32>} : memref<128x64xf32, #tpu.memory_space<vmem>>, vector<16xf32>,
        tpu.vector_store %arg15[%swap3A_384, %swap3A_385], %get3A_378 {strides = array<i32>} : memref<128x64xf32, #tpu.memory_space<vmem>>, vector<16xf32>,
        %get3A_387 = arith.index_cast %add3A_373 : i32 to index
        %get3A_388 = arith.constant 16 : index
        %get3A_389 = tpu.vector_load %arg14[%get3A_387, %get3A_388] {strides = array<i32>} : memref<128x32xf32, #tpu.memory_space<vmem>>, vector<16xf32>,
        %mul3A_390 = vector.broadcast %squeeze3A_375 : f32 to vector<16xf32>
        %mul3A_391 = arith.mulf %get3A_389, %mul3A_390 : vector<16xf32>
        %swap3A_392 = arith.index_cast %add3A_373 : i32 to index
        %swap3A_393 = arith.constant 16 : index
        %swap3A_394 = tpu.vector_load %arg15[%swap3A_392, %swap3A_393] {strides = array<i32>} : memref<128x64xf32, #tpu.memory_space<vmem>>, vector<16xf32>,
        tpu.vector_store %arg15[%swap3A_392, %swap3A_393], %mul3A_391 {strides = array<i32>} : memref<128x64xf32, #tpu.memory_space<vmem>>, vector<16xf32>,
        %swap3A_395 = arith.index_cast %add3A_373 : i32 to index
        %swap3A_396 = arith.constant 48 : index
        %swap3A_397 = tpu.vector_load %arg15[%swap3A_395, %swap3A_396] {strides = array<i32>} : memref<128x64xf32, #tpu.memory_space<vmem>>, vector<16xf32>,
        tpu.vector_store %arg15[%swap3A_395, %swap3A_396], %get3A_389 {strides = array<i32>} : memref<128x64xf32, #tpu.memory_space<vmem>>, vector<16xf32>,
        %mul3A_398 = arith.constant 16 : i32
        %mul3A_399 = arith.muli %scan3A_255, %mul3A_398 : i32
        %add3A_400 = arith.constant 5 : i32
        %add3A_401 = arith.addi %mul3A_399, %add3A_400 : i32
        %slice3A_402 = vector.extract_strided_slice %get3A_260 {offsets = [5], sizes = [1], strides = [1]} : vector<16xf32> to vector<1xf32>
        %squeeze3A_403 = vector.extract %slice3A_402[0] : f32 from vector<1xf32>
        %get3A_404 = arith.index_cast %add3A_401 : i32 to index
        %get3A_405 = arith.constant 0 : index
        %get3A_406 = tpu.vector_load %arg14[%get3A_404, %get3A_405] {strides = array<i32>} : memref<128x32xf32, #tpu.memory_space<vmem>>, vector<16xf32>,
        %mul3A_407 = vector.broadcast %squeeze3A_403 : f32 to vector<16xf32>
        %mul3A_408 = arith.mulf %get3A_406, %mul3A_407 : vector<16xf32>
        %swap3A_409 = arith.index_cast %add3A_401 : i32 to index
        %swap3A_410 = arith.constant 0 : index
        %swap3A_411 = tpu.vector_load %arg15[%swap3A_409, %swap3A_410] {strides = array<i32>} : memref<128x64xf32, #tpu.memory_space<vmem>>, vector<16xf32>,
        tpu.vector_store %arg15[%swap3A_409, %swap3A_410], %mul3A_408 {strides = array<i32>} : memref<128x64xf32, #tpu.memory_space<vmem>>, vector<16xf32>,
        %swap3A_412 = arith.index_cast %add3A_401 : i32 to index
        %swap3A_413 = arith.constant 32 : index
        %swap3A_414 = tpu.vector_load %arg15[%swap3A_412, %swap3A_413] {strides = array<i32>} : memref<128x64xf32, #tpu.memory_space<vmem>>, vector<16xf32>,
        tpu.vector_store %arg15[%swap3A_412, %swap3A_413], %get3A_406 {strides = array<i32>} : memref<128x64xf32, #tpu.memory_space<vmem>>, vector<16xf32>,
        %get3A_415 = arith.index_cast %add3A_401 : i32 to index
        %get3A_416 = arith.constant 16 : index
        %get3A_417 = tpu.vector_load %arg14[%get3A_415, %get3A_416] {strides = array<i32>} : memref<128x32xf32, #tpu.memory_space<vmem>>, vector<16xf32>,
        %mul3A_418 = vector.broadcast %squeeze3A_403 : f32 to vector<16xf32>
        %mul3A_419 = arith.mulf %get3A_417, %mul3A_418 : vector<16xf32>
        %swap3A_420 = arith.index_cast %add3A_401 : i32 to index
        %swap3A_421 = arith.constant 16 : index
        %swap3A_422 = tpu.vector_load %arg15[%swap3A_420, %swap3A_421] {strides = array<i32>} : memref<128x64xf32, #tpu.memory_space<vmem>>, vector<16xf32>,
        tpu.vector_store %arg15[%swap3A_420, %swap3A_421], %mul3A_419 {strides = array<i32>} : memref<128x64xf32, #tpu.memory_space<vmem>>, vector<16xf32>,
        %swap3A_423 = arith.index_cast %add3A_401 : i32 to index
        %swap3A_424 = arith.constant 48 : index
        %swap3A_425 = tpu.vector_load %arg15[%swap3A_423, %swap3A_424] {strides = array<i32>} : memref<128x64xf32, #tpu.memory_space<vmem>>, vector<16xf32>,
        tpu.vector_store %arg15[%swap3A_423, %swap3A_424], %get3A_417 {strides = array<i32>} : memref<128x64xf32, #tpu.memory_space<vmem>>, vector<16xf32>,
        %mul3A_426 = arith.constant 16 : i32
        %mul3A_427 = arith.muli %scan3A_255, %mul3A_426 : i32
        %add3A_428 = arith.constant 6 : i32
        %add3A_429 = arith.addi %mul3A_427, %add3A_428 : i32
        %slice3A_430 = vector.extract_strided_slice %get3A_260 {offsets = [6], sizes = [1], strides = [1]} : vector<16xf32> to vector<1xf32>
        %squeeze3A_431 = vector.extract %slice3A_430[0] : f32 from vector<1xf32>
        %get3A_432 = arith.index_cast %add3A_429 : i32 to index
        %get3A_433 = arith.constant 0 : index
        %get3A_434 = tpu.vector_load %arg14[%get3A_432, %get3A_433] {strides = array<i32>} : memref<128x32xf32, #tpu.memory_space<vmem>>, vector<16xf32>,
        %mul3A_435 = vector.broadcast %squeeze3A_431 : f32 to vector<16xf32>
        %mul3A_436 = arith.mulf %get3A_434, %mul3A_435 : vector<16xf32>
        %swap3A_437 = arith.index_cast %add3A_429 : i32 to index
        %swap3A_438 = arith.constant 0 : index
        %swap3A_439 = tpu.vector_load %arg15[%swap3A_437, %swap3A_438] {strides = array<i32>} : memref<128x64xf32, #tpu.memory_space<vmem>>, vector<16xf32>,
        tpu.vector_store %arg15[%swap3A_437, %swap3A_438], %mul3A_436 {strides = array<i32>} : memref<128x64xf32, #tpu.memory_space<vmem>>, vector<16xf32>,
        %swap3A_440 = arith.index_cast %add3A_429 : i32 to index
        %swap3A_441 = arith.constant 32 : index
        %swap3A_442 = tpu.vector_load %arg15[%swap3A_440, %swap3A_441] {strides = array<i32>} : memref<128x64xf32, #tpu.memory_space<vmem>>, vector<16xf32>,
        tpu.vector_store %arg15[%swap3A_440, %swap3A_441], %get3A_434 {strides = array<i32>} : memref<128x64xf32, #tpu.memory_space<vmem>>, vector<16xf32>,
        %get3A_443 = arith.index_cast %add3A_429 : i32 to index
        %get3A_444 = arith.constant 16 : index
        %get3A_445 = tpu.vector_load %arg14[%get3A_443, %get3A_444] {strides = array<i32>} : memref<128x32xf32, #tpu.memory_space<vmem>>, vector<16xf32>,
        %mul3A_446 = vector.broadcast %squeeze3A_431 : f32 to vector<16xf32>
        %mul3A_447 = arith.mulf %get3A_445, %mul3A_446 : vector<16xf32>
        %swap3A_448 = arith.index_cast %add3A_429 : i32 to index
        %swap3A_449 = arith.constant 16 : index
        %swap3A_450 = tpu.vector_load %arg15[%swap3A_448, %swap3A_449] {strides = array<i32>} : memref<128x64xf32, #tpu.memory_space<vmem>>, vector<16xf32>,
        tpu.vector_store %arg15[%swap3A_448, %swap3A_449], %mul3A_447 {strides = array<i32>} : memref<128x64xf32, #tpu.memory_space<vmem>>, vector<16xf32>,
        %swap3A_451 = arith.index_cast %add3A_429 : i32 to index
        %swap3A_452 = arith.constant 48 : index
        %swap3A_453 = tpu.vector_load %arg15[%swap3A_451, %swap3A_452] {strides = array<i32>} : memref<128x64xf32, #tpu.memory_space<vmem>>, vector<16xf32>,
        tpu.vector_store %arg15[%swap3A_451, %swap3A_452], %get3A_445 {strides = array<i32>} : memref<128x64xf32, #tpu.memory_space<vmem>>, vector<16xf32>,
        %mul3A_454 = arith.constant 16 : i32
        %mul3A_455 = arith.muli %scan3A_255, %mul3A_454 : i32
        %add3A_456 = arith.constant 7 : i32
        %add3A_457 = arith.addi %mul3A_455, %add3A_456 : i32
        %slice3A_458 = vector.extract_strided_slice %get3A_260 {offsets = [7], sizes = [1], strides = [1]} : vector<16xf32> to vector<1xf32>
        %squeeze3A_459 = vector.extract %slice3A_458[0] : f32 from vector<1xf32>
        %get3A_460 = arith.index_cast %add3A_457 : i32 to index
        %get3A_461 = arith.constant 0 : index
        %get3A_462 = tpu.vector_load %arg14[%get3A_460, %get3A_461] {strides = array<i32>} : memref<128x32xf32, #tpu.memory_space<vmem>>, vector<16xf32>,
        %mul3A_463 = vector.broadcast %squeeze3A_459 : f32 to vector<16xf32>
        %mul3A_464 = arith.mulf %get3A_462, %mul3A_463 : vector<16xf32>
        %swap3A_465 = arith.index_cast %add3A_457 : i32 to index
        %swap3A_466 = arith.constant 0 : index
        %swap3A_467 = tpu.vector_load %arg15[%swap3A_465, %swap3A_466] {strides = array<i32>} : memref<128x64xf32, #tpu.memory_space<vmem>>, vector<16xf32>,
        tpu.vector_store %arg15[%swap3A_465, %swap3A_466], %mul3A_464 {strides = array<i32>} : memref<128x64xf32, #tpu.memory_space<vmem>>, vector<16xf32>,
        %swap3A_468 = arith.index_cast %add3A_457 : i32 to index
        %swap3A_469 = arith.constant 32 : index
        %swap3A_470 = tpu.vector_load %arg15[%swap3A_468, %swap3A_469] {strides = array<i32>} : memref<128x64xf32, #tpu.memory_space<vmem>>, vector<16xf32>,
        tpu.vector_store %arg15[%swap3A_468, %swap3A_469], %get3A_462 {strides = array<i32>} : memref<128x64xf32, #tpu.memory_space<vmem>>, vector<16xf32>,
        %get3A_471 = arith.index_cast %add3A_457 : i32 to index
        %get3A_472 = arith.constant 16 : index
        %get3A_473 = tpu.vector_load %arg14[%get3A_471, %get3A_472] {strides = array<i32>} : memref<128x32xf32, #tpu.memory_space<vmem>>, vector<16xf32>,
        %mul3A_474 = vector.broadcast %squeeze3A_459 : f32 to vector<16xf32>
        %mul3A_475 = arith.mulf %get3A_473, %mul3A_474 : vector<16xf32>
        %swap3A_476 = arith.index_cast %add3A_457 : i32 to index
        %swap3A_477 = arith.constant 16 : index
        %swap3A_478 = tpu.vector_load %arg15[%swap3A_476, %swap3A_477] {strides = array<i32>} : memref<128x64xf32, #tpu.memory_space<vmem>>, vector<16xf32>,
        tpu.vector_store %arg15[%swap3A_476, %swap3A_477], %mul3A_475 {strides = array<i32>} : memref<128x64xf32, #tpu.memory_space<vmem>>, vector<16xf32>,
        %swap3A_479 = arith.index_cast %add3A_457 : i32 to index
        %swap3A_480 = arith.constant 48 : index
        %swap3A_481 = tpu.vector_load %arg15[%swap3A_479, %swap3A_480] {strides = array<i32>} : memref<128x64xf32, #tpu.memory_space<vmem>>, vector<16xf32>,
        tpu.vector_store %arg15[%swap3A_479, %swap3A_480], %get3A_473 {strides = array<i32>} : memref<128x64xf32, #tpu.memory_space<vmem>>, vector<16xf32>,
        %mul3A_482 = arith.constant 16 : i32
        %mul3A_483 = arith.muli %scan3A_255, %mul3A_482 : i32
        %add3A_484 = arith.constant 8 : i32
        %add3A_485 = arith.addi %mul3A_483, %add3A_484 : i32
        %slice3A_486 = vector.extract_strided_slice %get3A_260 {offsets = [8], sizes = [1], strides = [1]} : vector<16xf32> to vector<1xf32>
        %squeeze3A_487 = vector.extract %slice3A_486[0] : f32 from vector<1xf32>
        %get3A_488 = arith.index_cast %add3A_485 : i32 to index
        %get3A_489 = arith.constant 0 : index
        %get3A_490 = tpu.vector_load %arg14[%get3A_488, %get3A_489] {strides = array<i32>} : memref<128x32xf32, #tpu.memory_space<vmem>>, vector<16xf32>,
        %mul3A_491 = vector.broadcast %squeeze3A_487 : f32 to vector<16xf32>
        %mul3A_492 = arith.mulf %get3A_490, %mul3A_491 : vector<16xf32>
        %swap3A_493 = arith.index_cast %add3A_485 : i32 to index
        %swap3A_494 = arith.constant 0 : index
        %swap3A_495 = tpu.vector_load %arg15[%swap3A_493, %swap3A_494] {strides = array<i32>} : memref<128x64xf32, #tpu.memory_space<vmem>>, vector<16xf32>,
        tpu.vector_store %arg15[%swap3A_493, %swap3A_494], %mul3A_492 {strides = array<i32>} : memref<128x64xf32, #tpu.memory_space<vmem>>, vector<16xf32>,
        %swap3A_496 = arith.index_cast %add3A_485 : i32 to index
        %swap3A_497 = arith.constant 32 : index
        %swap3A_498 = tpu.vector_load %arg15[%swap3A_496, %swap3A_497] {strides = array<i32>} : memref<128x64xf32, #tpu.memory_space<vmem>>, vector<16xf32>,
        tpu.vector_store %arg15[%swap3A_496, %swap3A_497], %get3A_490 {strides = array<i32>} : memref<128x64xf32, #tpu.memory_space<vmem>>, vector<16xf32>,
        %get3A_499 = arith.index_cast %add3A_485 : i32 to index
        %get3A_500 = arith.constant 16 : index
        %get3A_501 = tpu.vector_load %arg14[%get3A_499, %get3A_500] {strides = array<i32>} : memref<128x32xf32, #tpu.memory_space<vmem>>, vector<16xf32>,
        %mul3A_502 = vector.broadcast %squeeze3A_487 : f32 to vector<16xf32>
        %mul3A_503 = arith.mulf %get3A_501, %mul3A_502 : vector<16xf32>
        %swap3A_504 = arith.index_cast %add3A_485 : i32 to index
        %swap3A_505 = arith.constant 16 : index
        %swap3A_506 = tpu.vector_load %arg15[%swap3A_504, %swap3A_505] {strides = array<i32>} : memref<128x64xf32, #tpu.memory_space<vmem>>, vector<16xf32>,
        tpu.vector_store %arg15[%swap3A_504, %swap3A_505], %mul3A_503 {strides = array<i32>} : memref<128x64xf32, #tpu.memory_space<vmem>>, vector<16xf32>,
        %swap3A_507 = arith.index_cast %add3A_485 : i32 to index
        %swap3A_508 = arith.constant 48 : index
        %swap3A_509 = tpu.vector_load %arg15[%swap3A_507, %swap3A_508] {strides = array<i32>} : memref<128x64xf32, #tpu.memory_space<vmem>>, vector<16xf32>,
        tpu.vector_store %arg15[%swap3A_507, %swap3A_508], %get3A_501 {strides = array<i32>} : memref<128x64xf32, #tpu.memory_space<vmem>>, vector<16xf32>,
        %mul3A_510 = arith.constant 16 : i32
        %mul3A_511 = arith.muli %scan3A_255, %mul3A_510 : i32
        %add3A_512 = arith.constant 9 : i32
        %add3A_513 = arith.addi %mul3A_511, %add3A_512 : i32
        %slice3A_514 = vector.extract_strided_slice %get3A_260 {offsets = [9], sizes = [1], strides = [1]} : vector<16xf32> to vector<1xf32>
        %squeeze3A_515 = vector.extract %slice3A_514[0] : f32 from vector<1xf32>
        %get3A_516 = arith.index_cast %add3A_513 : i32 to index
        %get3A_517 = arith.constant 0 : index
        %get3A_518 = tpu.vector_load %arg14[%get3A_516, %get3A_517] {strides = array<i32>} : memref<128x32xf32, #tpu.memory_space<vmem>>, vector<16xf32>,
        %mul3A_519 = vector.broadcast %squeeze3A_515 : f32 to vector<16xf32>
        %mul3A_520 = arith.mulf %get3A_518, %mul3A_519 : vector<16xf32>
        %swap3A_521 = arith.index_cast %add3A_513 : i32 to index
        %swap3A_522 = arith.constant 0 : index
        %swap3A_523 = tpu.vector_load %arg15[%swap3A_521, %swap3A_522] {strides = array<i32>} : memref<128x64xf32, #tpu.memory_space<vmem>>, vector<16xf32>,
        tpu.vector_store %arg15[%swap3A_521, %swap3A_522], %mul3A_520 {strides = array<i32>} : memref<128x64xf32, #tpu.memory_space<vmem>>, vector<16xf32>,
        %swap3A_524 = arith.index_cast %add3A_513 : i32 to index
        %swap3A_525 = arith.constant 32 : index
        %swap3A_526 = tpu.vector_load %arg15[%swap3A_524, %swap3A_525] {strides = array<i32>} : memref<128x64xf32, #tpu.memory_space<vmem>>, vector<16xf32>,
        tpu.vector_store %arg15[%swap3A_524, %swap3A_525], %get3A_518 {strides = array<i32>} : memref<128x64xf32, #tpu.memory_space<vmem>>, vector<16xf32>,
        %get3A_527 = arith.index_cast %add3A_513 : i32 to index
        %get3A_528 = arith.constant 16 : index
        %get3A_529 = tpu.vector_load %arg14[%get3A_527, %get3A_528] {strides = array<i32>} : memref<128x32xf32, #tpu.memory_space<vmem>>, vector<16xf32>,
        %mul3A_530 = vector.broadcast %squeeze3A_515 : f32 to vector<16xf32>
        %mul3A_531 = arith.mulf %get3A_529, %mul3A_530 : vector<16xf32>
        %swap3A_532 = arith.index_cast %add3A_513 : i32 to index
        %swap3A_533 = arith.constant 16 : index
        %swap3A_534 = tpu.vector_load %arg15[%swap3A_532, %swap3A_533] {strides = array<i32>} : memref<128x64xf32, #tpu.memory_space<vmem>>, vector<16xf32>,
        tpu.vector_store %arg15[%swap3A_532, %swap3A_533], %mul3A_531 {strides = array<i32>} : memref<128x64xf32, #tpu.memory_space<vmem>>, vector<16xf32>,
        %swap3A_535 = arith.index_cast %add3A_513 : i32 to index
        %swap3A_536 = arith.constant 48 : index
        %swap3A_537 = tpu.vector_load %arg15[%swap3A_535, %swap3A_536] {strides = array<i32>} : memref<128x64xf32, #tpu.memory_space<vmem>>, vector<16xf32>,
        tpu.vector_store %arg15[%swap3A_535, %swap3A_536], %get3A_529 {strides = array<i32>} : memref<128x64xf32, #tpu.memory_space<vmem>>, vector<16xf32>,
        %mul3A_538 = arith.constant 16 : i32
        %mul3A_539 = arith.muli %scan3A_255, %mul3A_538 : i32
        %add3A_540 = arith.constant 10 : i32
        %add3A_541 = arith.addi %mul3A_539, %add3A_540 : i32
        %slice3A_542 = vector.extract_strided_slice %get3A_260 {offsets = [10], sizes = [1], strides = [1]} : vector<16xf32> to vector<1xf32>
        %squeeze3A_543 = vector.extract %slice3A_542[0] : f32 from vector<1xf32>
        %get3A_544 = arith.index_cast %add3A_541 : i32 to index
        %get3A_545 = arith.constant 0 : index
        %get3A_546 = tpu.vector_load %arg14[%get3A_544, %get3A_545] {strides = array<i32>} : memref<128x32xf32, #tpu.memory_space<vmem>>, vector<16xf32>,
        %mul3A_547 = vector.broadcast %squeeze3A_543 : f32 to vector<16xf32>
        %mul3A_548 = arith.mulf %get3A_546, %mul3A_547 : vector<16xf32>
        %swap3A_549 = arith.index_cast %add3A_541 : i32 to index
        %swap3A_550 = arith.constant 0 : index
        %swap3A_551 = tpu.vector_load %arg15[%swap3A_549, %swap3A_550] {strides = array<i32>} : memref<128x64xf32, #tpu.memory_space<vmem>>, vector<16xf32>,
        tpu.vector_store %arg15[%swap3A_549, %swap3A_550], %mul3A_548 {strides = array<i32>} : memref<128x64xf32, #tpu.memory_space<vmem>>, vector<16xf32>,
        %swap3A_552 = arith.index_cast %add3A_541 : i32 to index
        %swap3A_553 = arith.constant 32 : index
        %swap3A_554 = tpu.vector_load %arg15[%swap3A_552, %swap3A_553] {strides = array<i32>} : memref<128x64xf32, #tpu.memory_space<vmem>>, vector<16xf32>,
        tpu.vector_store %arg15[%swap3A_552, %swap3A_553], %get3A_546 {strides = array<i32>} : memref<128x64xf32, #tpu.memory_space<vmem>>, vector<16xf32>,
        %get3A_555 = arith.index_cast %add3A_541 : i32 to index
        %get3A_556 = arith.constant 16 : index
        %get3A_557 = tpu.vector_load %arg14[%get3A_555, %get3A_556] {strides = array<i32>} : memref<128x32xf32, #tpu.memory_space<vmem>>, vector<16xf32>,
        %mul3A_558 = vector.broadcast %squeeze3A_543 : f32 to vector<16xf32>
        %mul3A_559 = arith.mulf %get3A_557, %mul3A_558 : vector<16xf32>
        %swap3A_560 = arith.index_cast %add3A_541 : i32 to index
        %swap3A_561 = arith.constant 16 : index
        %swap3A_562 = tpu.vector_load %arg15[%swap3A_560, %swap3A_561] {strides = array<i32>} : memref<128x64xf32, #tpu.memory_space<vmem>>, vector<16xf32>,
        tpu.vector_store %arg15[%swap3A_560, %swap3A_561], %mul3A_559 {strides = array<i32>} : memref<128x64xf32, #tpu.memory_space<vmem>>, vector<16xf32>,
        %swap3A_563 = arith.index_cast %add3A_541 : i32 to index
        %swap3A_564 = arith.constant 48 : index
        %swap3A_565 = tpu.vector_load %arg15[%swap3A_563, %swap3A_564] {strides = array<i32>} : memref<128x64xf32, #tpu.memory_space<vmem>>, vector<16xf32>,
        tpu.vector_store %arg15[%swap3A_563, %swap3A_564], %get3A_557 {strides = array<i32>} : memref<128x64xf32, #tpu.memory_space<vmem>>, vector<16xf32>,
        %mul3A_566 = arith.constant 16 : i32
        %mul3A_567 = arith.muli %scan3A_255, %mul3A_566 : i32
        %add3A_568 = arith.constant 11 : i32
        %add3A_569 = arith.addi %mul3A_567, %add3A_568 : i32
        %slice3A_570 = vector.extract_strided_slice %get3A_260 {offsets = [11], sizes = [1], strides = [1]} : vector<16xf32> to vector<1xf32>
        %squeeze3A_571 = vector.extract %slice3A_570[0] : f32 from vector<1xf32>
        %get3A_572 = arith.index_cast %add3A_569 : i32 to index
        %get3A_573 = arith.constant 0 : index
        %get3A_574 = tpu.vector_load %arg14[%get3A_572, %get3A_573] {strides = array<i32>} : memref<128x32xf32, #tpu.memory_space<vmem>>, vector<16xf32>,
        %mul3A_575 = vector.broadcast %squeeze3A_571 : f32 to vector<16xf32>
        %mul3A_576 = arith.mulf %get3A_574, %mul3A_575 : vector<16xf32>
        %swap3A_577 = arith.index_cast %add3A_569 : i32 to index
        %swap3A_578 = arith.constant 0 : index
        %swap3A_579 = tpu.vector_load %arg15[%swap3A_577, %swap3A_578] {strides = array<i32>} : memref<128x64xf32, #tpu.memory_space<vmem>>, vector<16xf32>,
        tpu.vector_store %arg15[%swap3A_577, %swap3A_578], %mul3A_576 {strides = array<i32>} : memref<128x64xf32, #tpu.memory_space<vmem>>, vector<16xf32>,
        %swap3A_580 = arith.index_cast %add3A_569 : i32 to index
        %swap3A_581 = arith.constant 32 : index
        %swap3A_582 = tpu.vector_load %arg15[%swap3A_580, %swap3A_581] {strides = array<i32>} : memref<128x64xf32, #tpu.memory_space<vmem>>, vector<16xf32>,
        tpu.vector_store %arg15[%swap3A_580, %swap3A_581], %get3A_574 {strides = array<i32>} : memref<128x64xf32, #tpu.memory_space<vmem>>, vector<16xf32>,
        %get3A_583 = arith.index_cast %add3A_569 : i32 to index
        %get3A_584 = arith.constant 16 : index
        %get3A_585 = tpu.vector_load %arg14[%get3A_583, %get3A_584] {strides = array<i32>} : memref<128x32xf32, #tpu.memory_space<vmem>>, vector<16xf32>,
        %mul3A_586 = vector.broadcast %squeeze3A_571 : f32 to vector<16xf32>
        %mul3A_587 = arith.mulf %get3A_585, %mul3A_586 : vector<16xf32>
        %swap3A_588 = arith.index_cast %add3A_569 : i32 to index
        %swap3A_589 = arith.constant 16 : index
        %swap3A_590 = tpu.vector_load %arg15[%swap3A_588, %swap3A_589] {strides = array<i32>} : memref<128x64xf32, #tpu.memory_space<vmem>>, vector<16xf32>,
        tpu.vector_store %arg15[%swap3A_588, %swap3A_589], %mul3A_587 {strides = array<i32>} : memref<128x64xf32, #tpu.memory_space<vmem>>, vector<16xf32>,
        %swap3A_591 = arith.index_cast %add3A_569 : i32 to index
        %swap3A_592 = arith.constant 48 : index
        %swap3A_593 = tpu.vector_load %arg15[%swap3A_591, %swap3A_592] {strides = array<i32>} : memref<128x64xf32, #tpu.memory_space<vmem>>, vector<16xf32>,
        tpu.vector_store %arg15[%swap3A_591, %swap3A_592], %get3A_585 {strides = array<i32>} : memref<128x64xf32, #tpu.memory_space<vmem>>, vector<16xf32>,
        %mul3A_594 = arith.constant 16 : i32
        %mul3A_595 = arith.muli %scan3A_255, %mul3A_594 : i32
        %add3A_596 = arith.constant 12 : i32
        %add3A_597 = arith.addi %mul3A_595, %add3A_596 : i32
        %slice3A_598 = vector.extract_strided_slice %get3A_260 {offsets = [12], sizes = [1], strides = [1]} : vector<16xf32> to vector<1xf32>
        %squeeze3A_599 = vector.extract %slice3A_598[0] : f32 from vector<1xf32>
        %get3A_600 = arith.index_cast %add3A_597 : i32 to index
        %get3A_601 = arith.constant 0 : index
        %get3A_602 = tpu.vector_load %arg14[%get3A_600, %get3A_601] {strides = array<i32>} : memref<128x32xf32, #tpu.memory_space<vmem>>, vector<16xf32>,
        %mul3A_603 = vector.broadcast %squeeze3A_599 : f32 to vector<16xf32>
        %mul3A_604 = arith.mulf %get3A_602, %mul3A_603 : vector<16xf32>
        %swap3A_605 = arith.index_cast %add3A_597 : i32 to index
        %swap3A_606 = arith.constant 0 : index
        %swap3A_607 = tpu.vector_load %arg15[%swap3A_605, %swap3A_606] {strides = array<i32>} : memref<128x64xf32, #tpu.memory_space<vmem>>, vector<16xf32>,
        tpu.vector_store %arg15[%swap3A_605, %swap3A_606], %mul3A_604 {strides = array<i32>} : memref<128x64xf32, #tpu.memory_space<vmem>>, vector<16xf32>,
        %swap3A_608 = arith.index_cast %add3A_597 : i32 to index
        %swap3A_609 = arith.constant 32 : index
        %swap3A_610 = tpu.vector_load %arg15[%swap3A_608, %swap3A_609] {strides = array<i32>} : memref<128x64xf32, #tpu.memory_space<vmem>>, vector<16xf32>,
        tpu.vector_store %arg15[%swap3A_608, %swap3A_609], %get3A_602 {strides = array<i32>} : memref<128x64xf32, #tpu.memory_space<vmem>>, vector<16xf32>,
        %get3A_611 = arith.index_cast %add3A_597 : i32 to index
        %get3A_612 = arith.constant 16 : index
        %get3A_613 = tpu.vector_load %arg14[%get3A_611, %get3A_612] {strides = array<i32>} : memref<128x32xf32, #tpu.memory_space<vmem>>, vector<16xf32>,
        %mul3A_614 = vector.broadcast %squeeze3A_599 : f32 to vector<16xf32>
        %mul3A_615 = arith.mulf %get3A_613, %mul3A_614 : vector<16xf32>
        %swap3A_616 = arith.index_cast %add3A_597 : i32 to index
        %swap3A_617 = arith.constant 16 : index
        %swap3A_618 = tpu.vector_load %arg15[%swap3A_616, %swap3A_617] {strides = array<i32>} : memref<128x64xf32, #tpu.memory_space<vmem>>, vector<16xf32>,
        tpu.vector_store %arg15[%swap3A_616, %swap3A_617], %mul3A_615 {strides = array<i32>} : memref<128x64xf32, #tpu.memory_space<vmem>>, vector<16xf32>,
        %swap3A_619 = arith.index_cast %add3A_597 : i32 to index
        %swap3A_620 = arith.constant 48 : index
        %swap3A_621 = tpu.vector_load %arg15[%swap3A_619, %swap3A_620] {strides = array<i32>} : memref<128x64xf32, #tpu.memory_space<vmem>>, vector<16xf32>,
        tpu.vector_store %arg15[%swap3A_619, %swap3A_620], %get3A_613 {strides = array<i32>} : memref<128x64xf32, #tpu.memory_space<vmem>>, vector<16xf32>,
        %mul3A_622 = arith.constant 16 : i32
        %mul3A_623 = arith.muli %scan3A_255, %mul3A_622 : i32
        %add3A_624 = arith.constant 13 : i32
        %add3A_625 = arith.addi %mul3A_623, %add3A_624 : i32
        %slice3A_626 = vector.extract_strided_slice %get3A_260 {offsets = [13], sizes = [1], strides = [1]} : vector<16xf32> to vector<1xf32>
        %squeeze3A_627 = vector.extract %slice3A_626[0] : f32 from vector<1xf32>
        %get3A_628 = arith.index_cast %add3A_625 : i32 to index
        %get3A_629 = arith.constant 0 : index
        %get3A_630 = tpu.vector_load %arg14[%get3A_628, %get3A_629] {strides = array<i32>} : memref<128x32xf32, #tpu.memory_space<vmem>>, vector<16xf32>,
        %mul3A_631 = vector.broadcast %squeeze3A_627 : f32 to vector<16xf32>
        %mul3A_632 = arith.mulf %get3A_630, %mul3A_631 : vector<16xf32>
        %swap3A_633 = arith.index_cast %add3A_625 : i32 to index
        %swap3A_634 = arith.constant 0 : index
        %swap3A_635 = tpu.vector_load %arg15[%swap3A_633, %swap3A_634] {strides = array<i32>} : memref<128x64xf32, #tpu.memory_space<vmem>>, vector<16xf32>,
        tpu.vector_store %arg15[%swap3A_633, %swap3A_634], %mul3A_632 {strides = array<i32>} : memref<128x64xf32, #tpu.memory_space<vmem>>, vector<16xf32>,
        %swap3A_636 = arith.index_cast %add3A_625 : i32 to index
        %swap3A_637 = arith.constant 32 : index
        %swap3A_638 = tpu.vector_load %arg15[%swap3A_636, %swap3A_637] {strides = array<i32>} : memref<128x64xf32, #tpu.memory_space<vmem>>, vector<16xf32>,
        tpu.vector_store %arg15[%swap3A_636, %swap3A_637], %get3A_630 {strides = array<i32>} : memref<128x64xf32, #tpu.memory_space<vmem>>, vector<16xf32>,
        %get3A_639 = arith.index_cast %add3A_625 : i32 to index
        %get3A_640 = arith.constant 16 : index
        %get3A_641 = tpu.vector_load %arg14[%get3A_639, %get3A_640] {strides = array<i32>} : memref<128x32xf32, #tpu.memory_space<vmem>>, vector<16xf32>,
        %mul3A_642 = vector.broadcast %squeeze3A_627 : f32 to vector<16xf32>
        %mul3A_643 = arith.mulf %get3A_641, %mul3A_642 : vector<16xf32>
        %swap3A_644 = arith.index_cast %add3A_625 : i32 to index
        %swap3A_645 = arith.constant 16 : index
        %swap3A_646 = tpu.vector_load %arg15[%swap3A_644, %swap3A_645] {strides = array<i32>} : memref<128x64xf32, #tpu.memory_space<vmem>>, vector<16xf32>,
        tpu.vector_store %arg15[%swap3A_644, %swap3A_645], %mul3A_643 {strides = array<i32>} : memref<128x64xf32, #tpu.memory_space<vmem>>, vector<16xf32>,
        %swap3A_647 = arith.index_cast %add3A_625 : i32 to index
        %swap3A_648 = arith.constant 48 : index
        %swap3A_649 = tpu.vector_load %arg15[%swap3A_647, %swap3A_648] {strides = array<i32>} : memref<128x64xf32, #tpu.memory_space<vmem>>, vector<16xf32>,
        tpu.vector_store %arg15[%swap3A_647, %swap3A_648], %get3A_641 {strides = array<i32>} : memref<128x64xf32, #tpu.memory_space<vmem>>, vector<16xf32>,
        %mul3A_650 = arith.constant 16 : i32
        %mul3A_651 = arith.muli %scan3A_255, %mul3A_650 : i32
        %add3A_652 = arith.constant 14 : i32
        %add3A_653 = arith.addi %mul3A_651, %add3A_652 : i32
        %slice3A_654 = vector.extract_strided_slice %get3A_260 {offsets = [14], sizes = [1], strides = [1]} : vector<16xf32> to vector<1xf32>
        %squeeze3A_655 = vector.extract %slice3A_654[0] : f32 from vector<1xf32>
        %get3A_656 = arith.index_cast %add3A_653 : i32 to index
        %get3A_657 = arith.constant 0 : index
        %get3A_658 = tpu.vector_load %arg14[%get3A_656, %get3A_657] {strides = array<i32>} : memref<128x32xf32, #tpu.memory_space<vmem>>, vector<16xf32>,
        %mul3A_659 = vector.broadcast %squeeze3A_655 : f32 to vector<16xf32>
        %mul3A_660 = arith.mulf %get3A_658, %mul3A_659 : vector<16xf32>
        %swap3A_661 = arith.index_cast %add3A_653 : i32 to index
        %swap3A_662 = arith.constant 0 : index
        %swap3A_663 = tpu.vector_load %arg15[%swap3A_661, %swap3A_662] {strides = array<i32>} : memref<128x64xf32, #tpu.memory_space<vmem>>, vector<16xf32>,
        tpu.vector_store %arg15[%swap3A_661, %swap3A_662], %mul3A_660 {strides = array<i32>} : memref<128x64xf32, #tpu.memory_space<vmem>>, vector<16xf32>,
        %swap3A_664 = arith.index_cast %add3A_653 : i32 to index
        %swap3A_665 = arith.constant 32 : index
        %swap3A_666 = tpu.vector_load %arg15[%swap3A_664, %swap3A_665] {strides = array<i32>} : memref<128x64xf32, #tpu.memory_space<vmem>>, vector<16xf32>,
        tpu.vector_store %arg15[%swap3A_664, %swap3A_665], %get3A_658 {strides = array<i32>} : memref<128x64xf32, #tpu.memory_space<vmem>>, vector<16xf32>,
        %get3A_667 = arith.index_cast %add3A_653 : i32 to index
        %get3A_668 = arith.constant 16 : index
        %get3A_669 = tpu.vector_load %arg14[%get3A_667, %get3A_668] {strides = array<i32>} : memref<128x32xf32, #tpu.memory_space<vmem>>, vector<16xf32>,
        %mul3A_670 = vector.broadcast %squeeze3A_655 : f32 to vector<16xf32>
        %mul3A_671 = arith.mulf %get3A_669, %mul3A_670 : vector<16xf32>
        %swap3A_672 = arith.index_cast %add3A_653 : i32 to index
        %swap3A_673 = arith.constant 16 : index
        %swap3A_674 = tpu.vector_load %arg15[%swap3A_672, %swap3A_673] {strides = array<i32>} : memref<128x64xf32, #tpu.memory_space<vmem>>, vector<16xf32>,
        tpu.vector_store %arg15[%swap3A_672, %swap3A_673], %mul3A_671 {strides = array<i32>} : memref<128x64xf32, #tpu.memory_space<vmem>>, vector<16xf32>,
        %swap3A_675 = arith.index_cast %add3A_653 : i32 to index
        %swap3A_676 = arith.constant 48 : index
        %swap3A_677 = tpu.vector_load %arg15[%swap3A_675, %swap3A_676] {strides = array<i32>} : memref<128x64xf32, #tpu.memory_space<vmem>>, vector<16xf32>,
        tpu.vector_store %arg15[%swap3A_675, %swap3A_676], %get3A_669 {strides = array<i32>} : memref<128x64xf32, #tpu.memory_space<vmem>>, vector<16xf32>,
        %mul3A_678 = arith.constant 16 : i32
        %mul3A_679 = arith.muli %scan3A_255, %mul3A_678 : i32
        %add3A_680 = arith.constant 15 : i32
        %add3A_681 = arith.addi %mul3A_679, %add3A_680 : i32
        %slice3A_682 = vector.extract_strided_slice %get3A_260 {offsets = [15], sizes = [1], strides = [1]} : vector<16xf32> to vector<1xf32>
        %squeeze3A_683 = vector.extract %slice3A_682[0] : f32 from vector<1xf32>
        %get3A_684 = arith.index_cast %add3A_681 : i32 to index
        %get3A_685 = arith.constant 0 : index
        %get3A_686 = tpu.vector_load %arg14[%get3A_684, %get3A_685] {strides = array<i32>} : memref<128x32xf32, #tpu.memory_space<vmem>>, vector<16xf32>,
        %mul3A_687 = vector.broadcast %squeeze3A_683 : f32 to vector<16xf32>
        %mul3A_688 = arith.mulf %get3A_686, %mul3A_687 : vector<16xf32>
        %swap3A_689 = arith.index_cast %add3A_681 : i32 to index
        %swap3A_690 = arith.constant 0 : index
        %swap3A_691 = tpu.vector_load %arg15[%swap3A_689, %swap3A_690] {strides = array<i32>} : memref<128x64xf32, #tpu.memory_space<vmem>>, vector<16xf32>,
        tpu.vector_store %arg15[%swap3A_689, %swap3A_690], %mul3A_688 {strides = array<i32>} : memref<128x64xf32, #tpu.memory_space<vmem>>, vector<16xf32>,
        %swap3A_692 = arith.index_cast %add3A_681 : i32 to index
        %swap3A_693 = arith.constant 32 : index
        %swap3A_694 = tpu.vector_load %arg15[%swap3A_692, %swap3A_693] {strides = array<i32>} : memref<128x64xf32, #tpu.memory_space<vmem>>, vector<16xf32>,
        tpu.vector_store %arg15[%swap3A_692, %swap3A_693], %get3A_686 {strides = array<i32>} : memref<128x64xf32, #tpu.memory_space<vmem>>, vector<16xf32>,
        %get3A_695 = arith.index_cast %add3A_681 : i32 to index
        %get3A_696 = arith.constant 16 : index
        %get3A_697 = tpu.vector_load %arg14[%get3A_695, %get3A_696] {strides = array<i32>} : memref<128x32xf32, #tpu.memory_space<vmem>>, vector<16xf32>,
        %mul3A_698 = vector.broadcast %squeeze3A_683 : f32 to vector<16xf32>
        %mul3A_699 = arith.mulf %get3A_697, %mul3A_698 : vector<16xf32>
        %swap3A_700 = arith.index_cast %add3A_681 : i32 to index
        %swap3A_701 = arith.constant 16 : index
        %swap3A_702 = tpu.vector_load %arg15[%swap3A_700, %swap3A_701] {strides = array<i32>} : memref<128x64xf32, #tpu.memory_space<vmem>>, vector<16xf32>,
        tpu.vector_store %arg15[%swap3A_700, %swap3A_701], %mul3A_699 {strides = array<i32>} : memref<128x64xf32, #tpu.memory_space<vmem>>, vector<16xf32>,
        %swap3A_703 = arith.index_cast %add3A_681 : i32 to index
        %swap3A_704 = arith.constant 48 : index
        %swap3A_705 = tpu.vector_load %arg15[%swap3A_703, %swap3A_704] {strides = array<i32>} : memref<128x64xf32, #tpu.memory_space<vmem>>, vector<16xf32>,
        tpu.vector_store %arg15[%swap3A_703, %swap3A_704], %get3A_697 {strides = array<i32>} : memref<128x64xf32, #tpu.memory_space<vmem>>, vector<16xf32>,
        %scan3A_706 = arith.constant 0 : i32
        scf.yield %scan3A_706 : i32
      }
      %scan3A_253 = arith.constant 8 : i32
      "tpu.region"() ({
        %run_scoped3A_255 = tpu.sem_alloc : memref<!tpu.dma_semaphore, #tpu.memory_space<semaphore_mem>>
        %dma_start3A_256 = arith.constant 0 : i32
        %dma_start3A_257 = tpu.memref_slice %arg12[%scan3A_235, %dma_start3A_256] : memref<79x128xi32, #tpu.memory_space<vmem>> -> memref<1x128xi32, #tpu.memory_space<vmem>>
        %dma_start3A_258 = tpu.memref_squeeze %dma_start3A_257 : memref<1x128xi32, #tpu.memory_space<vmem>> -> memref<128xi32, #tpu.memory_space<vmem>>
        %dma_start3A_259 = arith.constant 0 : i32
        %dma_start3A_260 = arith.constant 0 : i32
        %dma_start3A_261 = tpu.memref_slice %arg18[%dma_start3A_259, %dma_start3A_260] : memref<10240x64xf32, #tpu.memory_space<vmem_shared>> -> memref<10240x64xf32, #tpu.memory_space<vmem_shared>>
        tpu.enqueue_indirect_dma source(%arg15 : memref<128x64xf32, #tpu.memory_space<vmem>>) target(%dma_start3A_261 : memref<10240x64xf32, #tpu.memory_space<vmem_shared>>) offsets(%dma_start3A_258 : memref<128xi32, #tpu.memory_space<vmem>>) semaphore(%run_scoped3A_255 : memref<!tpu.dma_semaphore, #tpu.memory_space<semaphore_mem>>) {add = true}
        %dma_wait3A_262 = arith.constant 0 : i32
        %dma_wait3A_263 = tpu.memref_slice %arg12[%scan3A_235, %dma_wait3A_262] : memref<79x128xi32, #tpu.memory_space<vmem>> -> memref<1x128xi32, #tpu.memory_space<vmem>>
        %dma_wait3A_264 = tpu.memref_squeeze %dma_wait3A_263 : memref<1x128xi32, #tpu.memory_space<vmem>> -> memref<128xi32, #tpu.memory_space<vmem>>
        %dma_wait3A_265 = arith.constant 0 : i32
        %dma_wait3A_266 = arith.constant 0 : i32
        %dma_wait3A_267 = tpu.memref_slice %arg18[%dma_wait3A_265, %dma_wait3A_266] : memref<10240x64xf32, #tpu.memory_space<vmem_shared>> -> memref<10240x64xf32, #tpu.memory_space<vmem_shared>>
        tpu.wait_indirect_dma semaphore(%run_scoped3A_255 : memref<!tpu.dma_semaphore, #tpu.memory_space<semaphore_mem>>) src(%arg15 : memref<128x64xf32, #tpu.memory_space<vmem>>) dst(%dma_wait3A_267 : memref<10240x64xf32, #tpu.memory_space<vmem_shared>>)
        tpu.yield
      }) : () -> ()
      %scan3A_254 = arith.constant 0 : i32
      scf.yield %scan3A_254 : i32
    }
    %scan3A_207 = arith.constant 79 : i32
    %barrier3A_208 = arith.constant 0 : index
    tpu.barrier barrier_id(%barrier3A_208)
    %mul3A_209 = arith.constant 640 : i32
    %mul3A_210 = arith.muli %arg1, %mul3A_209 : i32
    %add3A_211 = arith.constant 0 : i32
    %add3A_212 = arith.addi %mul3A_210, %add3A_211 : i32
    "tpu.region"() ({
      %run_scoped3A_235 = tpu.sem_alloc : memref<!tpu.dma_semaphore, #tpu.memory_space<semaphore_mem>>
      %dma_start3A = arith.constant 0 : i32
      %dma_start3A_236 = tpu.memref_slice %arg18[%add3A_212, %dma_start3A] : memref<10240x64xf32, #tpu.memory_space<vmem_shared>> -> memref<128x64xf32, #tpu.memory_space<vmem_shared>>
      %dma_start3A_237 = arith.constant 0 : i32
      %dma_start3A_238 = tpu.memref_slice %arg18[%add3A_212, %dma_start3A_237] : memref<10240x64xf32, #tpu.memory_space<vmem_shared>> -> memref<128x64xf32, #tpu.memory_space<vmem_shared>>
      tpu.enqueue_dma source(%dma_start3A_238 : memref<128x64xf32, #tpu.memory_space<vmem_shared>>) target(%arg15 : memref<128x64xf32, #tpu.memory_space<vmem>>) target_semaphore(%run_scoped3A_235 : memref<!tpu.dma_semaphore, #tpu.memory_space<semaphore_mem>>)
      %dma_wait3A = arith.constant 0 : i32
      %dma_wait3A_239 = tpu.memref_slice %arg18[%add3A_212, %dma_wait3A] : memref<10240x64xf32, #tpu.memory_space<vmem_shared>> -> memref<128x64xf32, #tpu.memory_space<vmem_shared>>
      %dma_wait3A_240 = arith.constant 0 : i32
      %dma_wait3A_241 = tpu.memref_slice %arg18[%add3A_212, %dma_wait3A_240] : memref<10240x64xf32, #tpu.memory_space<vmem_shared>> -> memref<128x64xf32, #tpu.memory_space<vmem_shared>>
      tpu.wait_dma2 semaphore(%run_scoped3A_235 : memref<!tpu.dma_semaphore, #tpu.memory_space<semaphore_mem>>) src(%dma_wait3A_241 : memref<128x64xf32, #tpu.memory_space<vmem_shared>>) dst(%arg15 : memref<128x64xf32, #tpu.memory_space<vmem>>)
      tpu.yield
    }) : () -> ()
    %run_scoped3A_213 = arith.constant 3 : i32
    "tpu.region"() ({
      %run_scoped3A_235 = tpu.sem_alloc : memref<!tpu.dma_semaphore, #tpu.memory_space<semaphore_mem>>
      %dma_start3A = arith.constant 0 : i32
      %dma_start3A_236 = tpu.memref_slice %arg9[%arg0, %run_scoped3A_213, %add3A_212, %dma_start3A] : memref<2x4x10240x64xf32, #tpu.memory_space<hbm>> -> memref<1x1x128x64xf32, #tpu.memory_space<hbm>>
      %dma_start3A_237 = tpu.memref_squeeze %dma_start3A_236 : memref<1x1x128x64xf32, #tpu.memory_space<hbm>> -> memref<128x64xf32, #tpu.memory_space<hbm>>
      %dma_start3A_238 = arith.constant 0 : i32
      %dma_start3A_239 = tpu.memref_slice %arg9[%arg0, %run_scoped3A_213, %add3A_212, %dma_start3A_238] : memref<2x4x10240x64xf32, #tpu.memory_space<hbm>> -> memref<1x1x128x64xf32, #tpu.memory_space<hbm>>
      %dma_start3A_240 = tpu.memref_squeeze %dma_start3A_239 : memref<1x1x128x64xf32, #tpu.memory_space<hbm>> -> memref<128x64xf32, #tpu.memory_space<hbm>>
      tpu.enqueue_dma source(%arg15 : memref<128x64xf32, #tpu.memory_space<vmem>>) target(%dma_start3A_240 : memref<128x64xf32, #tpu.memory_space<hbm>>) target_semaphore(%run_scoped3A_235 : memref<!tpu.dma_semaphore, #tpu.memory_space<semaphore_mem>>)
      %dma_wait3A = arith.constant 0 : i32
      %dma_wait3A_241 = tpu.memref_slice %arg9[%arg0, %run_scoped3A_213, %add3A_212, %dma_wait3A] : memref<2x4x10240x64xf32, #tpu.memory_space<hbm>> -> memref<1x1x128x64xf32, #tpu.memory_space<hbm>>
      %dma_wait3A_242 = tpu.memref_squeeze %dma_wait3A_241 : memref<1x1x128x64xf32, #tpu.memory_space<hbm>> -> memref<128x64xf32, #tpu.memory_space<hbm>>
      %dma_wait3A_243 = arith.constant 0 : i32
      %dma_wait3A_244 = tpu.memref_slice %arg9[%arg0, %run_scoped3A_213, %add3A_212, %dma_wait3A_243] : memref<2x4x10240x64xf32, #tpu.memory_space<hbm>> -> memref<1x1x128x64xf32, #tpu.memory_space<hbm>>
      %dma_wait3A_245 = tpu.memref_squeeze %dma_wait3A_244 : memref<1x1x128x64xf32, #tpu.memory_space<hbm>> -> memref<128x64xf32, #tpu.memory_space<hbm>>
      tpu.wait_dma2 semaphore(%run_scoped3A_235 : memref<!tpu.dma_semaphore, #tpu.memory_space<semaphore_mem>>) src(%arg15 : memref<128x64xf32, #tpu.memory_space<vmem>>) dst(%dma_wait3A_245 : memref<128x64xf32, #tpu.memory_space<hbm>>)
      tpu.yield
    }) : () -> ()
    %mul3A_214 = arith.constant 640 : i32
    %mul3A_215 = arith.muli %arg1, %mul3A_214 : i32
    %add3A_216 = arith.constant 128 : i32
    %add3A_217 = arith.addi %mul3A_215, %add3A_216 : i32
    "tpu.region"() ({
      %run_scoped3A_235 = tpu.sem_alloc : memref<!tpu.dma_semaphore, #tpu.memory_space<semaphore_mem>>
      %dma_start3A = arith.constant 0 : i32
      %dma_start3A_236 = tpu.memref_slice %arg18[%add3A_217, %dma_start3A] : memref<10240x64xf32, #tpu.memory_space<vmem_shared>> -> memref<128x64xf32, #tpu.memory_space<vmem_shared>>
      %dma_start3A_237 = arith.constant 0 : i32
      %dma_start3A_238 = tpu.memref_slice %arg18[%add3A_217, %dma_start3A_237] : memref<10240x64xf32, #tpu.memory_space<vmem_shared>> -> memref<128x64xf32, #tpu.memory_space<vmem_shared>>
      tpu.enqueue_dma source(%dma_start3A_238 : memref<128x64xf32, #tpu.memory_space<vmem_shared>>) target(%arg15 : memref<128x64xf32, #tpu.memory_space<vmem>>) target_semaphore(%run_scoped3A_235 : memref<!tpu.dma_semaphore, #tpu.memory_space<semaphore_mem>>)
      %dma_wait3A = arith.constant 0 : i32
      %dma_wait3A_239 = tpu.memref_slice %arg18[%add3A_217, %dma_wait3A] : memref<10240x64xf32, #tpu.memory_space<vmem_shared>> -> memref<128x64xf32, #tpu.memory_space<vmem_shared>>
      %dma_wait3A_240 = arith.constant 0 : i32
      %dma_wait3A_241 = tpu.memref_slice %arg18[%add3A_217, %dma_wait3A_240] : memref<10240x64xf32, #tpu.memory_space<vmem_shared>> -> memref<128x64xf32, #tpu.memory_space<vmem_shared>>
      tpu.wait_dma2 semaphore(%run_scoped3A_235 : memref<!tpu.dma_semaphore, #tpu.memory_space<semaphore_mem>>) src(%dma_wait3A_241 : memref<128x64xf32, #tpu.memory_space<vmem_shared>>) dst(%arg15 : memref<128x64xf32, #tpu.memory_space<vmem>>)
      tpu.yield
    }) : () -> ()
    %run_scoped3A_218 = arith.constant 3 : i32
    "tpu.region"() ({
      %run_scoped3A_235 = tpu.sem_alloc : memref<!tpu.dma_semaphore, #tpu.memory_space<semaphore_mem>>
      %dma_start3A = arith.constant 0 : i32
      %dma_start3A_236 = tpu.memref_slice %arg9[%arg0, %run_scoped3A_218, %add3A_217, %dma_start3A] : memref<2x4x10240x64xf32, #tpu.memory_space<hbm>> -> memref<1x1x128x64xf32, #tpu.memory_space<hbm>>
      %dma_start3A_237 = tpu.memref_squeeze %dma_start3A_236 : memref<1x1x128x64xf32, #tpu.memory_space<hbm>> -> memref<128x64xf32, #tpu.memory_space<hbm>>
      %dma_start3A_238 = arith.constant 0 : i32
      %dma_start3A_239 = tpu.memref_slice %arg9[%arg0, %run_scoped3A_218, %add3A_217, %dma_start3A_238] : memref<2x4x10240x64xf32, #tpu.memory_space<hbm>> -> memref<1x1x128x64xf32, #tpu.memory_space<hbm>>
      %dma_start3A_240 = tpu.memref_squeeze %dma_start3A_239 : memref<1x1x128x64xf32, #tpu.memory_space<hbm>> -> memref<128x64xf32, #tpu.memory_space<hbm>>
      tpu.enqueue_dma source(%arg15 : memref<128x64xf32, #tpu.memory_space<vmem>>) target(%dma_start3A_240 : memref<128x64xf32, #tpu.memory_space<hbm>>) target_semaphore(%run_scoped3A_235 : memref<!tpu.dma_semaphore, #tpu.memory_space<semaphore_mem>>)
      %dma_wait3A = arith.constant 0 : i32
      %dma_wait3A_241 = tpu.memref_slice %arg9[%arg0, %run_scoped3A_218, %add3A_217, %dma_wait3A] : memref<2x4x10240x64xf32, #tpu.memory_space<hbm>> -> memref<1x1x128x64xf32, #tpu.memory_space<hbm>>
      %dma_wait3A_242 = tpu.memref_squeeze %dma_wait3A_241 : memref<1x1x128x64xf32, #tpu.memory_space<hbm>> -> memref<128x64xf32, #tpu.memory_space<hbm>>
      %dma_wait3A_243 = arith.constant 0 : i32
      %dma_wait3A_244 = tpu.memref_slice %arg9[%arg0, %run_scoped3A_218, %add3A_217, %dma_wait3A_243] : memref<2x4x10240x64xf32, #tpu.memory_space<hbm>> -> memref<1x1x128x64xf32, #tpu.memory_space<hbm>>
      %dma_wait3A_245 = tpu.memref_squeeze %dma_wait3A_244 : memref<1x1x128x64xf32, #tpu.memory_space<hbm>> -> memref<128x64xf32, #tpu.memory_space<hbm>>
      tpu.wait_dma2 semaphore(%run_scoped3A_235 : memref<!tpu.dma_semaphore, #tpu.memory_space<semaphore_mem>>) src(%arg15 : memref<128x64xf32, #tpu.memory_space<vmem>>) dst(%dma_wait3A_245 : memref<128x64xf32, #tpu.memory_space<hbm>>)
      tpu.yield
    }) : () -> ()
    %mul3A_219 = arith.constant 640 : i32
    %mul3A_220 = arith.muli %arg1, %mul3A_219 : i32
    %add3A_221 = arith.constant 256 : i32
    %add3A_222 = arith.addi %mul3A_220, %add3A_221 : i32
    "tpu.region"() ({
      %run_scoped3A_235 = tpu.sem_alloc : memref<!tpu.dma_semaphore, #tpu.memory_space<semaphore_mem>>
      %dma_start3A = arith.constant 0 : i32
      %dma_start3A_236 = tpu.memref_slice %arg18[%add3A_222, %dma_start3A] : memref<10240x64xf32, #tpu.memory_space<vmem_shared>> -> memref<128x64xf32, #tpu.memory_space<vmem_shared>>
      %dma_start3A_237 = arith.constant 0 : i32
      %dma_start3A_238 = tpu.memref_slice %arg18[%add3A_222, %dma_start3A_237] : memref<10240x64xf32, #tpu.memory_space<vmem_shared>> -> memref<128x64xf32, #tpu.memory_space<vmem_shared>>
      tpu.enqueue_dma source(%dma_start3A_238 : memref<128x64xf32, #tpu.memory_space<vmem_shared>>) target(%arg15 : memref<128x64xf32, #tpu.memory_space<vmem>>) target_semaphore(%run_scoped3A_235 : memref<!tpu.dma_semaphore, #tpu.memory_space<semaphore_mem>>)
      %dma_wait3A = arith.constant 0 : i32
      %dma_wait3A_239 = tpu.memref_slice %arg18[%add3A_222, %dma_wait3A] : memref<10240x64xf32, #tpu.memory_space<vmem_shared>> -> memref<128x64xf32, #tpu.memory_space<vmem_shared>>
      %dma_wait3A_240 = arith.constant 0 : i32
      %dma_wait3A_241 = tpu.memref_slice %arg18[%add3A_222, %dma_wait3A_240] : memref<10240x64xf32, #tpu.memory_space<vmem_shared>> -> memref<128x64xf32, #tpu.memory_space<vmem_shared>>
      tpu.wait_dma2 semaphore(%run_scoped3A_235 : memref<!tpu.dma_semaphore, #tpu.memory_space<semaphore_mem>>) src(%dma_wait3A_241 : memref<128x64xf32, #tpu.memory_space<vmem_shared>>) dst(%arg15 : memref<128x64xf32, #tpu.memory_space<vmem>>)
      tpu.yield
    }) : () -> ()
    %run_scoped3A_223 = arith.constant 3 : i32
    "tpu.region"() ({
      %run_scoped3A_235 = tpu.sem_alloc : memref<!tpu.dma_semaphore, #tpu.memory_space<semaphore_mem>>
      %dma_start3A = arith.constant 0 : i32
      %dma_start3A_236 = tpu.memref_slice %arg9[%arg0, %run_scoped3A_223, %add3A_222, %dma_start3A] : memref<2x4x10240x64xf32, #tpu.memory_space<hbm>> -> memref<1x1x128x64xf32, #tpu.memory_space<hbm>>
      %dma_start3A_237 = tpu.memref_squeeze %dma_start3A_236 : memref<1x1x128x64xf32, #tpu.memory_space<hbm>> -> memref<128x64xf32, #tpu.memory_space<hbm>>
      %dma_start3A_238 = arith.constant 0 : i32
      %dma_start3A_239 = tpu.memref_slice %arg9[%arg0, %run_scoped3A_223, %add3A_222, %dma_start3A_238] : memref<2x4x10240x64xf32, #tpu.memory_space<hbm>> -> memref<1x1x128x64xf32, #tpu.memory_space<hbm>>
      %dma_start3A_240 = tpu.memref_squeeze %dma_start3A_239 : memref<1x1x128x64xf32, #tpu.memory_space<hbm>> -> memref<128x64xf32, #tpu.memory_space<hbm>>
      tpu.enqueue_dma source(%arg15 : memref<128x64xf32, #tpu.memory_space<vmem>>) target(%dma_start3A_240 : memref<128x64xf32, #tpu.memory_space<hbm>>) target_semaphore(%run_scoped3A_235 : memref<!tpu.dma_semaphore, #tpu.memory_space<semaphore_mem>>)
      %dma_wait3A = arith.constant 0 : i32
      %dma_wait3A_241 = tpu.memref_slice %arg9[%arg0, %run_scoped3A_223, %add3A_222, %dma_wait3A] : memref<2x4x10240x64xf32, #tpu.memory_space<hbm>> -> memref<1x1x128x64xf32, #tpu.memory_space<hbm>>
      %dma_wait3A_242 = tpu.memref_squeeze %dma_wait3A_241 : memref<1x1x128x64xf32, #tpu.memory_space<hbm>> -> memref<128x64xf32, #tpu.memory_space<hbm>>
      %dma_wait3A_243 = arith.constant 0 : i32
      %dma_wait3A_244 = tpu.memref_slice %arg9[%arg0, %run_scoped3A_223, %add3A_222, %dma_wait3A_243] : memref<2x4x10240x64xf32, #tpu.memory_space<hbm>> -> memref<1x1x128x64xf32, #tpu.memory_space<hbm>>
      %dma_wait3A_245 = tpu.memref_squeeze %dma_wait3A_244 : memref<1x1x128x64xf32, #tpu.memory_space<hbm>> -> memref<128x64xf32, #tpu.memory_space<hbm>>
      tpu.wait_dma2 semaphore(%run_scoped3A_235 : memref<!tpu.dma_semaphore, #tpu.memory_space<semaphore_mem>>) src(%arg15 : memref<128x64xf32, #tpu.memory_space<vmem>>) dst(%dma_wait3A_245 : memref<128x64xf32, #tpu.memory_space<hbm>>)
      tpu.yield
    }) : () -> ()
    %mul3A_224 = arith.constant 640 : i32
    %mul3A_225 = arith.muli %arg1, %mul3A_224 : i32
    %add3A_226 = arith.constant 384 : i32
    %add3A_227 = arith.addi %mul3A_225, %add3A_226 : i32
    "tpu.region"() ({
      %run_scoped3A_235 = tpu.sem_alloc : memref<!tpu.dma_semaphore, #tpu.memory_space<semaphore_mem>>
      %dma_start3A = arith.constant 0 : i32
      %dma_start3A_236 = tpu.memref_slice %arg18[%add3A_227, %dma_start3A] : memref<10240x64xf32, #tpu.memory_space<vmem_shared>> -> memref<128x64xf32, #tpu.memory_space<vmem_shared>>
      %dma_start3A_237 = arith.constant 0 : i32
      %dma_start3A_238 = tpu.memref_slice %arg18[%add3A_227, %dma_start3A_237] : memref<10240x64xf32, #tpu.memory_space<vmem_shared>> -> memref<128x64xf32, #tpu.memory_space<vmem_shared>>
      tpu.enqueue_dma source(%dma_start3A_238 : memref<128x64xf32, #tpu.memory_space<vmem_shared>>) target(%arg15 : memref<128x64xf32, #tpu.memory_space<vmem>>) target_semaphore(%run_scoped3A_235 : memref<!tpu.dma_semaphore, #tpu.memory_space<semaphore_mem>>)
      %dma_wait3A = arith.constant 0 : i32
      %dma_wait3A_239 = tpu.memref_slice %arg18[%add3A_227, %dma_wait3A] : memref<10240x64xf32, #tpu.memory_space<vmem_shared>> -> memref<128x64xf32, #tpu.memory_space<vmem_shared>>
      %dma_wait3A_240 = arith.constant 0 : i32
      %dma_wait3A_241 = tpu.memref_slice %arg18[%add3A_227, %dma_wait3A_240] : memref<10240x64xf32, #tpu.memory_space<vmem_shared>> -> memref<128x64xf32, #tpu.memory_space<vmem_shared>>
      tpu.wait_dma2 semaphore(%run_scoped3A_235 : memref<!tpu.dma_semaphore, #tpu.memory_space<semaphore_mem>>) src(%dma_wait3A_241 : memref<128x64xf32, #tpu.memory_space<vmem_shared>>) dst(%arg15 : memref<128x64xf32, #tpu.memory_space<vmem>>)
      tpu.yield
    }) : () -> ()
    %run_scoped3A_228 = arith.constant 3 : i32
    "tpu.region"() ({
      %run_scoped3A_235 = tpu.sem_alloc : memref<!tpu.dma_semaphore, #tpu.memory_space<semaphore_mem>>
      %dma_start3A = arith.constant 0 : i32
      %dma_start3A_236 = tpu.memref_slice %arg9[%arg0, %run_scoped3A_228, %add3A_227, %dma_start3A] : memref<2x4x10240x64xf32, #tpu.memory_space<hbm>> -> memref<1x1x128x64xf32, #tpu.memory_space<hbm>>
      %dma_start3A_237 = tpu.memref_squeeze %dma_start3A_236 : memref<1x1x128x64xf32, #tpu.memory_space<hbm>> -> memref<128x64xf32, #tpu.memory_space<hbm>>
      %dma_start3A_238 = arith.constant 0 : i32
      %dma_start3A_239 = tpu.memref_slice %arg9[%arg0, %run_scoped3A_228, %add3A_227, %dma_start3A_238] : memref<2x4x10240x64xf32, #tpu.memory_space<hbm>> -> memref<1x1x128x64xf32, #tpu.memory_space<hbm>>
      %dma_start3A_240 = tpu.memref_squeeze %dma_start3A_239 : memref<1x1x128x64xf32, #tpu.memory_space<hbm>> -> memref<128x64xf32, #tpu.memory_space<hbm>>
      tpu.enqueue_dma source(%arg15 : memref<128x64xf32, #tpu.memory_space<vmem>>) target(%dma_start3A_240 : memref<128x64xf32, #tpu.memory_space<hbm>>) target_semaphore(%run_scoped3A_235 : memref<!tpu.dma_semaphore, #tpu.memory_space<semaphore_mem>>)
      %dma_wait3A = arith.constant 0 : i32
      %dma_wait3A_241 = tpu.memref_slice %arg9[%arg0, %run_scoped3A_228, %add3A_227, %dma_wait3A] : memref<2x4x10240x64xf32, #tpu.memory_space<hbm>> -> memref<1x1x128x64xf32, #tpu.memory_space<hbm>>
      %dma_wait3A_242 = tpu.memref_squeeze %dma_wait3A_241 : memref<1x1x128x64xf32, #tpu.memory_space<hbm>> -> memref<128x64xf32, #tpu.memory_space<hbm>>
      %dma_wait3A_243 = arith.constant 0 : i32
      %dma_wait3A_244 = tpu.memref_slice %arg9[%arg0, %run_scoped3A_228, %add3A_227, %dma_wait3A_243] : memref<2x4x10240x64xf32, #tpu.memory_space<hbm>> -> memref<1x1x128x64xf32, #tpu.memory_space<hbm>>
      %dma_wait3A_245 = tpu.memref_squeeze %dma_wait3A_244 : memref<1x1x128x64xf32, #tpu.memory_space<hbm>> -> memref<128x64xf32, #tpu.memory_space<hbm>>
      tpu.wait_dma2 semaphore(%run_scoped3A_235 : memref<!tpu.dma_semaphore, #tpu.memory_space<semaphore_mem>>) src(%arg15 : memref<128x64xf32, #tpu.memory_space<vmem>>) dst(%dma_wait3A_245 : memref<128x64xf32, #tpu.memory_space<hbm>>)
      tpu.yield
    }) : () -> ()
    %mul3A_229 = arith.constant 640 : i32
    %mul3A_230 = arith.muli %arg1, %mul3A_229 : i32
    %add3A_231 = arith.constant 512 : i32
    %add3A_232 = arith.addi %mul3A_230, %add3A_231 : i32
    "tpu.region"() ({
      %run_scoped3A_235 = tpu.sem_alloc : memref<!tpu.dma_semaphore, #tpu.memory_space<semaphore_mem>>
      %dma_start3A = arith.constant 0 : i32
      %dma_start3A_236 = tpu.memref_slice %arg18[%add3A_232, %dma_start3A] : memref<10240x64xf32, #tpu.memory_space<vmem_shared>> -> memref<128x64xf32, #tpu.memory_space<vmem_shared>>
      %dma_start3A_237 = arith.constant 0 : i32
      %dma_start3A_238 = tpu.memref_slice %arg18[%add3A_232, %dma_start3A_237] : memref<10240x64xf32, #tpu.memory_space<vmem_shared>> -> memref<128x64xf32, #tpu.memory_space<vmem_shared>>
      tpu.enqueue_dma source(%dma_start3A_238 : memref<128x64xf32, #tpu.memory_space<vmem_shared>>) target(%arg15 : memref<128x64xf32, #tpu.memory_space<vmem>>) target_semaphore(%run_scoped3A_235 : memref<!tpu.dma_semaphore, #tpu.memory_space<semaphore_mem>>)
      %dma_wait3A = arith.constant 0 : i32
      %dma_wait3A_239 = tpu.memref_slice %arg18[%add3A_232, %dma_wait3A] : memref<10240x64xf32, #tpu.memory_space<vmem_shared>> -> memref<128x64xf32, #tpu.memory_space<vmem_shared>>
      %dma_wait3A_240 = arith.constant 0 : i32
      %dma_wait3A_241 = tpu.memref_slice %arg18[%add3A_232, %dma_wait3A_240] : memref<10240x64xf32, #tpu.memory_space<vmem_shared>> -> memref<128x64xf32, #tpu.memory_space<vmem_shared>>
      tpu.wait_dma2 semaphore(%run_scoped3A_235 : memref<!tpu.dma_semaphore, #tpu.memory_space<semaphore_mem>>) src(%dma_wait3A_241 : memref<128x64xf32, #tpu.memory_space<vmem_shared>>) dst(%arg15 : memref<128x64xf32, #tpu.memory_space<vmem>>)
      tpu.yield
    }) : () -> ()
    %run_scoped3A_233 = arith.constant 3 : i32
    "tpu.region"() ({
      %run_scoped3A_235 = tpu.sem_alloc : memref<!tpu.dma_semaphore, #tpu.memory_space<semaphore_mem>>
      %dma_start3A = arith.constant 0 : i32
      %dma_start3A_236 = tpu.memref_slice %arg9[%arg0, %run_scoped3A_233, %add3A_232, %dma_start3A] : memref<2x4x10240x64xf32, #tpu.memory_space<hbm>> -> memref<1x1x128x64xf32, #tpu.memory_space<hbm>>
      %dma_start3A_237 = tpu.memref_squeeze %dma_start3A_236 : memref<1x1x128x64xf32, #tpu.memory_space<hbm>> -> memref<128x64xf32, #tpu.memory_space<hbm>>
      %dma_start3A_238 = arith.constant 0 : i32
      %dma_start3A_239 = tpu.memref_slice %arg9[%arg0, %run_scoped3A_233, %add3A_232, %dma_start3A_238] : memref<2x4x10240x64xf32, #tpu.memory_space<hbm>> -> memref<1x1x128x64xf32, #tpu.memory_space<hbm>>
      %dma_start3A_240 = tpu.memref_squeeze %dma_start3A_239 : memref<1x1x128x64xf32, #tpu.memory_space<hbm>> -> memref<128x64xf32, #tpu.memory_space<hbm>>
      tpu.enqueue_dma source(%arg15 : memref<128x64xf32, #tpu.memory_space<vmem>>) target(%dma_start3A_240 : memref<128x64xf32, #tpu.memory_space<hbm>>) target_semaphore(%run_scoped3A_235 : memref<!tpu.dma_semaphore, #tpu.memory_space<semaphore_mem>>)
      %dma_wait3A = arith.constant 0 : i32
      %dma_wait3A_241 = tpu.memref_slice %arg9[%arg0, %run_scoped3A_233, %add3A_232, %dma_wait3A] : memref<2x4x10240x64xf32, #tpu.memory_space<hbm>> -> memref<1x1x128x64xf32, #tpu.memory_space<hbm>>
      %dma_wait3A_242 = tpu.memref_squeeze %dma_wait3A_241 : memref<1x1x128x64xf32, #tpu.memory_space<hbm>> -> memref<128x64xf32, #tpu.memory_space<hbm>>
      %dma_wait3A_243 = arith.constant 0 : i32
      %dma_wait3A_244 = tpu.memref_slice %arg9[%arg0, %run_scoped3A_233, %add3A_232, %dma_wait3A_243] : memref<2x4x10240x64xf32, #tpu.memory_space<hbm>> -> memref<1x1x128x64xf32, #tpu.memory_space<hbm>>
      %dma_wait3A_245 = tpu.memref_squeeze %dma_wait3A_244 : memref<1x1x128x64xf32, #tpu.memory_space<hbm>> -> memref<128x64xf32, #tpu.memory_space<hbm>>
      tpu.wait_dma2 semaphore(%run_scoped3A_235 : memref<!tpu.dma_semaphore, #tpu.memory_space<semaphore_mem>>) src(%arg15 : memref<128x64xf32, #tpu.memory_space<vmem>>) dst(%dma_wait3A_245 : memref<128x64xf32, #tpu.memory_space<hbm>>)
      tpu.yield
    }) : () -> ()
    %barrier3A_234 = arith.constant 0 : index
    tpu.barrier barrier_id(%barrier3A_234)
    return
  }
}

module attributes {stable_mosaic.version = 14 : i64} {
  func.func @_tc_body(%arg0: i32, %arg1: memref<1024x128xf32, #tpu.memory_space<vmem>>, %arg2: memref<2x4x1024x64xf32, #tpu.memory_space<vmem>>, %arg3: memref<32x1024xf32, #tpu.memory_space<vmem>>, %arg4: memref<128x128xf32, #tpu.memory_space<vmem>>, %arg5: memref<128x128xf32, #tpu.memory_space<vmem>>, %arg6: memref<128x128xf32, #tpu.memory_space<vmem>>, %arg7: memref<1x128xf32, #tpu.memory_space<vmem>>, %arg8: memref<128x128xf32, #tpu.memory_space<vmem>>, %arg9: memref<1x128xf32, #tpu.memory_space<vmem>>, %arg10: memref<1024x128xf32, #tpu.memory_space<vmem>>) attributes {dimension_semantics = [#tpu.dimension_semantics<arbitrary>], iteration_bounds = array<i64: 10>, scalar_prefetch = 0 : i64, scratch_operands = 0 : i64, tpu.core_type = #tpu.core_type<tc>, window_params = [{transform_indices = @transform_0, window_bounds = array<i64: 1024, 128>}, {transform_indices = @transform_1, window_bounds = array<i64: 2, 4, 1024, 64>}, {transform_indices = @transform_2, window_bounds = array<i64: 32, 1024>}, {pipeline_mode = #tpu.pipeline_mode<synchronous>, transform_indices = @transform_3, window_bounds = array<i64: 128, 128>}, {pipeline_mode = #tpu.pipeline_mode<synchronous>, transform_indices = @transform_4, window_bounds = array<i64: 128, 128>}, {pipeline_mode = #tpu.pipeline_mode<synchronous>, transform_indices = @transform_5, window_bounds = array<i64: 128, 128>}, {pipeline_mode = #tpu.pipeline_mode<synchronous>, transform_indices = @transform_6, window_bounds = array<i64: 1, 128>}, {pipeline_mode = #tpu.pipeline_mode<synchronous>, transform_indices = @transform_7, window_bounds = array<i64: 128, 128>}, {pipeline_mode = #tpu.pipeline_mode<synchronous>, transform_indices = @transform_8, window_bounds = array<i64: 1, 128>}, {transform_indices = @transform_9, window_bounds = array<i64: 1024, 128>}]} {
    %get3A = arith.constant 0 : index
    %get3A_0 = arith.constant 0 : index
    %get3A_1 = vector.load %arg1[%get3A, %get3A_0] : memref<1024x128xf32, #tpu.memory_space<vmem>>, vector<1024x128xf32>
    %get3A_2 = arith.constant 0 : index
    %get3A_3 = arith.constant 0 : index
    %get3A_4 = arith.constant 0 : index
    %get3A_5 = arith.constant 0 : index
    %get3A_6 = vector.load %arg2[%get3A_2, %get3A_3, %get3A_4, %get3A_5] : memref<2x4x1024x64xf32, #tpu.memory_space<vmem>>, vector<2x4x1024x64xf32>
    %get3A_7 = arith.constant 0 : index
    %get3A_8 = arith.constant 0 : index
    %get3A_9 = vector.load %arg3[%get3A_7, %get3A_8] : memref<32x1024xf32, #tpu.memory_space<vmem>>, vector<32x1024xf32>
    %reduce_sum3A = arith.constant dense<0.000000e+00> : vector<1024xf32>
    %reduce_sum3A_10 = vector.multi_reduction <add>, %get3A_9, %reduce_sum3A [0] : vector<32x1024xf32> to vector<1024xf32>
    %max3A = arith.constant 1.000000e+00 : f32
    %max3A_11 = vector.broadcast %max3A : f32 to vector<1024xf32>
    %max3A_12 = arith.maximumf %reduce_sum3A_10, %max3A_11 : vector<1024xf32>
    %div3A = arith.constant 1.000000e+00 : f32
    %div3A_13 = vector.broadcast %div3A : f32 to vector<1024xf32>
    %div3A_14 = arith.divf %div3A_13, %max3A_12 : vector<1024xf32>
    %broadcast_in_dim3A = vector.shape_cast %div3A_14 : vector<1024xf32> to vector<1024x1xf32>
    %get3A_15 = arith.constant 0 : index
    %get3A_16 = arith.constant 0 : index
    %get3A_17 = vector.load %arg5[%get3A_15, %get3A_16] : memref<128x128xf32, #tpu.memory_space<vmem>>, vector<128x128xf32>
    %get3A_18 = arith.constant 0 : index
    %get3A_19 = arith.constant 0 : index
    %get3A_20 = vector.load %arg6[%get3A_18, %get3A_19] : memref<128x128xf32, #tpu.memory_space<vmem>>, vector<128x128xf32>
    %broadcast_in_dim3A_21 = arith.constant 0.000000e+00 : f32
    %broadcast_in_dim3A_22 = vector.broadcast %broadcast_in_dim3A_21 : f32 to vector<1024x128xf32>
    %broadcast_in_dim3A_23 = arith.constant 0.000000e+00 : f32
    %broadcast_in_dim3A_24 = vector.broadcast %broadcast_in_dim3A_23 : f32 to vector<1024x128xf32>
    %slice3A = vector.extract_strided_slice %get3A_6 {offsets = [0, 0, 0, 0], sizes = [1, 1, 1024, 32], strides = [1, 1, 1, 1]} : vector<2x4x1024x64xf32> to vector<1x1x1024x32xf32>
    %squeeze3A = vector.shape_cast %slice3A : vector<1x1x1024x32xf32> to vector<1024x32xf32>
    %slice3A_25 = vector.extract_strided_slice %get3A_6 {offsets = [1, 0, 0, 0], sizes = [1, 1, 1024, 32], strides = [1, 1, 1, 1]} : vector<2x4x1024x64xf32> to vector<1x1x1024x32xf32>
    %squeeze3A_26 = vector.shape_cast %slice3A_25 : vector<1x1x1024x32xf32> to vector<1024x32xf32>
    %add3A = arith.addf %squeeze3A, %squeeze3A_26 : vector<1024x32xf32>
    %slice3A_27 = vector.extract_strided_slice %get3A_6 {offsets = [0, 0, 0, 32], sizes = [1, 1, 1024, 32], strides = [1, 1, 1, 1]} : vector<2x4x1024x64xf32> to vector<1x1x1024x32xf32>
    %squeeze3A_28 = vector.shape_cast %slice3A_27 : vector<1x1x1024x32xf32> to vector<1024x32xf32>
    %slice3A_29 = vector.extract_strided_slice %get3A_6 {offsets = [1, 0, 0, 32], sizes = [1, 1, 1024, 32], strides = [1, 1, 1, 1]} : vector<2x4x1024x64xf32> to vector<1x1x1024x32xf32>
    %squeeze3A_30 = vector.shape_cast %slice3A_29 : vector<1x1x1024x32xf32> to vector<1024x32xf32>
    %add3A_31 = arith.addf %squeeze3A_28, %squeeze3A_30 : vector<1024x32xf32>
    %slice3A_32 = vector.extract_strided_slice %get3A_17 {offsets = [0, 0], sizes = [128, 32], strides = [1, 1]} : vector<128x128xf32> to vector<128x32xf32>
    %dot_general3A = arith.constant dense<0.000000e+00> : vector<1024x128xf32>
    %dot_general3A_33 = tpu.matmul %add3A, %slice3A_32, %dot_general3A {dimension_numbers = #tpu.dot_dimension_numbers<[1], [1], [0], [0], [0, 0, 1, 0], [], []>, transpose_lhs_hint = false} : vector<1024x32xf32>, vector<128x32xf32>, vector<1024x128xf32> -> vector<1024x128xf32>
    %add3A_34 = arith.addf %broadcast_in_dim3A_22, %dot_general3A_33 : vector<1024x128xf32>
    %slice3A_35 = vector.extract_strided_slice %get3A_20 {offsets = [0, 0], sizes = [128, 32], strides = [1, 1]} : vector<128x128xf32> to vector<128x32xf32>
    %dot_general3A_36 = arith.constant dense<0.000000e+00> : vector<1024x128xf32>
    %dot_general3A_37 = tpu.matmul %add3A_31, %slice3A_35, %dot_general3A_36 {dimension_numbers = #tpu.dot_dimension_numbers<[1], [1], [0], [0], [0, 0, 1, 0], [], []>, transpose_lhs_hint = false} : vector<1024x32xf32>, vector<128x32xf32>, vector<1024x128xf32> -> vector<1024x128xf32>
    %add3A_38 = arith.addf %broadcast_in_dim3A_24, %dot_general3A_37 : vector<1024x128xf32>
    %slice3A_39 = vector.extract_strided_slice %get3A_6 {offsets = [0, 1, 0, 0], sizes = [1, 1, 1024, 32], strides = [1, 1, 1, 1]} : vector<2x4x1024x64xf32> to vector<1x1x1024x32xf32>
    %squeeze3A_40 = vector.shape_cast %slice3A_39 : vector<1x1x1024x32xf32> to vector<1024x32xf32>
    %slice3A_41 = vector.extract_strided_slice %get3A_6 {offsets = [1, 1, 0, 0], sizes = [1, 1, 1024, 32], strides = [1, 1, 1, 1]} : vector<2x4x1024x64xf32> to vector<1x1x1024x32xf32>
    %squeeze3A_42 = vector.shape_cast %slice3A_41 : vector<1x1x1024x32xf32> to vector<1024x32xf32>
    %add3A_43 = arith.addf %squeeze3A_40, %squeeze3A_42 : vector<1024x32xf32>
    %slice3A_44 = vector.extract_strided_slice %get3A_6 {offsets = [0, 1, 0, 32], sizes = [1, 1, 1024, 32], strides = [1, 1, 1, 1]} : vector<2x4x1024x64xf32> to vector<1x1x1024x32xf32>
    %squeeze3A_45 = vector.shape_cast %slice3A_44 : vector<1x1x1024x32xf32> to vector<1024x32xf32>
    %slice3A_46 = vector.extract_strided_slice %get3A_6 {offsets = [1, 1, 0, 32], sizes = [1, 1, 1024, 32], strides = [1, 1, 1, 1]} : vector<2x4x1024x64xf32> to vector<1x1x1024x32xf32>
    %squeeze3A_47 = vector.shape_cast %slice3A_46 : vector<1x1x1024x32xf32> to vector<1024x32xf32>
    %add3A_48 = arith.addf %squeeze3A_45, %squeeze3A_47 : vector<1024x32xf32>
    %slice3A_49 = vector.extract_strided_slice %get3A_17 {offsets = [0, 32], sizes = [128, 32], strides = [1, 1]} : vector<128x128xf32> to vector<128x32xf32>
    %dot_general3A_50 = arith.constant dense<0.000000e+00> : vector<1024x128xf32>
    %dot_general3A_51 = tpu.matmul %add3A_43, %slice3A_49, %dot_general3A_50 {dimension_numbers = #tpu.dot_dimension_numbers<[1], [1], [0], [0], [0, 0, 1, 0], [], []>, transpose_lhs_hint = false} : vector<1024x32xf32>, vector<128x32xf32>, vector<1024x128xf32> -> vector<1024x128xf32>
    %add3A_52 = arith.addf %add3A_34, %dot_general3A_51 : vector<1024x128xf32>
    %slice3A_53 = vector.extract_strided_slice %get3A_20 {offsets = [0, 32], sizes = [128, 32], strides = [1, 1]} : vector<128x128xf32> to vector<128x32xf32>
    %dot_general3A_54 = arith.constant dense<0.000000e+00> : vector<1024x128xf32>
    %dot_general3A_55 = tpu.matmul %add3A_48, %slice3A_53, %dot_general3A_54 {dimension_numbers = #tpu.dot_dimension_numbers<[1], [1], [0], [0], [0, 0, 1, 0], [], []>, transpose_lhs_hint = false} : vector<1024x32xf32>, vector<128x32xf32>, vector<1024x128xf32> -> vector<1024x128xf32>
    %add3A_56 = arith.addf %add3A_38, %dot_general3A_55 : vector<1024x128xf32>
    %slice3A_57 = vector.extract_strided_slice %get3A_6 {offsets = [0, 2, 0, 0], sizes = [1, 1, 1024, 32], strides = [1, 1, 1, 1]} : vector<2x4x1024x64xf32> to vector<1x1x1024x32xf32>
    %squeeze3A_58 = vector.shape_cast %slice3A_57 : vector<1x1x1024x32xf32> to vector<1024x32xf32>
    %slice3A_59 = vector.extract_strided_slice %get3A_6 {offsets = [1, 2, 0, 0], sizes = [1, 1, 1024, 32], strides = [1, 1, 1, 1]} : vector<2x4x1024x64xf32> to vector<1x1x1024x32xf32>
    %squeeze3A_60 = vector.shape_cast %slice3A_59 : vector<1x1x1024x32xf32> to vector<1024x32xf32>
    %add3A_61 = arith.addf %squeeze3A_58, %squeeze3A_60 : vector<1024x32xf32>
    %slice3A_62 = vector.extract_strided_slice %get3A_6 {offsets = [0, 2, 0, 32], sizes = [1, 1, 1024, 32], strides = [1, 1, 1, 1]} : vector<2x4x1024x64xf32> to vector<1x1x1024x32xf32>
    %squeeze3A_63 = vector.shape_cast %slice3A_62 : vector<1x1x1024x32xf32> to vector<1024x32xf32>
    %slice3A_64 = vector.extract_strided_slice %get3A_6 {offsets = [1, 2, 0, 32], sizes = [1, 1, 1024, 32], strides = [1, 1, 1, 1]} : vector<2x4x1024x64xf32> to vector<1x1x1024x32xf32>
    %squeeze3A_65 = vector.shape_cast %slice3A_64 : vector<1x1x1024x32xf32> to vector<1024x32xf32>
    %add3A_66 = arith.addf %squeeze3A_63, %squeeze3A_65 : vector<1024x32xf32>
    %slice3A_67 = vector.extract_strided_slice %get3A_17 {offsets = [0, 64], sizes = [128, 32], strides = [1, 1]} : vector<128x128xf32> to vector<128x32xf32>
    %dot_general3A_68 = arith.constant dense<0.000000e+00> : vector<1024x128xf32>
    %dot_general3A_69 = tpu.matmul %add3A_61, %slice3A_67, %dot_general3A_68 {dimension_numbers = #tpu.dot_dimension_numbers<[1], [1], [0], [0], [0, 0, 1, 0], [], []>, transpose_lhs_hint = false} : vector<1024x32xf32>, vector<128x32xf32>, vector<1024x128xf32> -> vector<1024x128xf32>
    %add3A_70 = arith.addf %add3A_52, %dot_general3A_69 : vector<1024x128xf32>
    %slice3A_71 = vector.extract_strided_slice %get3A_20 {offsets = [0, 64], sizes = [128, 32], strides = [1, 1]} : vector<128x128xf32> to vector<128x32xf32>
    %dot_general3A_72 = arith.constant dense<0.000000e+00> : vector<1024x128xf32>
    %dot_general3A_73 = tpu.matmul %add3A_66, %slice3A_71, %dot_general3A_72 {dimension_numbers = #tpu.dot_dimension_numbers<[1], [1], [0], [0], [0, 0, 1, 0], [], []>, transpose_lhs_hint = false} : vector<1024x32xf32>, vector<128x32xf32>, vector<1024x128xf32> -> vector<1024x128xf32>
    %add3A_74 = arith.addf %add3A_56, %dot_general3A_73 : vector<1024x128xf32>
    %slice3A_75 = vector.extract_strided_slice %get3A_6 {offsets = [0, 3, 0, 0], sizes = [1, 1, 1024, 32], strides = [1, 1, 1, 1]} : vector<2x4x1024x64xf32> to vector<1x1x1024x32xf32>
    %squeeze3A_76 = vector.shape_cast %slice3A_75 : vector<1x1x1024x32xf32> to vector<1024x32xf32>
    %slice3A_77 = vector.extract_strided_slice %get3A_6 {offsets = [1, 3, 0, 0], sizes = [1, 1, 1024, 32], strides = [1, 1, 1, 1]} : vector<2x4x1024x64xf32> to vector<1x1x1024x32xf32>
    %squeeze3A_78 = vector.shape_cast %slice3A_77 : vector<1x1x1024x32xf32> to vector<1024x32xf32>
    %add3A_79 = arith.addf %squeeze3A_76, %squeeze3A_78 : vector<1024x32xf32>
    %slice3A_80 = vector.extract_strided_slice %get3A_6 {offsets = [0, 3, 0, 32], sizes = [1, 1, 1024, 32], strides = [1, 1, 1, 1]} : vector<2x4x1024x64xf32> to vector<1x1x1024x32xf32>
    %squeeze3A_81 = vector.shape_cast %slice3A_80 : vector<1x1x1024x32xf32> to vector<1024x32xf32>
    %slice3A_82 = vector.extract_strided_slice %get3A_6 {offsets = [1, 3, 0, 32], sizes = [1, 1, 1024, 32], strides = [1, 1, 1, 1]} : vector<2x4x1024x64xf32> to vector<1x1x1024x32xf32>
    %squeeze3A_83 = vector.shape_cast %slice3A_82 : vector<1x1x1024x32xf32> to vector<1024x32xf32>
    %add3A_84 = arith.addf %squeeze3A_81, %squeeze3A_83 : vector<1024x32xf32>
    %slice3A_85 = vector.extract_strided_slice %get3A_17 {offsets = [0, 96], sizes = [128, 32], strides = [1, 1]} : vector<128x128xf32> to vector<128x32xf32>
    %dot_general3A_86 = arith.constant dense<0.000000e+00> : vector<1024x128xf32>
    %dot_general3A_87 = tpu.matmul %add3A_79, %slice3A_85, %dot_general3A_86 {dimension_numbers = #tpu.dot_dimension_numbers<[1], [1], [0], [0], [0, 0, 1, 0], [], []>, transpose_lhs_hint = false} : vector<1024x32xf32>, vector<128x32xf32>, vector<1024x128xf32> -> vector<1024x128xf32>
    %add3A_88 = arith.addf %add3A_70, %dot_general3A_87 : vector<1024x128xf32>
    %slice3A_89 = vector.extract_strided_slice %get3A_20 {offsets = [0, 96], sizes = [128, 32], strides = [1, 1]} : vector<128x128xf32> to vector<128x32xf32>
    %dot_general3A_90 = arith.constant dense<0.000000e+00> : vector<1024x128xf32>
    %dot_general3A_91 = tpu.matmul %add3A_84, %slice3A_89, %dot_general3A_90 {dimension_numbers = #tpu.dot_dimension_numbers<[1], [1], [0], [0], [0, 0, 1, 0], [], []>, transpose_lhs_hint = false} : vector<1024x32xf32>, vector<128x32xf32>, vector<1024x128xf32> -> vector<1024x128xf32>
    %add3A_92 = arith.addf %add3A_74, %dot_general3A_91 : vector<1024x128xf32>
    %get3A_93 = arith.constant 0 : index
    %get3A_94 = arith.constant 0 : index
    %get3A_95 = vector.load %arg4[%get3A_93, %get3A_94] : memref<128x128xf32, #tpu.memory_space<vmem>>, vector<128x128xf32>
    %dot_general3A_96 = arith.constant dense<0.000000e+00> : vector<1024x128xf32>
    %dot_general3A_97 = tpu.matmul %get3A_1, %get3A_95, %dot_general3A_96 {dimension_numbers = #tpu.dot_dimension_numbers<[1], [1], [0], [0], [0, 0, 1, 0], [], []>, transpose_lhs_hint = false} : vector<1024x128xf32>, vector<128x128xf32>, vector<1024x128xf32> -> vector<1024x128xf32>
    %add3A_98 = arith.addf %add3A_88, %add3A_92 : vector<1024x128xf32>
    %mul3A = vector.broadcast %broadcast_in_dim3A : vector<1024x1xf32> to vector<1024x128xf32>
    %mul3A_99 = arith.mulf %add3A_98, %mul3A : vector<1024x128xf32>
    %add3A_100 = arith.addf %dot_general3A_97, %mul3A_99 : vector<1024x128xf32>
    %get3A_101 = arith.constant 0 : index
    %get3A_102 = arith.constant 0 : index
    %get3A_103 = vector.load %arg7[%get3A_101, %get3A_102] : memref<1x128xf32, #tpu.memory_space<vmem>>, vector<1x128xf32>
    %add3A_104 = vector.broadcast %get3A_103 : vector<1x128xf32> to vector<1024x128xf32>
    %add3A_105 = arith.addf %add3A_100, %add3A_104 : vector<1024x128xf32>
    %get3A_106 = arith.constant 0 : index
    %get3A_107 = arith.constant 0 : index
    %get3A_108 = vector.load %arg8[%get3A_106, %get3A_107] : memref<128x128xf32, #tpu.memory_space<vmem>>, vector<128x128xf32>
    %dot_general3A_109 = arith.constant dense<0.000000e+00> : vector<1024x128xf32>
    %dot_general3A_110 = tpu.matmul %add3A_105, %get3A_108, %dot_general3A_109 {dimension_numbers = #tpu.dot_dimension_numbers<[1], [1], [0], [0], [0, 0, 1, 0], [], []>, transpose_lhs_hint = false} : vector<1024x128xf32>, vector<128x128xf32>, vector<1024x128xf32> -> vector<1024x128xf32>
    %get3A_111 = arith.constant 0 : index
    %get3A_112 = arith.constant 0 : index
    %get3A_113 = vector.load %arg9[%get3A_111, %get3A_112] : memref<1x128xf32, #tpu.memory_space<vmem>>, vector<1x128xf32>
    %add3A_114 = vector.broadcast %get3A_113 : vector<1x128xf32> to vector<1024x128xf32>
    %add3A_115 = arith.addf %dot_general3A_110, %add3A_114 : vector<1024x128xf32>
    %swap3A = arith.constant 0 : index
    %swap3A_116 = arith.constant 0 : index
    %swap3A_117 = vector.load %arg10[%swap3A, %swap3A_116] : memref<1024x128xf32, #tpu.memory_space<vmem>>, vector<1024x128xf32>
    tpu.vector_store %arg10[%swap3A, %swap3A_116], %add3A_115 {strides = array<i32>} : memref<1024x128xf32, #tpu.memory_space<vmem>>, vector<1024x128xf32>,
    return
  }
  func.func @transform_0(%arg0: i32) -> (i32, i32) {
    %c0_i32 = arith.constant 0 : i32
    %c0_i32_0 = arith.constant 0 : i32
    return %arg0, %c0_i32 : i32, i32
  }
  func.func @transform_1(%arg0: i32) -> (i32, i32, i32, i32) {
    %c0_i32 = arith.constant 0 : i32
    %c0_i32_0 = arith.constant 0 : i32
    %c0_i32_1 = arith.constant 0 : i32
    %c0_i32_2 = arith.constant 0 : i32
    return %c0_i32, %c0_i32_0, %arg0, %c0_i32_1 : i32, i32, i32, i32
  }
  func.func @transform_2(%arg0: i32) -> (i32, i32) {
    %c0_i32 = arith.constant 0 : i32
    %c0_i32_0 = arith.constant 0 : i32
    return %c0_i32, %arg0 : i32, i32
  }
  func.func @transform_3(%arg0: i32) -> (i32, i32) {
    %c0_i32 = arith.constant 0 : i32
    %c0_i32_0 = arith.constant 0 : i32
    %c0_i32_1 = arith.constant 0 : i32
    return %c0_i32, %c0_i32_0 : i32, i32
  }
  func.func @transform_4(%arg0: i32) -> (i32, i32) {
    %c0_i32 = arith.constant 0 : i32
    %c0_i32_0 = arith.constant 0 : i32
    %c0_i32_1 = arith.constant 0 : i32
    return %c0_i32, %c0_i32_0 : i32, i32
  }
  func.func @transform_5(%arg0: i32) -> (i32, i32) {
    %c0_i32 = arith.constant 0 : i32
    %c0_i32_0 = arith.constant 0 : i32
    %c0_i32_1 = arith.constant 0 : i32
    return %c0_i32, %c0_i32_0 : i32, i32
  }
  func.func @transform_6(%arg0: i32) -> (i32, i32) {
    %c0_i32 = arith.constant 0 : i32
    %c0_i32_0 = arith.constant 0 : i32
    %c0_i32_1 = arith.constant 0 : i32
    return %c0_i32, %c0_i32_0 : i32, i32
  }
  func.func @transform_7(%arg0: i32) -> (i32, i32) {
    %c0_i32 = arith.constant 0 : i32
    %c0_i32_0 = arith.constant 0 : i32
    %c0_i32_1 = arith.constant 0 : i32
    return %c0_i32, %c0_i32_0 : i32, i32
  }
  func.func @transform_8(%arg0: i32) -> (i32, i32) {
    %c0_i32 = arith.constant 0 : i32
    %c0_i32_0 = arith.constant 0 : i32
    %c0_i32_1 = arith.constant 0 : i32
    return %c0_i32, %c0_i32_0 : i32, i32
  }
  func.func @transform_9(%arg0: i32) -> (i32, i32) {
    %c0_i32 = arith.constant 0 : i32
    %c0_i32_0 = arith.constant 0 : i32
    return %arg0, %c0_i32 : i32, i32
  }
}

</mosaic_0001>

<sc_bundles>
// kernel: kernel.4.cloned.1.call-start
scs
__scs_entry_jumppad:
0x0: {  	(pc) =	sbr.rel $0x88, $3  }
0x1: {  	(tag) =	ssettag $0x0;
	lr =	simm.s32 $0x1  }
0x2: {  	[smem:$0x3F96] =	sst lr;
	_ =	strace $0xD0000000  }
0x3: {  	_ = 	snop  }
0x4: {  	_ = 	snop  }
0x5: {  	_ = 	snop  }
0x6: {  	_ = 	snop  }
0x7: {  	_ = 	snop  }
__scs_overlays_trampoline_lowered:
0x8: {  	[smem:$0x3FA5] =	sst s0  }
0x9: {  	[smem:$0x3FA6] =	sst s1  }
0xa: {  	[smem:$0x3FA7] =	sst s2  }
0xb: {  	[smem:$0x3FA8] =	sst s3  }
0xc: {  	[smem:$0x3FA9] =	sst s4  }
0xd: {  	[smem:$0x3FAA] =	sst s5  }
0xe: {  	[smem:$0x3FAB] =	sst s6  }
0xf: {  	[smem:$0x3FAC] =	sst s7  }
0x10: {  	[smem:$0x3FAD] =	sst s8  }
0x11: {  	[smem:$0x3FAE] =	sst s9;
	s0 =	simm.s32 @!p0 $0x0  }
0x12: {  	s1 =	sld [smem:$0x3F94];
	s0 =	simm.s32 @p0 $0x1  }
0x13: {  	[smem:$0x3FAF] =	sst s0;
	s0 =	simm.s32 @!p1 $0x0  }
0x14: {  	s2 =	sld [smem:$0x3F93];
	s0 =	simm.s32 @p1 $0x1  }
0x15: {  	[smem:$0x3FB0] =	sst s0;
	s0 =	simm.s32 @!p2 $0x0  }
0x16: {  	s3 =	sld [smem:$0x3FDB];
	s0 =	simm.s32 @p2 $0x1  }
0x17: {  	s4 =	simm.s32 $0x1BF5;
	[smem:$0x3FB2] =	sst s0  }
0x18: {  	s0 =	sld [smem:$0x3F95];
	_ =	swait.ge [sflag:s4], $0x0  }
0x19: {  	s7 =	sld [smem:$0x3F96]  }
0x1a: {  	s8 =	sadd.s32 $0xFFFFE003, lr  }
0x1b: {  	s9 =	sadd.s32 $0xFFFFFEF7, lr;
	s5 =	simm.s32 $0xFFFFFFFF;
	p2 =	slt.u32 s8, $0xFFFFF086  }
0x1c: {  	p1 =	slt.u32 s9, $0xF7A;
	s5 =	simm.s32 @!p2 $0x0  }
0x1d: {  	s5 =	simm.s32 @p1 $0x1;
	p0 =	seq.s32 s7, s2  }
0x1e: {  	s7 =	smul.u32 @!p0 $0xF7A, s2;
	p2 =	seq.s32 @!p0 s5, $0x0  }
0x1f: {  	s9 =	smul.u32 $0xF7A, s1;
	s8 =	simm.s32 @!p0 $0x1BF5;
	p2 =	por !p2, p0  }
0x20: {  	[sflag:s8] =	ssyncset.s32 @!p0 $0xFFFFF086;
	s6 =	sadd.s32 @!p0 s3, s7;
	s7 =	simm.s32 @!p0 $0x108  }
0x21: {  	s3 =	sadd.s32 s3, s9;
	s6 =	sadd.s32 @!p0 $0x88, s6;
	s7 =	simm.s32 @p2 $0x1082  }
0x22: {  	[simem:s7], [sflag:s8] =	dma.local @!p0 [hbm:s6], $0xF7A  }
0x23: {  	s9 =	sor.u32 $0xD0000000, s2;
	s6 =	simm.s32 $0x108;
	_ =	swait.ge @!p0 [sflag:s8], $0x0  }
0x24: {  	s3 =	sadd.s32 $0x88, s3;
	s6 =	simm.s32 @!p1 $0x1082;
	[sflag:s4] =	ssyncset.s32 $0xFFFFF086  }
0x25: {  	[simem:s6], [sflag:s4] =	dma.local [hbm:s3], $0xF7A  }
0x26: {  	[smem:$0x3F96] =	sst s1;
	(tag) =	ssettag s2;
	_ =	strace s9  }
0x27: {  	s1 =	sld [smem:$0x3FA6]  }
0x28: {  	s2 =	sld [smem:$0x3FA7]  }
0x29: {  	s4 =	sld [smem:$0x3FA9]  }
0x2a: {  	p0 =	seq.s32 s5, $0x0;
	s5 =	sld [smem:$0x3FAA]  }
0x2b: {  	s6 =	sld [smem:$0x3FAB]  }
0x2c: {  	s7 =	sld [smem:$0x3FAC]  }
0x2d: {  	s3 =	simm.s32 $0x108;
	s8 =	sld [smem:$0x3FAD]  }
0x2e: {  	s3 =	simm.s32 @!p0 $0x1082;
	s9 =	sld [smem:$0x3FAE]  }
0x2f: {  	lr =	sadd.s32 s0, s3;
	s0 =	sld [smem:$0x3FA5]  }
0x30: {  	s3 =	sld [smem:$0x3FA8]  }
0x31: {  	[smem:$0x3FB1] =	sst s10  }
0x32: {  	s10 =	sld [smem:$0x3FAF];
	_ =	sdelay $0x3  }
0x33: {  	p0 =	seq.s32 s10, $0x1;
	s10 =	sld [smem:$0x3FB1];
	_ =	sdelay $0x3  }
0x34: {  	[smem:$0x3FB1] =	sst s10  }
0x35: {  	s10 =	sld [smem:$0x3FB0];
	_ =	sdelay $0x3  }
0x36: {  	p1 =	seq.s32 s10, $0x1;
	s10 =	sld [smem:$0x3FB1];
	_ =	sdelay $0x3  }
0x37: {  	[smem:$0x3FB1] =	sst s10  }
0x38: {  	s10 =	sld [smem:$0x3FB2]  }
0x39: {  	_ = 	snop;
	(pc) =	sbr.ind lr, $3  }
0x3a: {  	_ = 	snop  }
0x3b: {  	_ = 	snop  }
0x3c: {  	p2 =	seq.s32 s10, $0x1;
	s10 =	sld [smem:$0x3FB1]  }
0x3d: {  	_ =	shalt  }
0x3e: {  	_ =	shalt  }
0x3f: {  	_ =	shalt  }
0x40: {  	_ =	shalt  }
0x41: {  	_ =	shalt  }
0x42: {  	_ =	shalt  }
0x43: {  	_ =	shalt  }
0x44: {  	_ =	shalt  }
0x45: {  	_ =	shalt  }
0x46: {  	_ =	shalt  }
0x47: {  	_ =	shalt  }
0x48: {  	_ =	shalt  }
0x49: {  	_ =	shalt  }
0x4a: {  	_ =	shalt  }
0x4b: {  	_ =	shalt  }
0x4c: {  	_ =	shalt  }
0x4d: {  	_ =	shalt  }
0x4e: {  	_ =	shalt  }
0x4f: {  	_ =	shalt  }
0x50: {  	_ =	shalt  }
0x51: {  	_ =	shalt  }
0x52: {  	_ =	shalt  }
0x53: {  	_ =	shalt  }
0x54: {  	_ =	shalt  }
0x55: {  	_ =	shalt  }
0x56: {  	_ =	shalt  }
0x57: {  	_ =	shalt  }
0x58: {  	_ =	shalt  }
0x59: {  	_ =	shalt  }
0x5a: {  	_ =	shalt  }
0x5b: {  	_ =	shalt  }
0x5c: {  	_ =	shalt  }
0x5d: {  	_ =	shalt  }
0x5e: {  	_ =	shalt  }
0x5f: {  	_ =	shalt  }
0x60: {  	_ =	shalt  }
0x61: {  	_ =	shalt  }
0x62: {  	_ =	shalt  }
0x63: {  	_ =	shalt  }
0x64: {  	_ =	shalt  }
0x65: {  	_ =	shalt  }
0x66: {  	_ =	shalt  }
0x67: {  	_ =	shalt  }
0x68: {  	_ =	shalt  }
0x69: {  	_ =	shalt  }
0x6a: {  	_ =	shalt  }
0x6b: {  	_ =	shalt  }
0x6c: {  	_ =	shalt  }
0x6d: {  	_ =	shalt  }
0x6e: {  	_ =	shalt  }
0x6f: {  	_ =	shalt  }
0x70: {  	_ =	shalt  }
0x71: {  	_ =	shalt  }
0x72: {  	_ =	shalt  }
0x73: {  	_ =	shalt  }
0x74: {  	_ =	shalt  }
0x75: {  	_ =	shalt  }
0x76: {  	_ =	shalt  }
0x77: {  	_ =	shalt  }
0x78: {  	_ =	shalt  }
0x79: {  	_ =	shalt  }
0x7a: {  	_ =	shalt  }
0x7b: {  	_ =	shalt  }
0x7c: {  	_ =	shalt  }
0x7d: {  	_ =	shalt  }
0x7e: {  	_ =	shalt  }
0x7f: {  	_ =	shalt  }
0x80: {  	_ =	shalt  }
0x81: {  	_ =	shalt  }
0x82: {  	_ =	shalt  }
0x83: {  	_ =	shalt  }
0x84: {  	_ =	shalt  }
0x85: {  	_ =	shalt  }
0x86: {  	_ =	shalt  }
0x87: {  	_ =	shalt  }
.Lfunc_end0:
.L_simem_size_0:
called_computation_lowered:
.L_overlay_start_0:
0x88: {  	s2 =	sld [smem:$0x3FD9]  }
0x89: {  	s3 =	sld [smem:$0x3FFE];
	_ =	sdelay $0x1  }
0x8a: {  	s1 =	srdreg.scid  }
0x8b: {  	s0 =	sand.u32 $0x1, s1  }
0x8c: {  	s17 =	sshll.u32 s0, $0xA;
	s2 =	sadd.s32 s3, s2  }
0x8d: {  	s2 =	sadd.s32 s2, s17  }
0x8e: {  	[smem:$0x3FBD] =	sst s2  }
0x8f: {  	_ = 	snop  }
0x90: {  	s2 =	sld [smem:$0x3FD0];
	(tm) =	ssettm $0x1  }
0x91: {  	s18 =	sld [smem:$0x3FFB];
	_ =	sdelay $0x3  }
0x92: {  	_ =	strace s18  }
0x93: {  	s3 =	sld [smem:$0x3FFC];
	_ =	sdelay $0x3  }
0x94: {  	_ =	strace s3  }
0x95: {  	s3 =	sld [smem:$0x3FFD];
	_ =	sdelay $0x3  }
0x96: {  	_ =	strace s3  }
0x97: {  	_ =	strace $0x8FFFFFFF  }
0x98: {  	s19 =	sld [smem:$0x3FDB];
	_ =	sdelay $0x1  }
0x99: {  	s4 =	simm.s32 $_scs_section_size  }
0x9a: {  	s5 =	simm.s32 $_size__tile_overlayer_lowered;
	s6 =	simm.s32 $_tile_overlayer_lowered  }
0x9b: {  	s22 =	simm.s32 $0x1BFF;
	s21 =	sshll.u32 s6, $0x1;
	s3 =	sadd.s32 s4, s19  }
0x9c: {  	s7 =	simm.s32 $0x0;
	s20 =	sshll.u32 s5, $0x1;
	s5 =	sadd.s32 s21, s3  }
0x9d: {  	[timem:s7], [sflag:s22] =	dma.local [hbm:s5], s20  }
0x9e: {  	_ =	swait.ge [sflag:s22], s20  }
0x9f: {  	s4 =	ssub.s32 $0x0, s20;
	[sflag:s22] =	ssyncset.done $0x0  }
0xa0: {  	[sflag:s22] =	ssyncadd.s32 s4;
	_ =	sdelay $0x1  }
0xa1: {  	s23 =	simm.s32 $0x1B8B  }
0xa2: {  	_ =	swait.ge [sflag:s23], $0x1  }
0xa3: {  	[sflag:s23] =	ssyncset.done $0x0  }
0xa4: {  	s25 =	simm.s32 $0x1B8E;
	s24 =	sld [smem:$0x3FFE];
	[sflag:s23] =	ssyncadd.s32 $0xFFFFFFFF  }
0xa5: {  	s26 =	simm.s32 $execute0_lowered;
	[smem:$0x3FD2] =	sst s25  }
0xa6: {  	s5 =	sshll.u32 s26, $0x1;
	_ =	strace $0x80000046;
	[dreg:$0x1] =	wrdreg $0xFFFFFFFF  }
0xa7: {  	s28 =	simm.s32 $_size_execute0_lowered;
	s3 =	sadd.s32 s3, s5;
	[dreg:$0x0] =	wrdreg $0x0  }
0xa8: {  	s5 =	sshll.u32 s28, $0x1;
	[dreg:$0x2] =	wrdreg s3  }
0xa9: {  	[dreg:$0x3] =	wrdreg s5  }
0xaa: {  	[dreg:$0x4] =	wrdreg $0xC0  }
0xab: {  	_ =	task [dreg:s7], $0x5FFFF  }
0xac: {  	[dreg:$0x1] =	wrdreg $0xFFFFFFFF  }
0xad: {  	[dreg:$0x0] =	wrdreg $0x60  }
0xae: {  	[dreg:$0x2] =	wrdreg s24  }
0xaf: {  	[dreg:$0x3] =	wrdreg s2  }
0xb0: {  	[dreg:$0x4] =	wrdreg $0xEE800  }
0xb1: {  	[dreg:$0x5] =	wrdreg $0x9  }
0xb2: {  	_ =	task.clear_ibuf [dreg:s7], $0x6FFFF;
	_ =	strace $0x90000046  }
0xb3: {  	s29 =	simm.s32 $0x9;
	_ =	strace $0x80000048  }
0xb4: {  	_ =	swait.ge [sflag:s29], $0x1  }
0xb5: {  	[sflag:s29] =	ssyncadd.s32 $0xFFFFFFFF  }
0xb6: {  	_ =	strace $0x90000048  }
0xb7: {  	_ =	sfence  }
0xb8: {  	s30 =	sld [smem:$0x0];
	_ =	sdelay $0x2  }
0xb9: {  	s31 =	sshll.u32 s1, $0xD;
	s1 =	sshrl.u32 s1, $0x2  }
0xba: {  	s3 =	sand.u32 $0x4000, s31;
	s1 =	sadd.s32 s1, s30  }
0xbb: {  	s0 =	sor.u32 s3, s0;
	s1 =	sshll.u32 s1, $0x11  }
0xbc: {  	s0 =	sor.u32 s1, s0  }
0xbd: {  	s0 =	sadd.s32 $0x8F2B, s0  }
0xbe: {  	[sflag:s0] =	ssyncadd.remote.s32 $0x1  }
0xbf: {  	_ =	sfence.sel $0xFFFF  }
0xc0: {  	[dreg:$0x0] =	wrdreg $0xFFFFFFFF;
	(pc) =	sbr.abs _section_cstart, $3  }
0xc1: {  	[dreg:$0x1] =	wrdreg $0xFFFFFFFF  }
0xc2: {  	_ =	task.clear_ibuf [dreg:s7], $0x2FFFF;
	_ =	strace $0x9FFFFFFF  }
0xc3: {  	(tm) =	ssettm $0x7FFFFFFF  }
tec
execute0_lowered:
.L_overlay_start_1:
0x0: {  	(tag) =	ssettag $0x1  }
0x1: {  	s0 =	rddreg [dreg:$0x0]  }
0x2: {  	s1 =	rddreg [dreg:$0x1]  }
0x3: {  	s2 =	rddreg [dreg:$0x2];
	s4 =	srdreg.scid  }
0x4: {  	s13 =	stileid.u32;
	s3 =	simm.s32 $0x0;
	s8 =	sand.u32 $0x1, s4  }
0x5: {  	s22 =	sshll.u32 s13, $0x1;
	[smem:$0x7FF] =	sst s3;
	s4 =	sadd.s32 $0x1F400, s0  }
0x6: {  	s5 =	sadd.s32 $0x15600, s0;
	s6 =	sadd.s32 $0xB800, s0;
	s15 =	smul.u32 $0xA000, s13  }
0x7: {  	s9 =	sor.u32 s8, s22;
	s11 =	ssub.s32 $0x2, s8;
	s8 =	smul.u32 $0x280000, s8  }
0x8: {  	s7 =	sadd.s32 $0x1A00, s0;
	_ =	strace $0x80000047;
	s10 =	smul.u32 $0x4F0, s9  }
0x9: {  	s12 =	sshrl.u32 s11, $0x1;
	s25 =	sadd.s32 $0x2000, s15;
	s17 =	sadd.s32 $0x4000, s15  }
0xa: {  	s18 =	sadd.s32 $0x6000, s15;
	s19 =	sadd.s32 $0x8000, s15;
	s9 =	smul.u32 $0x500, s9  }
0xb: {  	s16 =	ssub.s32 s11, s12;
	s11 =	sadd.s32 s15, s2;
	s12 =	sadd.s32 s25, s2  }
0xc: {  	s13 =	sadd.s32 s17, s2;
	s20 =	sadd.s32 s15, s8;
	s15 =	sadd.s32 s19, s2  }
0xd: {  	s10 =	sadd.s32 s10, s0;
	s0 =	sadd.s32 $0x46C00, s0;
	s1 =	sadd.s32 s1, s9  }
0xe: {  	s20 =	sshrl.u32 s20, $0x3;
	s23 =	sadd.s32 $0x33000, s10;
	[dreg:$0x7] =	wrdreg s1  }
0xf: {  	s9 =	sadd.s32 s8, s17;
	s24 =	sadd.s32 $0x29200, s10;
	[dreg:$0x4] =	wrdreg s23  }
0x10: {  	s17 =	sadd.s32 s8, s18;
	s10 =	sadd.s32 $0x3CE00, s10;
	[dreg:$0x5] =	wrdreg s24  }
0x11: {  	s22 =	sadd.s32 s0, s20;
	[dreg:$0x6] =	wrdreg s10;
	s10 =	sadd.s32 s8, s25  }
0x12: {  	s8 =	sadd.s32 s8, s19;
	s19 =	sadd.s32 $0x14000, s22;
	[dreg:$0x8] =	wrdreg s22  }
0x13: {  	s1 =	sshrl.u32 s9, $0x3;
	s25 =	smax.u32 s16, $0x1;
	[dreg:$0xb] =	wrdreg s19  }
0x14: {  	s9 =	sshrl.u32 s17, $0x3;
	s17 =	sadd.s32 s0, s1;
	[dreg:$0xe] =	wrdreg s25  }
0x15: {  	s14 =	sadd.s32 s18, s2;
	s24 =	sadd.s32 $0x14000, s17;
	[dreg:$0xa] =	wrdreg s17  }
0x16: {  	s18 =	sshrl.u32 s8, $0x3;
	s8 =	sadd.s32 $0x28000, s22;
	[dreg:$0xd] =	wrdreg s24  }
0x17: {  	s16 =	sadd.s32 $0x28000, s17;
	[dreg:$0x11] =	wrdreg s8  }
0x18: {  	s20 =	sadd.s32 s0, s9;
	s22 =	sadd.s32 $0x3C000, s22;
	[dreg:$0x13] =	wrdreg s16  }
0x19: {  	s26 =	sshrl.u32 s10, $0x3;
	s25 =	sadd.s32 $0x3C000, s20;
	[dreg:$0x16] =	wrdreg s22  }
0x1a: {  	s10 =	sadd.s32 s0, s26;
	s26 =	sadd.s32 $0x14000, s20;
	[dreg:$0x19] =	wrdreg s25  }
0x1b: {  	s21 =	sadd.s32 s0, s18;
	s18 =	sadd.s32 $0x28000, s20;
	[dreg:$0xf] =	wrdreg s26  }
0x1c: {  	[dreg:$0x14] =	wrdreg s18  }
0x1d: {  	s24 =	sadd.s32 $0x3C000, s17;
	[dreg:$0x9] =	wrdreg s10  }
0x1e: {  	s28 =	simm.s32 $0x1;
	s23 =	sadd.s32 $0x14000, s10;
	[dreg:$0x18] =	wrdreg s24  }
0x1f: {  	v0 =	vimm.f32 $0.0e+00;
	v1 =	vimm.f32 $1.000000000e+00;
	s29 =	simm.s32 $0xC680;
	s1 =	sadd.s32 $0x14000, s21;
	[dreg:$0xc] =	wrdreg s23  }
0x20: {  	vm0 =	vcmask $0x704;
	vm1 =	vcmask $0xB08;
	vm14 =	vcmask $0x3F3C;
	s30 =	simm.s32 $0x8680;
	s9 =	sadd.s32 $0x28000, s10;
	[dreg:$0x10] =	wrdreg s1  }
0x21: {  	vm2 =	vcmask $0xF0C;
	vm3 =	vcmask $0x1310;
	vm4 =	vcmask $0x1714;
	s31 =	simm.s32 $0x0;
	s19 =	sadd.s32 $0x28000, s21;
	[dreg:$0x12] =	wrdreg s9  }
0x22: {  	vm5 =	vcmask $0x1B18;
	vm6 =	vcmask $0x1F1C;
	vm7 =	vcmask $0x2320;
	s25 =	simm.s32 $0x80;
	s26 =	sadd.s32 $0x3C000, s21;
	[dreg:$0x15] =	wrdreg s19  }
0x23: {  	vm8 =	vcmask $0x2724;
	vm9 =	vcmask $0x2B28;
	vm10 =	vcmask $0x2F2C;
	s24 =	simm.s32 $0xA680;
	s23 =	sadd.s32 $0x3C000, s10;
	[dreg:$0x1a] =	wrdreg s26  }
0x24: {  	vm11 =	vcmask $0x3330;
	vm12 =	vcmask $0x3734;
	vm13 =	vcmask $0x3B38;
	s26 =	simm.s32 $0x7680;
	[dreg:$0x17] =	wrdreg s23;
	s23 =	simm.s32 $0x2  }
.LBB2_1:
0x25: {  	s0 =	rddreg [dreg:$0x4]  }
0x26: {  	[tilespmem:s3], [sflag:$0x2] =	stream.linear.gather [hbm4b:s0+s3], $0x2780, $0x38;
	[tilespmem:$0x18E80] =	vst v63  }
0x27: {  	_ =	swait.ge [sflag:s23], $0x2780  }
0x28: {  	[sflag:s23] =	ssyncset.done $0x0  }
0x29: {  	s1 =	simm.s32 $0x2780;
	s18 =	rddreg [dreg:$0x5];
	[sflag:s23] =	ssyncadd.s32 $0xFFFFD880  }
0x2a: {  	[tilespmem:s1], [sflag:$0x2] =	stream.linear.gather [hbm4b:s18+s3], $0x2780, $0x38;
	[tilespmem:$0x18E80] =	vst v63  }
0x2b: {  	_ =	swait.ge [sflag:s23], $0x2780  }
0x2c: {  	[sflag:s23] =	ssyncset.done $0x0  }
0x2d: {  	s22 =	simm.s32 $0x4F00;
	s19 =	rddreg [dreg:$0x6];
	[sflag:s23] =	ssyncadd.s32 $0xFFFFD880  }
0x2e: {  	[tilespmem:s22], [sflag:$0x2] =	stream.linear.gather [hbm4b:s19+s3], $0x2780, $0x38;
	[tilespmem:$0x18E80] =	vst v63  }
0x2f: {  	_ =	swait.ge [sflag:s23], $0x2780  }
0x30: {  	[sflag:s23] =	ssyncset.done $0x0  }
0x31: {  	s0 =	simm.s32 $0x0;
	[sflag:s23] =	ssyncadd.s32 $0xFFFFD880  }
.LBB2_2:
0x32: {  	p0 =	sne.s32 s0, $0x7F00  }
.Ltmp0:
0x33: {  	s1 =	sshra.s32 s0, $0x2;
	(pc) =	sbr.rel @p0 .LBB2_2-.Ltmp0, $4  }
0x34: {  	[tilespmem:s1+$0xA680] =	vst v0  }
0x35: {  	[tilespmem:s1+$0xA690] =	vst v0  }
0x36: {  	[tilespmem:s1+$0xA6A0] =	vst v0  }
0x37: {  	s0 =	sadd.s32 $0x100, s0;
	[tilespmem:s1+$0xA6B0] =	vst v0  }
0x38: {  	s0 =	simm.s32 $0x40;
	s1 =	simm.s32 $0x0  }
.LBB2_4:
0x39: {  	p0 =	sne.s32 s0, $0x9FC0;
	[tilespmem:s1+$0xC680] =	vst v0;
	s1 =	smov.u32 s0;
	s0 =	sadd.s32 $0x40, s0  }
.Ltmp1:
0x3a: {  	(pc) =	sbr.rel @p0 .LBB2_4-.Ltmp1, $2  }
0x3b: {  	_ =	sdelay $0x2  }
0x3c: {  	s1 =	sshra.s32 s1, $0x2  }
0x3d: {  	[tilespmem:s1+$0xC680] =	vst v0  }
0x3e: {  	[spmem:s11] =	stream.linear.scatter [tilespmem:s24], [sflag:$0x2], $0x2000, $0x38;
	[tilespmem:$0x18E80] =	vst v63  }
0x3f: {  	_ =	swait.ge [sflag:s23], $0x2000  }
0x40: {  	[sflag:s23] =	ssyncset.done $0x0  }
0x41: {  	[sflag:s23] =	ssyncadd.s32 $0xFFFFE000  }
0x42: {  	[spmem:s12] =	stream.linear.scatter [tilespmem:s24], [sflag:$0x2], $0x2000, $0x38;
	[tilespmem:$0x18E80] =	vst v63  }
0x43: {  	_ =	swait.ge [sflag:s23], $0x2000  }
0x44: {  	[sflag:s23] =	ssyncset.done $0x0  }
0x45: {  	[sflag:s23] =	ssyncadd.s32 $0xFFFFE000  }
0x46: {  	[spmem:s13] =	stream.linear.scatter [tilespmem:s24], [sflag:$0x2], $0x2000, $0x38;
	[tilespmem:$0x18E80] =	vst v63  }
0x47: {  	_ =	swait.ge [sflag:s23], $0x2000  }
0x48: {  	[sflag:s23] =	ssyncset.done $0x0  }
0x49: {  	[sflag:s23] =	ssyncadd.s32 $0xFFFFE000  }
0x4a: {  	[spmem:s14] =	stream.linear.scatter [tilespmem:s24], [sflag:$0x2], $0x2000, $0x38;
	[tilespmem:$0x18E80] =	vst v63  }
0x4b: {  	_ =	swait.ge [sflag:s23], $0x2000  }
0x4c: {  	[sflag:s23] =	ssyncset.done $0x0  }
0x4d: {  	[sflag:s23] =	ssyncadd.s32 $0xFFFFE000  }
0x4e: {  	[spmem:s15] =	stream.linear.scatter [tilespmem:s24], [sflag:$0x2], $0x2000, $0x38;
	[tilespmem:$0x18E80] =	vst v63  }
0x4f: {  	_ =	swait.ge [sflag:s23], $0x2000  }
0x50: {  	[sflag:s23] =	ssyncset.done $0x0  }
0x51: {  	s0 =	simm.s32 $0x0;
	[sflag:s23] =	ssyncadd.s32 $0xFFFFE000  }
0x52: {  	s1 =	simm.s32 $0x2780;
	s8 =	simm.s32 $0x4F00;
	[bflag:$0x0] =	sbarrier.arrive $0xFFFF  }
.LBB2_6:
0x53: {  	s9 =	sshll.u32 s0, $0x7;
	v2 =	vmov s8  }
0x54: {  	[tilespmem:s26], [sflag:$0x1] =	stream.indirect.gather [hbm4b:s4+s25], $0x20, s9, s25, $0xb8;
	[tilespmem:$0x18E80] =	vst v63  }
0x55: {  	_ =	swait.ge [sflag:s28], $0x1000  }
0x56: {  	[sflag:s28] =	ssyncset.done $0x0  }
0x57: {  	s17 =	simm.s32 $0x0;
	[sflag:s28] =	ssyncadd.s32 $0xFFFFF000  }
0x58: {  	v5 =	vld.idx.msk [tilespmem:v2+s17+$0x0 ss:$0x1], $0xffff  }
0x59: {  	s10 =	simm.s32 $0x7780  }
0x5a: {  	v6 =	vld [tilespmem:s10+$0xFFFFFF00]  }
0x5b: {  	v3 =	vmov s1;
	_ =	sdelay $0x1  }
0x5c: {  	v7 =	vbroadcast v5, $0x0;
	_ =	sdelay $0x1  }
0x5d: {  	s16 =	simm.s32 $0x8880;
	v8 =	vmul.f32 v6, v7  }
0x5e: {  	v4 =	vld.idx.msk [tilespmem:v3+s17+$0x0 ss:$0x1], $0xffff;
	[tilespmem:s16+$0xFFFFFE20] =	vst v6  }
0x5f: {  	[tilespmem:s16+$0xFFFFFE00] =	vst v8  }
0x60: {  	v6 =	vld [tilespmem:s10+$0xFFFFFF10];
	_ =	sdelay $0x4  }
0x61: {  	v7 =	vmul.f32 v6, v7  }
0x62: {  	[tilespmem:s16+$0xFFFFFE30] =	vst v6  }
0x63: {  	[tilespmem:s16+$0xFFFFFE10] =	vst v7  }
0x64: {  	[tilespmem:v4+s29+$0x0] =	vst.idx.add.f32.msk $0x1, v1  }
0x65: {  	v6 =	vld [tilespmem:s10+$0xFFFFFF20];
	_ =	sdelay $0x2  }
0x66: {  	v7 =	vbroadcast v5, $0x1;
	_ =	sdelay $0x1  }
0x67: {  	v50 =	vmul.f32 v6, v7  }
0x68: {  	[tilespmem:s16+$0xFFFFFE60] =	vst v6  }
0x69: {  	[tilespmem:s16+$0xFFFFFE40] =	vst v50  }
0x6a: {  	v6 =	vld [tilespmem:s10+$0xFFFFFF30];
	_ =	sdelay $0x4  }
0x6b: {  	v7 =	vmul.f32 v6, v7  }
0x6c: {  	[tilespmem:s16+$0xFFFFFE70] =	vst v6  }
0x6d: {  	[tilespmem:s16+$0xFFFFFE50] =	vst v7  }
0x6e: {  	[tilespmem:v4+s29+$0x0] =	vst.idx.add.f32.msk vm0, v1  }
0x6f: {  	v6 =	vld [tilespmem:s10+$0xFFFFFF40];
	_ =	sdelay $0x2  }
0x70: {  	v7 =	vbroadcast v5, $0x2;
	_ =	sdelay $0x1  }
0x71: {  	v51 =	vmul.f32 v6, v7  }
0x72: {  	[tilespmem:s16+$0xFFFFFEA0] =	vst v6  }
0x73: {  	[tilespmem:s16+$0xFFFFFE80] =	vst v51  }
0x74: {  	v6 =	vld [tilespmem:s10+$0xFFFFFF50];
	_ =	sdelay $0x4  }
0x75: {  	v7 =	vmul.f32 v6, v7  }
0x76: {  	[tilespmem:s16+$0xFFFFFEB0] =	vst v6  }
0x77: {  	[tilespmem:s16+$0xFFFFFE90] =	vst v7  }
0x78: {  	[tilespmem:v4+s29+$0x0] =	vst.idx.add.f32.msk vm1, v1  }
0x79: {  	v6 =	vld [tilespmem:s10+$0xFFFFFF60];
	_ =	sdelay $0x2  }
0x7a: {  	v7 =	vbroadcast v5, $0x3;
	_ =	sdelay $0x1  }
0x7b: {  	v52 =	vmul.f32 v6, v7  }
0x7c: {  	[tilespmem:s16+$0xFFFFFEE0] =	vst v6  }
0x7d: {  	[tilespmem:s16+$0xFFFFFEC0] =	vst v52  }
0x7e: {  	v6 =	vld [tilespmem:s10+$0xFFFFFF70];
	_ =	sdelay $0x4  }
0x7f: {  	v7 =	vmul.f32 v6, v7  }
0x80: {  	[tilespmem:s16+$0xFFFFFEF0] =	vst v6  }
0x81: {  	[tilespmem:s16+$0xFFFFFED0] =	vst v7  }
0x82: {  	[tilespmem:v4+s29+$0x0] =	vst.idx.add.f32.msk vm2, v1  }
0x83: {  	v6 =	vld [tilespmem:s10+$0xFFFFFF80];
	_ =	sdelay $0x2  }
0x84: {  	v7 =	vbroadcast v5, $0x4;
	_ =	sdelay $0x1  }
0x85: {  	v53 =	vmul.f32 v6, v7  }
0x86: {  	[tilespmem:s16+$0xFFFFFF20] =	vst v6  }
0x87: {  	[tilespmem:s16+$0xFFFFFF00] =	vst v53  }
0x88: {  	v6 =	vld [tilespmem:s10+$0xFFFFFF90];
	_ =	sdelay $0x4  }
0x89: {  	v7 =	vmul.f32 v6, v7  }
0x8a: {  	[tilespmem:s16+$0xFFFFFF30] =	vst v6  }
0x8b: {  	[tilespmem:s16+$0xFFFFFF10] =	vst v7  }
0x8c: {  	[tilespmem:v4+s29+$0x0] =	vst.idx.add.f32.msk vm3, v1  }
0x8d: {  	v6 =	vld [tilespmem:s10+$0xFFFFFFA0];
	_ =	sdelay $0x2  }
0x8e: {  	v7 =	vbroadcast v5, $0x5;
	_ =	sdelay $0x1  }
0x8f: {  	v54 =	vmul.f32 v6, v7  }
0x90: {  	[tilespmem:s16+$0xFFFFFF60] =	vst v6  }
0x91: {  	[tilespmem:s16+$0xFFFFFF40] =	vst v54  }
0x92: {  	v6 =	vld [tilespmem:s10+$0xFFFFFFB0];
	_ =	sdelay $0x4  }
0x93: {  	v7 =	vmul.f32 v6, v7  }
0x94: {  	[tilespmem:s16+$0xFFFFFF70] =	vst v6  }
0x95: {  	[tilespmem:s16+$0xFFFFFF50] =	vst v7  }
0x96: {  	[tilespmem:v4+s29+$0x0] =	vst.idx.add.f32.msk vm4, v1  }
0x97: {  	v6 =	vld [tilespmem:s10+$0xFFFFFFC0];
	_ =	sdelay $0x2  }
0x98: {  	v7 =	vbroadcast v5, $0x6;
	_ =	sdelay $0x1  }
0x99: {  	v55 =	vmul.f32 v6, v7  }
0x9a: {  	[tilespmem:s16+$0xFFFFFFA0] =	vst v6  }
0x9b: {  	[tilespmem:s16+$0xFFFFFF80] =	vst v55  }
0x9c: {  	v6 =	vld [tilespmem:s10+$0xFFFFFFD0];
	_ =	sdelay $0x4  }
0x9d: {  	v7 =	vmul.f32 v6, v7  }
0x9e: {  	[tilespmem:s16+$0xFFFFFFB0] =	vst v6  }
0x9f: {  	[tilespmem:s16+$0xFFFFFF90] =	vst v7  }
0xa0: {  	[tilespmem:v4+s29+$0x0] =	vst.idx.add.f32.msk vm5, v1  }
0xa1: {  	v6 =	vld [tilespmem:s10+$0xFFFFFFE0];
	_ =	sdelay $0x2  }
0xa2: {  	v7 =	vbroadcast v5, $0x7;
	_ =	sdelay $0x1  }
0xa3: {  	v56 =	vmul.f32 v6, v7  }
0xa4: {  	[tilespmem:s16+$0xFFFFFFE0] =	vst v6  }
0xa5: {  	[tilespmem:s16+$0xFFFFFFC0] =	vst v56  }
0xa6: {  	v6 =	vld [tilespmem:s10+$0xFFFFFFF0];
	_ =	sdelay $0x4  }
0xa7: {  	v7 =	vmul.f32 v6, v7  }
0xa8: {  	[tilespmem:s16+$0xFFFFFFF0] =	vst v6  }
0xa9: {  	[tilespmem:s16+$0xFFFFFFD0] =	vst v7  }
0xaa: {  	[tilespmem:v4+s29+$0x0] =	vst.idx.add.f32.msk vm6, v1  }
0xab: {  	v6 =	vld [tilespmem:s10+$0x0];
	_ =	sdelay $0x2  }
0xac: {  	v7 =	vbroadcast v5, $0x8;
	_ =	sdelay $0x1  }
0xad: {  	v57 =	vmul.f32 v6, v7  }
0xae: {  	[tilespmem:s16+$0x20] =	vst v6  }
0xaf: {  	[tilespmem:s16+$0x0] =	vst v57  }
0xb0: {  	v6 =	vld [tilespmem:s10+$0x10];
	_ =	sdelay $0x4  }
0xb1: {  	v7 =	vmul.f32 v6, v7  }
0xb2: {  	[tilespmem:s16+$0x30] =	vst v6  }
0xb3: {  	[tilespmem:s16+$0x10] =	vst v7  }
0xb4: {  	[tilespmem:v4+s29+$0x0] =	vst.idx.add.f32.msk vm7, v1  }
0xb5: {  	v6 =	vld [tilespmem:s10+$0x20];
	_ =	sdelay $0x2  }
0xb6: {  	v7 =	vbroadcast v5, $0x9;
	_ =	sdelay $0x1  }
0xb7: {  	v58 =	vmul.f32 v6, v7  }
0xb8: {  	[tilespmem:s16+$0x60] =	vst v6  }
0xb9: {  	[tilespmem:s16+$0x40] =	vst v58  }
0xba: {  	v6 =	vld [tilespmem:s10+$0x30];
	_ =	sdelay $0x4  }
0xbb: {  	v7 =	vmul.f32 v6, v7  }
0xbc: {  	[tilespmem:s16+$0x70] =	vst v6  }
0xbd: {  	[tilespmem:s16+$0x50] =	vst v7  }
0xbe: {  	[tilespmem:v4+s29+$0x0] =	vst.idx.add.f32.msk vm8, v1  }
0xbf: {  	v6 =	vld [tilespmem:s10+$0x40];
	_ =	sdelay $0x2  }
0xc0: {  	v7 =	vbroadcast v5, $0xA;
	_ =	sdelay $0x1  }
0xc1: {  	v59 =	vmul.f32 v6, v7  }
0xc2: {  	[tilespmem:s16+$0xA0] =	vst v6  }
0xc3: {  	[tilespmem:s16+$0x80] =	vst v59  }
0xc4: {  	v6 =	vld [tilespmem:s10+$0x50];
	_ =	sdelay $0x4  }
0xc5: {  	v7 =	vmul.f32 v6, v7  }
0xc6: {  	[tilespmem:s16+$0xB0] =	vst v6  }
0xc7: {  	[tilespmem:s16+$0x90] =	vst v7  }
0xc8: {  	[tilespmem:v4+s29+$0x0] =	vst.idx.add.f32.msk vm9, v1  }
0xc9: {  	v6 =	vld [tilespmem:s10+$0x60];
	_ =	sdelay $0x2  }
0xca: {  	v7 =	vbroadcast v5, $0xB;
	_ =	sdelay $0x1  }
0xcb: {  	v60 =	vmul.f32 v6, v7  }
0xcc: {  	[tilespmem:s16+$0xE0] =	vst v6  }
0xcd: {  	[tilespmem:s16+$0xC0] =	vst v60  }
0xce: {  	v6 =	vld [tilespmem:s10+$0x70];
	_ =	sdelay $0x4  }
0xcf: {  	v7 =	vmul.f32 v6, v7  }
0xd0: {  	[tilespmem:s16+$0xF0] =	vst v6  }
0xd1: {  	[tilespmem:s16+$0xD0] =	vst v7  }
0xd2: {  	[tilespmem:v4+s29+$0x0] =	vst.idx.add.f32.msk vm10, v1  }
0xd3: {  	v6 =	vld [tilespmem:s10+$0x80];
	_ =	sdelay $0x2  }
0xd4: {  	v7 =	vbroadcast v5, $0xC;
	_ =	sdelay $0x1  }
0xd5: {  	v61 =	vmul.f32 v6, v7  }
0xd6: {  	[tilespmem:s16+$0x120] =	vst v6  }
0xd7: {  	[tilespmem:s16+$0x100] =	vst v61  }
0xd8: {  	v6 =	vld [tilespmem:s10+$0x90];
	_ =	sdelay $0x4  }
0xd9: {  	v7 =	vmul.f32 v6, v7  }
0xda: {  	[tilespmem:s16+$0x130] =	vst v6  }
0xdb: {  	[tilespmem:s16+$0x110] =	vst v7  }
0xdc: {  	[tilespmem:v4+s29+$0x0] =	vst.idx.add.f32.msk vm11, v1  }
0xdd: {  	v6 =	vld [tilespmem:s10+$0xA0];
	_ =	sdelay $0x2  }
0xde: {  	v7 =	vbroadcast v5, $0xD;
	_ =	sdelay $0x1  }
0xdf: {  	v62 =	vmul.f32 v6, v7  }
0xe0: {  	[tilespmem:s16+$0x160] =	vst v6  }
0xe1: {  	[tilespmem:s16+$0x140] =	vst v62  }
0xe2: {  	v6 =	vld [tilespmem:s10+$0xB0];
	_ =	sdelay $0x4  }
0xe3: {  	v7 =	vmul.f32 v6, v7  }
0xe4: {  	[tilespmem:s16+$0x170] =	vst v6  }
0xe5: {  	[tilespmem:s16+$0x150] =	vst v7  }
0xe6: {  	[tilespmem:v4+s29+$0x0] =	vst.idx.add.f32.msk vm12, v1  }
0xe7: {  	v6 =	vld [tilespmem:s10+$0xC0];
	_ =	sdelay $0x2  }
0xe8: {  	v7 =	vbroadcast v5, $0xE;
	_ =	sdelay $0x1  }
0xe9: {  	v63 =	vmul.f32 v6, v7  }
0xea: {  	[tilespmem:s16+$0x1A0] =	vst v6  }
0xeb: {  	[tilespmem:s16+$0x180] =	vst v63  }
0xec: {  	v6 =	vld [tilespmem:s10+$0xD0];
	_ =	sdelay $0x4  }
0xed: {  	v7 =	vmul.f32 v6, v7  }
0xee: {  	[tilespmem:s16+$0x1B0] =	vst v6  }
0xef: {  	[tilespmem:s16+$0x190] =	vst v7  }
0xf0: {  	[tilespmem:v4+s29+$0x0] =	vst.idx.add.f32.msk vm13, v1  }
0xf1: {  	v6 =	vld [tilespmem:s10+$0xE0];
	_ =	sdelay $0x2  }
0xf2: {  	v5 =	vbroadcast v5, $0xF;
	_ =	sdelay $0x1  }
0xf3: {  	v7 =	vmul.f32 v6, v5  }
0xf4: {  	[tilespmem:s16+$0x1E0] =	vst v6  }
0xf5: {  	[tilespmem:s16+$0x1C0] =	vst v7  }
0xf6: {  	v6 =	vld [tilespmem:s10+$0xF0];
	_ =	sdelay $0x4  }
0xf7: {  	v5 =	vmul.f32 v6, v5  }
0xf8: {  	[tilespmem:s16+$0x1F0] =	vst v6  }
0xf9: {  	s22 =	simm.s32 $0x40;
	s18 =	simm.s32 $0x80;
	[tilespmem:s16+$0x1D0] =	vst v5;
	s16 =	simm.s32 $0x8C80  }
.LBB2_7:
0xfa: {  	s19 =	sshra.s32 s22, $0x2  }
0xfb: {  	[tilespmem:v4+s29+$0x0] =	vst.idx.add.f32.msk vm14, v1;
	s10 =	sadd.s32 $0x200, s10;
	s22 =	smov.u32 s18;
	s17 =	sadd.s32 $0x40, s18  }
0xfc: {  	p0 =	sne.s32 s18, $0x1C0;
	v5 =	vld.idx.msk [tilespmem:v2+s19+$0x0 ss:$0x1], $0xffff;
	_ =	sdelay $0x2  }
0xfd: {  	v6 =	vld [tilespmem:s10+$0xFFFFFF00];
	_ =	sdelay $0x2  }
0xfe: {  	v7 =	vbroadcast v5, $0x0;
	_ =	sdelay $0x1  }
0xff: {  	v4 =	vld.idx.msk [tilespmem:v3+s19+$0x0 ss:$0x1], $0xffff;
	v8 =	vmul.f32 v6, v7  }
0x100: {  	[tilespmem:s16+$0xFFFFFE20] =	vst v6  }
0x101: {  	[tilespmem:s16+$0xFFFFFE00] =	vst v8  }
0x102: {  	v6 =	vld [tilespmem:s10+$0xFFFFFF10];
	_ =	sdelay $0x4  }
0x103: {  	v7 =	vmul.f32 v6, v7  }
0x104: {  	[tilespmem:s16+$0xFFFFFE30] =	vst v6  }
0x105: {  	[tilespmem:s16+$0xFFFFFE10] =	vst v7  }
0x106: {  	[tilespmem:v4+s29+$0x0] =	vst.idx.add.f32.msk $0x1, v1  }
0x107: {  	v6 =	vld [tilespmem:s10+$0xFFFFFF20];
	_ =	sdelay $0x2  }
0x108: {  	v7 =	vbroadcast v5, $0x1;
	_ =	sdelay $0x1  }
0x109: {  	v8 =	vmul.f32 v6, v7  }
0x10a: {  	[tilespmem:s16+$0xFFFFFE60] =	vst v6  }
0x10b: {  	[tilespmem:s16+$0xFFFFFE40] =	vst v8  }
0x10c: {  	v6 =	vld [tilespmem:s10+$0xFFFFFF30];
	_ =	sdelay $0x4  }
0x10d: {  	v7 =	vmul.f32 v6, v7  }
0x10e: {  	[tilespmem:s16+$0xFFFFFE70] =	vst v6  }
0x10f: {  	[tilespmem:s16+$0xFFFFFE50] =	vst v7  }
0x110: {  	[tilespmem:v4+s29+$0x0] =	vst.idx.add.f32.msk vm0, v1  }
0x111: {  	v6 =	vld [tilespmem:s10+$0xFFFFFF40];
	_ =	sdelay $0x2  }
0x112: {  	v7 =	vbroadcast v5, $0x2;
	_ =	sdelay $0x1  }
0x113: {  	v8 =	vmul.f32 v6, v7  }
0x114: {  	[tilespmem:s16+$0xFFFFFEA0] =	vst v6  }
0x115: {  	[tilespmem:s16+$0xFFFFFE80] =	vst v8  }
0x116: {  	v6 =	vld [tilespmem:s10+$0xFFFFFF50];
	_ =	sdelay $0x4  }
0x117: {  	v7 =	vmul.f32 v6, v7  }
0x118: {  	[tilespmem:s16+$0xFFFFFEB0] =	vst v6  }
0x119: {  	[tilespmem:s16+$0xFFFFFE90] =	vst v7  }
0x11a: {  	[tilespmem:v4+s29+$0x0] =	vst.idx.add.f32.msk vm1, v1  }
0x11b: {  	v6 =	vld [tilespmem:s10+$0xFFFFFF60];
	_ =	sdelay $0x2  }
0x11c: {  	v7 =	vbroadcast v5, $0x3;
	_ =	sdelay $0x1  }
0x11d: {  	v8 =	vmul.f32 v6, v7  }
0x11e: {  	[tilespmem:s16+$0xFFFFFEE0] =	vst v6  }
0x11f: {  	[tilespmem:s16+$0xFFFFFEC0] =	vst v8  }
0x120: {  	v6 =	vld [tilespmem:s10+$0xFFFFFF70];
	_ =	sdelay $0x4  }
0x121: {  	v7 =	vmul.f32 v6, v7  }
0x122: {  	[tilespmem:s16+$0xFFFFFEF0] =	vst v6  }
0x123: {  	[tilespmem:s16+$0xFFFFFED0] =	vst v7  }
0x124: {  	[tilespmem:v4+s29+$0x0] =	vst.idx.add.f32.msk vm2, v1  }
0x125: {  	v6 =	vld [tilespmem:s10+$0xFFFFFF80];
	_ =	sdelay $0x2  }
0x126: {  	v7 =	vbroadcast v5, $0x4;
	_ =	sdelay $0x1  }
0x127: {  	v8 =	vmul.f32 v6, v7  }
0x128: {  	[tilespmem:s16+$0xFFFFFF20] =	vst v6  }
0x129: {  	[tilespmem:s16+$0xFFFFFF00] =	vst v8  }
0x12a: {  	v6 =	vld [tilespmem:s10+$0xFFFFFF90];
	_ =	sdelay $0x4  }
0x12b: {  	v7 =	vmul.f32 v6, v7  }
0x12c: {  	[tilespmem:s16+$0xFFFFFF30] =	vst v6  }
0x12d: {  	[tilespmem:s16+$0xFFFFFF10] =	vst v7  }
0x12e: {  	[tilespmem:v4+s29+$0x0] =	vst.idx.add.f32.msk vm3, v1  }
0x12f: {  	v6 =	vld [tilespmem:s10+$0xFFFFFFA0];
	_ =	sdelay $0x2  }
0x130: {  	v7 =	vbroadcast v5, $0x5;
	_ =	sdelay $0x1  }
0x131: {  	v8 =	vmul.f32 v6, v7  }
0x132: {  	[tilespmem:s16+$0xFFFFFF60] =	vst v6  }
0x133: {  	[tilespmem:s16+$0xFFFFFF40] =	vst v8  }
0x134: {  	v6 =	vld [tilespmem:s10+$0xFFFFFFB0];
	_ =	sdelay $0x4  }
0x135: {  	v7 =	vmul.f32 v6, v7  }
0x136: {  	[tilespmem:s16+$0xFFFFFF70] =	vst v6  }
0x137: {  	[tilespmem:s16+$0xFFFFFF50] =	vst v7  }
0x138: {  	[tilespmem:v4+s29+$0x0] =	vst.idx.add.f32.msk vm4, v1  }
0x139: {  	v6 =	vld [tilespmem:s10+$0xFFFFFFC0];
	_ =	sdelay $0x2  }
0x13a: {  	v7 =	vbroadcast v5, $0x6;
	_ =	sdelay $0x1  }
0x13b: {  	v8 =	vmul.f32 v6, v7  }
0x13c: {  	[tilespmem:s16+$0xFFFFFFA0] =	vst v6  }
0x13d: {  	[tilespmem:s16+$0xFFFFFF80] =	vst v8  }
0x13e: {  	v6 =	vld [tilespmem:s10+$0xFFFFFFD0];
	_ =	sdelay $0x4  }
0x13f: {  	v7 =	vmul.f32 v6, v7  }
0x140: {  	[tilespmem:s16+$0xFFFFFFB0] =	vst v6  }
0x141: {  	[tilespmem:s16+$0xFFFFFF90] =	vst v7  }
0x142: {  	[tilespmem:v4+s29+$0x0] =	vst.idx.add.f32.msk vm5, v1  }
0x143: {  	v6 =	vld [tilespmem:s10+$0xFFFFFFE0];
	_ =	sdelay $0x2  }
0x144: {  	v7 =	vbroadcast v5, $0x7;
	_ =	sdelay $0x1  }
0x145: {  	v8 =	vmul.f32 v6, v7  }
0x146: {  	[tilespmem:s16+$0xFFFFFFE0] =	vst v6  }
0x147: {  	[tilespmem:s16+$0xFFFFFFC0] =	vst v8  }
0x148: {  	v6 =	vld [tilespmem:s10+$0xFFFFFFF0];
	_ =	sdelay $0x4  }
0x149: {  	v7 =	vmul.f32 v6, v7  }
0x14a: {  	[tilespmem:s16+$0xFFFFFFF0] =	vst v6  }
0x14b: {  	[tilespmem:s16+$0xFFFFFFD0] =	vst v7  }
0x14c: {  	[tilespmem:v4+s29+$0x0] =	vst.idx.add.f32.msk vm6, v1  }
0x14d: {  	v6 =	vld [tilespmem:s10+$0x0];
	_ =	sdelay $0x2  }
0x14e: {  	v7 =	vbroadcast v5, $0x8;
	_ =	sdelay $0x1  }
0x14f: {  	v8 =	vmul.f32 v6, v7;
	[tilespmem:s16+$0x20] =	vst v6;
	_ =	sdelay $0x1  }
0x150: {  	[tilespmem:s16+$0x0] =	vst v8  }
0x151: {  	v6 =	vld [tilespmem:s10+$0x10];
	_ =	sdelay $0x4  }
0x152: {  	v7 =	vmul.f32 v6, v7;
	[tilespmem:s16+$0x30] =	vst v6;
	_ =	sdelay $0x1  }
0x153: {  	[tilespmem:s16+$0x10] =	vst v7  }
0x154: {  	[tilespmem:v4+s29+$0x0] =	vst.idx.add.f32.msk vm7, v1  }
0x155: {  	v6 =	vld [tilespmem:s10+$0x20];
	_ =	sdelay $0x2  }
0x156: {  	v7 =	vbroadcast v5, $0x9;
	_ =	sdelay $0x1  }
0x157: {  	v8 =	vmul.f32 v6, v7;
	[tilespmem:s16+$0x60] =	vst v6;
	_ =	sdelay $0x1  }
0x158: {  	[tilespmem:s16+$0x40] =	vst v8  }
0x159: {  	v6 =	vld [tilespmem:s10+$0x30];
	_ =	sdelay $0x4  }
0x15a: {  	v7 =	vmul.f32 v6, v7;
	[tilespmem:s16+$0x70] =	vst v6;
	_ =	sdelay $0x1  }
0x15b: {  	[tilespmem:s16+$0x50] =	vst v7  }
0x15c: {  	[tilespmem:v4+s29+$0x0] =	vst.idx.add.f32.msk vm8, v1  }
0x15d: {  	v6 =	vld [tilespmem:s10+$0x40];
	_ =	sdelay $0x2  }
0x15e: {  	v7 =	vbroadcast v5, $0xA;
	_ =	sdelay $0x1  }
0x15f: {  	v8 =	vmul.f32 v6, v7;
	[tilespmem:s16+$0xA0] =	vst v6;
	_ =	sdelay $0x1  }
0x160: {  	[tilespmem:s16+$0x80] =	vst v8  }
0x161: {  	v6 =	vld [tilespmem:s10+$0x50];
	_ =	sdelay $0x4  }
0x162: {  	v7 =	vmul.f32 v6, v7;
	[tilespmem:s16+$0xB0] =	vst v6;
	_ =	sdelay $0x1  }
0x163: {  	[tilespmem:s16+$0x90] =	vst v7  }
0x164: {  	[tilespmem:v4+s29+$0x0] =	vst.idx.add.f32.msk vm9, v1  }
0x165: {  	v6 =	vld [tilespmem:s10+$0x60];
	_ =	sdelay $0x2  }
0x166: {  	v7 =	vbroadcast v5, $0xB;
	_ =	sdelay $0x1  }
0x167: {  	v8 =	vmul.f32 v6, v7;
	[tilespmem:s16+$0xE0] =	vst v6;
	_ =	sdelay $0x1  }
0x168: {  	[tilespmem:s16+$0xC0] =	vst v8  }
0x169: {  	v6 =	vld [tilespmem:s10+$0x70];
	_ =	sdelay $0x4  }
0x16a: {  	v7 =	vmul.f32 v6, v7;
	[tilespmem:s16+$0xF0] =	vst v6;
	_ =	sdelay $0x1  }
0x16b: {  	[tilespmem:s16+$0xD0] =	vst v7  }
0x16c: {  	[tilespmem:v4+s29+$0x0] =	vst.idx.add.f32.msk vm10, v1  }
0x16d: {  	v6 =	vld [tilespmem:s10+$0x80];
	_ =	sdelay $0x2  }
0x16e: {  	v7 =	vbroadcast v5, $0xC;
	_ =	sdelay $0x1  }
0x16f: {  	v8 =	vmul.f32 v6, v7;
	[tilespmem:s16+$0x120] =	vst v6;
	_ =	sdelay $0x1  }
0x170: {  	[tilespmem:s16+$0x100] =	vst v8  }
0x171: {  	v6 =	vld [tilespmem:s10+$0x90];
	_ =	sdelay $0x4  }
0x172: {  	v7 =	vmul.f32 v6, v7;
	[tilespmem:s16+$0x130] =	vst v6;
	_ =	sdelay $0x1  }
0x173: {  	[tilespmem:s16+$0x110] =	vst v7  }
0x174: {  	[tilespmem:v4+s29+$0x0] =	vst.idx.add.f32.msk vm11, v1  }
0x175: {  	v6 =	vld [tilespmem:s10+$0xA0];
	_ =	sdelay $0x2  }
0x176: {  	v7 =	vbroadcast v5, $0xD;
	_ =	sdelay $0x1  }
0x177: {  	v8 =	vmul.f32 v6, v7;
	[tilespmem:s16+$0x160] =	vst v6;
	_ =	sdelay $0x1  }
0x178: {  	[tilespmem:s16+$0x140] =	vst v8  }
0x179: {  	v6 =	vld [tilespmem:s10+$0xB0];
	_ =	sdelay $0x4  }
0x17a: {  	v7 =	vmul.f32 v6, v7;
	[tilespmem:s16+$0x170] =	vst v6;
	_ =	sdelay $0x1  }
0x17b: {  	[tilespmem:s16+$0x150] =	vst v7  }
0x17c: {  	[tilespmem:v4+s29+$0x0] =	vst.idx.add.f32.msk vm12, v1  }
0x17d: {  	v6 =	vld [tilespmem:s10+$0xC0];
	_ =	sdelay $0x2  }
0x17e: {  	v7 =	vbroadcast v5, $0xE;
	_ =	sdelay $0x1  }
0x17f: {  	v8 =	vmul.f32 v6, v7;
	[tilespmem:s16+$0x1A0] =	vst v6;
	_ =	sdelay $0x1  }
0x180: {  	[tilespmem:s16+$0x180] =	vst v8  }
0x181: {  	v6 =	vld [tilespmem:s10+$0xD0];
	_ =	sdelay $0x4  }
0x182: {  	v7 =	vmul.f32 v6, v7;
	[tilespmem:s16+$0x1B0] =	vst v6;
	_ =	sdelay $0x1  }
0x183: {  	[tilespmem:s16+$0x190] =	vst v7  }
0x184: {  	[tilespmem:v4+s29+$0x0] =	vst.idx.add.f32.msk vm13, v1  }
0x185: {  	v6 =	vld [tilespmem:s10+$0xE0];
	_ =	sdelay $0x2  }
0x186: {  	v5 =	vbroadcast v5, $0xF;
	_ =	sdelay $0x1  }
0x187: {  	v7 =	vmul.f32 v6, v5;
	[tilespmem:s16+$0x1E0] =	vst v6;
	_ =	sdelay $0x1  }
0x188: {  	[tilespmem:s16+$0x1C0] =	vst v7  }
0x189: {  	v6 =	vld [tilespmem:s10+$0xF0];
	_ =	sdelay $0x2  }
.Ltmp2:
0x18a: {  	(pc) =	sbr.rel @p0 .LBB2_7-.Ltmp2, $3  }
0x18b: {  	_ = 	snop  }
0x18c: {  	v5 =	vmul.f32 v6, v5;
	[tilespmem:s16+$0x1F0] =	vst v6;
	_ =	sdelay $0x1  }
0x18d: {  	s18 =	smov.u32 s17;
	[tilespmem:s16+$0x1D0] =	vst v5;
	s16 =	sadd.s32 $0x400, s16  }
0x18e: {  	_ =	sdelay $0x4  }
0x18f: {  	s17 =	sshra.s32 s22, $0x2;
	[tilespmem:v4+s29+$0x0] =	vst.idx.add.f32.msk vm14, v1  }
0x190: {  	v4 =	vld.idx.msk [tilespmem:v2+s17+$0x0 ss:$0x1], $0xffff  }
0x191: {  	s10 =	sadd.s32 $0x200, s10  }
0x192: {  	v5 =	vld [tilespmem:s10+$0xFFFFFF00];
	_ =	sdelay $0x2  }
0x193: {  	v6 =	vbroadcast v4, $0x0;
	_ =	sdelay $0x1  }
0x194: {  	v2 =	vld.idx.msk [tilespmem:v3+s17+$0x0 ss:$0x1], $0xffff;
	v3 =	vmul.f32 v5, v6  }
0x195: {  	[tilespmem:s16+$0xFFFFFE20] =	vst v5  }
0x196: {  	[tilespmem:s16+$0xFFFFFE00] =	vst v3  }
0x197: {  	v3 =	vld [tilespmem:s10+$0xFFFFFF10];
	_ =	sdelay $0x4  }
0x198: {  	v34 =	vmul.f32 v3, v6  }
0x199: {  	[tilespmem:s16+$0xFFFFFE30] =	vst v3  }
0x19a: {  	[tilespmem:s16+$0xFFFFFE10] =	vst v34  }
0x19b: {  	[tilespmem:v2+s29+$0x0] =	vst.idx.add.f32.msk $0x1, v1  }
0x19c: {  	v3 =	vld [tilespmem:s10+$0xFFFFFF20];
	_ =	sdelay $0x2  }
0x19d: {  	v35 =	vbroadcast v4, $0x1;
	_ =	sdelay $0x1  }
0x19e: {  	v36 =	vmul.f32 v3, v35  }
0x19f: {  	[tilespmem:s16+$0xFFFFFE60] =	vst v3  }
0x1a0: {  	[tilespmem:s16+$0xFFFFFE40] =	vst v36  }
0x1a1: {  	v3 =	vld [tilespmem:s10+$0xFFFFFF30];
	_ =	sdelay $0x4  }
0x1a2: {  	v5 =	vmul.f32 v3, v35  }
0x1a3: {  	[tilespmem:s16+$0xFFFFFE70] =	vst v3  }
0x1a4: {  	[tilespmem:s16+$0xFFFFFE50] =	vst v5  }
0x1a5: {  	[tilespmem:v2+s29+$0x0] =	vst.idx.add.f32.msk vm0, v1  }
0x1a6: {  	v3 =	vld [tilespmem:s10+$0xFFFFFF40];
	_ =	sdelay $0x2  }
0x1a7: {  	v37 =	vbroadcast v4, $0x2;
	_ =	sdelay $0x1  }
0x1a8: {  	v38 =	vmul.f32 v3, v37  }
0x1a9: {  	[tilespmem:s16+$0xFFFFFEA0] =	vst v3  }
0x1aa: {  	[tilespmem:s16+$0xFFFFFE80] =	vst v38  }
0x1ab: {  	v3 =	vld [tilespmem:s10+$0xFFFFFF50];
	_ =	sdelay $0x4  }
0x1ac: {  	v5 =	vmul.f32 v3, v37  }
0x1ad: {  	[tilespmem:s16+$0xFFFFFEB0] =	vst v3  }
0x1ae: {  	[tilespmem:s16+$0xFFFFFE90] =	vst v5  }
0x1af: {  	[tilespmem:v2+s29+$0x0] =	vst.idx.add.f32.msk vm1, v1  }
0x1b0: {  	v3 =	vld [tilespmem:s10+$0xFFFFFF60];
	_ =	sdelay $0x2  }
0x1b1: {  	v39 =	vbroadcast v4, $0x3;
	_ =	sdelay $0x1  }
0x1b2: {  	v40 =	vmul.f32 v3, v39  }
0x1b3: {  	[tilespmem:s16+$0xFFFFFEE0] =	vst v3  }
0x1b4: {  	[tilespmem:s16+$0xFFFFFEC0] =	vst v40  }
0x1b5: {  	v3 =	vld [tilespmem:s10+$0xFFFFFF70];
	_ =	sdelay $0x4  }
0x1b6: {  	v5 =	vmul.f32 v3, v39  }
0x1b7: {  	[tilespmem:s16+$0xFFFFFEF0] =	vst v3  }
0x1b8: {  	[tilespmem:s16+$0xFFFFFED0] =	vst v5  }
0x1b9: {  	[tilespmem:v2+s29+$0x0] =	vst.idx.add.f32.msk vm2, v1  }
0x1ba: {  	v3 =	vld [tilespmem:s10+$0xFFFFFF80];
	_ =	sdelay $0x2  }
0x1bb: {  	v41 =	vbroadcast v4, $0x4;
	_ =	sdelay $0x1  }
0x1bc: {  	v42 =	vmul.f32 v3, v41  }
0x1bd: {  	[tilespmem:s16+$0xFFFFFF20] =	vst v3  }
0x1be: {  	[tilespmem:s16+$0xFFFFFF00] =	vst v42  }
0x1bf: {  	v3 =	vld [tilespmem:s10+$0xFFFFFF90];
	_ =	sdelay $0x4  }
0x1c0: {  	v5 =	vmul.f32 v3, v41  }
0x1c1: {  	[tilespmem:s16+$0xFFFFFF30] =	vst v3  }
0x1c2: {  	[tilespmem:s16+$0xFFFFFF10] =	vst v5  }
0x1c3: {  	[tilespmem:v2+s29+$0x0] =	vst.idx.add.f32.msk vm3, v1  }
0x1c4: {  	v3 =	vld [tilespmem:s10+$0xFFFFFFA0];
	_ =	sdelay $0x2  }
0x1c5: {  	v43 =	vbroadcast v4, $0x5;
	_ =	sdelay $0x1  }
0x1c6: {  	v44 =	vmul.f32 v3, v43  }
0x1c7: {  	[tilespmem:s16+$0xFFFFFF60] =	vst v3  }
0x1c8: {  	[tilespmem:s16+$0xFFFFFF40] =	vst v44  }
0x1c9: {  	v3 =	vld [tilespmem:s10+$0xFFFFFFB0];
	_ =	sdelay $0x4  }
0x1ca: {  	v5 =	vmul.f32 v3, v43  }
0x1cb: {  	[tilespmem:s16+$0xFFFFFF70] =	vst v3  }
0x1cc: {  	[tilespmem:s16+$0xFFFFFF50] =	vst v5  }
0x1cd: {  	[tilespmem:v2+s29+$0x0] =	vst.idx.add.f32.msk vm4, v1  }
0x1ce: {  	v3 =	vld [tilespmem:s10+$0xFFFFFFC0];
	_ =	sdelay $0x2  }
0x1cf: {  	v45 =	vbroadcast v4, $0x6;
	_ =	sdelay $0x1  }
0x1d0: {  	v46 =	vmul.f32 v3, v45  }
0x1d1: {  	[tilespmem:s16+$0xFFFFFFA0] =	vst v3  }
0x1d2: {  	[tilespmem:s16+$0xFFFFFF80] =	vst v46  }
0x1d3: {  	v3 =	vld [tilespmem:s10+$0xFFFFFFD0];
	_ =	sdelay $0x4  }
0x1d4: {  	v5 =	vmul.f32 v3, v45  }
0x1d5: {  	[tilespmem:s16+$0xFFFFFFB0] =	vst v3  }
0x1d6: {  	[tilespmem:s16+$0xFFFFFF90] =	vst v5  }
0x1d7: {  	[tilespmem:v2+s29+$0x0] =	vst.idx.add.f32.msk vm5, v1  }
0x1d8: {  	v3 =	vld [tilespmem:s10+$0xFFFFFFE0];
	_ =	sdelay $0x2  }
0x1d9: {  	v47 =	vbroadcast v4, $0x7;
	_ =	sdelay $0x1  }
0x1da: {  	v48 =	vmul.f32 v3, v47  }
0x1db: {  	[tilespmem:s16+$0xFFFFFFE0] =	vst v3  }
0x1dc: {  	[tilespmem:s16+$0xFFFFFFC0] =	vst v48  }
0x1dd: {  	v3 =	vld [tilespmem:s10+$0xFFFFFFF0];
	_ =	sdelay $0x4  }
0x1de: {  	v5 =	vmul.f32 v3, v47  }
0x1df: {  	[tilespmem:s16+$0xFFFFFFF0] =	vst v3  }
0x1e0: {  	[tilespmem:s16+$0xFFFFFFD0] =	vst v5  }
0x1e1: {  	[tilespmem:v2+s29+$0x0] =	vst.idx.add.f32.msk vm6, v1  }
0x1e2: {  	v3 =	vld [tilespmem:s10+$0x0];
	_ =	sdelay $0x2  }
0x1e3: {  	v49 =	vbroadcast v4, $0x8;
	_ =	sdelay $0x1  }
0x1e4: {  	v50 =	vmul.f32 v3, v49  }
0x1e5: {  	[tilespmem:s16+$0x20] =	vst v3  }
0x1e6: {  	[tilespmem:s16+$0x0] =	vst v50  }
0x1e7: {  	v3 =	vld [tilespmem:s10+$0x10];
	_ =	sdelay $0x4  }
0x1e8: {  	v5 =	vmul.f32 v3, v49  }
0x1e9: {  	[tilespmem:s16+$0x30] =	vst v3  }
0x1ea: {  	[tilespmem:s16+$0x10] =	vst v5  }
0x1eb: {  	[tilespmem:v2+s29+$0x0] =	vst.idx.add.f32.msk vm7, v1  }
0x1ec: {  	v3 =	vld [tilespmem:s10+$0x20];
	_ =	sdelay $0x2  }
0x1ed: {  	v51 =	vbroadcast v4, $0x9;
	_ =	sdelay $0x1  }
0x1ee: {  	v52 =	vmul.f32 v3, v51  }
0x1ef: {  	[tilespmem:s16+$0x60] =	vst v3  }
0x1f0: {  	[tilespmem:s16+$0x40] =	vst v52  }
0x1f1: {  	v3 =	vld [tilespmem:s10+$0x30];
	_ =	sdelay $0x4  }
0x1f2: {  	v5 =	vmul.f32 v3, v51  }
0x1f3: {  	[tilespmem:s16+$0x70] =	vst v3  }
0x1f4: {  	[tilespmem:s16+$0x50] =	vst v5  }
0x1f5: {  	[tilespmem:v2+s29+$0x0] =	vst.idx.add.f32.msk vm8, v1  }
0x1f6: {  	v3 =	vld [tilespmem:s10+$0x40];
	_ =	sdelay $0x2  }
0x1f7: {  	v53 =	vbroadcast v4, $0xA;
	_ =	sdelay $0x1  }
0x1f8: {  	v54 =	vmul.f32 v3, v53  }
0x1f9: {  	[tilespmem:s16+$0xA0] =	vst v3  }
0x1fa: {  	[tilespmem:s16+$0x80] =	vst v54  }
0x1fb: {  	v3 =	vld [tilespmem:s10+$0x50];
	_ =	sdelay $0x4  }
0x1fc: {  	v5 =	vmul.f32 v3, v53  }
0x1fd: {  	[tilespmem:s16+$0xB0] =	vst v3  }
0x1fe: {  	[tilespmem:s16+$0x90] =	vst v5  }
0x1ff: {  	[tilespmem:v2+s29+$0x0] =	vst.idx.add.f32.msk vm9, v1  }
0x200: {  	v3 =	vld [tilespmem:s10+$0x60];
	_ =	sdelay $0x2  }
0x201: {  	v55 =	vbroadcast v4, $0xB;
	_ =	sdelay $0x1  }
0x202: {  	v56 =	vmul.f32 v3, v55  }
0x203: {  	[tilespmem:s16+$0xE0] =	vst v3  }
0x204: {  	[tilespmem:s16+$0xC0] =	vst v56  }
0x205: {  	v3 =	vld [tilespmem:s10+$0x70];
	_ =	sdelay $0x4  }
0x206: {  	v5 =	vmul.f32 v3, v55  }
0x207: {  	[tilespmem:s16+$0xF0] =	vst v3  }
0x208: {  	[tilespmem:s16+$0xD0] =	vst v5  }
0x209: {  	[tilespmem:v2+s29+$0x0] =	vst.idx.add.f32.msk vm10, v1  }
0x20a: {  	v3 =	vld [tilespmem:s10+$0x80];
	_ =	sdelay $0x2  }
0x20b: {  	v57 =	vbroadcast v4, $0xC;
	_ =	sdelay $0x1  }
0x20c: {  	v58 =	vmul.f32 v3, v57  }
0x20d: {  	[tilespmem:s16+$0x120] =	vst v3  }
0x20e: {  	[tilespmem:s16+$0x100] =	vst v58  }
0x20f: {  	v3 =	vld [tilespmem:s10+$0x90];
	_ =	sdelay $0x4  }
0x210: {  	v5 =	vmul.f32 v3, v57  }
0x211: {  	[tilespmem:s16+$0x130] =	vst v3  }
0x212: {  	[tilespmem:s16+$0x110] =	vst v5  }
0x213: {  	[tilespmem:v2+s29+$0x0] =	vst.idx.add.f32.msk vm11, v1  }
0x214: {  	v3 =	vld [tilespmem:s10+$0xA0];
	_ =	sdelay $0x2  }
0x215: {  	v59 =	vbroadcast v4, $0xD;
	_ =	sdelay $0x1  }
0x216: {  	v60 =	vmul.f32 v3, v59  }
0x217: {  	[tilespmem:s16+$0x160] =	vst v3  }
0x218: {  	[tilespmem:s16+$0x140] =	vst v60  }
0x219: {  	v3 =	vld [tilespmem:s10+$0xB0];
	_ =	sdelay $0x4  }
0x21a: {  	v5 =	vmul.f32 v3, v59  }
0x21b: {  	[tilespmem:s16+$0x170] =	vst v3  }
0x21c: {  	[tilespmem:s16+$0x150] =	vst v5  }
0x21d: {  	[tilespmem:v2+s29+$0x0] =	vst.idx.add.f32.msk vm12, v1  }
0x21e: {  	v3 =	vld [tilespmem:s10+$0xC0];
	_ =	sdelay $0x2  }
0x21f: {  	v61 =	vbroadcast v4, $0xE;
	_ =	sdelay $0x1  }
0x220: {  	v62 =	vmul.f32 v3, v61  }
0x221: {  	[tilespmem:s16+$0x1A0] =	vst v3  }
0x222: {  	[tilespmem:s16+$0x180] =	vst v62  }
0x223: {  	v3 =	vld [tilespmem:s10+$0xD0];
	_ =	sdelay $0x4  }
0x224: {  	v5 =	vmul.f32 v3, v61  }
0x225: {  	[tilespmem:s16+$0x1B0] =	vst v3  }
0x226: {  	[tilespmem:s16+$0x190] =	vst v5  }
0x227: {  	[tilespmem:v2+s29+$0x0] =	vst.idx.add.f32.msk vm13, v1  }
0x228: {  	v3 =	vld [tilespmem:s10+$0xE0];
	_ =	sdelay $0x2  }
0x229: {  	v4 =	vbroadcast v4, $0xF;
	_ =	sdelay $0x1  }
0x22a: {  	v63 =	vmul.f32 v3, v4  }
0x22b: {  	[tilespmem:s16+$0x1E0] =	vst v3  }
0x22c: {  	[tilespmem:s16+$0x1C0] =	vst v63  }
0x22d: {  	v3 =	vld [tilespmem:s10+$0xF0];
	_ =	sdelay $0x4  }
0x22e: {  	v4 =	vmul.f32 v3, v4  }
0x22f: {  	s0 =	sadd.s32 $0x1, s0;
	[tilespmem:s16+$0x1F0] =	vst v3  }
0x230: {  	p0 =	sne.s32 s0, $0x4F;
	[tilespmem:s16+$0x1D0] =	vst v4  }
.Ltmp3:
0x231: {  	s9 =	sadd.s32 $0x2780, s9;
	[tilespmem:v2+s29+$0x0] =	vst.idx.add.f32.msk vm14, v1;
	(pc) =	sbr.rel @p0 .LBB2_6-.Ltmp3, $4  }
0x232: {  	[spmem:s2] =	stream.indirect.scatter.add.f32 [tilespmem:s30], [sflag:$0x2], $0x40, s9, s25, $0xb8;
	[tilespmem:$0x18E80] =	vst v63  }
0x233: {  	_ =	swait.ge [sflag:s23], $0x2000  }
0x234: {  	[sflag:s23] =	ssyncset.done $0x0  }
0x235: {  	s1 =	sadd.s32 $0x80, s1;
	s8 =	sadd.s32 $0x80, s8;
	[sflag:s23] =	ssyncadd.s32 $0xFFFFE000  }
0x236: {  	s0 =	simm.s32 $0x0;
	s1 =	rddreg [dreg:$0x7]  }
0x237: {  	[hbm4b:s1+s0] =	stream.linear.scatter [tilespmem:s29], [sflag:$0x2], $0x2800, $0x38;
	[tilespmem:$0x18E80] =	vst v63  }
0x238: {  	_ =	swait.ge [sflag:s23], $0x2800  }
0x239: {  	[sflag:s23] =	ssyncset.done $0x0  }
0x23a: {  	[sflag:s23] =	ssyncadd.s32 $0xFFFFD800  }
0x23b: {  	[bflag:$0x0] =	sbarrier.arrive $0xFFFF  }
0x23c: {  	[tilespmem:s30], [sflag:$0x2] =	stream.linear.gather [spmem:s11], $0x2000, $0x38;
	[tilespmem:$0x18E80] =	vst v63  }
0x23d: {  	_ =	swait.ge [sflag:s23], $0x2000  }
0x23e: {  	[sflag:s23] =	ssyncset.done $0x0  }
0x23f: {  	s18 =	rddreg [dreg:$0x8];
	[sflag:s23] =	ssyncadd.s32 $0xFFFFE000  }
0x240: {  	[hbm4b:s18+s0] =	stream.linear.scatter [tilespmem:s30], [sflag:$0x2], $0x2000, $0x38;
	[tilespmem:$0x18E80] =	vst v63  }
0x241: {  	_ =	swait.ge [sflag:s23], $0x2000  }
0x242: {  	[sflag:s23] =	ssyncset.done $0x0  }
0x243: {  	[sflag:s23] =	ssyncadd.s32 $0xFFFFE000  }
0x244: {  	[tilespmem:s30], [sflag:$0x2] =	stream.linear.gather [spmem:s12], $0x2000, $0x38;
	[tilespmem:$0x18E80] =	vst v63  }
0x245: {  	_ =	swait.ge [sflag:s23], $0x2000  }
0x246: {  	[sflag:s23] =	ssyncset.done $0x0  }
0x247: {  	s19 =	rddreg [dreg:$0x9];
	[sflag:s23] =	ssyncadd.s32 $0xFFFFE000  }
0x248: {  	[hbm4b:s19+s0] =	stream.linear.scatter [tilespmem:s30], [sflag:$0x2], $0x2000, $0x38;
	[tilespmem:$0x18E80] =	vst v63  }
0x249: {  	_ =	swait.ge [sflag:s23], $0x2000  }
0x24a: {  	[sflag:s23] =	ssyncset.done $0x0  }
0x24b: {  	[sflag:s23] =	ssyncadd.s32 $0xFFFFE000  }
0x24c: {  	[tilespmem:s30], [sflag:$0x2] =	stream.linear.gather [spmem:s13], $0x2000, $0x38;
	[tilespmem:$0x18E80] =	vst v63  }
0x24d: {  	_ =	swait.ge [sflag:s23], $0x2000  }
0x24e: {  	[sflag:s23] =	ssyncset.done $0x0  }
0x24f: {  	s22 =	rddreg [dreg:$0xa];
	[sflag:s23] =	ssyncadd.s32 $0xFFFFE000  }
0x250: {  	[hbm4b:s22+s0] =	stream.linear.scatter [tilespmem:s30], [sflag:$0x2], $0x2000, $0x38;
	[tilespmem:$0x18E80] =	vst v63  }
0x251: {  	_ =	swait.ge [sflag:s23], $0x2000  }
0x252: {  	[sflag:s23] =	ssyncset.done $0x0  }
0x253: {  	[sflag:s23] =	ssyncadd.s32 $0xFFFFE000  }
0x254: {  	[tilespmem:s30], [sflag:$0x2] =	stream.linear.gather [spmem:s14], $0x2000, $0x38;
	[tilespmem:$0x18E80] =	vst v63  }
0x255: {  	_ =	swait.ge [sflag:s23], $0x2000  }
0x256: {  	[sflag:s23] =	ssyncset.done $0x0  }
0x257: {  	[sflag:s23] =	ssyncadd.s32 $0xFFFFE000  }
0x258: {  	[hbm4b:s20+s0] =	stream.linear.scatter [tilespmem:s30], [sflag:$0x2], $0x2000, $0x38;
	[tilespmem:$0x18E80] =	vst v63  }
0x259: {  	_ =	swait.ge [sflag:s23], $0x2000  }
0x25a: {  	[sflag:s23] =	ssyncset.done $0x0  }
0x25b: {  	[sflag:s23] =	ssyncadd.s32 $0xFFFFE000  }
0x25c: {  	[tilespmem:s30], [sflag:$0x2] =	stream.linear.gather [spmem:s15], $0x2000, $0x38;
	[tilespmem:$0x18E80] =	vst v63  }
0x25d: {  	_ =	swait.ge [sflag:s23], $0x2000  }
0x25e: {  	[sflag:s23] =	ssyncset.done $0x0  }
0x25f: {  	[sflag:s23] =	ssyncadd.s32 $0xFFFFE000  }
0x260: {  	[hbm4b:s21+s0] =	stream.linear.scatter [tilespmem:s30], [sflag:$0x2], $0x2000, $0x38;
	[tilespmem:$0x18E80] =	vst v63  }
0x261: {  	_ =	swait.ge [sflag:s23], $0x2000  }
0x262: {  	[sflag:s23] =	ssyncset.done $0x0  }
0x263: {  	[sflag:s23] =	ssyncadd.s32 $0xFFFFE000  }
0x264: {  	[bflag:$0x0] =	sbarrier.arrive $0xFFFF  }
0x265: {  	[spmem:s11] =	stream.linear.scatter [tilespmem:s24], [sflag:$0x2], $0x2000, $0x38;
	[tilespmem:$0x18E80] =	vst v63  }
0x266: {  	_ =	swait.ge [sflag:s23], $0x2000  }
0x267: {  	[sflag:s23] =	ssyncset.done $0x0  }
0x268: {  	[sflag:s23] =	ssyncadd.s32 $0xFFFFE000  }
0x269: {  	[spmem:s12] =	stream.linear.scatter [tilespmem:s24], [sflag:$0x2], $0x2000, $0x38;
	[tilespmem:$0x18E80] =	vst v63  }
0x26a: {  	_ =	swait.ge [sflag:s23], $0x2000  }
0x26b: {  	[sflag:s23] =	ssyncset.done $0x0  }
0x26c: {  	[sflag:s23] =	ssyncadd.s32 $0xFFFFE000  }
0x26d: {  	[spmem:s13] =	stream.linear.scatter [tilespmem:s24], [sflag:$0x2], $0x2000, $0x38;
	[tilespmem:$0x18E80] =	vst v63  }
0x26e: {  	_ =	swait.ge [sflag:s23], $0x2000  }
0x26f: {  	[sflag:s23] =	ssyncset.done $0x0  }
0x270: {  	[sflag:s23] =	ssyncadd.s32 $0xFFFFE000  }
0x271: {  	[spmem:s14] =	stream.linear.scatter [tilespmem:s24], [sflag:$0x2], $0x2000, $0x38;
	[tilespmem:$0x18E80] =	vst v63  }
0x272: {  	_ =	swait.ge [sflag:s23], $0x2000  }
0x273: {  	[sflag:s23] =	ssyncset.done $0x0  }
0x274: {  	[sflag:s23] =	ssyncadd.s32 $0xFFFFE000  }
0x275: {  	[spmem:s15] =	stream.linear.scatter [tilespmem:s24], [sflag:$0x2], $0x2000, $0x38;
	[tilespmem:$0x18E80] =	vst v63  }
0x276: {  	_ =	swait.ge [sflag:s23], $0x2000  }
0x277: {  	[sflag:s23] =	ssyncset.done $0x0  }
0x278: {  	[sflag:s23] =	ssyncadd.s32 $0xFFFFE000  }
0x279: {  	s1 =	simm.s32 $0x4F00;
	[bflag:$0x0] =	sbarrier.arrive $0xFFFF  }
.LBB2_10:
0x27a: {  	s8 =	sshll.u32 s0, $0x7;
	v2 =	vmov s1  }
0x27b: {  	[tilespmem:s26], [sflag:$0x1] =	stream.indirect.gather [hbm4b:s5+s25], $0x20, s8, s25, $0xb8;
	[tilespmem:$0x18E80] =	vst v63  }
0x27c: {  	_ =	swait.ge [sflag:s28], $0x1000  }
0x27d: {  	[sflag:s28] =	ssyncset.done $0x0  }
0x27e: {  	s9 =	simm.s32 $0x0;
	[sflag:s28] =	ssyncadd.s32 $0xFFFFF000  }
0x27f: {  	v3 =	vld.idx.msk [tilespmem:v2+s9+$0x0 ss:$0x1], $0xffff  }
0x280: {  	s9 =	simm.s32 $0x7780  }
0x281: {  	v4 =	vld [tilespmem:s9+$0xFFFFFF00];
	_ =	sdelay $0x2  }
0x282: {  	v5 =	vbroadcast v3, $0x0;
	_ =	sdelay $0x1  }
0x283: {  	s16 =	simm.s32 $0x8880;
	v6 =	vmul.f32 v5, v4  }
0x284: {  	[tilespmem:s16+$0xFFFFFE20] =	vst v4  }
0x285: {  	[tilespmem:s16+$0xFFFFFE00] =	vst v6  }
0x286: {  	v4 =	vld [tilespmem:s9+$0xFFFFFF10];
	_ =	sdelay $0x4  }
0x287: {  	v5 =	vmul.f32 v4, v5  }
0x288: {  	[tilespmem:s16+$0xFFFFFE30] =	vst v4  }
0x289: {  	[tilespmem:s16+$0xFFFFFE10] =	vst v5  }
0x28a: {  	v4 =	vld [tilespmem:s9+$0xFFFFFF20];
	_ =	sdelay $0x2  }
0x28b: {  	v5 =	vbroadcast v3, $0x1;
	_ =	sdelay $0x1  }
0x28c: {  	v50 =	vmul.f32 v4, v5  }
0x28d: {  	[tilespmem:s16+$0xFFFFFE60] =	vst v4  }
0x28e: {  	[tilespmem:s16+$0xFFFFFE40] =	vst v50  }
0x28f: {  	v4 =	vld [tilespmem:s9+$0xFFFFFF30];
	_ =	sdelay $0x4  }
0x290: {  	v5 =	vmul.f32 v4, v5  }
0x291: {  	[tilespmem:s16+$0xFFFFFE70] =	vst v4  }
0x292: {  	[tilespmem:s16+$0xFFFFFE50] =	vst v5  }
0x293: {  	v4 =	vld [tilespmem:s9+$0xFFFFFF40];
	_ =	sdelay $0x2  }
0x294: {  	v5 =	vbroadcast v3, $0x2;
	_ =	sdelay $0x1  }
0x295: {  	v51 =	vmul.f32 v4, v5  }
0x296: {  	[tilespmem:s16+$0xFFFFFEA0] =	vst v4  }
0x297: {  	[tilespmem:s16+$0xFFFFFE80] =	vst v51  }
0x298: {  	v4 =	vld [tilespmem:s9+$0xFFFFFF50];
	_ =	sdelay $0x4  }
0x299: {  	v5 =	vmul.f32 v4, v5  }
0x29a: {  	[tilespmem:s16+$0xFFFFFEB0] =	vst v4  }
0x29b: {  	[tilespmem:s16+$0xFFFFFE90] =	vst v5  }
0x29c: {  	v4 =	vld [tilespmem:s9+$0xFFFFFF60];
	_ =	sdelay $0x2  }
0x29d: {  	v5 =	vbroadcast v3, $0x3;
	_ =	sdelay $0x1  }
0x29e: {  	v52 =	vmul.f32 v4, v5  }
0x29f: {  	[tilespmem:s16+$0xFFFFFEE0] =	vst v4  }
0x2a0: {  	[tilespmem:s16+$0xFFFFFEC0] =	vst v52  }
0x2a1: {  	v4 =	vld [tilespmem:s9+$0xFFFFFF70];
	_ =	sdelay $0x4  }
0x2a2: {  	v5 =	vmul.f32 v4, v5  }
0x2a3: {  	[tilespmem:s16+$0xFFFFFEF0] =	vst v4  }
0x2a4: {  	[tilespmem:s16+$0xFFFFFED0] =	vst v5  }
0x2a5: {  	v4 =	vld [tilespmem:s9+$0xFFFFFF80];
	_ =	sdelay $0x2  }
0x2a6: {  	v5 =	vbroadcast v3, $0x4;
	_ =	sdelay $0x1  }
0x2a7: {  	v53 =	vmul.f32 v4, v5  }
0x2a8: {  	[tilespmem:s16+$0xFFFFFF20] =	vst v4  }
0x2a9: {  	[tilespmem:s16+$0xFFFFFF00] =	vst v53  }
0x2aa: {  	v4 =	vld [tilespmem:s9+$0xFFFFFF90];
	_ =	sdelay $0x4  }
0x2ab: {  	v5 =	vmul.f32 v4, v5  }
0x2ac: {  	[tilespmem:s16+$0xFFFFFF30] =	vst v4  }
0x2ad: {  	[tilespmem:s16+$0xFFFFFF10] =	vst v5  }
0x2ae: {  	v4 =	vld [tilespmem:s9+$0xFFFFFFA0];
	_ =	sdelay $0x2  }
0x2af: {  	v5 =	vbroadcast v3, $0x5;
	_ =	sdelay $0x1  }
0x2b0: {  	v54 =	vmul.f32 v4, v5  }
0x2b1: {  	[tilespmem:s16+$0xFFFFFF60] =	vst v4  }
0x2b2: {  	[tilespmem:s16+$0xFFFFFF40] =	vst v54  }
0x2b3: {  	v4 =	vld [tilespmem:s9+$0xFFFFFFB0];
	_ =	sdelay $0x4  }
0x2b4: {  	v5 =	vmul.f32 v4, v5  }
0x2b5: {  	[tilespmem:s16+$0xFFFFFF70] =	vst v4  }
0x2b6: {  	[tilespmem:s16+$0xFFFFFF50] =	vst v5  }
0x2b7: {  	v4 =	vld [tilespmem:s9+$0xFFFFFFC0];
	_ =	sdelay $0x2  }
0x2b8: {  	v5 =	vbroadcast v3, $0x6;
	_ =	sdelay $0x1  }
0x2b9: {  	v55 =	vmul.f32 v4, v5  }
0x2ba: {  	[tilespmem:s16+$0xFFFFFFA0] =	vst v4  }
0x2bb: {  	[tilespmem:s16+$0xFFFFFF80] =	vst v55  }
0x2bc: {  	v4 =	vld [tilespmem:s9+$0xFFFFFFD0];
	_ =	sdelay $0x4  }
0x2bd: {  	v5 =	vmul.f32 v4, v5  }
0x2be: {  	[tilespmem:s16+$0xFFFFFFB0] =	vst v4  }
0x2bf: {  	[tilespmem:s16+$0xFFFFFF90] =	vst v5  }
0x2c0: {  	v4 =	vld [tilespmem:s9+$0xFFFFFFE0];
	_ =	sdelay $0x2  }
0x2c1: {  	v5 =	vbroadcast v3, $0x7;
	_ =	sdelay $0x1  }
0x2c2: {  	v56 =	vmul.f32 v4, v5  }
0x2c3: {  	[tilespmem:s16+$0xFFFFFFE0] =	vst v4  }
0x2c4: {  	[tilespmem:s16+$0xFFFFFFC0] =	vst v56  }
0x2c5: {  	v4 =	vld [tilespmem:s9+$0xFFFFFFF0];
	_ =	sdelay $0x4  }
0x2c6: {  	v5 =	vmul.f32 v4, v5  }
0x2c7: {  	[tilespmem:s16+$0xFFFFFFF0] =	vst v4  }
0x2c8: {  	[tilespmem:s16+$0xFFFFFFD0] =	vst v5  }
0x2c9: {  	v4 =	vld [tilespmem:s9+$0x0];
	_ =	sdelay $0x2  }
0x2ca: {  	v5 =	vbroadcast v3, $0x8;
	_ =	sdelay $0x1  }
0x2cb: {  	v57 =	vmul.f32 v4, v5  }
0x2cc: {  	[tilespmem:s16+$0x20] =	vst v4  }
0x2cd: {  	[tilespmem:s16+$0x0] =	vst v57  }
0x2ce: {  	v4 =	vld [tilespmem:s9+$0x10];
	_ =	sdelay $0x4  }
0x2cf: {  	v5 =	vmul.f32 v4, v5  }
0x2d0: {  	[tilespmem:s16+$0x30] =	vst v4  }
0x2d1: {  	[tilespmem:s16+$0x10] =	vst v5  }
0x2d2: {  	v4 =	vld [tilespmem:s9+$0x20];
	_ =	sdelay $0x2  }
0x2d3: {  	v5 =	vbroadcast v3, $0x9;
	_ =	sdelay $0x1  }
0x2d4: {  	v58 =	vmul.f32 v4, v5  }
0x2d5: {  	[tilespmem:s16+$0x60] =	vst v4  }
0x2d6: {  	[tilespmem:s16+$0x40] =	vst v58  }
0x2d7: {  	v4 =	vld [tilespmem:s9+$0x30];
	_ =	sdelay $0x4  }
0x2d8: {  	v5 =	vmul.f32 v4, v5  }
0x2d9: {  	[tilespmem:s16+$0x70] =	vst v4  }
0x2da: {  	[tilespmem:s16+$0x50] =	vst v5  }
0x2db: {  	v4 =	vld [tilespmem:s9+$0x40];
	_ =	sdelay $0x2  }
0x2dc: {  	v5 =	vbroadcast v3, $0xA;
	_ =	sdelay $0x1  }
0x2dd: {  	v59 =	vmul.f32 v4, v5  }
0x2de: {  	[tilespmem:s16+$0xA0] =	vst v4  }
0x2df: {  	[tilespmem:s16+$0x80] =	vst v59  }
0x2e0: {  	v4 =	vld [tilespmem:s9+$0x50];
	_ =	sdelay $0x4  }
0x2e1: {  	v5 =	vmul.f32 v4, v5  }
0x2e2: {  	[tilespmem:s16+$0xB0] =	vst v4  }
0x2e3: {  	[tilespmem:s16+$0x90] =	vst v5  }
0x2e4: {  	v4 =	vld [tilespmem:s9+$0x60];
	_ =	sdelay $0x2  }
0x2e5: {  	v5 =	vbroadcast v3, $0xB;
	_ =	sdelay $0x1  }
0x2e6: {  	v60 =	vmul.f32 v4, v5  }
0x2e7: {  	[tilespmem:s16+$0xE0] =	vst v4  }
0x2e8: {  	[tilespmem:s16+$0xC0] =	vst v60  }
0x2e9: {  	v4 =	vld [tilespmem:s9+$0x70];
	_ =	sdelay $0x4  }
0x2ea: {  	v5 =	vmul.f32 v4, v5  }
0x2eb: {  	[tilespmem:s16+$0xF0] =	vst v4  }
0x2ec: {  	[tilespmem:s16+$0xD0] =	vst v5  }
0x2ed: {  	v4 =	vld [tilespmem:s9+$0x80];
	_ =	sdelay $0x2  }
0x2ee: {  	v5 =	vbroadcast v3, $0xC;
	_ =	sdelay $0x1  }
0x2ef: {  	v61 =	vmul.f32 v4, v5  }
0x2f0: {  	[tilespmem:s16+$0x120] =	vst v4  }
0x2f1: {  	[tilespmem:s16+$0x100] =	vst v61  }
0x2f2: {  	v4 =	vld [tilespmem:s9+$0x90];
	_ =	sdelay $0x4  }
0x2f3: {  	v5 =	vmul.f32 v4, v5  }
0x2f4: {  	[tilespmem:s16+$0x130] =	vst v4  }
0x2f5: {  	[tilespmem:s16+$0x110] =	vst v5  }
0x2f6: {  	v4 =	vld [tilespmem:s9+$0xA0];
	_ =	sdelay $0x2  }
0x2f7: {  	v5 =	vbroadcast v3, $0xD;
	_ =	sdelay $0x1  }
0x2f8: {  	v62 =	vmul.f32 v4, v5  }
0x2f9: {  	[tilespmem:s16+$0x160] =	vst v4  }
0x2fa: {  	[tilespmem:s16+$0x140] =	vst v62  }
0x2fb: {  	v4 =	vld [tilespmem:s9+$0xB0];
	_ =	sdelay $0x4  }
0x2fc: {  	v5 =	vmul.f32 v4, v5  }
0x2fd: {  	[tilespmem:s16+$0x170] =	vst v4  }
0x2fe: {  	[tilespmem:s16+$0x150] =	vst v5  }
0x2ff: {  	v4 =	vld [tilespmem:s9+$0xC0];
	_ =	sdelay $0x2  }
0x300: {  	v5 =	vbroadcast v3, $0xE;
	_ =	sdelay $0x1  }
0x301: {  	v63 =	vmul.f32 v4, v5  }
0x302: {  	[tilespmem:s16+$0x1A0] =	vst v4  }
0x303: {  	[tilespmem:s16+$0x180] =	vst v63  }
0x304: {  	v4 =	vld [tilespmem:s9+$0xD0];
	_ =	sdelay $0x4  }
0x305: {  	v5 =	vmul.f32 v4, v5  }
0x306: {  	[tilespmem:s16+$0x1B0] =	vst v4  }
0x307: {  	[tilespmem:s16+$0x190] =	vst v5  }
0x308: {  	v4 =	vld [tilespmem:s9+$0xE0];
	_ =	sdelay $0x2  }
0x309: {  	v3 =	vbroadcast v3, $0xF;
	_ =	sdelay $0x1  }
0x30a: {  	v5 =	vmul.f32 v4, v3  }
0x30b: {  	[tilespmem:s16+$0x1E0] =	vst v4  }
0x30c: {  	[tilespmem:s16+$0x1C0] =	vst v5  }
0x30d: {  	v4 =	vld [tilespmem:s9+$0xF0];
	_ =	sdelay $0x4  }
0x30e: {  	s17 =	simm.s32 $0x40;
	s22 =	simm.s32 $0x80;
	s10 =	simm.s32 $0x8C80;
	v3 =	vmul.f32 v4, v3;
	[tilespmem:s16+$0x1F0] =	vst v4  }
.LBB2_11:
0x30f: {  	s19 =	sshra.s32 s17, $0x2;
	s9 =	sadd.s32 $0x200, s9  }
0x310: {  	[tilespmem:s16+$0x1D0] =	vst v3;
	s17 =	smov.u32 s22;
	s18 =	sadd.s32 $0x40, s22;
	s16 =	smov.u32 s10  }
0x311: {  	p0 =	sne.s32 s22, $0x1C0;
	v3 =	vld.idx.msk [tilespmem:v2+s19+$0x0 ss:$0x1], $0xffff;
	_ =	sdelay $0x2  }
0x312: {  	v4 =	vld [tilespmem:s9+$0xFFFFFF00];
	_ =	sdelay $0x2  }
0x313: {  	v5 =	vbroadcast v3, $0x0;
	_ =	sdelay $0x1  }
0x314: {  	v6 =	vmul.f32 v5, v4  }
0x315: {  	[tilespmem:s10+$0xFFFFFE20] =	vst v4  }
0x316: {  	[tilespmem:s10+$0xFFFFFE00] =	vst v6  }
0x317: {  	v4 =	vld [tilespmem:s9+$0xFFFFFF10];
	_ =	sdelay $0x4  }
0x318: {  	v5 =	vmul.f32 v4, v5  }
0x319: {  	[tilespmem:s10+$0xFFFFFE30] =	vst v4  }
0x31a: {  	[tilespmem:s10+$0xFFFFFE10] =	vst v5  }
0x31b: {  	v4 =	vld [tilespmem:s9+$0xFFFFFF20];
	_ =	sdelay $0x2  }
0x31c: {  	v5 =	vbroadcast v3, $0x1;
	_ =	sdelay $0x1  }
0x31d: {  	v6 =	vmul.f32 v4, v5  }
0x31e: {  	[tilespmem:s10+$0xFFFFFE60] =	vst v4  }
0x31f: {  	[tilespmem:s10+$0xFFFFFE40] =	vst v6  }
0x320: {  	v4 =	vld [tilespmem:s9+$0xFFFFFF30];
	_ =	sdelay $0x4  }
0x321: {  	v5 =	vmul.f32 v4, v5  }
0x322: {  	[tilespmem:s10+$0xFFFFFE70] =	vst v4  }
0x323: {  	[tilespmem:s10+$0xFFFFFE50] =	vst v5  }
0x324: {  	v4 =	vld [tilespmem:s9+$0xFFFFFF40];
	_ =	sdelay $0x2  }
0x325: {  	v5 =	vbroadcast v3, $0x2;
	_ =	sdelay $0x1  }
0x326: {  	v6 =	vmul.f32 v4, v5  }
0x327: {  	[tilespmem:s10+$0xFFFFFEA0] =	vst v4  }
0x328: {  	[tilespmem:s10+$0xFFFFFE80] =	vst v6  }
0x329: {  	v4 =	vld [tilespmem:s9+$0xFFFFFF50];
	_ =	sdelay $0x4  }
0x32a: {  	v5 =	vmul.f32 v4, v5  }
0x32b: {  	[tilespmem:s10+$0xFFFFFEB0] =	vst v4  }
0x32c: {  	[tilespmem:s10+$0xFFFFFE90] =	vst v5  }
0x32d: {  	v4 =	vld [tilespmem:s9+$0xFFFFFF60];
	_ =	sdelay $0x2  }
0x32e: {  	v5 =	vbroadcast v3, $0x3;
	_ =	sdelay $0x1  }
0x32f: {  	v6 =	vmul.f32 v4, v5  }
0x330: {  	[tilespmem:s10+$0xFFFFFEE0] =	vst v4  }
0x331: {  	[tilespmem:s10+$0xFFFFFEC0] =	vst v6  }
0x332: {  	v4 =	vld [tilespmem:s9+$0xFFFFFF70];
	_ =	sdelay $0x4  }
0x333: {  	v5 =	vmul.f32 v4, v5  }
0x334: {  	[tilespmem:s10+$0xFFFFFEF0] =	vst v4  }
0x335: {  	[tilespmem:s10+$0xFFFFFED0] =	vst v5  }
0x336: {  	v4 =	vld [tilespmem:s9+$0xFFFFFF80];
	_ =	sdelay $0x2  }
0x337: {  	v5 =	vbroadcast v3, $0x4;
	_ =	sdelay $0x1  }
0x338: {  	v6 =	vmul.f32 v4, v5  }
0x339: {  	[tilespmem:s10+$0xFFFFFF20] =	vst v4  }
0x33a: {  	[tilespmem:s10+$0xFFFFFF00] =	vst v6  }
0x33b: {  	v4 =	vld [tilespmem:s9+$0xFFFFFF90];
	_ =	sdelay $0x4  }
0x33c: {  	v5 =	vmul.f32 v4, v5  }
0x33d: {  	[tilespmem:s10+$0xFFFFFF30] =	vst v4  }
0x33e: {  	[tilespmem:s10+$0xFFFFFF10] =	vst v5  }
0x33f: {  	v4 =	vld [tilespmem:s9+$0xFFFFFFA0];
	_ =	sdelay $0x2  }
0x340: {  	v5 =	vbroadcast v3, $0x5;
	_ =	sdelay $0x1  }
0x341: {  	v6 =	vmul.f32 v4, v5  }
0x342: {  	[tilespmem:s10+$0xFFFFFF60] =	vst v4  }
0x343: {  	[tilespmem:s10+$0xFFFFFF40] =	vst v6  }
0x344: {  	v4 =	vld [tilespmem:s9+$0xFFFFFFB0];
	_ =	sdelay $0x4  }
0x345: {  	v5 =	vmul.f32 v4, v5  }
0x346: {  	[tilespmem:s10+$0xFFFFFF70] =	vst v4  }
0x347: {  	[tilespmem:s10+$0xFFFFFF50] =	vst v5  }
0x348: {  	v4 =	vld [tilespmem:s9+$0xFFFFFFC0];
	_ =	sdelay $0x2  }
0x349: {  	v5 =	vbroadcast v3, $0x6;
	_ =	sdelay $0x1  }
0x34a: {  	v6 =	vmul.f32 v4, v5  }
0x34b: {  	[tilespmem:s10+$0xFFFFFFA0] =	vst v4  }
0x34c: {  	[tilespmem:s10+$0xFFFFFF80] =	vst v6  }
0x34d: {  	v4 =	vld [tilespmem:s9+$0xFFFFFFD0];
	_ =	sdelay $0x4  }
0x34e: {  	v5 =	vmul.f32 v4, v5  }
0x34f: {  	[tilespmem:s10+$0xFFFFFFB0] =	vst v4  }
0x350: {  	[tilespmem:s10+$0xFFFFFF90] =	vst v5  }
0x351: {  	v4 =	vld [tilespmem:s9+$0xFFFFFFE0];
	_ =	sdelay $0x2  }
0x352: {  	v5 =	vbroadcast v3, $0x7;
	_ =	sdelay $0x1  }
0x353: {  	v6 =	vmul.f32 v4, v5  }
0x354: {  	[tilespmem:s10+$0xFFFFFFE0] =	vst v4  }
0x355: {  	[tilespmem:s10+$0xFFFFFFC0] =	vst v6  }
0x356: {  	v4 =	vld [tilespmem:s9+$0xFFFFFFF0];
	_ =	sdelay $0x4  }
0x357: {  	v5 =	vmul.f32 v4, v5;
	[tilespmem:s10+$0xFFFFFFF0] =	vst v4;
	_ =	sdelay $0x1  }
0x358: {  	[tilespmem:s10+$0xFFFFFFD0] =	vst v5  }
0x359: {  	v4 =	vld [tilespmem:s9+$0x0];
	_ =	sdelay $0x2  }
0x35a: {  	v5 =	vbroadcast v3, $0x8;
	_ =	sdelay $0x1  }
0x35b: {  	v6 =	vmul.f32 v4, v5;
	[tilespmem:s10+$0x20] =	vst v4;
	_ =	sdelay $0x1  }
0x35c: {  	[tilespmem:s10+$0x0] =	vst v6  }
0x35d: {  	v4 =	vld [tilespmem:s9+$0x10];
	_ =	sdelay $0x4  }
0x35e: {  	v5 =	vmul.f32 v4, v5;
	[tilespmem:s10+$0x30] =	vst v4;
	_ =	sdelay $0x1  }
0x35f: {  	[tilespmem:s10+$0x10] =	vst v5  }
0x360: {  	v4 =	vld [tilespmem:s9+$0x20];
	_ =	sdelay $0x2  }
0x361: {  	v5 =	vbroadcast v3, $0x9;
	_ =	sdelay $0x1  }
0x362: {  	v6 =	vmul.f32 v4, v5;
	[tilespmem:s10+$0x60] =	vst v4;
	_ =	sdelay $0x1  }
0x363: {  	[tilespmem:s10+$0x40] =	vst v6  }
0x364: {  	v4 =	vld [tilespmem:s9+$0x30];
	_ =	sdelay $0x4  }
0x365: {  	v5 =	vmul.f32 v4, v5;
	[tilespmem:s10+$0x70] =	vst v4;
	_ =	sdelay $0x1  }
0x366: {  	[tilespmem:s10+$0x50] =	vst v5  }
0x367: {  	v4 =	vld [tilespmem:s9+$0x40];
	_ =	sdelay $0x2  }
0x368: {  	v5 =	vbroadcast v3, $0xA;
	_ =	sdelay $0x1  }
0x369: {  	v6 =	vmul.f32 v4, v5;
	[tilespmem:s10+$0xA0] =	vst v4;
	_ =	sdelay $0x1  }
0x36a: {  	[tilespmem:s10+$0x80] =	vst v6  }
0x36b: {  	v4 =	vld [tilespmem:s9+$0x50];
	_ =	sdelay $0x4  }
0x36c: {  	v5 =	vmul.f32 v4, v5;
	[tilespmem:s10+$0xB0] =	vst v4;
	_ =	sdelay $0x1  }
0x36d: {  	[tilespmem:s10+$0x90] =	vst v5  }
0x36e: {  	v4 =	vld [tilespmem:s9+$0x60];
	_ =	sdelay $0x2  }
0x36f: {  	v5 =	vbroadcast v3, $0xB;
	_ =	sdelay $0x1  }
0x370: {  	v6 =	vmul.f32 v4, v5;
	[tilespmem:s10+$0xE0] =	vst v4;
	_ =	sdelay $0x1  }
0x371: {  	[tilespmem:s10+$0xC0] =	vst v6  }
0x372: {  	v4 =	vld [tilespmem:s9+$0x70];
	_ =	sdelay $0x4  }
0x373: {  	v5 =	vmul.f32 v4, v5;
	[tilespmem:s10+$0xF0] =	vst v4;
	_ =	sdelay $0x1  }
0x374: {  	[tilespmem:s10+$0xD0] =	vst v5  }
0x375: {  	v4 =	vld [tilespmem:s9+$0x80];
	_ =	sdelay $0x2  }
0x376: {  	v5 =	vbroadcast v3, $0xC;
	_ =	sdelay $0x1  }
0x377: {  	v6 =	vmul.f32 v4, v5;
	[tilespmem:s10+$0x120] =	vst v4;
	_ =	sdelay $0x1  }
0x378: {  	[tilespmem:s10+$0x100] =	vst v6  }
0x379: {  	v4 =	vld [tilespmem:s9+$0x90];
	_ =	sdelay $0x4  }
0x37a: {  	v5 =	vmul.f32 v4, v5;
	[tilespmem:s10+$0x130] =	vst v4;
	_ =	sdelay $0x1  }
0x37b: {  	[tilespmem:s10+$0x110] =	vst v5  }
0x37c: {  	v4 =	vld [tilespmem:s9+$0xA0];
	_ =	sdelay $0x2  }
0x37d: {  	v5 =	vbroadcast v3, $0xD;
	_ =	sdelay $0x1  }
0x37e: {  	v6 =	vmul.f32 v4, v5;
	[tilespmem:s10+$0x160] =	vst v4;
	_ =	sdelay $0x1  }
0x37f: {  	[tilespmem:s10+$0x140] =	vst v6  }
0x380: {  	v4 =	vld [tilespmem:s9+$0xB0];
	_ =	sdelay $0x4  }
0x381: {  	v5 =	vmul.f32 v4, v5;
	[tilespmem:s10+$0x170] =	vst v4;
	_ =	sdelay $0x1  }
0x382: {  	[tilespmem:s10+$0x150] =	vst v5  }
0x383: {  	v4 =	vld [tilespmem:s9+$0xC0];
	_ =	sdelay $0x2  }
0x384: {  	v5 =	vbroadcast v3, $0xE;
	_ =	sdelay $0x1  }
0x385: {  	v6 =	vmul.f32 v4, v5;
	[tilespmem:s10+$0x1A0] =	vst v4;
	_ =	sdelay $0x1  }
0x386: {  	[tilespmem:s10+$0x180] =	vst v6  }
0x387: {  	v4 =	vld [tilespmem:s9+$0xD0];
	_ =	sdelay $0x4  }
0x388: {  	v5 =	vmul.f32 v4, v5;
	[tilespmem:s10+$0x1B0] =	vst v4;
	_ =	sdelay $0x1  }
0x389: {  	[tilespmem:s10+$0x190] =	vst v5  }
0x38a: {  	v4 =	vld [tilespmem:s9+$0xE0];
	_ =	sdelay $0x2  }
0x38b: {  	v3 =	vbroadcast v3, $0xF;
	_ =	sdelay $0x1  }
0x38c: {  	v5 =	vmul.f32 v4, v3;
	[tilespmem:s10+$0x1E0] =	vst v4;
	_ =	sdelay $0x1  }
0x38d: {  	[tilespmem:s10+$0x1C0] =	vst v5  }
0x38e: {  	v4 =	vld [tilespmem:s9+$0xF0];
	_ =	sdelay $0x1  }
.Ltmp4:
0x38f: {  	(pc) =	sbr.rel @p0 .LBB2_11-.Ltmp4, $3  }
0x390: {  	_ =	sdelay $0x1  }
0x391: {  	v3 =	vmul.f32 v4, v3;
	[tilespmem:s10+$0x1F0] =	vst v4  }
0x392: {  	s22 =	smov.u32 s18;
	s10 =	sadd.s32 $0x400, s10  }
0x393: {  	_ =	sdelay $0x2  }
0x394: {  	s17 =	sshra.s32 s17, $0x2;
	[tilespmem:s16+$0x1D0] =	vst v3  }
0x395: {  	v2 =	vld.idx.msk [tilespmem:v2+s17+$0x0 ss:$0x1], $0xffff  }
0x396: {  	s9 =	sadd.s32 $0x200, s9  }
0x397: {  	v3 =	vld [tilespmem:s9+$0xFFFFFF00];
	_ =	sdelay $0x2  }
0x398: {  	v4 =	vbroadcast v2, $0x0;
	_ =	sdelay $0x1  }
0x399: {  	v5 =	vmul.f32 v4, v3  }
0x39a: {  	[tilespmem:s10+$0xFFFFFE20] =	vst v3  }
0x39b: {  	[tilespmem:s10+$0xFFFFFE00] =	vst v5  }
0x39c: {  	v3 =	vld [tilespmem:s9+$0xFFFFFF10];
	_ =	sdelay $0x4  }
0x39d: {  	v4 =	vmul.f32 v3, v4  }
0x39e: {  	[tilespmem:s10+$0xFFFFFE30] =	vst v3  }
0x39f: {  	[tilespmem:s10+$0xFFFFFE10] =	vst v4  }
0x3a0: {  	v3 =	vld [tilespmem:s9+$0xFFFFFF20];
	_ =	sdelay $0x2  }
0x3a1: {  	v35 =	vbroadcast v2, $0x1;
	_ =	sdelay $0x1  }
0x3a2: {  	v36 =	vmul.f32 v3, v35  }
0x3a3: {  	[tilespmem:s10+$0xFFFFFE60] =	vst v3  }
0x3a4: {  	[tilespmem:s10+$0xFFFFFE40] =	vst v36  }
0x3a5: {  	v3 =	vld [tilespmem:s9+$0xFFFFFF30];
	_ =	sdelay $0x4  }
0x3a6: {  	v4 =	vmul.f32 v3, v35  }
0x3a7: {  	[tilespmem:s10+$0xFFFFFE70] =	vst v3  }
0x3a8: {  	[tilespmem:s10+$0xFFFFFE50] =	vst v4  }
0x3a9: {  	v3 =	vld [tilespmem:s9+$0xFFFFFF40];
	_ =	sdelay $0x2  }
0x3aa: {  	v37 =	vbroadcast v2, $0x2;
	_ =	sdelay $0x1  }
0x3ab: {  	v38 =	vmul.f32 v3, v37  }
0x3ac: {  	[tilespmem:s10+$0xFFFFFEA0] =	vst v3  }
0x3ad: {  	[tilespmem:s10+$0xFFFFFE80] =	vst v38  }
0x3ae: {  	v3 =	vld [tilespmem:s9+$0xFFFFFF50];
	_ =	sdelay $0x4  }
0x3af: {  	v4 =	vmul.f32 v3, v37  }
0x3b0: {  	[tilespmem:s10+$0xFFFFFEB0] =	vst v3  }
0x3b1: {  	[tilespmem:s10+$0xFFFFFE90] =	vst v4  }
0x3b2: {  	v3 =	vld [tilespmem:s9+$0xFFFFFF60];
	_ =	sdelay $0x2  }
0x3b3: {  	v39 =	vbroadcast v2, $0x3;
	_ =	sdelay $0x1  }
0x3b4: {  	v40 =	vmul.f32 v3, v39  }
0x3b5: {  	[tilespmem:s10+$0xFFFFFEE0] =	vst v3  }
0x3b6: {  	[tilespmem:s10+$0xFFFFFEC0] =	vst v40  }
0x3b7: {  	v3 =	vld [tilespmem:s9+$0xFFFFFF70];
	_ =	sdelay $0x4  }
0x3b8: {  	v4 =	vmul.f32 v3, v39  }
0x3b9: {  	[tilespmem:s10+$0xFFFFFEF0] =	vst v3  }
0x3ba: {  	[tilespmem:s10+$0xFFFFFED0] =	vst v4  }
0x3bb: {  	v3 =	vld [tilespmem:s9+$0xFFFFFF80];
	_ =	sdelay $0x2  }
0x3bc: {  	v41 =	vbroadcast v2, $0x4;
	_ =	sdelay $0x1  }
0x3bd: {  	v42 =	vmul.f32 v3, v41  }
0x3be: {  	[tilespmem:s10+$0xFFFFFF20] =	vst v3  }
0x3bf: {  	[tilespmem:s10+$0xFFFFFF00] =	vst v42  }
0x3c0: {  	v3 =	vld [tilespmem:s9+$0xFFFFFF90];
	_ =	sdelay $0x4  }
0x3c1: {  	v4 =	vmul.f32 v3, v41  }
0x3c2: {  	[tilespmem:s10+$0xFFFFFF30] =	vst v3  }
0x3c3: {  	[tilespmem:s10+$0xFFFFFF10] =	vst v4  }
0x3c4: {  	v3 =	vld [tilespmem:s9+$0xFFFFFFA0];
	_ =	sdelay $0x2  }
0x3c5: {  	v43 =	vbroadcast v2, $0x5;
	_ =	sdelay $0x1  }
0x3c6: {  	v44 =	vmul.f32 v3, v43  }
0x3c7: {  	[tilespmem:s10+$0xFFFFFF60] =	vst v3  }
0x3c8: {  	[tilespmem:s10+$0xFFFFFF40] =	vst v44  }
0x3c9: {  	v3 =	vld [tilespmem:s9+$0xFFFFFFB0];
	_ =	sdelay $0x4  }
0x3ca: {  	v4 =	vmul.f32 v3, v43  }
0x3cb: {  	[tilespmem:s10+$0xFFFFFF70] =	vst v3  }
0x3cc: {  	[tilespmem:s10+$0xFFFFFF50] =	vst v4  }
0x3cd: {  	v3 =	vld [tilespmem:s9+$0xFFFFFFC0];
	_ =	sdelay $0x2  }
0x3ce: {  	v45 =	vbroadcast v2, $0x6;
	_ =	sdelay $0x1  }
0x3cf: {  	v46 =	vmul.f32 v3, v45  }
0x3d0: {  	[tilespmem:s10+$0xFFFFFFA0] =	vst v3  }
0x3d1: {  	[tilespmem:s10+$0xFFFFFF80] =	vst v46  }
0x3d2: {  	v3 =	vld [tilespmem:s9+$0xFFFFFFD0];
	_ =	sdelay $0x4  }
0x3d3: {  	v4 =	vmul.f32 v3, v45  }
0x3d4: {  	[tilespmem:s10+$0xFFFFFFB0] =	vst v3  }
0x3d5: {  	[tilespmem:s10+$0xFFFFFF90] =	vst v4  }
0x3d6: {  	v3 =	vld [tilespmem:s9+$0xFFFFFFE0];
	_ =	sdelay $0x2  }
0x3d7: {  	v47 =	vbroadcast v2, $0x7;
	_ =	sdelay $0x1  }
0x3d8: {  	v48 =	vmul.f32 v3, v47  }
0x3d9: {  	[tilespmem:s10+$0xFFFFFFE0] =	vst v3  }
0x3da: {  	[tilespmem:s10+$0xFFFFFFC0] =	vst v48  }
0x3db: {  	v3 =	vld [tilespmem:s9+$0xFFFFFFF0];
	_ =	sdelay $0x4  }
0x3dc: {  	v4 =	vmul.f32 v3, v47  }
0x3dd: {  	[tilespmem:s10+$0xFFFFFFF0] =	vst v3  }
0x3de: {  	[tilespmem:s10+$0xFFFFFFD0] =	vst v4  }
0x3df: {  	v3 =	vld [tilespmem:s9+$0x0];
	_ =	sdelay $0x2  }
0x3e0: {  	v49 =	vbroadcast v2, $0x8;
	_ =	sdelay $0x1  }
0x3e1: {  	v50 =	vmul.f32 v3, v49  }
0x3e2: {  	[tilespmem:s10+$0x20] =	vst v3  }
0x3e3: {  	[tilespmem:s10+$0x0] =	vst v50  }
0x3e4: {  	v3 =	vld [tilespmem:s9+$0x10];
	_ =	sdelay $0x4  }
0x3e5: {  	v4 =	vmul.f32 v3, v49  }
0x3e6: {  	[tilespmem:s10+$0x30] =	vst v3  }
0x3e7: {  	[tilespmem:s10+$0x10] =	vst v4  }
0x3e8: {  	v3 =	vld [tilespmem:s9+$0x20];
	_ =	sdelay $0x2  }
0x3e9: {  	v51 =	vbroadcast v2, $0x9;
	_ =	sdelay $0x1  }
0x3ea: {  	v52 =	vmul.f32 v3, v51  }
0x3eb: {  	[tilespmem:s10+$0x60] =	vst v3  }
0x3ec: {  	[tilespmem:s10+$0x40] =	vst v52  }
0x3ed: {  	v3 =	vld [tilespmem:s9+$0x30];
	_ =	sdelay $0x4  }
0x3ee: {  	v4 =	vmul.f32 v3, v51  }
0x3ef: {  	[tilespmem:s10+$0x70] =	vst v3  }
0x3f0: {  	[tilespmem:s10+$0x50] =	vst v4  }
0x3f1: {  	v3 =	vld [tilespmem:s9+$0x40];
	_ =	sdelay $0x2  }
0x3f2: {  	v53 =	vbroadcast v2, $0xA;
	_ =	sdelay $0x1  }
0x3f3: {  	v54 =	vmul.f32 v3, v53  }
0x3f4: {  	[tilespmem:s10+$0xA0] =	vst v3  }
0x3f5: {  	[tilespmem:s10+$0x80] =	vst v54  }
0x3f6: {  	v3 =	vld [tilespmem:s9+$0x50];
	_ =	sdelay $0x4  }
0x3f7: {  	v4 =	vmul.f32 v3, v53  }
0x3f8: {  	[tilespmem:s10+$0xB0] =	vst v3  }
0x3f9: {  	[tilespmem:s10+$0x90] =	vst v4  }
0x3fa: {  	v3 =	vld [tilespmem:s9+$0x60];
	_ =	sdelay $0x2  }
0x3fb: {  	v55 =	vbroadcast v2, $0xB;
	_ =	sdelay $0x1  }
0x3fc: {  	v56 =	vmul.f32 v3, v55  }
0x3fd: {  	[tilespmem:s10+$0xE0] =	vst v3  }
0x3fe: {  	[tilespmem:s10+$0xC0] =	vst v56  }
0x3ff: {  	v3 =	vld [tilespmem:s9+$0x70];
	_ =	sdelay $0x4  }
0x400: {  	v4 =	vmul.f32 v3, v55  }
0x401: {  	[tilespmem:s10+$0xF0] =	vst v3  }
0x402: {  	[tilespmem:s10+$0xD0] =	vst v4  }
0x403: {  	v3 =	vld [tilespmem:s9+$0x80];
	_ =	sdelay $0x2  }
0x404: {  	v57 =	vbroadcast v2, $0xC;
	_ =	sdelay $0x1  }
0x405: {  	v58 =	vmul.f32 v3, v57  }
0x406: {  	[tilespmem:s10+$0x120] =	vst v3  }
0x407: {  	[tilespmem:s10+$0x100] =	vst v58  }
0x408: {  	v3 =	vld [tilespmem:s9+$0x90];
	_ =	sdelay $0x4  }
0x409: {  	v4 =	vmul.f32 v3, v57  }
0x40a: {  	[tilespmem:s10+$0x130] =	vst v3  }
0x40b: {  	[tilespmem:s10+$0x110] =	vst v4  }
0x40c: {  	v3 =	vld [tilespmem:s9+$0xA0];
	_ =	sdelay $0x2  }
0x40d: {  	v59 =	vbroadcast v2, $0xD;
	_ =	sdelay $0x1  }
0x40e: {  	v60 =	vmul.f32 v3, v59  }
0x40f: {  	[tilespmem:s10+$0x160] =	vst v3  }
0x410: {  	[tilespmem:s10+$0x140] =	vst v60  }
0x411: {  	v3 =	vld [tilespmem:s9+$0xB0];
	_ =	sdelay $0x4  }
0x412: {  	v4 =	vmul.f32 v3, v59  }
0x413: {  	[tilespmem:s10+$0x170] =	vst v3  }
0x414: {  	[tilespmem:s10+$0x150] =	vst v4  }
0x415: {  	v3 =	vld [tilespmem:s9+$0xC0];
	_ =	sdelay $0x2  }
0x416: {  	v61 =	vbroadcast v2, $0xE;
	_ =	sdelay $0x1  }
0x417: {  	v62 =	vmul.f32 v3, v61  }
0x418: {  	[tilespmem:s10+$0x1A0] =	vst v3  }
0x419: {  	[tilespmem:s10+$0x180] =	vst v62  }
0x41a: {  	v3 =	vld [tilespmem:s9+$0xD0];
	_ =	sdelay $0x4  }
0x41b: {  	v4 =	vmul.f32 v3, v61  }
0x41c: {  	[tilespmem:s10+$0x1B0] =	vst v3  }
0x41d: {  	[tilespmem:s10+$0x190] =	vst v4  }
0x41e: {  	v3 =	vld [tilespmem:s9+$0xE0];
	_ =	sdelay $0x2  }
0x41f: {  	v2 =	vbroadcast v2, $0xF;
	_ =	sdelay $0x1  }
0x420: {  	v63 =	vmul.f32 v3, v2  }
0x421: {  	[tilespmem:s10+$0x1E0] =	vst v3  }
0x422: {  	[tilespmem:s10+$0x1C0] =	vst v63  }
0x423: {  	v3 =	vld [tilespmem:s9+$0xF0];
	_ =	sdelay $0x4  }
0x424: {  	s0 =	sadd.s32 $0x1, s0;
	v2 =	vmul.f32 v3, v2  }
0x425: {  	p0 =	sne.s32 s0, $0x4F;
	[tilespmem:s10+$0x1F0] =	vst v3  }
.Ltmp5:
0x426: {  	s8 =	sadd.s32 $0x2780, s8;
	[tilespmem:s10+$0x1D0] =	vst v2;
	(pc) =	sbr.rel @p0 .LBB2_10-.Ltmp5, $4  }
0x427: {  	[spmem:s2] =	stream.indirect.scatter.add.f32 [tilespmem:s30], [sflag:$0x2], $0x40, s8, s25, $0xb8;
	[tilespmem:$0x18E80] =	vst v63  }
0x428: {  	_ =	swait.ge [sflag:s23], $0x2000  }
0x429: {  	[sflag:s23] =	ssyncset.done $0x0  }
0x42a: {  	s1 =	sadd.s32 $0x80, s1;
	[sflag:s23] =	ssyncadd.s32 $0xFFFFE000  }
0x42b: {  	[bflag:$0x0] =	sbarrier.arrive $0xFFFF  }
0x42c: {  	[tilespmem:s30], [sflag:$0x2] =	stream.linear.gather [spmem:s11], $0x2000, $0x38;
	[tilespmem:$0x18E80] =	vst v63  }
0x42d: {  	_ =	swait.ge [sflag:s23], $0x2000  }
0x42e: {  	[sflag:s23] =	ssyncset.done $0x0  }
0x42f: {  	s0 =	simm.s32 $0x0;
	s1 =	rddreg [dreg:$0xb];
	[sflag:s23] =	ssyncadd.s32 $0xFFFFE000  }
0x430: {  	[hbm4b:s1+s0] =	stream.linear.scatter [tilespmem:s30], [sflag:$0x2], $0x2000, $0x38;
	[tilespmem:$0x18E80] =	vst v63  }
0x431: {  	_ =	swait.ge [sflag:s23], $0x2000  }
0x432: {  	[sflag:s23] =	ssyncset.done $0x0  }
0x433: {  	[sflag:s23] =	ssyncadd.s32 $0xFFFFE000  }
0x434: {  	[tilespmem:s30], [sflag:$0x2] =	stream.linear.gather [spmem:s12], $0x2000, $0x38;
	[tilespmem:$0x18E80] =	vst v63  }
0x435: {  	_ =	swait.ge [sflag:s23], $0x2000  }
0x436: {  	[sflag:s23] =	ssyncset.done $0x0  }
0x437: {  	s17 =	rddreg [dreg:$0xc];
	[sflag:s23] =	ssyncadd.s32 $0xFFFFE000  }
0x438: {  	[hbm4b:s17+s0] =	stream.linear.scatter [tilespmem:s30], [sflag:$0x2], $0x2000, $0x38;
	[tilespmem:$0x18E80] =	vst v63  }
0x439: {  	_ =	swait.ge [sflag:s23], $0x2000  }
0x43a: {  	[sflag:s23] =	ssyncset.done $0x0  }
0x43b: {  	[sflag:s23] =	ssyncadd.s32 $0xFFFFE000  }
0x43c: {  	[tilespmem:s30], [sflag:$0x2] =	stream.linear.gather [spmem:s13], $0x2000, $0x38;
	[tilespmem:$0x18E80] =	vst v63  }
0x43d: {  	_ =	swait.ge [sflag:s23], $0x2000  }
0x43e: {  	[sflag:s23] =	ssyncset.done $0x0  }
0x43f: {  	s18 =	rddreg [dreg:$0xd];
	[sflag:s23] =	ssyncadd.s32 $0xFFFFE000  }
0x440: {  	[hbm4b:s18+s0] =	stream.linear.scatter [tilespmem:s30], [sflag:$0x2], $0x2000, $0x38;
	[tilespmem:$0x18E80] =	vst v63  }
0x441: {  	_ =	swait.ge [sflag:s23], $0x2000  }
0x442: {  	[sflag:s23] =	ssyncset.done $0x0  }
0x443: {  	[sflag:s23] =	ssyncadd.s32 $0xFFFFE000  }
0x444: {  	[tilespmem:s30], [sflag:$0x2] =	stream.linear.gather [spmem:s14], $0x2000, $0x38;
	[tilespmem:$0x18E80] =	vst v63  }
0x445: {  	_ =	swait.ge [sflag:s23], $0x2000  }
0x446: {  	[sflag:s23] =	ssyncset.done $0x0  }
0x447: {  	s19 =	rddreg [dreg:$0xf];
	[sflag:s23] =	ssyncadd.s32 $0xFFFFE000  }
0x448: {  	[hbm4b:s19+s0] =	stream.linear.scatter [tilespmem:s30], [sflag:$0x2], $0x2000, $0x38;
	[tilespmem:$0x18E80] =	vst v63  }
0x449: {  	_ =	swait.ge [sflag:s23], $0x2000  }
0x44a: {  	[sflag:s23] =	ssyncset.done $0x0  }
0x44b: {  	[sflag:s23] =	ssyncadd.s32 $0xFFFFE000  }
0x44c: {  	[tilespmem:s30], [sflag:$0x2] =	stream.linear.gather [spmem:s15], $0x2000, $0x38;
	[tilespmem:$0x18E80] =	vst v63  }
0x44d: {  	_ =	swait.ge [sflag:s23], $0x2000  }
0x44e: {  	[sflag:s23] =	ssyncset.done $0x0  }
0x44f: {  	s22 =	rddreg [dreg:$0x10];
	[sflag:s23] =	ssyncadd.s32 $0xFFFFE000  }
0x450: {  	[hbm4b:s22+s0] =	stream.linear.scatter [tilespmem:s30], [sflag:$0x2], $0x2000, $0x38;
	[tilespmem:$0x18E80] =	vst v63  }
0x451: {  	_ =	swait.ge [sflag:s23], $0x2000  }
0x452: {  	[sflag:s23] =	ssyncset.done $0x0  }
0x453: {  	[sflag:s23] =	ssyncadd.s32 $0xFFFFE000  }
0x454: {  	[bflag:$0x0] =	sbarrier.arrive $0xFFFF  }
0x455: {  	[spmem:s11] =	stream.linear.scatter [tilespmem:s24], [sflag:$0x2], $0x2000, $0x38;
	[tilespmem:$0x18E80] =	vst v63  }
0x456: {  	_ =	swait.ge [sflag:s23], $0x2000  }
0x457: {  	[sflag:s23] =	ssyncset.done $0x0  }
0x458: {  	[sflag:s23] =	ssyncadd.s32 $0xFFFFE000  }
0x459: {  	[spmem:s12] =	stream.linear.scatter [tilespmem:s24], [sflag:$0x2], $0x2000, $0x38;
	[tilespmem:$0x18E80] =	vst v63  }
0x45a: {  	_ =	swait.ge [sflag:s23], $0x2000  }
0x45b: {  	[sflag:s23] =	ssyncset.done $0x0  }
0x45c: {  	[sflag:s23] =	ssyncadd.s32 $0xFFFFE000  }
0x45d: {  	[spmem:s13] =	stream.linear.scatter [tilespmem:s24], [sflag:$0x2], $0x2000, $0x38;
	[tilespmem:$0x18E80] =	vst v63  }
0x45e: {  	_ =	swait.ge [sflag:s23], $0x2000  }
0x45f: {  	[sflag:s23] =	ssyncset.done $0x0  }
0x460: {  	[sflag:s23] =	ssyncadd.s32 $0xFFFFE000  }
0x461: {  	[spmem:s14] =	stream.linear.scatter [tilespmem:s24], [sflag:$0x2], $0x2000, $0x38;
	[tilespmem:$0x18E80] =	vst v63  }
0x462: {  	_ =	swait.ge [sflag:s23], $0x2000  }
0x463: {  	[sflag:s23] =	ssyncset.done $0x0  }
0x464: {  	[sflag:s23] =	ssyncadd.s32 $0xFFFFE000  }
0x465: {  	[spmem:s15] =	stream.linear.scatter [tilespmem:s24], [sflag:$0x2], $0x2000, $0x38;
	[tilespmem:$0x18E80] =	vst v63  }
0x466: {  	_ =	swait.ge [sflag:s23], $0x2000  }
0x467: {  	[sflag:s23] =	ssyncset.done $0x0  }
0x468: {  	[sflag:s23] =	ssyncadd.s32 $0xFFFFE000  }
0x469: {  	s1 =	simm.s32 $0x4F00;
	[bflag:$0x0] =	sbarrier.arrive $0xFFFF  }
.LBB2_14:
0x46a: {  	s8 =	sshll.u32 s0, $0x7;
	v2 =	vmov s1  }
0x46b: {  	[tilespmem:s26], [sflag:$0x1] =	stream.indirect.gather [hbm4b:s6+s25], $0x20, s8, s25, $0xb8;
	[tilespmem:$0x18E80] =	vst v63  }
0x46c: {  	_ =	swait.ge [sflag:s28], $0x1000  }
0x46d: {  	[sflag:s28] =	ssyncset.done $0x0  }
0x46e: {  	s9 =	simm.s32 $0x0;
	[sflag:s28] =	ssyncadd.s32 $0xFFFFF000  }
0x46f: {  	v3 =	vld.idx.msk [tilespmem:v2+s9+$0x0 ss:$0x1], $0xffff  }
0x470: {  	s9 =	simm.s32 $0x7780  }
0x471: {  	v4 =	vld [tilespmem:s9+$0xFFFFFF00];
	_ =	sdelay $0x2  }
0x472: {  	v5 =	vbroadcast v3, $0x0;
	_ =	sdelay $0x1  }
0x473: {  	s16 =	simm.s32 $0x8880;
	v6 =	vmul.f32 v5, v4  }
0x474: {  	[tilespmem:s16+$0xFFFFFE20] =	vst v4  }
0x475: {  	[tilespmem:s16+$0xFFFFFE00] =	vst v6  }
0x476: {  	v4 =	vld [tilespmem:s9+$0xFFFFFF10];
	_ =	sdelay $0x4  }
0x477: {  	v5 =	vmul.f32 v4, v5  }
0x478: {  	[tilespmem:s16+$0xFFFFFE30] =	vst v4  }
0x479: {  	[tilespmem:s16+$0xFFFFFE10] =	vst v5  }
0x47a: {  	v4 =	vld [tilespmem:s9+$0xFFFFFF20];
	_ =	sdelay $0x2  }
0x47b: {  	v5 =	vbroadcast v3, $0x1;
	_ =	sdelay $0x1  }
0x47c: {  	v50 =	vmul.f32 v4, v5  }
0x47d: {  	[tilespmem:s16+$0xFFFFFE60] =	vst v4  }
0x47e: {  	[tilespmem:s16+$0xFFFFFE40] =	vst v50  }
0x47f: {  	v4 =	vld [tilespmem:s9+$0xFFFFFF30];
	_ =	sdelay $0x4  }
0x480: {  	v5 =	vmul.f32 v4, v5  }
0x481: {  	[tilespmem:s16+$0xFFFFFE70] =	vst v4  }
0x482: {  	[tilespmem:s16+$0xFFFFFE50] =	vst v5  }
0x483: {  	v4 =	vld [tilespmem:s9+$0xFFFFFF40];
	_ =	sdelay $0x2  }
0x484: {  	v5 =	vbroadcast v3, $0x2;
	_ =	sdelay $0x1  }
0x485: {  	v51 =	vmul.f32 v4, v5  }
0x486: {  	[tilespmem:s16+$0xFFFFFEA0] =	vst v4  }
0x487: {  	[tilespmem:s16+$0xFFFFFE80] =	vst v51  }
0x488: {  	v4 =	vld [tilespmem:s9+$0xFFFFFF50];
	_ =	sdelay $0x4  }
0x489: {  	v5 =	vmul.f32 v4, v5  }
0x48a: {  	[tilespmem:s16+$0xFFFFFEB0] =	vst v4  }
0x48b: {  	[tilespmem:s16+$0xFFFFFE90] =	vst v5  }
0x48c: {  	v4 =	vld [tilespmem:s9+$0xFFFFFF60];
	_ =	sdelay $0x2  }
0x48d: {  	v5 =	vbroadcast v3, $0x3;
	_ =	sdelay $0x1  }
0x48e: {  	v52 =	vmul.f32 v4, v5  }
0x48f: {  	[tilespmem:s16+$0xFFFFFEE0] =	vst v4  }
0x490: {  	[tilespmem:s16+$0xFFFFFEC0] =	vst v52  }
0x491: {  	v4 =	vld [tilespmem:s9+$0xFFFFFF70];
	_ =	sdelay $0x4  }
0x492: {  	v5 =	vmul.f32 v4, v5  }
0x493: {  	[tilespmem:s16+$0xFFFFFEF0] =	vst v4  }
0x494: {  	[tilespmem:s16+$0xFFFFFED0] =	vst v5  }
0x495: {  	v4 =	vld [tilespmem:s9+$0xFFFFFF80];
	_ =	sdelay $0x2  }
0x496: {  	v5 =	vbroadcast v3, $0x4;
	_ =	sdelay $0x1  }
0x497: {  	v53 =	vmul.f32 v4, v5  }
0x498: {  	[tilespmem:s16+$0xFFFFFF20] =	vst v4  }
0x499: {  	[tilespmem:s16+$0xFFFFFF00] =	vst v53  }
0x49a: {  	v4 =	vld [tilespmem:s9+$0xFFFFFF90];
	_ =	sdelay $0x4  }
0x49b: {  	v5 =	vmul.f32 v4, v5  }
0x49c: {  	[tilespmem:s16+$0xFFFFFF30] =	vst v4  }
0x49d: {  	[tilespmem:s16+$0xFFFFFF10] =	vst v5  }
0x49e: {  	v4 =	vld [tilespmem:s9+$0xFFFFFFA0];
	_ =	sdelay $0x2  }
0x49f: {  	v5 =	vbroadcast v3, $0x5;
	_ =	sdelay $0x1  }
0x4a0: {  	v54 =	vmul.f32 v4, v5  }
0x4a1: {  	[tilespmem:s16+$0xFFFFFF60] =	vst v4  }
0x4a2: {  	[tilespmem:s16+$0xFFFFFF40] =	vst v54  }
0x4a3: {  	v4 =	vld [tilespmem:s9+$0xFFFFFFB0];
	_ =	sdelay $0x4  }
0x4a4: {  	v5 =	vmul.f32 v4, v5  }
0x4a5: {  	[tilespmem:s16+$0xFFFFFF70] =	vst v4  }
0x4a6: {  	[tilespmem:s16+$0xFFFFFF50] =	vst v5  }
0x4a7: {  	v4 =	vld [tilespmem:s9+$0xFFFFFFC0];
	_ =	sdelay $0x2  }
0x4a8: {  	v5 =	vbroadcast v3, $0x6;
	_ =	sdelay $0x1  }
0x4a9: {  	v55 =	vmul.f32 v4, v5  }
0x4aa: {  	[tilespmem:s16+$0xFFFFFFA0] =	vst v4  }
0x4ab: {  	[tilespmem:s16+$0xFFFFFF80] =	vst v55  }
0x4ac: {  	v4 =	vld [tilespmem:s9+$0xFFFFFFD0];
	_ =	sdelay $0x4  }
0x4ad: {  	v5 =	vmul.f32 v4, v5  }
0x4ae: {  	[tilespmem:s16+$0xFFFFFFB0] =	vst v4  }
0x4af: {  	[tilespmem:s16+$0xFFFFFF90] =	vst v5  }
0x4b0: {  	v4 =	vld [tilespmem:s9+$0xFFFFFFE0];
	_ =	sdelay $0x2  }
0x4b1: {  	v5 =	vbroadcast v3, $0x7;
	_ =	sdelay $0x1  }
0x4b2: {  	v56 =	vmul.f32 v4, v5  }
0x4b3: {  	[tilespmem:s16+$0xFFFFFFE0] =	vst v4  }
0x4b4: {  	[tilespmem:s16+$0xFFFFFFC0] =	vst v56  }
0x4b5: {  	v4 =	vld [tilespmem:s9+$0xFFFFFFF0];
	_ =	sdelay $0x4  }
0x4b6: {  	v5 =	vmul.f32 v4, v5  }
0x4b7: {  	[tilespmem:s16+$0xFFFFFFF0] =	vst v4  }
0x4b8: {  	[tilespmem:s16+$0xFFFFFFD0] =	vst v5  }
0x4b9: {  	v4 =	vld [tilespmem:s9+$0x0];
	_ =	sdelay $0x2  }
0x4ba: {  	v5 =	vbroadcast v3, $0x8;
	_ =	sdelay $0x1  }
0x4bb: {  	v57 =	vmul.f32 v4, v5  }
0x4bc: {  	[tilespmem:s16+$0x20] =	vst v4  }
0x4bd: {  	[tilespmem:s16+$0x0] =	vst v57  }
0x4be: {  	v4 =	vld [tilespmem:s9+$0x10];
	_ =	sdelay $0x4  }
0x4bf: {  	v5 =	vmul.f32 v4, v5  }
0x4c0: {  	[tilespmem:s16+$0x30] =	vst v4  }
0x4c1: {  	[tilespmem:s16+$0x10] =	vst v5  }
0x4c2: {  	v4 =	vld [tilespmem:s9+$0x20];
	_ =	sdelay $0x2  }
0x4c3: {  	v5 =	vbroadcast v3, $0x9;
	_ =	sdelay $0x1  }
0x4c4: {  	v58 =	vmul.f32 v4, v5  }
0x4c5: {  	[tilespmem:s16+$0x60] =	vst v4  }
0x4c6: {  	[tilespmem:s16+$0x40] =	vst v58  }
0x4c7: {  	v4 =	vld [tilespmem:s9+$0x30];
	_ =	sdelay $0x4  }
0x4c8: {  	v5 =	vmul.f32 v4, v5  }
0x4c9: {  	[tilespmem:s16+$0x70] =	vst v4  }
0x4ca: {  	[tilespmem:s16+$0x50] =	vst v5  }
0x4cb: {  	v4 =	vld [tilespmem:s9+$0x40];
	_ =	sdelay $0x2  }
0x4cc: {  	v5 =	vbroadcast v3, $0xA;
	_ =	sdelay $0x1  }
0x4cd: {  	v59 =	vmul.f32 v4, v5  }
0x4ce: {  	[tilespmem:s16+$0xA0] =	vst v4  }
0x4cf: {  	[tilespmem:s16+$0x80] =	vst v59  }
0x4d0: {  	v4 =	vld [tilespmem:s9+$0x50];
	_ =	sdelay $0x4  }
0x4d1: {  	v5 =	vmul.f32 v4, v5  }
0x4d2: {  	[tilespmem:s16+$0xB0] =	vst v4  }
0x4d3: {  	[tilespmem:s16+$0x90] =	vst v5  }
0x4d4: {  	v4 =	vld [tilespmem:s9+$0x60];
	_ =	sdelay $0x2  }
0x4d5: {  	v5 =	vbroadcast v3, $0xB;
	_ =	sdelay $0x1  }
0x4d6: {  	v60 =	vmul.f32 v4, v5  }
0x4d7: {  	[tilespmem:s16+$0xE0] =	vst v4  }
0x4d8: {  	[tilespmem:s16+$0xC0] =	vst v60  }
0x4d9: {  	v4 =	vld [tilespmem:s9+$0x70];
	_ =	sdelay $0x4  }
0x4da: {  	v5 =	vmul.f32 v4, v5  }
0x4db: {  	[tilespmem:s16+$0xF0] =	vst v4  }
0x4dc: {  	[tilespmem:s16+$0xD0] =	vst v5  }
0x4dd: {  	v4 =	vld [tilespmem:s9+$0x80];
	_ =	sdelay $0x2  }
0x4de: {  	v5 =	vbroadcast v3, $0xC;
	_ =	sdelay $0x1  }
0x4df: {  	v61 =	vmul.f32 v4, v5  }
0x4e0: {  	[tilespmem:s16+$0x120] =	vst v4  }
0x4e1: {  	[tilespmem:s16+$0x100] =	vst v61  }
0x4e2: {  	v4 =	vld [tilespmem:s9+$0x90];
	_ =	sdelay $0x4  }
0x4e3: {  	v5 =	vmul.f32 v4, v5  }
0x4e4: {  	[tilespmem:s16+$0x130] =	vst v4  }
0x4e5: {  	[tilespmem:s16+$0x110] =	vst v5  }
0x4e6: {  	v4 =	vld [tilespmem:s9+$0xA0];
	_ =	sdelay $0x2  }
0x4e7: {  	v5 =	vbroadcast v3, $0xD;
	_ =	sdelay $0x1  }
0x4e8: {  	v62 =	vmul.f32 v4, v5  }
0x4e9: {  	[tilespmem:s16+$0x160] =	vst v4  }
0x4ea: {  	[tilespmem:s16+$0x140] =	vst v62  }
0x4eb: {  	v4 =	vld [tilespmem:s9+$0xB0];
	_ =	sdelay $0x4  }
0x4ec: {  	v5 =	vmul.f32 v4, v5  }
0x4ed: {  	[tilespmem:s16+$0x170] =	vst v4  }
0x4ee: {  	[tilespmem:s16+$0x150] =	vst v5  }
0x4ef: {  	v4 =	vld [tilespmem:s9+$0xC0];
	_ =	sdelay $0x2  }
0x4f0: {  	v5 =	vbroadcast v3, $0xE;
	_ =	sdelay $0x1  }
0x4f1: {  	v63 =	vmul.f32 v4, v5  }
0x4f2: {  	[tilespmem:s16+$0x1A0] =	vst v4  }
0x4f3: {  	[tilespmem:s16+$0x180] =	vst v63  }
0x4f4: {  	v4 =	vld [tilespmem:s9+$0xD0];
	_ =	sdelay $0x4  }
0x4f5: {  	v5 =	vmul.f32 v4, v5  }
0x4f6: {  	[tilespmem:s16+$0x1B0] =	vst v4  }
0x4f7: {  	[tilespmem:s16+$0x190] =	vst v5  }
0x4f8: {  	v4 =	vld [tilespmem:s9+$0xE0];
	_ =	sdelay $0x2  }
0x4f9: {  	v3 =	vbroadcast v3, $0xF;
	_ =	sdelay $0x1  }
0x4fa: {  	v5 =	vmul.f32 v4, v3  }
0x4fb: {  	[tilespmem:s16+$0x1E0] =	vst v4  }
0x4fc: {  	[tilespmem:s16+$0x1C0] =	vst v5  }
0x4fd: {  	v4 =	vld [tilespmem:s9+$0xF0];
	_ =	sdelay $0x4  }
0x4fe: {  	s17 =	simm.s32 $0x40;
	s18 =	simm.s32 $0x80;
	s10 =	simm.s32 $0x8C80;
	v3 =	vmul.f32 v4, v3;
	[tilespmem:s16+$0x1F0] =	vst v4  }
.LBB2_15:
0x4ff: {  	s19 =	sshra.s32 s17, $0x2;
	s9 =	sadd.s32 $0x200, s9  }
0x500: {  	[tilespmem:s16+$0x1D0] =	vst v3;
	s17 =	smov.u32 s18;
	s22 =	sadd.s32 $0x40, s18;
	s16 =	smov.u32 s10  }
0x501: {  	p0 =	sne.s32 s18, $0x1C0;
	v3 =	vld.idx.msk [tilespmem:v2+s19+$0x0 ss:$0x1], $0xffff;
	_ =	sdelay $0x2  }
0x502: {  	v4 =	vld [tilespmem:s9+$0xFFFFFF00];
	_ =	sdelay $0x2  }
0x503: {  	v5 =	vbroadcast v3, $0x0;
	_ =	sdelay $0x1  }
0x504: {  	v6 =	vmul.f32 v5, v4  }
0x505: {  	[tilespmem:s10+$0xFFFFFE20] =	vst v4  }
0x506: {  	[tilespmem:s10+$0xFFFFFE00] =	vst v6  }
0x507: {  	v4 =	vld [tilespmem:s9+$0xFFFFFF10];
	_ =	sdelay $0x4  }
0x508: {  	v5 =	vmul.f32 v4, v5  }
0x509: {  	[tilespmem:s10+$0xFFFFFE30] =	vst v4  }
0x50a: {  	[tilespmem:s10+$0xFFFFFE10] =	vst v5  }
0x50b: {  	v4 =	vld [tilespmem:s9+$0xFFFFFF20];
	_ =	sdelay $0x2  }
0x50c: {  	v5 =	vbroadcast v3, $0x1;
	_ =	sdelay $0x1  }
0x50d: {  	v6 =	vmul.f32 v4, v5  }
0x50e: {  	[tilespmem:s10+$0xFFFFFE60] =	vst v4  }
0x50f: {  	[tilespmem:s10+$0xFFFFFE40] =	vst v6  }
0x510: {  	v4 =	vld [tilespmem:s9+$0xFFFFFF30];
	_ =	sdelay $0x4  }
0x511: {  	v5 =	vmul.f32 v4, v5  }
0x512: {  	[tilespmem:s10+$0xFFFFFE70] =	vst v4  }
0x513: {  	[tilespmem:s10+$0xFFFFFE50] =	vst v5  }
0x514: {  	v4 =	vld [tilespmem:s9+$0xFFFFFF40];
	_ =	sdelay $0x2  }
0x515: {  	v5 =	vbroadcast v3, $0x2;
	_ =	sdelay $0x1  }
0x516: {  	v6 =	vmul.f32 v4, v5  }
0x517: {  	[tilespmem:s10+$0xFFFFFEA0] =	vst v4  }
0x518: {  	[tilespmem:s10+$0xFFFFFE80] =	vst v6  }
0x519: {  	v4 =	vld [tilespmem:s9+$0xFFFFFF50];
	_ =	sdelay $0x4  }
0x51a: {  	v5 =	vmul.f32 v4, v5  }
0x51b: {  	[tilespmem:s10+$0xFFFFFEB0] =	vst v4  }
0x51c: {  	[tilespmem:s10+$0xFFFFFE90] =	vst v5  }
0x51d: {  	v4 =	vld [tilespmem:s9+$0xFFFFFF60];
	_ =	sdelay $0x2  }
0x51e: {  	v5 =	vbroadcast v3, $0x3;
	_ =	sdelay $0x1  }
0x51f: {  	v6 =	vmul.f32 v4, v5  }
0x520: {  	[tilespmem:s10+$0xFFFFFEE0] =	vst v4  }
0x521: {  	[tilespmem:s10+$0xFFFFFEC0] =	vst v6  }
0x522: {  	v4 =	vld [tilespmem:s9+$0xFFFFFF70];
	_ =	sdelay $0x4  }
0x523: {  	v5 =	vmul.f32 v4, v5  }
0x524: {  	[tilespmem:s10+$0xFFFFFEF0] =	vst v4  }
0x525: {  	[tilespmem:s10+$0xFFFFFED0] =	vst v5  }
0x526: {  	v4 =	vld [tilespmem:s9+$0xFFFFFF80];
	_ =	sdelay $0x2  }
0x527: {  	v5 =	vbroadcast v3, $0x4;
	_ =	sdelay $0x1  }
0x528: {  	v6 =	vmul.f32 v4, v5  }
0x529: {  	[tilespmem:s10+$0xFFFFFF20] =	vst v4  }
0x52a: {  	[tilespmem:s10+$0xFFFFFF00] =	vst v6  }
0x52b: {  	v4 =	vld [tilespmem:s9+$0xFFFFFF90];
	_ =	sdelay $0x4  }
0x52c: {  	v5 =	vmul.f32 v4, v5  }
0x52d: {  	[tilespmem:s10+$0xFFFFFF30] =	vst v4  }
0x52e: {  	[tilespmem:s10+$0xFFFFFF10] =	vst v5  }
0x52f: {  	v4 =	vld [tilespmem:s9+$0xFFFFFFA0];
	_ =	sdelay $0x2  }
0x530: {  	v5 =	vbroadcast v3, $0x5;
	_ =	sdelay $0x1  }
0x531: {  	v6 =	vmul.f32 v4, v5  }
0x532: {  	[tilespmem:s10+$0xFFFFFF60] =	vst v4  }
0x533: {  	[tilespmem:s10+$0xFFFFFF40] =	vst v6  }
0x534: {  	v4 =	vld [tilespmem:s9+$0xFFFFFFB0];
	_ =	sdelay $0x4  }
0x535: {  	v5 =	vmul.f32 v4, v5  }
0x536: {  	[tilespmem:s10+$0xFFFFFF70] =	vst v4  }
0x537: {  	[tilespmem:s10+$0xFFFFFF50] =	vst v5  }
0x538: {  	v4 =	vld [tilespmem:s9+$0xFFFFFFC0];
	_ =	sdelay $0x2  }
0x539: {  	v5 =	vbroadcast v3, $0x6;
	_ =	sdelay $0x1  }
0x53a: {  	v6 =	vmul.f32 v4, v5  }
0x53b: {  	[tilespmem:s10+$0xFFFFFFA0] =	vst v4  }
0x53c: {  	[tilespmem:s10+$0xFFFFFF80] =	vst v6  }
0x53d: {  	v4 =	vld [tilespmem:s9+$0xFFFFFFD0];
	_ =	sdelay $0x4  }
0x53e: {  	v5 =	vmul.f32 v4, v5  }
0x53f: {  	[tilespmem:s10+$0xFFFFFFB0] =	vst v4  }
0x540: {  	[tilespmem:s10+$0xFFFFFF90] =	vst v5  }
0x541: {  	v4 =	vld [tilespmem:s9+$0xFFFFFFE0];
	_ =	sdelay $0x2  }
0x542: {  	v5 =	vbroadcast v3, $0x7;
	_ =	sdelay $0x1  }
0x543: {  	v6 =	vmul.f32 v4, v5  }
0x544: {  	[tilespmem:s10+$0xFFFFFFE0] =	vst v4  }
0x545: {  	[tilespmem:s10+$0xFFFFFFC0] =	vst v6  }
0x546: {  	v4 =	vld [tilespmem:s9+$0xFFFFFFF0];
	_ =	sdelay $0x4  }
0x547: {  	v5 =	vmul.f32 v4, v5;
	[tilespmem:s10+$0xFFFFFFF0] =	vst v4;
	_ =	sdelay $0x1  }
0x548: {  	[tilespmem:s10+$0xFFFFFFD0] =	vst v5  }
0x549: {  	v4 =	vld [tilespmem:s9+$0x0];
	_ =	sdelay $0x2  }
0x54a: {  	v5 =	vbroadcast v3, $0x8;
	_ =	sdelay $0x1  }
0x54b: {  	v6 =	vmul.f32 v4, v5;
	[tilespmem:s10+$0x20] =	vst v4;
	_ =	sdelay $0x1  }
0x54c: {  	[tilespmem:s10+$0x0] =	vst v6  }
0x54d: {  	v4 =	vld [tilespmem:s9+$0x10];
	_ =	sdelay $0x4  }
0x54e: {  	v5 =	vmul.f32 v4, v5;
	[tilespmem:s10+$0x30] =	vst v4;
	_ =	sdelay $0x1  }
0x54f: {  	[tilespmem:s10+$0x10] =	vst v5  }
0x550: {  	v4 =	vld [tilespmem:s9+$0x20];
	_ =	sdelay $0x2  }
0x551: {  	v5 =	vbroadcast v3, $0x9;
	_ =	sdelay $0x1  }
0x552: {  	v6 =	vmul.f32 v4, v5;
	[tilespmem:s10+$0x60] =	vst v4;
	_ =	sdelay $0x1  }
0x553: {  	[tilespmem:s10+$0x40] =	vst v6  }
0x554: {  	v4 =	vld [tilespmem:s9+$0x30];
	_ =	sdelay $0x4  }
0x555: {  	v5 =	vmul.f32 v4, v5;
	[tilespmem:s10+$0x70] =	vst v4;
	_ =	sdelay $0x1  }
0x556: {  	[tilespmem:s10+$0x50] =	vst v5  }
0x557: {  	v4 =	vld [tilespmem:s9+$0x40];
	_ =	sdelay $0x2  }
0x558: {  	v5 =	vbroadcast v3, $0xA;
	_ =	sdelay $0x1  }
0x559: {  	v6 =	vmul.f32 v4, v5;
	[tilespmem:s10+$0xA0] =	vst v4;
	_ =	sdelay $0x1  }
0x55a: {  	[tilespmem:s10+$0x80] =	vst v6  }
0x55b: {  	v4 =	vld [tilespmem:s9+$0x50];
	_ =	sdelay $0x4  }
0x55c: {  	v5 =	vmul.f32 v4, v5;
	[tilespmem:s10+$0xB0] =	vst v4;
	_ =	sdelay $0x1  }
0x55d: {  	[tilespmem:s10+$0x90] =	vst v5  }
0x55e: {  	v4 =	vld [tilespmem:s9+$0x60];
	_ =	sdelay $0x2  }
0x55f: {  	v5 =	vbroadcast v3, $0xB;
	_ =	sdelay $0x1  }
0x560: {  	v6 =	vmul.f32 v4, v5;
	[tilespmem:s10+$0xE0] =	vst v4;
	_ =	sdelay $0x1  }
0x561: {  	[tilespmem:s10+$0xC0] =	vst v6  }
0x562: {  	v4 =	vld [tilespmem:s9+$0x70];
	_ =	sdelay $0x4  }
0x563: {  	v5 =	vmul.f32 v4, v5;
	[tilespmem:s10+$0xF0] =	vst v4;
	_ =	sdelay $0x1  }
0x564: {  	[tilespmem:s10+$0xD0] =	vst v5  }
0x565: {  	v4 =	vld [tilespmem:s9+$0x80];
	_ =	sdelay $0x2  }
0x566: {  	v5 =	vbroadcast v3, $0xC;
	_ =	sdelay $0x1  }
0x567: {  	v6 =	vmul.f32 v4, v5;
	[tilespmem:s10+$0x120] =	vst v4;
	_ =	sdelay $0x1  }
0x568: {  	[tilespmem:s10+$0x100] =	vst v6  }
0x569: {  	v4 =	vld [tilespmem:s9+$0x90];
	_ =	sdelay $0x4  }
0x56a: {  	v5 =	vmul.f32 v4, v5;
	[tilespmem:s10+$0x130] =	vst v4;
	_ =	sdelay $0x1  }
0x56b: {  	[tilespmem:s10+$0x110] =	vst v5  }
0x56c: {  	v4 =	vld [tilespmem:s9+$0xA0];
	_ =	sdelay $0x2  }
0x56d: {  	v5 =	vbroadcast v3, $0xD;
	_ =	sdelay $0x1  }
0x56e: {  	v6 =	vmul.f32 v4, v5;
	[tilespmem:s10+$0x160] =	vst v4;
	_ =	sdelay $0x1  }
0x56f: {  	[tilespmem:s10+$0x140] =	vst v6  }
0x570: {  	v4 =	vld [tilespmem:s9+$0xB0];
	_ =	sdelay $0x4  }
0x571: {  	v5 =	vmul.f32 v4, v5;
	[tilespmem:s10+$0x170] =	vst v4;
	_ =	sdelay $0x1  }
0x572: {  	[tilespmem:s10+$0x150] =	vst v5  }
0x573: {  	v4 =	vld [tilespmem:s9+$0xC0];
	_ =	sdelay $0x2  }
0x574: {  	v5 =	vbroadcast v3, $0xE;
	_ =	sdelay $0x1  }
0x575: {  	v6 =	vmul.f32 v4, v5;
	[tilespmem:s10+$0x1A0] =	vst v4;
	_ =	sdelay $0x1  }
0x576: {  	[tilespmem:s10+$0x180] =	vst v6  }
0x577: {  	v4 =	vld [tilespmem:s9+$0xD0];
	_ =	sdelay $0x4  }
0x578: {  	v5 =	vmul.f32 v4, v5;
	[tilespmem:s10+$0x1B0] =	vst v4;
	_ =	sdelay $0x1  }
0x579: {  	[tilespmem:s10+$0x190] =	vst v5  }
0x57a: {  	v4 =	vld [tilespmem:s9+$0xE0];
	_ =	sdelay $0x2  }
0x57b: {  	v3 =	vbroadcast v3, $0xF;
	_ =	sdelay $0x1  }
0x57c: {  	v5 =	vmul.f32 v4, v3;
	[tilespmem:s10+$0x1E0] =	vst v4;
	_ =	sdelay $0x1  }
0x57d: {  	[tilespmem:s10+$0x1C0] =	vst v5  }
0x57e: {  	v4 =	vld [tilespmem:s9+$0xF0];
	_ =	sdelay $0x1  }
.Ltmp6:
0x57f: {  	(pc) =	sbr.rel @p0 .LBB2_15-.Ltmp6, $3  }
0x580: {  	_ =	sdelay $0x1  }
0x581: {  	v3 =	vmul.f32 v4, v3;
	[tilespmem:s10+$0x1F0] =	vst v4  }
0x582: {  	s18 =	smov.u32 s22;
	s10 =	sadd.s32 $0x400, s10  }
0x583: {  	_ =	sdelay $0x2  }
0x584: {  	s17 =	sshra.s32 s17, $0x2;
	[tilespmem:s16+$0x1D0] =	vst v3  }
0x585: {  	v2 =	vld.idx.msk [tilespmem:v2+s17+$0x0 ss:$0x1], $0xffff  }
0x586: {  	s9 =	sadd.s32 $0x200, s9  }
0x587: {  	v3 =	vld [tilespmem:s9+$0xFFFFFF00];
	_ =	sdelay $0x2  }
0x588: {  	v4 =	vbroadcast v2, $0x0;
	_ =	sdelay $0x1  }
0x589: {  	v5 =	vmul.f32 v4, v3  }
0x58a: {  	[tilespmem:s10+$0xFFFFFE20] =	vst v3  }
0x58b: {  	[tilespmem:s10+$0xFFFFFE00] =	vst v5  }
0x58c: {  	v3 =	vld [tilespmem:s9+$0xFFFFFF10];
	_ =	sdelay $0x4  }
0x58d: {  	v4 =	vmul.f32 v3, v4  }
0x58e: {  	[tilespmem:s10+$0xFFFFFE30] =	vst v3  }
0x58f: {  	[tilespmem:s10+$0xFFFFFE10] =	vst v4  }
0x590: {  	v3 =	vld [tilespmem:s9+$0xFFFFFF20];
	_ =	sdelay $0x2  }
0x591: {  	v35 =	vbroadcast v2, $0x1;
	_ =	sdelay $0x1  }
0x592: {  	v36 =	vmul.f32 v3, v35  }
0x593: {  	[tilespmem:s10+$0xFFFFFE60] =	vst v3  }
0x594: {  	[tilespmem:s10+$0xFFFFFE40] =	vst v36  }
0x595: {  	v3 =	vld [tilespmem:s9+$0xFFFFFF30];
	_ =	sdelay $0x4  }
0x596: {  	v4 =	vmul.f32 v3, v35  }
0x597: {  	[tilespmem:s10+$0xFFFFFE70] =	vst v3  }
0x598: {  	[tilespmem:s10+$0xFFFFFE50] =	vst v4  }
0x599: {  	v3 =	vld [tilespmem:s9+$0xFFFFFF40];
	_ =	sdelay $0x2  }
0x59a: {  	v37 =	vbroadcast v2, $0x2;
	_ =	sdelay $0x1  }
0x59b: {  	v38 =	vmul.f32 v3, v37  }
0x59c: {  	[tilespmem:s10+$0xFFFFFEA0] =	vst v3  }
0x59d: {  	[tilespmem:s10+$0xFFFFFE80] =	vst v38  }
0x59e: {  	v3 =	vld [tilespmem:s9+$0xFFFFFF50];
	_ =	sdelay $0x4  }
0x59f: {  	v4 =	vmul.f32 v3, v37  }
0x5a0: {  	[tilespmem:s10+$0xFFFFFEB0] =	vst v3  }
0x5a1: {  	[tilespmem:s10+$0xFFFFFE90] =	vst v4  }
0x5a2: {  	v3 =	vld [tilespmem:s9+$0xFFFFFF60];
	_ =	sdelay $0x2  }
0x5a3: {  	v39 =	vbroadcast v2, $0x3;
	_ =	sdelay $0x1  }
0x5a4: {  	v40 =	vmul.f32 v3, v39  }
0x5a5: {  	[tilespmem:s10+$0xFFFFFEE0] =	vst v3  }
0x5a6: {  	[tilespmem:s10+$0xFFFFFEC0] =	vst v40  }
0x5a7: {  	v3 =	vld [tilespmem:s9+$0xFFFFFF70];
	_ =	sdelay $0x4  }
0x5a8: {  	v4 =	vmul.f32 v3, v39  }
0x5a9: {  	[tilespmem:s10+$0xFFFFFEF0] =	vst v3  }
0x5aa: {  	[tilespmem:s10+$0xFFFFFED0] =	vst v4  }
0x5ab: {  	v3 =	vld [tilespmem:s9+$0xFFFFFF80];
	_ =	sdelay $0x2  }
0x5ac: {  	v41 =	vbroadcast v2, $0x4;
	_ =	sdelay $0x1  }
0x5ad: {  	v42 =	vmul.f32 v3, v41  }
0x5ae: {  	[tilespmem:s10+$0xFFFFFF20] =	vst v3  }
0x5af: {  	[tilespmem:s10+$0xFFFFFF00] =	vst v42  }
0x5b0: {  	v3 =	vld [tilespmem:s9+$0xFFFFFF90];
	_ =	sdelay $0x4  }
0x5b1: {  	v4 =	vmul.f32 v3, v41  }
0x5b2: {  	[tilespmem:s10+$0xFFFFFF30] =	vst v3  }
0x5b3: {  	[tilespmem:s10+$0xFFFFFF10] =	vst v4  }
0x5b4: {  	v3 =	vld [tilespmem:s9+$0xFFFFFFA0];
	_ =	sdelay $0x2  }
0x5b5: {  	v43 =	vbroadcast v2, $0x5;
	_ =	sdelay $0x1  }
0x5b6: {  	v44 =	vmul.f32 v3, v43  }
0x5b7: {  	[tilespmem:s10+$0xFFFFFF60] =	vst v3  }
0x5b8: {  	[tilespmem:s10+$0xFFFFFF40] =	vst v44  }
0x5b9: {  	v3 =	vld [tilespmem:s9+$0xFFFFFFB0];
	_ =	sdelay $0x4  }
0x5ba: {  	v4 =	vmul.f32 v3, v43  }
0x5bb: {  	[tilespmem:s10+$0xFFFFFF70] =	vst v3  }
0x5bc: {  	[tilespmem:s10+$0xFFFFFF50] =	vst v4  }
0x5bd: {  	v3 =	vld [tilespmem:s9+$0xFFFFFFC0];
	_ =	sdelay $0x2  }
0x5be: {  	v45 =	vbroadcast v2, $0x6;
	_ =	sdelay $0x1  }
0x5bf: {  	v46 =	vmul.f32 v3, v45  }
0x5c0: {  	[tilespmem:s10+$0xFFFFFFA0] =	vst v3  }
0x5c1: {  	[tilespmem:s10+$0xFFFFFF80] =	vst v46  }
0x5c2: {  	v3 =	vld [tilespmem:s9+$0xFFFFFFD0];
	_ =	sdelay $0x4  }
0x5c3: {  	v4 =	vmul.f32 v3, v45  }
0x5c4: {  	[tilespmem:s10+$0xFFFFFFB0] =	vst v3  }
0x5c5: {  	[tilespmem:s10+$0xFFFFFF90] =	vst v4  }
0x5c6: {  	v3 =	vld [tilespmem:s9+$0xFFFFFFE0];
	_ =	sdelay $0x2  }
0x5c7: {  	v47 =	vbroadcast v2, $0x7;
	_ =	sdelay $0x1  }
0x5c8: {  	v48 =	vmul.f32 v3, v47  }
0x5c9: {  	[tilespmem:s10+$0xFFFFFFE0] =	vst v3  }
0x5ca: {  	[tilespmem:s10+$0xFFFFFFC0] =	vst v48  }
0x5cb: {  	v3 =	vld [tilespmem:s9+$0xFFFFFFF0];
	_ =	sdelay $0x4  }
0x5cc: {  	v4 =	vmul.f32 v3, v47  }
0x5cd: {  	[tilespmem:s10+$0xFFFFFFF0] =	vst v3  }
0x5ce: {  	[tilespmem:s10+$0xFFFFFFD0] =	vst v4  }
0x5cf: {  	v3 =	vld [tilespmem:s9+$0x0];
	_ =	sdelay $0x2  }
0x5d0: {  	v49 =	vbroadcast v2, $0x8;
	_ =	sdelay $0x1  }
0x5d1: {  	v50 =	vmul.f32 v3, v49  }
0x5d2: {  	[tilespmem:s10+$0x20] =	vst v3  }
0x5d3: {  	[tilespmem:s10+$0x0] =	vst v50  }
0x5d4: {  	v3 =	vld [tilespmem:s9+$0x10];
	_ =	sdelay $0x4  }
0x5d5: {  	v4 =	vmul.f32 v3, v49  }
0x5d6: {  	[tilespmem:s10+$0x30] =	vst v3  }
0x5d7: {  	[tilespmem:s10+$0x10] =	vst v4  }
0x5d8: {  	v3 =	vld [tilespmem:s9+$0x20];
	_ =	sdelay $0x2  }
0x5d9: {  	v51 =	vbroadcast v2, $0x9;
	_ =	sdelay $0x1  }
0x5da: {  	v52 =	vmul.f32 v3, v51  }
0x5db: {  	[tilespmem:s10+$0x60] =	vst v3  }
0x5dc: {  	[tilespmem:s10+$0x40] =	vst v52  }
0x5dd: {  	v3 =	vld [tilespmem:s9+$0x30];
	_ =	sdelay $0x4  }
0x5de: {  	v4 =	vmul.f32 v3, v51  }
0x5df: {  	[tilespmem:s10+$0x70] =	vst v3  }
0x5e0: {  	[tilespmem:s10+$0x50] =	vst v4  }
0x5e1: {  	v3 =	vld [tilespmem:s9+$0x40];
	_ =	sdelay $0x2  }
0x5e2: {  	v53 =	vbroadcast v2, $0xA;
	_ =	sdelay $0x1  }
0x5e3: {  	v54 =	vmul.f32 v3, v53  }
0x5e4: {  	[tilespmem:s10+$0xA0] =	vst v3  }
0x5e5: {  	[tilespmem:s10+$0x80] =	vst v54  }
0x5e6: {  	v3 =	vld [tilespmem:s9+$0x50];
	_ =	sdelay $0x4  }
0x5e7: {  	v4 =	vmul.f32 v3, v53  }
0x5e8: {  	[tilespmem:s10+$0xB0] =	vst v3  }
0x5e9: {  	[tilespmem:s10+$0x90] =	vst v4  }
0x5ea: {  	v3 =	vld [tilespmem:s9+$0x60];
	_ =	sdelay $0x2  }
0x5eb: {  	v55 =	vbroadcast v2, $0xB;
	_ =	sdelay $0x1  }
0x5ec: {  	v56 =	vmul.f32 v3, v55  }
0x5ed: {  	[tilespmem:s10+$0xE0] =	vst v3  }
0x5ee: {  	[tilespmem:s10+$0xC0] =	vst v56  }
0x5ef: {  	v3 =	vld [tilespmem:s9+$0x70];
	_ =	sdelay $0x4  }
0x5f0: {  	v4 =	vmul.f32 v3, v55  }
0x5f1: {  	[tilespmem:s10+$0xF0] =	vst v3  }
0x5f2: {  	[tilespmem:s10+$0xD0] =	vst v4  }
0x5f3: {  	v3 =	vld [tilespmem:s9+$0x80];
	_ =	sdelay $0x2  }
0x5f4: {  	v57 =	vbroadcast v2, $0xC;
	_ =	sdelay $0x1  }
0x5f5: {  	v58 =	vmul.f32 v3, v57  }
0x5f6: {  	[tilespmem:s10+$0x120] =	vst v3  }
0x5f7: {  	[tilespmem:s10+$0x100] =	vst v58  }
0x5f8: {  	v3 =	vld [tilespmem:s9+$0x90];
	_ =	sdelay $0x4  }
0x5f9: {  	v4 =	vmul.f32 v3, v57  }
0x5fa: {  	[tilespmem:s10+$0x130] =	vst v3  }
0x5fb: {  	[tilespmem:s10+$0x110] =	vst v4  }
0x5fc: {  	v3 =	vld [tilespmem:s9+$0xA0];
	_ =	sdelay $0x2  }
0x5fd: {  	v59 =	vbroadcast v2, $0xD;
	_ =	sdelay $0x1  }
0x5fe: {  	v60 =	vmul.f32 v3, v59  }
0x5ff: {  	[tilespmem:s10+$0x160] =	vst v3  }
0x600: {  	[tilespmem:s10+$0x140] =	vst v60  }
0x601: {  	v3 =	vld [tilespmem:s9+$0xB0];
	_ =	sdelay $0x4  }
0x602: {  	v4 =	vmul.f32 v3, v59  }
0x603: {  	[tilespmem:s10+$0x170] =	vst v3  }
0x604: {  	[tilespmem:s10+$0x150] =	vst v4  }
0x605: {  	v3 =	vld [tilespmem:s9+$0xC0];
	_ =	sdelay $0x2  }
0x606: {  	v61 =	vbroadcast v2, $0xE;
	_ =	sdelay $0x1  }
0x607: {  	v62 =	vmul.f32 v3, v61  }
0x608: {  	[tilespmem:s10+$0x1A0] =	vst v3  }
0x609: {  	[tilespmem:s10+$0x180] =	vst v62  }
0x60a: {  	v3 =	vld [tilespmem:s9+$0xD0];
	_ =	sdelay $0x4  }
0x60b: {  	v4 =	vmul.f32 v3, v61  }
0x60c: {  	[tilespmem:s10+$0x1B0] =	vst v3  }
0x60d: {  	[tilespmem:s10+$0x190] =	vst v4  }
0x60e: {  	v3 =	vld [tilespmem:s9+$0xE0];
	_ =	sdelay $0x2  }
0x60f: {  	v2 =	vbroadcast v2, $0xF;
	_ =	sdelay $0x1  }
0x610: {  	v63 =	vmul.f32 v3, v2  }
0x611: {  	[tilespmem:s10+$0x1E0] =	vst v3  }
0x612: {  	[tilespmem:s10+$0x1C0] =	vst v63  }
0x613: {  	v3 =	vld [tilespmem:s9+$0xF0];
	_ =	sdelay $0x4  }
0x614: {  	s0 =	sadd.s32 $0x1, s0;
	v2 =	vmul.f32 v3, v2  }
0x615: {  	p0 =	sne.s32 s0, $0x4F;
	[tilespmem:s10+$0x1F0] =	vst v3  }
.Ltmp7:
0x616: {  	s8 =	sadd.s32 $0x2780, s8;
	[tilespmem:s10+$0x1D0] =	vst v2;
	(pc) =	sbr.rel @p0 .LBB2_14-.Ltmp7, $4  }
0x617: {  	[spmem:s2] =	stream.indirect.scatter.add.f32 [tilespmem:s30], [sflag:$0x2], $0x40, s8, s25, $0xb8;
	[tilespmem:$0x18E80] =	vst v63  }
0x618: {  	_ =	swait.ge [sflag:s23], $0x2000  }
0x619: {  	[sflag:s23] =	ssyncset.done $0x0  }
0x61a: {  	s1 =	sadd.s32 $0x80, s1;
	[sflag:s23] =	ssyncadd.s32 $0xFFFFE000  }
0x61b: {  	[bflag:$0x0] =	sbarrier.arrive $0xFFFF  }
0x61c: {  	[tilespmem:s30], [sflag:$0x2] =	stream.linear.gather [spmem:s11], $0x2000, $0x38;
	[tilespmem:$0x18E80] =	vst v63  }
0x61d: {  	_ =	swait.ge [sflag:s23], $0x2000  }
0x61e: {  	[sflag:s23] =	ssyncset.done $0x0  }
0x61f: {  	s0 =	simm.s32 $0x0;
	s1 =	rddreg [dreg:$0x11];
	[sflag:s23] =	ssyncadd.s32 $0xFFFFE000  }
0x620: {  	[hbm4b:s1+s0] =	stream.linear.scatter [tilespmem:s30], [sflag:$0x2], $0x2000, $0x38;
	[tilespmem:$0x18E80] =	vst v63  }
0x621: {  	_ =	swait.ge [sflag:s23], $0x2000  }
0x622: {  	[sflag:s23] =	ssyncset.done $0x0  }
0x623: {  	[sflag:s23] =	ssyncadd.s32 $0xFFFFE000  }
0x624: {  	[tilespmem:s30], [sflag:$0x2] =	stream.linear.gather [spmem:s12], $0x2000, $0x38;
	[tilespmem:$0x18E80] =	vst v63  }
0x625: {  	_ =	swait.ge [sflag:s23], $0x2000  }
0x626: {  	[sflag:s23] =	ssyncset.done $0x0  }
0x627: {  	s17 =	rddreg [dreg:$0x12];
	[sflag:s23] =	ssyncadd.s32 $0xFFFFE000  }
0x628: {  	[hbm4b:s17+s0] =	stream.linear.scatter [tilespmem:s30], [sflag:$0x2], $0x2000, $0x38;
	[tilespmem:$0x18E80] =	vst v63  }
0x629: {  	_ =	swait.ge [sflag:s23], $0x2000  }
0x62a: {  	[sflag:s23] =	ssyncset.done $0x0  }
0x62b: {  	[sflag:s23] =	ssyncadd.s32 $0xFFFFE000  }
0x62c: {  	[tilespmem:s30], [sflag:$0x2] =	stream.linear.gather [spmem:s13], $0x2000, $0x38;
	[tilespmem:$0x18E80] =	vst v63  }
0x62d: {  	_ =	swait.ge [sflag:s23], $0x2000  }
0x62e: {  	[sflag:s23] =	ssyncset.done $0x0  }
0x62f: {  	s18 =	rddreg [dreg:$0x13];
	[sflag:s23] =	ssyncadd.s32 $0xFFFFE000  }
0x630: {  	[hbm4b:s18+s0] =	stream.linear.scatter [tilespmem:s30], [sflag:$0x2], $0x2000, $0x38;
	[tilespmem:$0x18E80] =	vst v63  }
0x631: {  	_ =	swait.ge [sflag:s23], $0x2000  }
0x632: {  	[sflag:s23] =	ssyncset.done $0x0  }
0x633: {  	[sflag:s23] =	ssyncadd.s32 $0xFFFFE000  }
0x634: {  	[tilespmem:s30], [sflag:$0x2] =	stream.linear.gather [spmem:s14], $0x2000, $0x38;
	[tilespmem:$0x18E80] =	vst v63  }
0x635: {  	_ =	swait.ge [sflag:s23], $0x2000  }
0x636: {  	[sflag:s23] =	ssyncset.done $0x0  }
0x637: {  	s19 =	rddreg [dreg:$0x14];
	[sflag:s23] =	ssyncadd.s32 $0xFFFFE000  }
0x638: {  	[hbm4b:s19+s0] =	stream.linear.scatter [tilespmem:s30], [sflag:$0x2], $0x2000, $0x38;
	[tilespmem:$0x18E80] =	vst v63  }
0x639: {  	_ =	swait.ge [sflag:s23], $0x2000  }
0x63a: {  	[sflag:s23] =	ssyncset.done $0x0  }
0x63b: {  	[sflag:s23] =	ssyncadd.s32 $0xFFFFE000  }
0x63c: {  	[tilespmem:s30], [sflag:$0x2] =	stream.linear.gather [spmem:s15], $0x2000, $0x38;
	[tilespmem:$0x18E80] =	vst v63  }
0x63d: {  	_ =	swait.ge [sflag:s23], $0x2000  }
0x63e: {  	[sflag:s23] =	ssyncset.done $0x0  }
0x63f: {  	s22 =	rddreg [dreg:$0x15];
	[sflag:s23] =	ssyncadd.s32 $0xFFFFE000  }
0x640: {  	[hbm4b:s22+s0] =	stream.linear.scatter [tilespmem:s30], [sflag:$0x2], $0x2000, $0x38;
	[tilespmem:$0x18E80] =	vst v63  }
0x641: {  	_ =	swait.ge [sflag:s23], $0x2000  }
0x642: {  	[sflag:s23] =	ssyncset.done $0x0  }
0x643: {  	[sflag:s23] =	ssyncadd.s32 $0xFFFFE000  }
0x644: {  	[bflag:$0x0] =	sbarrier.arrive $0xFFFF  }
0x645: {  	[spmem:s11] =	stream.linear.scatter [tilespmem:s24], [sflag:$0x2], $0x2000, $0x38;
	[tilespmem:$0x18E80] =	vst v63  }
0x646: {  	_ =	swait.ge [sflag:s23], $0x2000  }
0x647: {  	[sflag:s23] =	ssyncset.done $0x0  }
0x648: {  	[sflag:s23] =	ssyncadd.s32 $0xFFFFE000  }
0x649: {  	[spmem:s12] =	stream.linear.scatter [tilespmem:s24], [sflag:$0x2], $0x2000, $0x38;
	[tilespmem:$0x18E80] =	vst v63  }
0x64a: {  	_ =	swait.ge [sflag:s23], $0x2000  }
0x64b: {  	[sflag:s23] =	ssyncset.done $0x0  }
0x64c: {  	[sflag:s23] =	ssyncadd.s32 $0xFFFFE000  }
0x64d: {  	[spmem:s13] =	stream.linear.scatter [tilespmem:s24], [sflag:$0x2], $0x2000, $0x38;
	[tilespmem:$0x18E80] =	vst v63  }
0x64e: {  	_ =	swait.ge [sflag:s23], $0x2000  }
0x64f: {  	[sflag:s23] =	ssyncset.done $0x0  }
0x650: {  	[sflag:s23] =	ssyncadd.s32 $0xFFFFE000  }
0x651: {  	[spmem:s14] =	stream.linear.scatter [tilespmem:s24], [sflag:$0x2], $0x2000, $0x38;
	[tilespmem:$0x18E80] =	vst v63  }
0x652: {  	_ =	swait.ge [sflag:s23], $0x2000  }
0x653: {  	[sflag:s23] =	ssyncset.done $0x0  }
0x654: {  	[sflag:s23] =	ssyncadd.s32 $0xFFFFE000  }
0x655: {  	[spmem:s15] =	stream.linear.scatter [tilespmem:s24], [sflag:$0x2], $0x2000, $0x38;
	[tilespmem:$0x18E80] =	vst v63  }
0x656: {  	_ =	swait.ge [sflag:s23], $0x2000  }
0x657: {  	[sflag:s23] =	ssyncset.done $0x0  }
0x658: {  	[sflag:s23] =	ssyncadd.s32 $0xFFFFE000  }
0x659: {  	s1 =	simm.s32 $0x4F00;
	[bflag:$0x0] =	sbarrier.arrive $0xFFFF  }
.LBB2_18:
0x65a: {  	s8 =	sshll.u32 s0, $0x7;
	v2 =	vmov s1  }
0x65b: {  	[tilespmem:s26], [sflag:$0x1] =	stream.indirect.gather [hbm4b:s7+s25], $0x20, s8, s25, $0xb8;
	[tilespmem:$0x18E80] =	vst v63  }
0x65c: {  	_ =	swait.ge [sflag:s28], $0x1000  }
0x65d: {  	[sflag:s28] =	ssyncset.done $0x0  }
0x65e: {  	s9 =	simm.s32 $0x0;
	[sflag:s28] =	ssyncadd.s32 $0xFFFFF000  }
0x65f: {  	v3 =	vld.idx.msk [tilespmem:v2+s9+$0x0 ss:$0x1], $0xffff  }
0x660: {  	s9 =	simm.s32 $0x7780  }
0x661: {  	v4 =	vld [tilespmem:s9+$0xFFFFFF00];
	_ =	sdelay $0x2  }
0x662: {  	v5 =	vbroadcast v3, $0x0;
	_ =	sdelay $0x1  }
0x663: {  	s16 =	simm.s32 $0x8880;
	v6 =	vmul.f32 v5, v4  }
0x664: {  	[tilespmem:s16+$0xFFFFFE20] =	vst v4  }
0x665: {  	[tilespmem:s16+$0xFFFFFE00] =	vst v6  }
0x666: {  	v4 =	vld [tilespmem:s9+$0xFFFFFF10];
	_ =	sdelay $0x4  }
0x667: {  	v5 =	vmul.f32 v4, v5  }
0x668: {  	[tilespmem:s16+$0xFFFFFE30] =	vst v4  }
0x669: {  	[tilespmem:s16+$0xFFFFFE10] =	vst v5  }
0x66a: {  	v4 =	vld [tilespmem:s9+$0xFFFFFF20];
	_ =	sdelay $0x2  }
0x66b: {  	v5 =	vbroadcast v3, $0x1;
	_ =	sdelay $0x1  }
0x66c: {  	v50 =	vmul.f32 v4, v5  }
0x66d: {  	[tilespmem:s16+$0xFFFFFE60] =	vst v4  }
0x66e: {  	[tilespmem:s16+$0xFFFFFE40] =	vst v50  }
0x66f: {  	v4 =	vld [tilespmem:s9+$0xFFFFFF30];
	_ =	sdelay $0x4  }
0x670: {  	v5 =	vmul.f32 v4, v5  }
0x671: {  	[tilespmem:s16+$0xFFFFFE70] =	vst v4  }
0x672: {  	[tilespmem:s16+$0xFFFFFE50] =	vst v5  }
0x673: {  	v4 =	vld [tilespmem:s9+$0xFFFFFF40];
	_ =	sdelay $0x2  }
0x674: {  	v5 =	vbroadcast v3, $0x2;
	_ =	sdelay $0x1  }
0x675: {  	v51 =	vmul.f32 v4, v5  }
0x676: {  	[tilespmem:s16+$0xFFFFFEA0] =	vst v4  }
0x677: {  	[tilespmem:s16+$0xFFFFFE80] =	vst v51  }
0x678: {  	v4 =	vld [tilespmem:s9+$0xFFFFFF50];
	_ =	sdelay $0x4  }
0x679: {  	v5 =	vmul.f32 v4, v5  }
0x67a: {  	[tilespmem:s16+$0xFFFFFEB0] =	vst v4  }
0x67b: {  	[tilespmem:s16+$0xFFFFFE90] =	vst v5  }
0x67c: {  	v4 =	vld [tilespmem:s9+$0xFFFFFF60];
	_ =	sdelay $0x2  }
0x67d: {  	v5 =	vbroadcast v3, $0x3;
	_ =	sdelay $0x1  }
0x67e: {  	v52 =	vmul.f32 v4, v5  }
0x67f: {  	[tilespmem:s16+$0xFFFFFEE0] =	vst v4  }
0x680: {  	[tilespmem:s16+$0xFFFFFEC0] =	vst v52  }
0x681: {  	v4 =	vld [tilespmem:s9+$0xFFFFFF70];
	_ =	sdelay $0x4  }
0x682: {  	v5 =	vmul.f32 v4, v5  }
0x683: {  	[tilespmem:s16+$0xFFFFFEF0] =	vst v4  }
0x684: {  	[tilespmem:s16+$0xFFFFFED0] =	vst v5  }
0x685: {  	v4 =	vld [tilespmem:s9+$0xFFFFFF80];
	_ =	sdelay $0x2  }
0x686: {  	v5 =	vbroadcast v3, $0x4;
	_ =	sdelay $0x1  }
0x687: {  	v53 =	vmul.f32 v4, v5  }
0x688: {  	[tilespmem:s16+$0xFFFFFF20] =	vst v4  }
0x689: {  	[tilespmem:s16+$0xFFFFFF00] =	vst v53  }
0x68a: {  	v4 =	vld [tilespmem:s9+$0xFFFFFF90];
	_ =	sdelay $0x4  }
0x68b: {  	v5 =	vmul.f32 v4, v5  }
0x68c: {  	[tilespmem:s16+$0xFFFFFF30] =	vst v4  }
0x68d: {  	[tilespmem:s16+$0xFFFFFF10] =	vst v5  }
0x68e: {  	v4 =	vld [tilespmem:s9+$0xFFFFFFA0];
	_ =	sdelay $0x2  }
0x68f: {  	v5 =	vbroadcast v3, $0x5;
	_ =	sdelay $0x1  }
0x690: {  	v54 =	vmul.f32 v4, v5  }
0x691: {  	[tilespmem:s16+$0xFFFFFF60] =	vst v4  }
0x692: {  	[tilespmem:s16+$0xFFFFFF40] =	vst v54  }
0x693: {  	v4 =	vld [tilespmem:s9+$0xFFFFFFB0];
	_ =	sdelay $0x4  }
0x694: {  	v5 =	vmul.f32 v4, v5  }
0x695: {  	[tilespmem:s16+$0xFFFFFF70] =	vst v4  }
0x696: {  	[tilespmem:s16+$0xFFFFFF50] =	vst v5  }
0x697: {  	v4 =	vld [tilespmem:s9+$0xFFFFFFC0];
	_ =	sdelay $0x2  }
0x698: {  	v5 =	vbroadcast v3, $0x6;
	_ =	sdelay $0x1  }
0x699: {  	v55 =	vmul.f32 v4, v5  }
0x69a: {  	[tilespmem:s16+$0xFFFFFFA0] =	vst v4  }
0x69b: {  	[tilespmem:s16+$0xFFFFFF80] =	vst v55  }
0x69c: {  	v4 =	vld [tilespmem:s9+$0xFFFFFFD0];
	_ =	sdelay $0x4  }
0x69d: {  	v5 =	vmul.f32 v4, v5  }
0x69e: {  	[tilespmem:s16+$0xFFFFFFB0] =	vst v4  }
0x69f: {  	[tilespmem:s16+$0xFFFFFF90] =	vst v5  }
0x6a0: {  	v4 =	vld [tilespmem:s9+$0xFFFFFFE0];
	_ =	sdelay $0x2  }
0x6a1: {  	v5 =	vbroadcast v3, $0x7;
	_ =	sdelay $0x1  }
0x6a2: {  	v56 =	vmul.f32 v4, v5  }
0x6a3: {  	[tilespmem:s16+$0xFFFFFFE0] =	vst v4  }
0x6a4: {  	[tilespmem:s16+$0xFFFFFFC0] =	vst v56  }
0x6a5: {  	v4 =	vld [tilespmem:s9+$0xFFFFFFF0];
	_ =	sdelay $0x4  }
0x6a6: {  	v5 =	vmul.f32 v4, v5  }
0x6a7: {  	[tilespmem:s16+$0xFFFFFFF0] =	vst v4  }
0x6a8: {  	[tilespmem:s16+$0xFFFFFFD0] =	vst v5  }
0x6a9: {  	v4 =	vld [tilespmem:s9+$0x0];
	_ =	sdelay $0x2  }
0x6aa: {  	v5 =	vbroadcast v3, $0x8;
	_ =	sdelay $0x1  }
0x6ab: {  	v57 =	vmul.f32 v4, v5  }
0x6ac: {  	[tilespmem:s16+$0x20] =	vst v4  }
0x6ad: {  	[tilespmem:s16+$0x0] =	vst v57  }
0x6ae: {  	v4 =	vld [tilespmem:s9+$0x10];
	_ =	sdelay $0x4  }
0x6af: {  	v5 =	vmul.f32 v4, v5  }
0x6b0: {  	[tilespmem:s16+$0x30] =	vst v4  }
0x6b1: {  	[tilespmem:s16+$0x10] =	vst v5  }
0x6b2: {  	v4 =	vld [tilespmem:s9+$0x20];
	_ =	sdelay $0x2  }
0x6b3: {  	v5 =	vbroadcast v3, $0x9;
	_ =	sdelay $0x1  }
0x6b4: {  	v58 =	vmul.f32 v4, v5  }
0x6b5: {  	[tilespmem:s16+$0x60] =	vst v4  }
0x6b6: {  	[tilespmem:s16+$0x40] =	vst v58  }
0x6b7: {  	v4 =	vld [tilespmem:s9+$0x30];
	_ =	sdelay $0x4  }
0x6b8: {  	v5 =	vmul.f32 v4, v5  }
0x6b9: {  	[tilespmem:s16+$0x70] =	vst v4  }
0x6ba: {  	[tilespmem:s16+$0x50] =	vst v5  }
0x6bb: {  	v4 =	vld [tilespmem:s9+$0x40];
	_ =	sdelay $0x2  }
0x6bc: {  	v5 =	vbroadcast v3, $0xA;
	_ =	sdelay $0x1  }
0x6bd: {  	v59 =	vmul.f32 v4, v5  }
0x6be: {  	[tilespmem:s16+$0xA0] =	vst v4  }
0x6bf: {  	[tilespmem:s16+$0x80] =	vst v59  }
0x6c0: {  	v4 =	vld [tilespmem:s9+$0x50];
	_ =	sdelay $0x4  }
0x6c1: {  	v5 =	vmul.f32 v4, v5  }
0x6c2: {  	[tilespmem:s16+$0xB0] =	vst v4  }
0x6c3: {  	[tilespmem:s16+$0x90] =	vst v5  }
0x6c4: {  	v4 =	vld [tilespmem:s9+$0x60];
	_ =	sdelay $0x2  }
0x6c5: {  	v5 =	vbroadcast v3, $0xB;
	_ =	sdelay $0x1  }
0x6c6: {  	v60 =	vmul.f32 v4, v5  }
0x6c7: {  	[tilespmem:s16+$0xE0] =	vst v4  }
0x6c8: {  	[tilespmem:s16+$0xC0] =	vst v60  }
0x6c9: {  	v4 =	vld [tilespmem:s9+$0x70];
	_ =	sdelay $0x4  }
0x6ca: {  	v5 =	vmul.f32 v4, v5  }
0x6cb: {  	[tilespmem:s16+$0xF0] =	vst v4  }
0x6cc: {  	[tilespmem:s16+$0xD0] =	vst v5  }
0x6cd: {  	v4 =	vld [tilespmem:s9+$0x80];
	_ =	sdelay $0x2  }
0x6ce: {  	v5 =	vbroadcast v3, $0xC;
	_ =	sdelay $0x1  }
0x6cf: {  	v61 =	vmul.f32 v4, v5  }
0x6d0: {  	[tilespmem:s16+$0x120] =	vst v4  }
0x6d1: {  	[tilespmem:s16+$0x100] =	vst v61  }
0x6d2: {  	v4 =	vld [tilespmem:s9+$0x90];
	_ =	sdelay $0x4  }
0x6d3: {  	v5 =	vmul.f32 v4, v5  }
0x6d4: {  	[tilespmem:s16+$0x130] =	vst v4  }
0x6d5: {  	[tilespmem:s16+$0x110] =	vst v5  }
0x6d6: {  	v4 =	vld [tilespmem:s9+$0xA0];
	_ =	sdelay $0x2  }
0x6d7: {  	v5 =	vbroadcast v3, $0xD;
	_ =	sdelay $0x1  }
0x6d8: {  	v62 =	vmul.f32 v4, v5  }
0x6d9: {  	[tilespmem:s16+$0x160] =	vst v4  }
0x6da: {  	[tilespmem:s16+$0x140] =	vst v62  }
0x6db: {  	v4 =	vld [tilespmem:s9+$0xB0];
	_ =	sdelay $0x4  }
0x6dc: {  	v5 =	vmul.f32 v4, v5  }
0x6dd: {  	[tilespmem:s16+$0x170] =	vst v4  }
0x6de: {  	[tilespmem:s16+$0x150] =	vst v5  }
0x6df: {  	v4 =	vld [tilespmem:s9+$0xC0];
	_ =	sdelay $0x2  }
0x6e0: {  	v5 =	vbroadcast v3, $0xE;
	_ =	sdelay $0x1  }
0x6e1: {  	v63 =	vmul.f32 v4, v5  }
0x6e2: {  	[tilespmem:s16+$0x1A0] =	vst v4  }
0x6e3: {  	[tilespmem:s16+$0x180] =	vst v63  }
0x6e4: {  	v4 =	vld [tilespmem:s9+$0xD0];
	_ =	sdelay $0x4  }
0x6e5: {  	v5 =	vmul.f32 v4, v5  }
0x6e6: {  	[tilespmem:s16+$0x1B0] =	vst v4  }
0x6e7: {  	[tilespmem:s16+$0x190] =	vst v5  }
0x6e8: {  	v4 =	vld [tilespmem:s9+$0xE0];
	_ =	sdelay $0x2  }
0x6e9: {  	v3 =	vbroadcast v3, $0xF;
	_ =	sdelay $0x1  }
0x6ea: {  	v5 =	vmul.f32 v4, v3  }
0x6eb: {  	[tilespmem:s16+$0x1E0] =	vst v4  }
0x6ec: {  	[tilespmem:s16+$0x1C0] =	vst v5  }
0x6ed: {  	v4 =	vld [tilespmem:s9+$0xF0];
	_ =	sdelay $0x4  }
0x6ee: {  	s17 =	simm.s32 $0x40;
	s18 =	simm.s32 $0x80;
	s10 =	simm.s32 $0x8C80;
	v3 =	vmul.f32 v4, v3;
	[tilespmem:s16+$0x1F0] =	vst v4  }
.LBB2_19:
0x6ef: {  	s19 =	sshra.s32 s17, $0x2;
	s9 =	sadd.s32 $0x200, s9  }
0x6f0: {  	[tilespmem:s16+$0x1D0] =	vst v3;
	s17 =	smov.u32 s18;
	s22 =	sadd.s32 $0x40, s18;
	s16 =	smov.u32 s10  }
0x6f1: {  	p0 =	sne.s32 s18, $0x1C0;
	v3 =	vld.idx.msk [tilespmem:v2+s19+$0x0 ss:$0x1], $0xffff;
	_ =	sdelay $0x2  }
0x6f2: {  	v4 =	vld [tilespmem:s9+$0xFFFFFF00];
	_ =	sdelay $0x2  }
0x6f3: {  	v5 =	vbroadcast v3, $0x0;
	_ =	sdelay $0x1  }
0x6f4: {  	v6 =	vmul.f32 v5, v4  }
0x6f5: {  	[tilespmem:s10+$0xFFFFFE20] =	vst v4  }
0x6f6: {  	[tilespmem:s10+$0xFFFFFE00] =	vst v6  }
0x6f7: {  	v4 =	vld [tilespmem:s9+$0xFFFFFF10];
	_ =	sdelay $0x4  }
0x6f8: {  	v5 =	vmul.f32 v4, v5  }
0x6f9: {  	[tilespmem:s10+$0xFFFFFE30] =	vst v4  }
0x6fa: {  	[tilespmem:s10+$0xFFFFFE10] =	vst v5  }
0x6fb: {  	v4 =	vld [tilespmem:s9+$0xFFFFFF20];
	_ =	sdelay $0x2  }
0x6fc: {  	v5 =	vbroadcast v3, $0x1;
	_ =	sdelay $0x1  }
0x6fd: {  	v6 =	vmul.f32 v4, v5  }
0x6fe: {  	[tilespmem:s10+$0xFFFFFE60] =	vst v4  }
0x6ff: {  	[tilespmem:s10+$0xFFFFFE40] =	vst v6  }
0x700: {  	v4 =	vld [tilespmem:s9+$0xFFFFFF30];
	_ =	sdelay $0x4  }
0x701: {  	v5 =	vmul.f32 v4, v5  }
0x702: {  	[tilespmem:s10+$0xFFFFFE70] =	vst v4  }
0x703: {  	[tilespmem:s10+$0xFFFFFE50] =	vst v5  }
0x704: {  	v4 =	vld [tilespmem:s9+$0xFFFFFF40];
	_ =	sdelay $0x2  }
0x705: {  	v5 =	vbroadcast v3, $0x2;
	_ =	sdelay $0x1  }
0x706: {  	v6 =	vmul.f32 v4, v5  }
0x707: {  	[tilespmem:s10+$0xFFFFFEA0] =	vst v4  }
0x708: {  	[tilespmem:s10+$0xFFFFFE80] =	vst v6  }
0x709: {  	v4 =	vld [tilespmem:s9+$0xFFFFFF50];
	_ =	sdelay $0x4  }
0x70a: {  	v5 =	vmul.f32 v4, v5  }
0x70b: {  	[tilespmem:s10+$0xFFFFFEB0] =	vst v4  }
0x70c: {  	[tilespmem:s10+$0xFFFFFE90] =	vst v5  }
0x70d: {  	v4 =	vld [tilespmem:s9+$0xFFFFFF60];
	_ =	sdelay $0x2  }
0x70e: {  	v5 =	vbroadcast v3, $0x3;
	_ =	sdelay $0x1  }
0x70f: {  	v6 =	vmul.f32 v4, v5  }
0x710: {  	[tilespmem:s10+$0xFFFFFEE0] =	vst v4  }
0x711: {  	[tilespmem:s10+$0xFFFFFEC0] =	vst v6  }
0x712: {  	v4 =	vld [tilespmem:s9+$0xFFFFFF70];
	_ =	sdelay $0x4  }
0x713: {  	v5 =	vmul.f32 v4, v5  }
0x714: {  	[tilespmem:s10+$0xFFFFFEF0] =	vst v4  }
0x715: {  	[tilespmem:s10+$0xFFFFFED0] =	vst v5  }
0x716: {  	v4 =	vld [tilespmem:s9+$0xFFFFFF80];
	_ =	sdelay $0x2  }
0x717: {  	v5 =	vbroadcast v3, $0x4;
	_ =	sdelay $0x1  }
0x718: {  	v6 =	vmul.f32 v4, v5  }
0x719: {  	[tilespmem:s10+$0xFFFFFF20] =	vst v4  }
0x71a: {  	[tilespmem:s10+$0xFFFFFF00] =	vst v6  }
0x71b: {  	v4 =	vld [tilespmem:s9+$0xFFFFFF90];
	_ =	sdelay $0x4  }
0x71c: {  	v5 =	vmul.f32 v4, v5  }
0x71d: {  	[tilespmem:s10+$0xFFFFFF30] =	vst v4  }
0x71e: {  	[tilespmem:s10+$0xFFFFFF10] =	vst v5  }
0x71f: {  	v4 =	vld [tilespmem:s9+$0xFFFFFFA0];
	_ =	sdelay $0x2  }
0x720: {  	v5 =	vbroadcast v3, $0x5;
	_ =	sdelay $0x1  }
0x721: {  	v6 =	vmul.f32 v4, v5  }
0x722: {  	[tilespmem:s10+$0xFFFFFF60] =	vst v4  }
0x723: {  	[tilespmem:s10+$0xFFFFFF40] =	vst v6  }
0x724: {  	v4 =	vld [tilespmem:s9+$0xFFFFFFB0];
	_ =	sdelay $0x4  }
0x725: {  	v5 =	vmul.f32 v4, v5  }
0x726: {  	[tilespmem:s10+$0xFFFFFF70] =	vst v4  }
0x727: {  	[tilespmem:s10+$0xFFFFFF50] =	vst v5  }
0x728: {  	v4 =	vld [tilespmem:s9+$0xFFFFFFC0];
	_ =	sdelay $0x2  }
0x729: {  	v5 =	vbroadcast v3, $0x6;
	_ =	sdelay $0x1  }
0x72a: {  	v6 =	vmul.f32 v4, v5  }
0x72b: {  	[tilespmem:s10+$0xFFFFFFA0] =	vst v4  }
0x72c: {  	[tilespmem:s10+$0xFFFFFF80] =	vst v6  }
0x72d: {  	v4 =	vld [tilespmem:s9+$0xFFFFFFD0];
	_ =	sdelay $0x4  }
0x72e: {  	v5 =	vmul.f32 v4, v5  }
0x72f: {  	[tilespmem:s10+$0xFFFFFFB0] =	vst v4  }
0x730: {  	[tilespmem:s10+$0xFFFFFF90] =	vst v5  }
0x731: {  	v4 =	vld [tilespmem:s9+$0xFFFFFFE0];
	_ =	sdelay $0x2  }
0x732: {  	v5 =	vbroadcast v3, $0x7;
	_ =	sdelay $0x1  }
0x733: {  	v6 =	vmul.f32 v4, v5  }
0x734: {  	[tilespmem:s10+$0xFFFFFFE0] =	vst v4  }
0x735: {  	[tilespmem:s10+$0xFFFFFFC0] =	vst v6  }
0x736: {  	v4 =	vld [tilespmem:s9+$0xFFFFFFF0];
	_ =	sdelay $0x4  }
0x737: {  	v5 =	vmul.f32 v4, v5;
	[tilespmem:s10+$0xFFFFFFF0] =	vst v4;
	_ =	sdelay $0x1  }
0x738: {  	[tilespmem:s10+$0xFFFFFFD0] =	vst v5  }
0x739: {  	v4 =	vld [tilespmem:s9+$0x0];
	_ =	sdelay $0x2  }
0x73a: {  	v5 =	vbroadcast v3, $0x8;
	_ =	sdelay $0x1  }
0x73b: {  	v6 =	vmul.f32 v4, v5;
	[tilespmem:s10+$0x20] =	vst v4;
	_ =	sdelay $0x1  }
0x73c: {  	[tilespmem:s10+$0x0] =	vst v6  }
0x73d: {  	v4 =	vld [tilespmem:s9+$0x10];
	_ =	sdelay $0x4  }
0x73e: {  	v5 =	vmul.f32 v4, v5;
	[tilespmem:s10+$0x30] =	vst v4;
	_ =	sdelay $0x1  }
0x73f: {  	[tilespmem:s10+$0x10] =	vst v5  }
0x740: {  	v4 =	vld [tilespmem:s9+$0x20];
	_ =	sdelay $0x2  }
0x741: {  	v5 =	vbroadcast v3, $0x9;
	_ =	sdelay $0x1  }
0x742: {  	v6 =	vmul.f32 v4, v5;
	[tilespmem:s10+$0x60] =	vst v4;
	_ =	sdelay $0x1  }
0x743: {  	[tilespmem:s10+$0x40] =	vst v6  }
0x744: {  	v4 =	vld [tilespmem:s9+$0x30];
	_ =	sdelay $0x4  }
0x745: {  	v5 =	vmul.f32 v4, v5;
	[tilespmem:s10+$0x70] =	vst v4;
	_ =	sdelay $0x1  }
0x746: {  	[tilespmem:s10+$0x50] =	vst v5  }
0x747: {  	v4 =	vld [tilespmem:s9+$0x40];
	_ =	sdelay $0x2  }
0x748: {  	v5 =	vbroadcast v3, $0xA;
	_ =	sdelay $0x1  }
0x749: {  	v6 =	vmul.f32 v4, v5;
	[tilespmem:s10+$0xA0] =	vst v4;
	_ =	sdelay $0x1  }
0x74a: {  	[tilespmem:s10+$0x80] =	vst v6  }
0x74b: {  	v4 =	vld [tilespmem:s9+$0x50];
	_ =	sdelay $0x4  }
0x74c: {  	v5 =	vmul.f32 v4, v5;
	[tilespmem:s10+$0xB0] =	vst v4;
	_ =	sdelay $0x1  }
0x74d: {  	[tilespmem:s10+$0x90] =	vst v5  }
0x74e: {  	v4 =	vld [tilespmem:s9+$0x60];
	_ =	sdelay $0x2  }
0x74f: {  	v5 =	vbroadcast v3, $0xB;
	_ =	sdelay $0x1  }
0x750: {  	v6 =	vmul.f32 v4, v5;
	[tilespmem:s10+$0xE0] =	vst v4;
	_ =	sdelay $0x1  }
0x751: {  	[tilespmem:s10+$0xC0] =	vst v6  }
0x752: {  	v4 =	vld [tilespmem:s9+$0x70];
	_ =	sdelay $0x4  }
0x753: {  	v5 =	vmul.f32 v4, v5;
	[tilespmem:s10+$0xF0] =	vst v4;
	_ =	sdelay $0x1  }
0x754: {  	[tilespmem:s10+$0xD0] =	vst v5  }
0x755: {  	v4 =	vld [tilespmem:s9+$0x80];
	_ =	sdelay $0x2  }
0x756: {  	v5 =	vbroadcast v3, $0xC;
	_ =	sdelay $0x1  }
0x757: {  	v6 =	vmul.f32 v4, v5;
	[tilespmem:s10+$0x120] =	vst v4;
	_ =	sdelay $0x1  }
0x758: {  	[tilespmem:s10+$0x100] =	vst v6  }
0x759: {  	v4 =	vld [tilespmem:s9+$0x90];
	_ =	sdelay $0x4  }
0x75a: {  	v5 =	vmul.f32 v4, v5;
	[tilespmem:s10+$0x130] =	vst v4;
	_ =	sdelay $0x1  }
0x75b: {  	[tilespmem:s10+$0x110] =	vst v5  }
0x75c: {  	v4 =	vld [tilespmem:s9+$0xA0];
	_ =	sdelay $0x2  }
0x75d: {  	v5 =	vbroadcast v3, $0xD;
	_ =	sdelay $0x1  }
0x75e: {  	v6 =	vmul.f32 v4, v5;
	[tilespmem:s10+$0x160] =	vst v4;
	_ =	sdelay $0x1  }
0x75f: {  	[tilespmem:s10+$0x140] =	vst v6  }
0x760: {  	v4 =	vld [tilespmem:s9+$0xB0];
	_ =	sdelay $0x4  }
0x761: {  	v5 =	vmul.f32 v4, v5;
	[tilespmem:s10+$0x170] =	vst v4;
	_ =	sdelay $0x1  }
0x762: {  	[tilespmem:s10+$0x150] =	vst v5  }
0x763: {  	v4 =	vld [tilespmem:s9+$0xC0];
	_ =	sdelay $0x2  }
0x764: {  	v5 =	vbroadcast v3, $0xE;
	_ =	sdelay $0x1  }
0x765: {  	v6 =	vmul.f32 v4, v5;
	[tilespmem:s10+$0x1A0] =	vst v4;
	_ =	sdelay $0x1  }
0x766: {  	[tilespmem:s10+$0x180] =	vst v6  }
0x767: {  	v4 =	vld [tilespmem:s9+$0xD0];
	_ =	sdelay $0x4  }
0x768: {  	v5 =	vmul.f32 v4, v5;
	[tilespmem:s10+$0x1B0] =	vst v4;
	_ =	sdelay $0x1  }
0x769: {  	[tilespmem:s10+$0x190] =	vst v5  }
0x76a: {  	v4 =	vld [tilespmem:s9+$0xE0];
	_ =	sdelay $0x2  }
0x76b: {  	v3 =	vbroadcast v3, $0xF;
	_ =	sdelay $0x1  }
0x76c: {  	v5 =	vmul.f32 v4, v3;
	[tilespmem:s10+$0x1E0] =	vst v4;
	_ =	sdelay $0x1  }
0x76d: {  	[tilespmem:s10+$0x1C0] =	vst v5  }
0x76e: {  	v4 =	vld [tilespmem:s9+$0xF0];
	_ =	sdelay $0x1  }
.Ltmp8:
0x76f: {  	(pc) =	sbr.rel @p0 .LBB2_19-.Ltmp8, $3  }
0x770: {  	_ =	sdelay $0x1  }
0x771: {  	v3 =	vmul.f32 v4, v3;
	[tilespmem:s10+$0x1F0] =	vst v4  }
0x772: {  	s18 =	smov.u32 s22;
	s10 =	sadd.s32 $0x400, s10  }
0x773: {  	_ =	sdelay $0x2  }
0x774: {  	s17 =	sshra.s32 s17, $0x2;
	[tilespmem:s16+$0x1D0] =	vst v3  }
0x775: {  	v2 =	vld.idx.msk [tilespmem:v2+s17+$0x0 ss:$0x1], $0xffff  }
0x776: {  	s9 =	sadd.s32 $0x200, s9  }
0x777: {  	v3 =	vld [tilespmem:s9+$0xFFFFFF00];
	_ =	sdelay $0x2  }
0x778: {  	v4 =	vbroadcast v2, $0x0;
	_ =	sdelay $0x1  }
0x779: {  	v5 =	vmul.f32 v4, v3  }
0x77a: {  	[tilespmem:s10+$0xFFFFFE20] =	vst v3  }
0x77b: {  	[tilespmem:s10+$0xFFFFFE00] =	vst v5  }
0x77c: {  	v3 =	vld [tilespmem:s9+$0xFFFFFF10];
	_ =	sdelay $0x4  }
0x77d: {  	v4 =	vmul.f32 v3, v4  }
0x77e: {  	[tilespmem:s10+$0xFFFFFE30] =	vst v3  }
0x77f: {  	[tilespmem:s10+$0xFFFFFE10] =	vst v4  }
0x780: {  	v3 =	vld [tilespmem:s9+$0xFFFFFF20];
	_ =	sdelay $0x2  }
0x781: {  	v35 =	vbroadcast v2, $0x1;
	_ =	sdelay $0x1  }
0x782: {  	v36 =	vmul.f32 v3, v35  }
0x783: {  	[tilespmem:s10+$0xFFFFFE60] =	vst v3  }
0x784: {  	[tilespmem:s10+$0xFFFFFE40] =	vst v36  }
0x785: {  	v3 =	vld [tilespmem:s9+$0xFFFFFF30];
	_ =	sdelay $0x4  }
0x786: {  	v4 =	vmul.f32 v3, v35  }
0x787: {  	[tilespmem:s10+$0xFFFFFE70] =	vst v3  }
0x788: {  	[tilespmem:s10+$0xFFFFFE50] =	vst v4  }
0x789: {  	v3 =	vld [tilespmem:s9+$0xFFFFFF40];
	_ =	sdelay $0x2  }
0x78a: {  	v37 =	vbroadcast v2, $0x2;
	_ =	sdelay $0x1  }
0x78b: {  	v38 =	vmul.f32 v3, v37  }
0x78c: {  	[tilespmem:s10+$0xFFFFFEA0] =	vst v3  }
0x78d: {  	[tilespmem:s10+$0xFFFFFE80] =	vst v38  }
0x78e: {  	v3 =	vld [tilespmem:s9+$0xFFFFFF50];
	_ =	sdelay $0x4  }
0x78f: {  	v4 =	vmul.f32 v3, v37  }
0x790: {  	[tilespmem:s10+$0xFFFFFEB0] =	vst v3  }
0x791: {  	[tilespmem:s10+$0xFFFFFE90] =	vst v4  }
0x792: {  	v3 =	vld [tilespmem:s9+$0xFFFFFF60];
	_ =	sdelay $0x2  }
0x793: {  	v39 =	vbroadcast v2, $0x3;
	_ =	sdelay $0x1  }
0x794: {  	v40 =	vmul.f32 v3, v39  }
0x795: {  	[tilespmem:s10+$0xFFFFFEE0] =	vst v3  }
0x796: {  	[tilespmem:s10+$0xFFFFFEC0] =	vst v40  }
0x797: {  	v3 =	vld [tilespmem:s9+$0xFFFFFF70];
	_ =	sdelay $0x4  }
0x798: {  	v4 =	vmul.f32 v3, v39  }
0x799: {  	[tilespmem:s10+$0xFFFFFEF0] =	vst v3  }
0x79a: {  	[tilespmem:s10+$0xFFFFFED0] =	vst v4  }
0x79b: {  	v3 =	vld [tilespmem:s9+$0xFFFFFF80];
	_ =	sdelay $0x2  }
0x79c: {  	v41 =	vbroadcast v2, $0x4;
	_ =	sdelay $0x1  }
0x79d: {  	v42 =	vmul.f32 v3, v41  }
0x79e: {  	[tilespmem:s10+$0xFFFFFF20] =	vst v3  }
0x79f: {  	[tilespmem:s10+$0xFFFFFF00] =	vst v42  }
0x7a0: {  	v3 =	vld [tilespmem:s9+$0xFFFFFF90];
	_ =	sdelay $0x4  }
0x7a1: {  	v4 =	vmul.f32 v3, v41  }
0x7a2: {  	[tilespmem:s10+$0xFFFFFF30] =	vst v3  }
0x7a3: {  	[tilespmem:s10+$0xFFFFFF10] =	vst v4  }
0x7a4: {  	v3 =	vld [tilespmem:s9+$0xFFFFFFA0];
	_ =	sdelay $0x2  }
0x7a5: {  	v43 =	vbroadcast v2, $0x5;
	_ =	sdelay $0x1  }
0x7a6: {  	v44 =	vmul.f32 v3, v43  }
0x7a7: {  	[tilespmem:s10+$0xFFFFFF60] =	vst v3  }
0x7a8: {  	[tilespmem:s10+$0xFFFFFF40] =	vst v44  }
0x7a9: {  	v3 =	vld [tilespmem:s9+$0xFFFFFFB0];
	_ =	sdelay $0x4  }
0x7aa: {  	v4 =	vmul.f32 v3, v43  }
0x7ab: {  	[tilespmem:s10+$0xFFFFFF70] =	vst v3  }
0x7ac: {  	[tilespmem:s10+$0xFFFFFF50] =	vst v4  }
0x7ad: {  	v3 =	vld [tilespmem:s9+$0xFFFFFFC0];
	_ =	sdelay $0x2  }
0x7ae: {  	v45 =	vbroadcast v2, $0x6;
	_ =	sdelay $0x1  }
0x7af: {  	v46 =	vmul.f32 v3, v45  }
0x7b0: {  	[tilespmem:s10+$0xFFFFFFA0] =	vst v3  }
0x7b1: {  	[tilespmem:s10+$0xFFFFFF80] =	vst v46  }
0x7b2: {  	v3 =	vld [tilespmem:s9+$0xFFFFFFD0];
	_ =	sdelay $0x4  }
0x7b3: {  	v4 =	vmul.f32 v3, v45  }
0x7b4: {  	[tilespmem:s10+$0xFFFFFFB0] =	vst v3  }
0x7b5: {  	[tilespmem:s10+$0xFFFFFF90] =	vst v4  }
0x7b6: {  	v3 =	vld [tilespmem:s9+$0xFFFFFFE0];
	_ =	sdelay $0x2  }
0x7b7: {  	v47 =	vbroadcast v2, $0x7;
	_ =	sdelay $0x1  }
0x7b8: {  	v48 =	vmul.f32 v3, v47  }
0x7b9: {  	[tilespmem:s10+$0xFFFFFFE0] =	vst v3  }
0x7ba: {  	[tilespmem:s10+$0xFFFFFFC0] =	vst v48  }
0x7bb: {  	v3 =	vld [tilespmem:s9+$0xFFFFFFF0];
	_ =	sdelay $0x4  }
0x7bc: {  	v4 =	vmul.f32 v3, v47  }
0x7bd: {  	[tilespmem:s10+$0xFFFFFFF0] =	vst v3  }
0x7be: {  	[tilespmem:s10+$0xFFFFFFD0] =	vst v4  }
0x7bf: {  	v3 =	vld [tilespmem:s9+$0x0];
	_ =	sdelay $0x2  }
0x7c0: {  	v49 =	vbroadcast v2, $0x8;
	_ =	sdelay $0x1  }
0x7c1: {  	v50 =	vmul.f32 v3, v49  }
0x7c2: {  	[tilespmem:s10+$0x20] =	vst v3  }
0x7c3: {  	[tilespmem:s10+$0x0] =	vst v50  }
0x7c4: {  	v3 =	vld [tilespmem:s9+$0x10];
	_ =	sdelay $0x4  }
0x7c5: {  	v4 =	vmul.f32 v3, v49  }
0x7c6: {  	[tilespmem:s10+$0x30] =	vst v3  }
0x7c7: {  	[tilespmem:s10+$0x10] =	vst v4  }
0x7c8: {  	v3 =	vld [tilespmem:s9+$0x20];
	_ =	sdelay $0x2  }
0x7c9: {  	v51 =	vbroadcast v2, $0x9;
	_ =	sdelay $0x1  }
0x7ca: {  	v52 =	vmul.f32 v3, v51  }
0x7cb: {  	[tilespmem:s10+$0x60] =	vst v3  }
0x7cc: {  	[tilespmem:s10+$0x40] =	vst v52  }
0x7cd: {  	v3 =	vld [tilespmem:s9+$0x30];
	_ =	sdelay $0x4  }
0x7ce: {  	v4 =	vmul.f32 v3, v51  }
0x7cf: {  	[tilespmem:s10+$0x70] =	vst v3  }
0x7d0: {  	[tilespmem:s10+$0x50] =	vst v4  }
0x7d1: {  	v3 =	vld [tilespmem:s9+$0x40];
	_ =	sdelay $0x2  }
0x7d2: {  	v53 =	vbroadcast v2, $0xA;
	_ =	sdelay $0x1  }
0x7d3: {  	v54 =	vmul.f32 v3, v53  }
0x7d4: {  	[tilespmem:s10+$0xA0] =	vst v3  }
0x7d5: {  	[tilespmem:s10+$0x80] =	vst v54  }
0x7d6: {  	v3 =	vld [tilespmem:s9+$0x50];
	_ =	sdelay $0x4  }
0x7d7: {  	v4 =	vmul.f32 v3, v53  }
0x7d8: {  	[tilespmem:s10+$0xB0] =	vst v3  }
0x7d9: {  	[tilespmem:s10+$0x90] =	vst v4  }
0x7da: {  	v3 =	vld [tilespmem:s9+$0x60];
	_ =	sdelay $0x2  }
0x7db: {  	v55 =	vbroadcast v2, $0xB;
	_ =	sdelay $0x1  }
0x7dc: {  	v56 =	vmul.f32 v3, v55  }
0x7dd: {  	[tilespmem:s10+$0xE0] =	vst v3  }
0x7de: {  	[tilespmem:s10+$0xC0] =	vst v56  }
0x7df: {  	v3 =	vld [tilespmem:s9+$0x70];
	_ =	sdelay $0x4  }
0x7e0: {  	v4 =	vmul.f32 v3, v55  }
0x7e1: {  	[tilespmem:s10+$0xF0] =	vst v3  }
0x7e2: {  	[tilespmem:s10+$0xD0] =	vst v4  }
0x7e3: {  	v3 =	vld [tilespmem:s9+$0x80];
	_ =	sdelay $0x2  }
0x7e4: {  	v57 =	vbroadcast v2, $0xC;
	_ =	sdelay $0x1  }
0x7e5: {  	v58 =	vmul.f32 v3, v57  }
0x7e6: {  	[tilespmem:s10+$0x120] =	vst v3  }
0x7e7: {  	[tilespmem:s10+$0x100] =	vst v58  }
0x7e8: {  	v3 =	vld [tilespmem:s9+$0x90];
	_ =	sdelay $0x4  }
0x7e9: {  	v4 =	vmul.f32 v3, v57  }
0x7ea: {  	[tilespmem:s10+$0x130] =	vst v3  }
0x7eb: {  	[tilespmem:s10+$0x110] =	vst v4  }
0x7ec: {  	v3 =	vld [tilespmem:s9+$0xA0];
	_ =	sdelay $0x2  }
0x7ed: {  	v59 =	vbroadcast v2, $0xD;
	_ =	sdelay $0x1  }
0x7ee: {  	v60 =	vmul.f32 v3, v59  }
0x7ef: {  	[tilespmem:s10+$0x160] =	vst v3  }
0x7f0: {  	[tilespmem:s10+$0x140] =	vst v60  }
0x7f1: {  	v3 =	vld [tilespmem:s9+$0xB0];
	_ =	sdelay $0x4  }
0x7f2: {  	v4 =	vmul.f32 v3, v59  }
0x7f3: {  	[tilespmem:s10+$0x170] =	vst v3  }
0x7f4: {  	[tilespmem:s10+$0x150] =	vst v4  }
0x7f5: {  	v3 =	vld [tilespmem:s9+$0xC0];
	_ =	sdelay $0x2  }
0x7f6: {  	v61 =	vbroadcast v2, $0xE;
	_ =	sdelay $0x1  }
0x7f7: {  	v62 =	vmul.f32 v3, v61  }
0x7f8: {  	[tilespmem:s10+$0x1A0] =	vst v3  }
0x7f9: {  	[tilespmem:s10+$0x180] =	vst v62  }
0x7fa: {  	v3 =	vld [tilespmem:s9+$0xD0];
	_ =	sdelay $0x4  }
0x7fb: {  	v4 =	vmul.f32 v3, v61  }
0x7fc: {  	[tilespmem:s10+$0x1B0] =	vst v3  }
0x7fd: {  	[tilespmem:s10+$0x190] =	vst v4  }
0x7fe: {  	v3 =	vld [tilespmem:s9+$0xE0];
	_ =	sdelay $0x2  }
0x7ff: {  	v2 =	vbroadcast v2, $0xF;
	_ =	sdelay $0x1  }
0x800: {  	v63 =	vmul.f32 v3, v2  }
0x801: {  	[tilespmem:s10+$0x1E0] =	vst v3  }
0x802: {  	[tilespmem:s10+$0x1C0] =	vst v63  }
0x803: {  	v3 =	vld [tilespmem:s9+$0xF0];
	_ =	sdelay $0x4  }
0x804: {  	s0 =	sadd.s32 $0x1, s0;
	v2 =	vmul.f32 v3, v2  }
0x805: {  	p0 =	sne.s32 s0, $0x4F;
	[tilespmem:s10+$0x1F0] =	vst v3  }
.Ltmp9:
0x806: {  	s8 =	sadd.s32 $0x2780, s8;
	[tilespmem:s10+$0x1D0] =	vst v2;
	(pc) =	sbr.rel @p0 .LBB2_18-.Ltmp9, $4  }
0x807: {  	[spmem:s2] =	stream.indirect.scatter.add.f32 [tilespmem:s30], [sflag:$0x2], $0x40, s8, s25, $0xb8;
	[tilespmem:$0x18E80] =	vst v63  }
0x808: {  	_ =	swait.ge [sflag:s23], $0x2000  }
0x809: {  	[sflag:s23] =	ssyncset.done $0x0  }
0x80a: {  	s1 =	sadd.s32 $0x80, s1;
	[sflag:s23] =	ssyncadd.s32 $0xFFFFE000  }
0x80b: {  	[bflag:$0x0] =	sbarrier.arrive $0xFFFF  }
0x80c: {  	[tilespmem:s30], [sflag:$0x2] =	stream.linear.gather [spmem:s11], $0x2000, $0x38;
	[tilespmem:$0x18E80] =	vst v63  }
0x80d: {  	_ =	swait.ge [sflag:s23], $0x2000  }
0x80e: {  	[sflag:s23] =	ssyncset.done $0x0  }
0x80f: {  	s0 =	rddreg [dreg:$0x16];
	[sflag:s23] =	ssyncadd.s32 $0xFFFFE000  }
0x810: {  	[hbm4b:s0+s3] =	stream.linear.scatter [tilespmem:s30], [sflag:$0x2], $0x2000, $0x38;
	[tilespmem:$0x18E80] =	vst v63  }
0x811: {  	_ =	swait.ge [sflag:s23], $0x2000  }
0x812: {  	[sflag:s23] =	ssyncset.done $0x0  }
0x813: {  	[sflag:s23] =	ssyncadd.s32 $0xFFFFE000  }
0x814: {  	[tilespmem:s30], [sflag:$0x2] =	stream.linear.gather [spmem:s12], $0x2000, $0x38;
	[tilespmem:$0x18E80] =	vst v63  }
0x815: {  	_ =	swait.ge [sflag:s23], $0x2000  }
0x816: {  	[sflag:s23] =	ssyncset.done $0x0  }
0x817: {  	s16 =	rddreg [dreg:$0x17];
	[sflag:s23] =	ssyncadd.s32 $0xFFFFE000  }
0x818: {  	[hbm4b:s16+s3] =	stream.linear.scatter [tilespmem:s30], [sflag:$0x2], $0x2000, $0x38;
	[tilespmem:$0x18E80] =	vst v63  }
0x819: {  	_ =	swait.ge [sflag:s23], $0x2000  }
0x81a: {  	[sflag:s23] =	ssyncset.done $0x0  }
0x81b: {  	[sflag:s23] =	ssyncadd.s32 $0xFFFFE000  }
0x81c: {  	[tilespmem:s30], [sflag:$0x2] =	stream.linear.gather [spmem:s13], $0x2000, $0x38;
	[tilespmem:$0x18E80] =	vst v63  }
0x81d: {  	_ =	swait.ge [sflag:s23], $0x2000  }
0x81e: {  	[sflag:s23] =	ssyncset.done $0x0  }
0x81f: {  	s17 =	rddreg [dreg:$0x18];
	[sflag:s23] =	ssyncadd.s32 $0xFFFFE000  }
0x820: {  	[hbm4b:s17+s3] =	stream.linear.scatter [tilespmem:s30], [sflag:$0x2], $0x2000, $0x38;
	[tilespmem:$0x18E80] =	vst v63  }
0x821: {  	_ =	swait.ge [sflag:s23], $0x2000  }
0x822: {  	[sflag:s23] =	ssyncset.done $0x0  }
0x823: {  	[sflag:s23] =	ssyncadd.s32 $0xFFFFE000  }
0x824: {  	[tilespmem:s30], [sflag:$0x2] =	stream.linear.gather [spmem:s14], $0x2000, $0x38;
	[tilespmem:$0x18E80] =	vst v63  }
0x825: {  	_ =	swait.ge [sflag:s23], $0x2000  }
0x826: {  	[sflag:s23] =	ssyncset.done $0x0  }
0x827: {  	s18 =	rddreg [dreg:$0x19];
	[sflag:s23] =	ssyncadd.s32 $0xFFFFE000  }
0x828: {  	[hbm4b:s18+s3] =	stream.linear.scatter [tilespmem:s30], [sflag:$0x2], $0x2000, $0x38;
	[tilespmem:$0x18E80] =	vst v63  }
0x829: {  	_ =	swait.ge [sflag:s23], $0x2000  }
0x82a: {  	[sflag:s23] =	ssyncset.done $0x0  }
0x82b: {  	[sflag:s23] =	ssyncadd.s32 $0xFFFFE000  }
0x82c: {  	[tilespmem:s30], [sflag:$0x2] =	stream.linear.gather [spmem:s15], $0x2000, $0x38;
	[tilespmem:$0x18E80] =	vst v63  }
0x82d: {  	_ =	swait.ge [sflag:s23], $0x2000  }
0x82e: {  	[sflag:s23] =	ssyncset.done $0x0  }
0x82f: {  	s19 =	rddreg [dreg:$0x1a];
	[sflag:s23] =	ssyncadd.s32 $0xFFFFE000  }
0x830: {  	[hbm4b:s19+s3] =	stream.linear.scatter [tilespmem:s30], [sflag:$0x2], $0x2000, $0x38;
	[tilespmem:$0x18E80] =	vst v63  }
0x831: {  	_ =	swait.ge [sflag:s23], $0x2000  }
0x832: {  	s31 =	sadd.s32 $0x1, s31;
	s22 =	rddreg [dreg:$0xe]  }
0x833: {  	p0 =	sne.s32 s31, s22  }
.Ltmp10:
0x834: {  	_ = 	snop;
	(pc) =	sbr.rel @p0 .LBB2_1-.Ltmp10, $3  }
0x835: {  	[sflag:s23] =	ssyncset.done $0x0  }
0x836: {  	[sflag:s23] =	ssyncadd.s32 $0xFFFFE000  }
0x837: {  	[bflag:$0x0] =	sbarrier.arrive $0xFFFF;
	_ =	sdelay $0x1  }
0x838: {  	_ =	sfence.sel $0x180000  }
0x839: {  	[bflag:$0x0] =	sbarrier.arrive $0xFFFF  }
0x83a: {  	_ =	strace $0x90000047  }
0x83b: {  	s0 =	stileid.u32;
	[bflag:$0x2] =	sbarrier.arrive $0xFFFF  }
0x83c: {  	p0 =	sne.s32 s0, $0x0;
	s0 =	rddreg [dreg:$0x3]  }
0x83d: {  	s0 =	sadd.s32 @!p0 $0x100000, s0  }
0x83e: {  	[sflag:s0] =	ssyncadd.tile.s32 @!p0 $0x1;
	_ =	shalt  }
.Lfunc_end2:
_tile_overlayer_lowered:
.L_overlay_start_2:
0x83f: {  	(tag) =	ssettag $0x2  }
0x840: {  	s0 =	rddreg [dreg:$0x0];
	s2 =	stileid.u32  }
0x841: {  	s1 =	rddreg [dreg:$0x1];
	p0 =	sne.s32 s2, $0x0  }
0x842: {  	s3 =	rddreg [dreg:$0x2];
	[bflag:$0x3] =	sbarrier.arrive $0xFFFF;
	s2 =	simm.s32 @!p0 $0x1C02  }
0x843: {  	[timem:s3], [sflag:s2] =	dma.local @!p0 [hbm:s0], s1  }
0x844: {  	s0 =	simm.s32 @!p0 $0x2  }
0x845: {  	_ =	swait.ge @!p0 [sflag:s0], s1  }
0x846: {  	s1 =	ssub.s32 @!p0 $0x0, s1;
	[sflag:s0] =	ssyncset.done @!p0 $0x0  }
0x847: {  	[sflag:s0] =	ssyncadd.s32 @!p0 s1  }
0x848: {  	[bflag:$0x3] =	sbarrier.arrive $0xFFFF  }
0x849: {  	_ =	shalt  }

</sc_bundles>
